<compile_context>
chip_gen: v7x
topology: tpu7x:2x2x1
jax: 0.10.2.dev20260603
libtpu: 0.0.44.dev20260713+nightly
codegen_flags: <defaults>
</compile_context>

<pallas_src>
import functools

import jax
import jax.numpy as jnp
from jax import lax
from jax.experimental import pallas as pl
from jax.experimental.pallas import tpu as pltpu
from jax.experimental.pallas import tpu_sc as plsc

_N = 10000
_E = 320000
_D = 128
_OUT = 40

_NC = 2
_NS = 16
_NW = _NC * _NS
_EPW = _E // _NW
_CHUNK = 80
_NCH = _EPW // _CHUNK
_S = 3
_NB = _NCH // _S
_LEFT = _NCH - _NB * _S
_NP = 10240
_RPS = _NP // _NS

_mesh = plsc.VectorSubcoreMesh(core_axis_name="c", subcore_axis_name="s")


def _make_agg(d):

  @functools.partial(
      pl.kernel,
      out_type=jax.ShapeDtypeStruct((_NC, _NP, d), jnp.float32),
      mesh=_mesh,
      scratch_types=[
          [pltpu.VMEM((_CHUNK,), jnp.int32)] * _S,
          [pltpu.VMEM((_CHUNK,), jnp.int32)] * _S,
          [pltpu.VMEM((_CHUNK, d), jnp.float32)] * _S,
          [pltpu.SemaphoreType.DMA] * _S,
          [pltpu.SemaphoreType.DMA] * _S,
          pltpu.VMEM_SHARED((_NP, d), jnp.float32),
      ],
  )
  def agg(g_hbm, src_hbm, dst_hbm, z_hbm, out_hbm,
          iss, ids, rs, gsem, ssem, acc):
    c = lax.axis_index("c")
    s = lax.axis_index("s")
    wid = c * _NS + s
    r_lo = s * _RPS
    pltpu.sync_copy(z_hbm.at[pl.ds(r_lo, _RPS)], acc.at[pl.ds(r_lo, _RPS)])
    eb = wid * _EPW
    for j in range(_S):
      pltpu.sync_copy(src_hbm.at[pl.ds(eb + j * _CHUNK, _CHUNK)], iss[j])
      pltpu.sync_copy(dst_hbm.at[pl.ds(eb + j * _CHUNK, _CHUNK)], ids[j])
      pltpu.async_copy(g_hbm.at[iss[j]], rs[j], gsem[j])
    plsc.subcore_barrier()

    @pl.loop(0, _NB)
    def _(i):
      k0 = i * _S
      for j in range(_S):
        pltpu.make_async_copy(g_hbm.at[iss[j]], rs[j], gsem[j]).wait()
        pltpu.async_copy(rs[j], acc.at[ids[j]], ssem[j], add=True)
      for j in range(_S):
        kn = k0 + _S + j
        pltpu.make_async_copy(rs[j], acc.at[ids[j]], ssem[j]).wait()

        @pl.when(kn < _NCH)
        def _():
          b = eb + kn * _CHUNK
          pltpu.sync_copy(src_hbm.at[pl.ds(b, _CHUNK)], iss[j])
          pltpu.sync_copy(dst_hbm.at[pl.ds(b, _CHUNK)], ids[j])
          pltpu.async_copy(g_hbm.at[iss[j]], rs[j], gsem[j])

    for j in range(_LEFT):
      pltpu.make_async_copy(g_hbm.at[iss[j]], rs[j], gsem[j]).wait()
      pltpu.async_copy(rs[j], acc.at[ids[j]], ssem[j], add=True)
    for j in range(_LEFT):
      pltpu.make_async_copy(rs[j], acc.at[ids[j]], ssem[j]).wait()

    plsc.subcore_barrier()
    pltpu.sync_copy(acc.at[pl.ds(r_lo, _RPS)],
                    out_hbm.at[c, pl.ds(r_lo, _RPS)])

  return agg


_agg128 = _make_agg(_D)


@functools.partial(
    pl.kernel,
    out_type=jax.ShapeDtypeStruct((_NC, _NP, _D), jnp.float32),
    mesh=_mesh,
    scratch_types=[
        [pltpu.VMEM((_CHUNK,), jnp.int32)] * _S,
        pltpu.VMEM((_CHUNK, _D), jnp.float32),
        [pltpu.SemaphoreType.DMA] * _S,
        pltpu.VMEM_SHARED((_NP, _D), jnp.float32),
    ],
)
def _deg_kernel(dst_hbm, ones_hbm, z_hbm, out_hbm, ids, ones_v, ssem, acc):
  c = lax.axis_index("c")
  s = lax.axis_index("s")
  wid = c * _NS + s
  r_lo = s * _RPS
  pltpu.sync_copy(z_hbm.at[pl.ds(r_lo, _RPS)], acc.at[pl.ds(r_lo, _RPS)])
  pltpu.sync_copy(ones_hbm, ones_v)
  eb = wid * _EPW
  for j in range(_S):
    pltpu.sync_copy(dst_hbm.at[pl.ds(eb + j * _CHUNK, _CHUNK)], ids[j])
  plsc.subcore_barrier()
  for j in range(_S):
    pltpu.async_copy(ones_v, acc.at[ids[j]], ssem[j], add=True)

  @pl.loop(0, _NB)
  def _(i):
    k0 = i * _S
    for j in range(_S):
      kn = k0 + _S + j
      pltpu.make_async_copy(ones_v, acc.at[ids[j]], ssem[j]).wait()

      @pl.when(kn < _NCH)
      def _():
        pltpu.sync_copy(dst_hbm.at[pl.ds(eb + kn * _CHUNK, _CHUNK)], ids[j])
        pltpu.async_copy(ones_v, acc.at[ids[j]], ssem[j], add=True)

  for j in range(_LEFT):
    pltpu.make_async_copy(ones_v, acc.at[ids[j]], ssem[j]).wait()

  plsc.subcore_barrier()
  pltpu.sync_copy(acc.at[pl.ds(r_lo, _RPS)],
                  out_hbm.at[c, pl.ds(r_lo, _RPS)])



_R = 2000
_G = _N // _R


def _dis(degp_ref):
  deg = degp_ref[0, :, 0] + degp_ref[1, :, 0] + 1.0
  return lax.rsqrt(deg)[:, None]


def _k1_body(degp_ref, x_ref, w_ref, g_ref):
  h = jnp.dot(x_ref[...], w_ref[...], preferred_element_type=jnp.float32)
  g_ref[...] = h * _dis(degp_ref)


_k1 = pl.pallas_call(
    _k1_body,
    grid=(_G,),
    in_specs=[
        pl.BlockSpec((2, _R, _D), lambda i: (0, i, 0)),
        pl.BlockSpec((_R, _D), lambda i: (i, 0)),
        pl.BlockSpec((_D, _D), lambda i: (0, 0)),
    ],
    out_specs=pl.BlockSpec((_R, _D), lambda i: (i, 0)),
    out_shape=jax.ShapeDtypeStruct((_N, _D), jnp.float32),
)


def _mid_body(relu, degp_ref, p_ref, g_ref, b_ref, w_ref, o_ref):
  dis = _dis(degp_ref)
  h = dis * (p_ref[0] + p_ref[1] + g_ref[...]) + b_ref[...][None, :]
  if relu:
    h = jnp.maximum(h, 0.0)
  hw = jnp.dot(h, w_ref[...], preferred_element_type=jnp.float32)
  o_ref[...] = hw * dis


def _make_mid(relu):
  return pl.pallas_call(
      functools.partial(_mid_body, relu),
      grid=(_G,),
      in_specs=[
          pl.BlockSpec((2, _R, _D), lambda i: (0, i, 0)),
          pl.BlockSpec((2, _R, _D), lambda i: (0, i, 0)),
          pl.BlockSpec((_R, _D), lambda i: (i, 0)),
          pl.BlockSpec((_D,), lambda i: (0,)),
          pl.BlockSpec((_D, _D), lambda i: (0, 0)),
      ],
      out_specs=pl.BlockSpec((_R, _D), lambda i: (i, 0)),
      out_shape=jax.ShapeDtypeStruct((_N, _D), jnp.float32),
  )


_k2 = _make_mid(False)
_k3 = _make_mid(True)


def _k4_body(degp_ref, p_ref, g_ref, b_ref, emb_ref, g4_ref):
  dis = _dis(degp_ref)
  h = dis * (p_ref[0] + p_ref[1] + g_ref[...]) + b_ref[...][None, :]
  h = jnp.maximum(h, 0.0)
  emb_ref[...] = h
  g4_ref[...] = h * dis


_k4 = pl.pallas_call(
    _k4_body,
    grid=(_G,),
    in_specs=[
        pl.BlockSpec((2, _R, _D), lambda i: (0, i, 0)),
        pl.BlockSpec((2, _R, _D), lambda i: (0, i, 0)),
        pl.BlockSpec((_R, _D), lambda i: (i, 0)),
        pl.BlockSpec((_D,), lambda i: (0,)),
    ],
    out_specs=[
        pl.BlockSpec((_R, _D), lambda i: (i, 0)),
        pl.BlockSpec((_R, _D), lambda i: (i, 0)),
    ],
    out_shape=[
        jax.ShapeDtypeStruct((_N, _D), jnp.float32),
        jax.ShapeDtypeStruct((_N, _D), jnp.float32),
    ],
)


def _k5_body(degp_ref, p_ref, g_ref, w_ref, b_ref, o_ref):
  dis = _dis(degp_ref)
  a = dis * (p_ref[0] + p_ref[1] + g_ref[...])
  z = jnp.dot(a, w_ref[...], preferred_element_type=jnp.float32)
  z = z + b_ref[...][None, :]
  m = jnp.max(z, axis=1, keepdims=True)
  e = jnp.exp(z - m)
  lse = jnp.log(jnp.sum(e, axis=1, keepdims=True))
  o_ref[...] = z - m - lse


_k5 = pl.pallas_call(
    _k5_body,
    grid=(_G,),
    in_specs=[
        pl.BlockSpec((2, _R, _D), lambda i: (0, i, 0)),
        pl.BlockSpec((2, _R, _D), lambda i: (0, i, 0)),
        pl.BlockSpec((_R, _D), lambda i: (i, 0)),
        pl.BlockSpec((_D, _OUT), lambda i: (0, 0)),
        pl.BlockSpec((_OUT,), lambda i: (0,)),
    ],
    out_specs=pl.BlockSpec((_R, _OUT), lambda i: (i, 0)),
    out_shape=jax.ShapeDtypeStruct((_N, _OUT), jnp.float32),
)


def kernel(x, edge_index, W1, b1, Wi, bi, W2, b2):
  src_flat = edge_index[0]
  dst_flat = edge_index[1]
  z128 = jnp.zeros((_NP, _D), jnp.float32)

  ones128 = jnp.ones((_CHUNK, _D), jnp.float32)
  degp = _deg_kernel(dst_flat, ones128, z128)
  g1 = _k1(degp, x, W1)
  p1 = _agg128(g1, src_flat, dst_flat, z128)
  g2 = _k2(degp, p1, g1, b1, Wi)
  p2 = _agg128(g2, src_flat, dst_flat, z128)
  g3 = _k3(degp, p2, g2, bi, Wi)
  p3 = _agg128(g3, src_flat, dst_flat, z128)
  emb, g4 = _k4(degp, p3, g3, bi)
  p4 = _agg128(g4, src_flat, dst_flat, z128)
  out = _k5(degp, p4, g4, W2, b2)
  return out, emb

# --- scband reference (transcript-rebuilt; emitter-appended) ---
"""Pipeline reference for scband-gcn-5214090297939 (READ-ONLY COPY).

The authoritative reference and input builder live on the scoring server;
editing this copy changes nothing except your own understanding.
"""

import jax, jax.numpy as jnp
import numpy as np

N = 10000
E = 320000
IN_D = 128
MID_D = 128
OUT_D = 40
LAYER_NUM = 2


def _glorot(key, fan_in, fan_out):
    lim = np.sqrt(6.0 / (fan_in + fan_out))
    return jax.random.uniform(key, (fan_in, fan_out), dtype=jnp.float32, minval=-lim, maxval=lim)


def setup_inputs(seed: int = 0) -> dict:
    key = jax.random.key(seed)
    ks = jax.random.split(key, 8)
    x = jax.random.normal(ks[0], (N, IN_D), dtype=jnp.float32)
    edge_index = jax.random.randint(ks[1], (2, E), 0, N, dtype=jnp.int32)
    W1 = _glorot(ks[2], IN_D, MID_D)
    b1 = jnp.zeros((MID_D,), dtype=jnp.float32)
    Wi = _glorot(ks[3], MID_D, MID_D)
    bi = jnp.zeros((MID_D,), dtype=jnp.float32)
    W2 = _glorot(ks[4], MID_D, OUT_D)
    b2 = jnp.zeros((OUT_D,), dtype=jnp.float32)
    return {"x": x, "edge_index": edge_index, "W1": W1, "b1": b1, "Wi": Wi, "bi": bi, "W2": W2, "b2": b2}


def gcn_conv(x, edge_index, W, b, n_nodes):
    # GCNConv: x' = D^{-1/2} (A + I) D^{-1/2} X W + b
    h = x @ W
    src = edge_index[0]
    dst = edge_index[1]
    loop = jnp.arange(n_nodes, dtype=src.dtype)
    src = jnp.concatenate([src, loop])
    dst = jnp.concatenate([dst, loop])
    deg = jnp.zeros((n_nodes,), dtype=h.dtype).at[dst].add(1.0)
    deg_inv_sqrt = jnp.where(deg > 0, jax.lax.rsqrt(jnp.maximum(deg, 1e-12)), 0.0)
    norm = deg_inv_sqrt[src] * deg_inv_sqrt[dst]
    msg = h[src] * norm[:, None]
    out = jnp.zeros((n_nodes, h.shape[1]), dtype=h.dtype).at[dst].add(msg)
    return out + b


def reference(x, edge_index, W1, b1, Wi, bi, W2, b2):
    h = gcn_conv(x, edge_index, W1, b1, N)
    for _ in range(LAYER_NUM):
        h = gcn_conv(h, edge_index, Wi, bi, N)
        h = jax.nn.relu(h)
    emb = jax.lax.stop_gradient(h)
    h = jax.nn.relu(h)
    h = gcn_conv(h, edge_index, W2, b2, N)
    return jax.nn.log_softmax(h, axis=1), emb

if __name__ == "__main__":
    import jax
    _d = setup_inputs()
    print(jax.jit(kernel)(*tuple(_d.values())))

</pallas_src>

<mosaic_0001>
#map = affine_map<(d0, d1) -> (0, 0)>
#map1 = affine_map<(d0, d1) -> (0)>
#map2 = affine_map<(d0, d1) -> (0, 0, 0)>
module attributes {stable_mosaic.version = 14 : i64} {
  func.func @agg(%arg0: i32, %arg1: i32, %arg2: memref<10000x128xf32, #tpu.memory_space<hbm>>, %arg3: memref<320000xi32, #tpu.memory_space<hbm>>, %arg4: memref<320000xi32, #tpu.memory_space<hbm>>, %arg5: memref<10240x128xf32, #tpu.memory_space<hbm>>, %arg6: memref<2x10240x128xf32, #tpu.memory_space<hbm>>, %arg7: memref<80xi32, #tpu.memory_space<vmem>>, %arg8: memref<80xi32, #tpu.memory_space<vmem>>, %arg9: memref<80xi32, #tpu.memory_space<vmem>>, %arg10: memref<80xi32, #tpu.memory_space<vmem>>, %arg11: memref<80xi32, #tpu.memory_space<vmem>>, %arg12: memref<80xi32, #tpu.memory_space<vmem>>, %arg13: memref<80x128xf32, #tpu.memory_space<vmem>>, %arg14: memref<80x128xf32, #tpu.memory_space<vmem>>, %arg15: memref<80x128xf32, #tpu.memory_space<vmem>>, %arg16: memref<!tpu.dma_semaphore, #tpu.memory_space<semaphore_mem>>, %arg17: memref<!tpu.dma_semaphore, #tpu.memory_space<semaphore_mem>>, %arg18: memref<!tpu.dma_semaphore, #tpu.memory_space<semaphore_mem>>, %arg19: memref<!tpu.dma_semaphore, #tpu.memory_space<semaphore_mem>>, %arg20: memref<!tpu.dma_semaphore, #tpu.memory_space<semaphore_mem>>, %arg21: memref<!tpu.dma_semaphore, #tpu.memory_space<semaphore_mem>>, %arg22: memref<10240x128xf32, #tpu.memory_space<vmem_shared>>) attributes {dimension_semantics = [#tpu.dimension_semantics<core_parallel>, #tpu.dimension_semantics<subcore_parallel>], iteration_bounds = array<i64: 2, 16>, scalar_prefetch = 0 : i64, scratch_operands = 16 : i64, tpu.core_type = #tpu.core_type<sc_vector_subcore>, window_params = [{transform_indices = #map}, {transform_indices = #map1}, {transform_indices = #map1}, {transform_indices = #map}, {transform_indices = #map2}]} {
    %mul3A = arith.constant 16 : i32
    %mul3A_0 = arith.muli %arg0, %mul3A : i32
    %add3A = arith.addi %mul3A_0, %arg1 : i32
    %mul3A_1 = arith.constant 640 : i32
    %mul3A_2 = arith.muli %arg1, %mul3A_1 : i32
    "tpu.region"() ({
      %run_scoped3A = tpu.sem_alloc : memref<!tpu.dma_semaphore, #tpu.memory_space<semaphore_mem>>
      %dma_start3A_47 = arith.constant 0 : i32
      %dma_start3A_48 = tpu.memref_slice %arg22[%mul3A_2, %dma_start3A_47] : memref<10240x128xf32, #tpu.memory_space<vmem_shared>> -> memref<640x128xf32, #tpu.memory_space<vmem_shared>>
      %dma_start3A_49 = arith.constant 0 : i32
      %dma_start3A_50 = tpu.memref_slice %arg5[%mul3A_2, %dma_start3A_49] : memref<10240x128xf32, #tpu.memory_space<hbm>> -> memref<640x128xf32, #tpu.memory_space<hbm>>
      tpu.enqueue_dma source(%dma_start3A_50 : memref<640x128xf32, #tpu.memory_space<hbm>>) target(%dma_start3A_48 : memref<640x128xf32, #tpu.memory_space<vmem_shared>>) target_semaphore(%run_scoped3A : memref<!tpu.dma_semaphore, #tpu.memory_space<semaphore_mem>>)
      %dma_wait3A_51 = arith.constant 0 : i32
      %dma_wait3A_52 = tpu.memref_slice %arg22[%mul3A_2, %dma_wait3A_51] : memref<10240x128xf32, #tpu.memory_space<vmem_shared>> -> memref<640x128xf32, #tpu.memory_space<vmem_shared>>
      %dma_wait3A_53 = arith.constant 0 : i32
      %dma_wait3A_54 = tpu.memref_slice %arg5[%mul3A_2, %dma_wait3A_53] : memref<10240x128xf32, #tpu.memory_space<hbm>> -> memref<640x128xf32, #tpu.memory_space<hbm>>
      tpu.wait_dma2 semaphore(%run_scoped3A : memref<!tpu.dma_semaphore, #tpu.memory_space<semaphore_mem>>) src(%dma_wait3A_54 : memref<640x128xf32, #tpu.memory_space<hbm>>) dst(%dma_wait3A_52 : memref<640x128xf32, #tpu.memory_space<vmem_shared>>)
      tpu.yield
    }) : () -> ()
    %mul3A_3 = arith.constant 10000 : i32
    %mul3A_4 = arith.muli %add3A, %mul3A_3 : i32
    %add3A_5 = arith.constant 0 : i32
    %add3A_6 = arith.addi %mul3A_4, %add3A_5 : i32
    "tpu.region"() ({
      %run_scoped3A = tpu.sem_alloc : memref<!tpu.dma_semaphore, #tpu.memory_space<semaphore_mem>>
      %dma_start3A_47 = tpu.memref_slice %arg3[%add3A_6] : memref<320000xi32, #tpu.memory_space<hbm>> -> memref<80xi32, #tpu.memory_space<hbm>>
      %dma_start3A_48 = tpu.memref_slice %arg3[%add3A_6] : memref<320000xi32, #tpu.memory_space<hbm>> -> memref<80xi32, #tpu.memory_space<hbm>>
      tpu.enqueue_dma source(%dma_start3A_48 : memref<80xi32, #tpu.memory_space<hbm>>) target(%arg7 : memref<80xi32, #tpu.memory_space<vmem>>) target_semaphore(%run_scoped3A : memref<!tpu.dma_semaphore, #tpu.memory_space<semaphore_mem>>)
      %dma_wait3A_49 = tpu.memref_slice %arg3[%add3A_6] : memref<320000xi32, #tpu.memory_space<hbm>> -> memref<80xi32, #tpu.memory_space<hbm>>
      %dma_wait3A_50 = tpu.memref_slice %arg3[%add3A_6] : memref<320000xi32, #tpu.memory_space<hbm>> -> memref<80xi32, #tpu.memory_space<hbm>>
      tpu.wait_dma2 semaphore(%run_scoped3A : memref<!tpu.dma_semaphore, #tpu.memory_space<semaphore_mem>>) src(%dma_wait3A_50 : memref<80xi32, #tpu.memory_space<hbm>>) dst(%arg7 : memref<80xi32, #tpu.memory_space<vmem>>)
      tpu.yield
    }) : () -> ()
    %add3A_7 = arith.constant 0 : i32
    %add3A_8 = arith.addi %mul3A_4, %add3A_7 : i32
    "tpu.region"() ({
      %run_scoped3A = tpu.sem_alloc : memref<!tpu.dma_semaphore, #tpu.memory_space<semaphore_mem>>
      %dma_start3A_47 = tpu.memref_slice %arg4[%add3A_8] : memref<320000xi32, #tpu.memory_space<hbm>> -> memref<80xi32, #tpu.memory_space<hbm>>
      %dma_start3A_48 = tpu.memref_slice %arg4[%add3A_8] : memref<320000xi32, #tpu.memory_space<hbm>> -> memref<80xi32, #tpu.memory_space<hbm>>
      tpu.enqueue_dma source(%dma_start3A_48 : memref<80xi32, #tpu.memory_space<hbm>>) target(%arg10 : memref<80xi32, #tpu.memory_space<vmem>>) target_semaphore(%run_scoped3A : memref<!tpu.dma_semaphore, #tpu.memory_space<semaphore_mem>>)
      %dma_wait3A_49 = tpu.memref_slice %arg4[%add3A_8] : memref<320000xi32, #tpu.memory_space<hbm>> -> memref<80xi32, #tpu.memory_space<hbm>>
      %dma_wait3A_50 = tpu.memref_slice %arg4[%add3A_8] : memref<320000xi32, #tpu.memory_space<hbm>> -> memref<80xi32, #tpu.memory_space<hbm>>
      tpu.wait_dma2 semaphore(%run_scoped3A : memref<!tpu.dma_semaphore, #tpu.memory_space<semaphore_mem>>) src(%dma_wait3A_50 : memref<80xi32, #tpu.memory_space<hbm>>) dst(%arg10 : memref<80xi32, #tpu.memory_space<vmem>>)
      tpu.yield
    }) : () -> ()
    %dma_start3A = arith.constant 0 : i32
    %dma_start3A_9 = arith.constant 0 : i32
    %dma_start3A_10 = tpu.memref_slice %arg2[%dma_start3A, %dma_start3A_9] : memref<10000x128xf32, #tpu.memory_space<hbm>> -> memref<10000x128xf32, #tpu.memory_space<hbm>>
    tpu.enqueue_indirect_dma source(%dma_start3A_10 : memref<10000x128xf32, #tpu.memory_space<hbm>>) target(%arg13 : memref<80x128xf32, #tpu.memory_space<vmem>>) offsets(%arg7 : memref<80xi32, #tpu.memory_space<vmem>>) semaphore(%arg16 : memref<!tpu.dma_semaphore, #tpu.memory_space<semaphore_mem>>)
    %add3A_11 = arith.constant 80 : i32
    %add3A_12 = arith.addi %mul3A_4, %add3A_11 : i32
    "tpu.region"() ({
      %run_scoped3A = tpu.sem_alloc : memref<!tpu.dma_semaphore, #tpu.memory_space<semaphore_mem>>
      %dma_start3A_47 = tpu.memref_slice %arg3[%add3A_12] : memref<320000xi32, #tpu.memory_space<hbm>> -> memref<80xi32, #tpu.memory_space<hbm>>
      %dma_start3A_48 = tpu.memref_slice %arg3[%add3A_12] : memref<320000xi32, #tpu.memory_space<hbm>> -> memref<80xi32, #tpu.memory_space<hbm>>
      tpu.enqueue_dma source(%dma_start3A_48 : memref<80xi32, #tpu.memory_space<hbm>>) target(%arg8 : memref<80xi32, #tpu.memory_space<vmem>>) target_semaphore(%run_scoped3A : memref<!tpu.dma_semaphore, #tpu.memory_space<semaphore_mem>>)
      %dma_wait3A_49 = tpu.memref_slice %arg3[%add3A_12] : memref<320000xi32, #tpu.memory_space<hbm>> -> memref<80xi32, #tpu.memory_space<hbm>>
      %dma_wait3A_50 = tpu.memref_slice %arg3[%add3A_12] : memref<320000xi32, #tpu.memory_space<hbm>> -> memref<80xi32, #tpu.memory_space<hbm>>
      tpu.wait_dma2 semaphore(%run_scoped3A : memref<!tpu.dma_semaphore, #tpu.memory_space<semaphore_mem>>) src(%dma_wait3A_50 : memref<80xi32, #tpu.memory_space<hbm>>) dst(%arg8 : memref<80xi32, #tpu.memory_space<vmem>>)
      tpu.yield
    }) : () -> ()
    %add3A_13 = arith.constant 80 : i32
    %add3A_14 = arith.addi %mul3A_4, %add3A_13 : i32
    "tpu.region"() ({
      %run_scoped3A = tpu.sem_alloc : memref<!tpu.dma_semaphore, #tpu.memory_space<semaphore_mem>>
      %dma_start3A_47 = tpu.memref_slice %arg4[%add3A_14] : memref<320000xi32, #tpu.memory_space<hbm>> -> memref<80xi32, #tpu.memory_space<hbm>>
      %dma_start3A_48 = tpu.memref_slice %arg4[%add3A_14] : memref<320000xi32, #tpu.memory_space<hbm>> -> memref<80xi32, #tpu.memory_space<hbm>>
      tpu.enqueue_dma source(%dma_start3A_48 : memref<80xi32, #tpu.memory_space<hbm>>) target(%arg11 : memref<80xi32, #tpu.memory_space<vmem>>) target_semaphore(%run_scoped3A : memref<!tpu.dma_semaphore, #tpu.memory_space<semaphore_mem>>)
      %dma_wait3A_49 = tpu.memref_slice %arg4[%add3A_14] : memref<320000xi32, #tpu.memory_space<hbm>> -> memref<80xi32, #tpu.memory_space<hbm>>
      %dma_wait3A_50 = tpu.memref_slice %arg4[%add3A_14] : memref<320000xi32, #tpu.memory_space<hbm>> -> memref<80xi32, #tpu.memory_space<hbm>>
      tpu.wait_dma2 semaphore(%run_scoped3A : memref<!tpu.dma_semaphore, #tpu.memory_space<semaphore_mem>>) src(%dma_wait3A_50 : memref<80xi32, #tpu.memory_space<hbm>>) dst(%arg11 : memref<80xi32, #tpu.memory_space<vmem>>)
      tpu.yield
    }) : () -> ()
    %dma_start3A_15 = arith.constant 0 : i32
    %dma_start3A_16 = arith.constant 0 : i32
    %dma_start3A_17 = tpu.memref_slice %arg2[%dma_start3A_15, %dma_start3A_16] : memref<10000x128xf32, #tpu.memory_space<hbm>> -> memref<10000x128xf32, #tpu.memory_space<hbm>>
    tpu.enqueue_indirect_dma source(%dma_start3A_17 : memref<10000x128xf32, #tpu.memory_space<hbm>>) target(%arg14 : memref<80x128xf32, #tpu.memory_space<vmem>>) offsets(%arg8 : memref<80xi32, #tpu.memory_space<vmem>>) semaphore(%arg17 : memref<!tpu.dma_semaphore, #tpu.memory_space<semaphore_mem>>)
    %add3A_18 = arith.constant 160 : i32
    %add3A_19 = arith.addi %mul3A_4, %add3A_18 : i32
    "tpu.region"() ({
      %run_scoped3A = tpu.sem_alloc : memref<!tpu.dma_semaphore, #tpu.memory_space<semaphore_mem>>
      %dma_start3A_47 = tpu.memref_slice %arg3[%add3A_19] : memref<320000xi32, #tpu.memory_space<hbm>> -> memref<80xi32, #tpu.memory_space<hbm>>
      %dma_start3A_48 = tpu.memref_slice %arg3[%add3A_19] : memref<320000xi32, #tpu.memory_space<hbm>> -> memref<80xi32, #tpu.memory_space<hbm>>
      tpu.enqueue_dma source(%dma_start3A_48 : memref<80xi32, #tpu.memory_space<hbm>>) target(%arg9 : memref<80xi32, #tpu.memory_space<vmem>>) target_semaphore(%run_scoped3A : memref<!tpu.dma_semaphore, #tpu.memory_space<semaphore_mem>>)
      %dma_wait3A_49 = tpu.memref_slice %arg3[%add3A_19] : memref<320000xi32, #tpu.memory_space<hbm>> -> memref<80xi32, #tpu.memory_space<hbm>>
      %dma_wait3A_50 = tpu.memref_slice %arg3[%add3A_19] : memref<320000xi32, #tpu.memory_space<hbm>> -> memref<80xi32, #tpu.memory_space<hbm>>
      tpu.wait_dma2 semaphore(%run_scoped3A : memref<!tpu.dma_semaphore, #tpu.memory_space<semaphore_mem>>) src(%dma_wait3A_50 : memref<80xi32, #tpu.memory_space<hbm>>) dst(%arg9 : memref<80xi32, #tpu.memory_space<vmem>>)
      tpu.yield
    }) : () -> ()
    %add3A_20 = arith.constant 160 : i32
    %add3A_21 = arith.addi %mul3A_4, %add3A_20 : i32
    "tpu.region"() ({
      %run_scoped3A = tpu.sem_alloc : memref<!tpu.dma_semaphore, #tpu.memory_space<semaphore_mem>>
      %dma_start3A_47 = tpu.memref_slice %arg4[%add3A_21] : memref<320000xi32, #tpu.memory_space<hbm>> -> memref<80xi32, #tpu.memory_space<hbm>>
      %dma_start3A_48 = tpu.memref_slice %arg4[%add3A_21] : memref<320000xi32, #tpu.memory_space<hbm>> -> memref<80xi32, #tpu.memory_space<hbm>>
      tpu.enqueue_dma source(%dma_start3A_48 : memref<80xi32, #tpu.memory_space<hbm>>) target(%arg12 : memref<80xi32, #tpu.memory_space<vmem>>) target_semaphore(%run_scoped3A : memref<!tpu.dma_semaphore, #tpu.memory_space<semaphore_mem>>)
      %dma_wait3A_49 = tpu.memref_slice %arg4[%add3A_21] : memref<320000xi32, #tpu.memory_space<hbm>> -> memref<80xi32, #tpu.memory_space<hbm>>
      %dma_wait3A_50 = tpu.memref_slice %arg4[%add3A_21] : memref<320000xi32, #tpu.memory_space<hbm>> -> memref<80xi32, #tpu.memory_space<hbm>>
      tpu.wait_dma2 semaphore(%run_scoped3A : memref<!tpu.dma_semaphore, #tpu.memory_space<semaphore_mem>>) src(%dma_wait3A_50 : memref<80xi32, #tpu.memory_space<hbm>>) dst(%arg12 : memref<80xi32, #tpu.memory_space<vmem>>)
      tpu.yield
    }) : () -> ()
    %dma_start3A_22 = arith.constant 0 : i32
    %dma_start3A_23 = arith.constant 0 : i32
    %dma_start3A_24 = tpu.memref_slice %arg2[%dma_start3A_22, %dma_start3A_23] : memref<10000x128xf32, #tpu.memory_space<hbm>> -> memref<10000x128xf32, #tpu.memory_space<hbm>>
    tpu.enqueue_indirect_dma source(%dma_start3A_24 : memref<10000x128xf32, #tpu.memory_space<hbm>>) target(%arg15 : memref<80x128xf32, #tpu.memory_space<vmem>>) offsets(%arg9 : memref<80xi32, #tpu.memory_space<vmem>>) semaphore(%arg18 : memref<!tpu.dma_semaphore, #tpu.memory_space<semaphore_mem>>)
    %barrier3A = arith.constant 0 : index
    tpu.barrier barrier_id(%barrier3A)
    %scan3A = arith.constant 0 : i32
    %scan3A_25 = arith.constant 41 : i32
    %scan3A_26 = arith.addi %scan3A, %scan3A_25 : i32
    %scan3A_27 = arith.constant 1 : i32
    scf.for %scan3A_47 = %scan3A to %scan3A_26 step %scan3A_27  : i32 {
      %mul3A_48 = arith.constant 1 : i32
      %mul3A_49 = arith.muli %scan3A_47, %mul3A_48 : i32
      %add3A_50 = arith.constant 0 : i32
      %add3A_51 = arith.addi %add3A_50, %mul3A_49 : i32
      %mul3A_52 = arith.constant 3 : i32
      %mul3A_53 = arith.muli %add3A_51, %mul3A_52 : i32
      %dma_wait3A_54 = arith.constant 0 : i32
      %dma_wait3A_55 = arith.constant 0 : i32
      %dma_wait3A_56 = tpu.memref_slice %arg2[%dma_wait3A_54, %dma_wait3A_55] : memref<10000x128xf32, #tpu.memory_space<hbm>> -> memref<10000x128xf32, #tpu.memory_space<hbm>>
      tpu.wait_indirect_dma semaphore(%arg16 : memref<!tpu.dma_semaphore, #tpu.memory_space<semaphore_mem>>) src(%dma_wait3A_56 : memref<10000x128xf32, #tpu.memory_space<hbm>>) dst(%arg13 : memref<80x128xf32, #tpu.memory_space<vmem>>)
      %dma_start3A_57 = arith.constant 0 : i32
      %dma_start3A_58 = arith.constant 0 : i32
      %dma_start3A_59 = tpu.memref_slice %arg22[%dma_start3A_57, %dma_start3A_58] : memref<10240x128xf32, #tpu.memory_space<vmem_shared>> -> memref<10240x128xf32, #tpu.memory_space<vmem_shared>>
      tpu.enqueue_indirect_dma source(%arg13 : memref<80x128xf32, #tpu.memory_space<vmem>>) target(%dma_start3A_59 : memref<10240x128xf32, #tpu.memory_space<vmem_shared>>) offsets(%arg10 : memref<80xi32, #tpu.memory_space<vmem>>) semaphore(%arg19 : memref<!tpu.dma_semaphore, #tpu.memory_space<semaphore_mem>>) {add = true}
      %dma_wait3A_60 = arith.constant 0 : i32
      %dma_wait3A_61 = arith.constant 0 : i32
      %dma_wait3A_62 = tpu.memref_slice %arg2[%dma_wait3A_60, %dma_wait3A_61] : memref<10000x128xf32, #tpu.memory_space<hbm>> -> memref<10000x128xf32, #tpu.memory_space<hbm>>
      tpu.wait_indirect_dma semaphore(%arg17 : memref<!tpu.dma_semaphore, #tpu.memory_space<semaphore_mem>>) src(%dma_wait3A_62 : memref<10000x128xf32, #tpu.memory_space<hbm>>) dst(%arg14 : memref<80x128xf32, #tpu.memory_space<vmem>>)
      %dma_start3A_63 = arith.constant 0 : i32
      %dma_start3A_64 = arith.constant 0 : i32
      %dma_start3A_65 = tpu.memref_slice %arg22[%dma_start3A_63, %dma_start3A_64] : memref<10240x128xf32, #tpu.memory_space<vmem_shared>> -> memref<10240x128xf32, #tpu.memory_space<vmem_shared>>
      tpu.enqueue_indirect_dma source(%arg14 : memref<80x128xf32, #tpu.memory_space<vmem>>) target(%dma_start3A_65 : memref<10240x128xf32, #tpu.memory_space<vmem_shared>>) offsets(%arg11 : memref<80xi32, #tpu.memory_space<vmem>>) semaphore(%arg20 : memref<!tpu.dma_semaphore, #tpu.memory_space<semaphore_mem>>) {add = true}
      %dma_wait3A_66 = arith.constant 0 : i32
      %dma_wait3A_67 = arith.constant 0 : i32
      %dma_wait3A_68 = tpu.memref_slice %arg2[%dma_wait3A_66, %dma_wait3A_67] : memref<10000x128xf32, #tpu.memory_space<hbm>> -> memref<10000x128xf32, #tpu.memory_space<hbm>>
      tpu.wait_indirect_dma semaphore(%arg18 : memref<!tpu.dma_semaphore, #tpu.memory_space<semaphore_mem>>) src(%dma_wait3A_68 : memref<10000x128xf32, #tpu.memory_space<hbm>>) dst(%arg15 : memref<80x128xf32, #tpu.memory_space<vmem>>)
      %dma_start3A_69 = arith.constant 0 : i32
      %dma_start3A_70 = arith.constant 0 : i32
      %dma_start3A_71 = tpu.memref_slice %arg22[%dma_start3A_69, %dma_start3A_70] : memref<10240x128xf32, #tpu.memory_space<vmem_shared>> -> memref<10240x128xf32, #tpu.memory_space<vmem_shared>>
      tpu.enqueue_indirect_dma source(%arg15 : memref<80x128xf32, #tpu.memory_space<vmem>>) target(%dma_start3A_71 : memref<10240x128xf32, #tpu.memory_space<vmem_shared>>) offsets(%arg12 : memref<80xi32, #tpu.memory_space<vmem>>) semaphore(%arg21 : memref<!tpu.dma_semaphore, #tpu.memory_space<semaphore_mem>>) {add = true}
      %add3A_72 = arith.constant 3 : i32
      %add3A_73 = arith.addi %mul3A_53, %add3A_72 : i32
      %add3A_74 = arith.constant 0 : i32
      %add3A_75 = arith.addi %add3A_73, %add3A_74 : i32
      %dma_wait3A_76 = arith.constant 0 : i32
      %dma_wait3A_77 = arith.constant 0 : i32
      %dma_wait3A_78 = tpu.memref_slice %arg22[%dma_wait3A_76, %dma_wait3A_77] : memref<10240x128xf32, #tpu.memory_space<vmem_shared>> -> memref<10240x128xf32, #tpu.memory_space<vmem_shared>>
      tpu.wait_indirect_dma semaphore(%arg19 : memref<!tpu.dma_semaphore, #tpu.memory_space<semaphore_mem>>) src(%arg13 : memref<80x128xf32, #tpu.memory_space<vmem>>) dst(%dma_wait3A_78 : memref<10240x128xf32, #tpu.memory_space<vmem_shared>>)
      %lt3A = arith.constant 125 : i32
      %lt3A_79 = arith.cmpi slt, %add3A_75, %lt3A : i32
      %convert_element_type3A = arith.extui %lt3A_79 : i1 to i32
      %cond3A = arith.constant 0 : i32
      %cond3A_80 = arith.cmpi ne, %convert_element_type3A, %cond3A : i32
      scf.if %cond3A_80 {
        %mul3A_105 = arith.constant 80 : i32
        %mul3A_106 = arith.muli %add3A_75, %mul3A_105 : i32
        %add3A_107 = arith.addi %mul3A_4, %mul3A_106 : i32
        "tpu.region"() ({
          %run_scoped3A = tpu.sem_alloc : memref<!tpu.dma_semaphore, #tpu.memory_space<semaphore_mem>>
          %dma_start3A_111 = tpu.memref_slice %arg3[%add3A_107] : memref<320000xi32, #tpu.memory_space<hbm>> -> memref<80xi32, #tpu.memory_space<hbm>>
          %dma_start3A_112 = tpu.memref_slice %arg3[%add3A_107] : memref<320000xi32, #tpu.memory_space<hbm>> -> memref<80xi32, #tpu.memory_space<hbm>>
          tpu.enqueue_dma source(%dma_start3A_112 : memref<80xi32, #tpu.memory_space<hbm>>) target(%arg7 : memref<80xi32, #tpu.memory_space<vmem>>) target_semaphore(%run_scoped3A : memref<!tpu.dma_semaphore, #tpu.memory_space<semaphore_mem>>)
          %dma_wait3A_113 = tpu.memref_slice %arg3[%add3A_107] : memref<320000xi32, #tpu.memory_space<hbm>> -> memref<80xi32, #tpu.memory_space<hbm>>
          %dma_wait3A_114 = tpu.memref_slice %arg3[%add3A_107] : memref<320000xi32, #tpu.memory_space<hbm>> -> memref<80xi32, #tpu.memory_space<hbm>>
          tpu.wait_dma2 semaphore(%run_scoped3A : memref<!tpu.dma_semaphore, #tpu.memory_space<semaphore_mem>>) src(%dma_wait3A_114 : memref<80xi32, #tpu.memory_space<hbm>>) dst(%arg7 : memref<80xi32, #tpu.memory_space<vmem>>)
          tpu.yield
        }) : () -> ()
        "tpu.region"() ({
          %run_scoped3A = tpu.sem_alloc : memref<!tpu.dma_semaphore, #tpu.memory_space<semaphore_mem>>
          %dma_start3A_111 = tpu.memref_slice %arg4[%add3A_107] : memref<320000xi32, #tpu.memory_space<hbm>> -> memref<80xi32, #tpu.memory_space<hbm>>
          %dma_start3A_112 = tpu.memref_slice %arg4[%add3A_107] : memref<320000xi32, #tpu.memory_space<hbm>> -> memref<80xi32, #tpu.memory_space<hbm>>
          tpu.enqueue_dma source(%dma_start3A_112 : memref<80xi32, #tpu.memory_space<hbm>>) target(%arg10 : memref<80xi32, #tpu.memory_space<vmem>>) target_semaphore(%run_scoped3A : memref<!tpu.dma_semaphore, #tpu.memory_space<semaphore_mem>>)
          %dma_wait3A_113 = tpu.memref_slice %arg4[%add3A_107] : memref<320000xi32, #tpu.memory_space<hbm>> -> memref<80xi32, #tpu.memory_space<hbm>>
          %dma_wait3A_114 = tpu.memref_slice %arg4[%add3A_107] : memref<320000xi32, #tpu.memory_space<hbm>> -> memref<80xi32, #tpu.memory_space<hbm>>
          tpu.wait_dma2 semaphore(%run_scoped3A : memref<!tpu.dma_semaphore, #tpu.memory_space<semaphore_mem>>) src(%dma_wait3A_114 : memref<80xi32, #tpu.memory_space<hbm>>) dst(%arg10 : memref<80xi32, #tpu.memory_space<vmem>>)
          tpu.yield
        }) : () -> ()
        %dma_start3A_108 = arith.constant 0 : i32
        %dma_start3A_109 = arith.constant 0 : i32
        %dma_start3A_110 = tpu.memref_slice %arg2[%dma_start3A_108, %dma_start3A_109] : memref<10000x128xf32, #tpu.memory_space<hbm>> -> memref<10000x128xf32, #tpu.memory_space<hbm>>
        tpu.enqueue_indirect_dma source(%dma_start3A_110 : memref<10000x128xf32, #tpu.memory_space<hbm>>) target(%arg13 : memref<80x128xf32, #tpu.memory_space<vmem>>) offsets(%arg7 : memref<80xi32, #tpu.memory_space<vmem>>) semaphore(%arg16 : memref<!tpu.dma_semaphore, #tpu.memory_space<semaphore_mem>>)
      } else {
      }
      %add3A_81 = arith.constant 3 : i32
      %add3A_82 = arith.addi %mul3A_53, %add3A_81 : i32
      %add3A_83 = arith.constant 1 : i32
      %add3A_84 = arith.addi %add3A_82, %add3A_83 : i32
      %dma_wait3A_85 = arith.constant 0 : i32
      %dma_wait3A_86 = arith.constant 0 : i32
      %dma_wait3A_87 = tpu.memref_slice %arg22[%dma_wait3A_85, %dma_wait3A_86] : memref<10240x128xf32, #tpu.memory_space<vmem_shared>> -> memref<10240x128xf32, #tpu.memory_space<vmem_shared>>
      tpu.wait_indirect_dma semaphore(%arg20 : memref<!tpu.dma_semaphore, #tpu.memory_space<semaphore_mem>>) src(%arg14 : memref<80x128xf32, #tpu.memory_space<vmem>>) dst(%dma_wait3A_87 : memref<10240x128xf32, #tpu.memory_space<vmem_shared>>)
      %lt3A_88 = arith.constant 125 : i32
      %lt3A_89 = arith.cmpi slt, %add3A_84, %lt3A_88 : i32
      %convert_element_type3A_90 = arith.extui %lt3A_89 : i1 to i32
      %cond3A_91 = arith.constant 0 : i32
      %cond3A_92 = arith.cmpi ne, %convert_element_type3A_90, %cond3A_91 : i32
      scf.if %cond3A_92 {
        %mul3A_105 = arith.constant 80 : i32
        %mul3A_106 = arith.muli %add3A_84, %mul3A_105 : i32
        %add3A_107 = arith.addi %mul3A_4, %mul3A_106 : i32
        "tpu.region"() ({
          %run_scoped3A = tpu.sem_alloc : memref<!tpu.dma_semaphore, #tpu.memory_space<semaphore_mem>>
          %dma_start3A_111 = tpu.memref_slice %arg3[%add3A_107] : memref<320000xi32, #tpu.memory_space<hbm>> -> memref<80xi32, #tpu.memory_space<hbm>>
          %dma_start3A_112 = tpu.memref_slice %arg3[%add3A_107] : memref<320000xi32, #tpu.memory_space<hbm>> -> memref<80xi32, #tpu.memory_space<hbm>>
          tpu.enqueue_dma source(%dma_start3A_112 : memref<80xi32, #tpu.memory_space<hbm>>) target(%arg8 : memref<80xi32, #tpu.memory_space<vmem>>) target_semaphore(%run_scoped3A : memref<!tpu.dma_semaphore, #tpu.memory_space<semaphore_mem>>)
          %dma_wait3A_113 = tpu.memref_slice %arg3[%add3A_107] : memref<320000xi32, #tpu.memory_space<hbm>> -> memref<80xi32, #tpu.memory_space<hbm>>
          %dma_wait3A_114 = tpu.memref_slice %arg3[%add3A_107] : memref<320000xi32, #tpu.memory_space<hbm>> -> memref<80xi32, #tpu.memory_space<hbm>>
          tpu.wait_dma2 semaphore(%run_scoped3A : memref<!tpu.dma_semaphore, #tpu.memory_space<semaphore_mem>>) src(%dma_wait3A_114 : memref<80xi32, #tpu.memory_space<hbm>>) dst(%arg8 : memref<80xi32, #tpu.memory_space<vmem>>)
          tpu.yield
        }) : () -> ()
        "tpu.region"() ({
          %run_scoped3A = tpu.sem_alloc : memref<!tpu.dma_semaphore, #tpu.memory_space<semaphore_mem>>
          %dma_start3A_111 = tpu.memref_slice %arg4[%add3A_107] : memref<320000xi32, #tpu.memory_space<hbm>> -> memref<80xi32, #tpu.memory_space<hbm>>
          %dma_start3A_112 = tpu.memref_slice %arg4[%add3A_107] : memref<320000xi32, #tpu.memory_space<hbm>> -> memref<80xi32, #tpu.memory_space<hbm>>
          tpu.enqueue_dma source(%dma_start3A_112 : memref<80xi32, #tpu.memory_space<hbm>>) target(%arg11 : memref<80xi32, #tpu.memory_space<vmem>>) target_semaphore(%run_scoped3A : memref<!tpu.dma_semaphore, #tpu.memory_space<semaphore_mem>>)
          %dma_wait3A_113 = tpu.memref_slice %arg4[%add3A_107] : memref<320000xi32, #tpu.memory_space<hbm>> -> memref<80xi32, #tpu.memory_space<hbm>>
          %dma_wait3A_114 = tpu.memref_slice %arg4[%add3A_107] : memref<320000xi32, #tpu.memory_space<hbm>> -> memref<80xi32, #tpu.memory_space<hbm>>
          tpu.wait_dma2 semaphore(%run_scoped3A : memref<!tpu.dma_semaphore, #tpu.memory_space<semaphore_mem>>) src(%dma_wait3A_114 : memref<80xi32, #tpu.memory_space<hbm>>) dst(%arg11 : memref<80xi32, #tpu.memory_space<vmem>>)
          tpu.yield
        }) : () -> ()
        %dma_start3A_108 = arith.constant 0 : i32
        %dma_start3A_109 = arith.constant 0 : i32
        %dma_start3A_110 = tpu.memref_slice %arg2[%dma_start3A_108, %dma_start3A_109] : memref<10000x128xf32, #tpu.memory_space<hbm>> -> memref<10000x128xf32, #tpu.memory_space<hbm>>
        tpu.enqueue_indirect_dma source(%dma_start3A_110 : memref<10000x128xf32, #tpu.memory_space<hbm>>) target(%arg14 : memref<80x128xf32, #tpu.memory_space<vmem>>) offsets(%arg8 : memref<80xi32, #tpu.memory_space<vmem>>) semaphore(%arg17 : memref<!tpu.dma_semaphore, #tpu.memory_space<semaphore_mem>>)
      } else {
      }
      %add3A_93 = arith.constant 3 : i32
      %add3A_94 = arith.addi %mul3A_53, %add3A_93 : i32
      %add3A_95 = arith.constant 2 : i32
      %add3A_96 = arith.addi %add3A_94, %add3A_95 : i32
      %dma_wait3A_97 = arith.constant 0 : i32
      %dma_wait3A_98 = arith.constant 0 : i32
      %dma_wait3A_99 = tpu.memref_slice %arg22[%dma_wait3A_97, %dma_wait3A_98] : memref<10240x128xf32, #tpu.memory_space<vmem_shared>> -> memref<10240x128xf32, #tpu.memory_space<vmem_shared>>
      tpu.wait_indirect_dma semaphore(%arg21 : memref<!tpu.dma_semaphore, #tpu.memory_space<semaphore_mem>>) src(%arg15 : memref<80x128xf32, #tpu.memory_space<vmem>>) dst(%dma_wait3A_99 : memref<10240x128xf32, #tpu.memory_space<vmem_shared>>)
      %lt3A_100 = arith.constant 125 : i32
      %lt3A_101 = arith.cmpi slt, %add3A_96, %lt3A_100 : i32
      %convert_element_type3A_102 = arith.extui %lt3A_101 : i1 to i32
      %cond3A_103 = arith.constant 0 : i32
      %cond3A_104 = arith.cmpi ne, %convert_element_type3A_102, %cond3A_103 : i32
      scf.if %cond3A_104 {
        %mul3A_105 = arith.constant 80 : i32
        %mul3A_106 = arith.muli %add3A_96, %mul3A_105 : i32
        %add3A_107 = arith.addi %mul3A_4, %mul3A_106 : i32
        "tpu.region"() ({
          %run_scoped3A = tpu.sem_alloc : memref<!tpu.dma_semaphore, #tpu.memory_space<semaphore_mem>>
          %dma_start3A_111 = tpu.memref_slice %arg3[%add3A_107] : memref<320000xi32, #tpu.memory_space<hbm>> -> memref<80xi32, #tpu.memory_space<hbm>>
          %dma_start3A_112 = tpu.memref_slice %arg3[%add3A_107] : memref<320000xi32, #tpu.memory_space<hbm>> -> memref<80xi32, #tpu.memory_space<hbm>>
          tpu.enqueue_dma source(%dma_start3A_112 : memref<80xi32, #tpu.memory_space<hbm>>) target(%arg9 : memref<80xi32, #tpu.memory_space<vmem>>) target_semaphore(%run_scoped3A : memref<!tpu.dma_semaphore, #tpu.memory_space<semaphore_mem>>)
          %dma_wait3A_113 = tpu.memref_slice %arg3[%add3A_107] : memref<320000xi32, #tpu.memory_space<hbm>> -> memref<80xi32, #tpu.memory_space<hbm>>
          %dma_wait3A_114 = tpu.memref_slice %arg3[%add3A_107] : memref<320000xi32, #tpu.memory_space<hbm>> -> memref<80xi32, #tpu.memory_space<hbm>>
          tpu.wait_dma2 semaphore(%run_scoped3A : memref<!tpu.dma_semaphore, #tpu.memory_space<semaphore_mem>>) src(%dma_wait3A_114 : memref<80xi32, #tpu.memory_space<hbm>>) dst(%arg9 : memref<80xi32, #tpu.memory_space<vmem>>)
          tpu.yield
        }) : () -> ()
        "tpu.region"() ({
          %run_scoped3A = tpu.sem_alloc : memref<!tpu.dma_semaphore, #tpu.memory_space<semaphore_mem>>
          %dma_start3A_111 = tpu.memref_slice %arg4[%add3A_107] : memref<320000xi32, #tpu.memory_space<hbm>> -> memref<80xi32, #tpu.memory_space<hbm>>
          %dma_start3A_112 = tpu.memref_slice %arg4[%add3A_107] : memref<320000xi32, #tpu.memory_space<hbm>> -> memref<80xi32, #tpu.memory_space<hbm>>
          tpu.enqueue_dma source(%dma_start3A_112 : memref<80xi32, #tpu.memory_space<hbm>>) target(%arg12 : memref<80xi32, #tpu.memory_space<vmem>>) target_semaphore(%run_scoped3A : memref<!tpu.dma_semaphore, #tpu.memory_space<semaphore_mem>>)
          %dma_wait3A_113 = tpu.memref_slice %arg4[%add3A_107] : memref<320000xi32, #tpu.memory_space<hbm>> -> memref<80xi32, #tpu.memory_space<hbm>>
          %dma_wait3A_114 = tpu.memref_slice %arg4[%add3A_107] : memref<320000xi32, #tpu.memory_space<hbm>> -> memref<80xi32, #tpu.memory_space<hbm>>
          tpu.wait_dma2 semaphore(%run_scoped3A : memref<!tpu.dma_semaphore, #tpu.memory_space<semaphore_mem>>) src(%dma_wait3A_114 : memref<80xi32, #tpu.memory_space<hbm>>) dst(%arg12 : memref<80xi32, #tpu.memory_space<vmem>>)
          tpu.yield
        }) : () -> ()
        %dma_start3A_108 = arith.constant 0 : i32
        %dma_start3A_109 = arith.constant 0 : i32
        %dma_start3A_110 = tpu.memref_slice %arg2[%dma_start3A_108, %dma_start3A_109] : memref<10000x128xf32, #tpu.memory_space<hbm>> -> memref<10000x128xf32, #tpu.memory_space<hbm>>
        tpu.enqueue_indirect_dma source(%dma_start3A_110 : memref<10000x128xf32, #tpu.memory_space<hbm>>) target(%arg15 : memref<80x128xf32, #tpu.memory_space<vmem>>) offsets(%arg9 : memref<80xi32, #tpu.memory_space<vmem>>) semaphore(%arg18 : memref<!tpu.dma_semaphore, #tpu.memory_space<semaphore_mem>>)
      } else {
      }
    }
    %scan3A_28 = arith.constant 41 : i32
    %dma_wait3A = arith.constant 0 : i32
    %dma_wait3A_29 = arith.constant 0 : i32
    %dma_wait3A_30 = tpu.memref_slice %arg2[%dma_wait3A, %dma_wait3A_29] : memref<10000x128xf32, #tpu.memory_space<hbm>> -> memref<10000x128xf32, #tpu.memory_space<hbm>>
    tpu.wait_indirect_dma semaphore(%arg16 : memref<!tpu.dma_semaphore, #tpu.memory_space<semaphore_mem>>) src(%dma_wait3A_30 : memref<10000x128xf32, #tpu.memory_space<hbm>>) dst(%arg13 : memref<80x128xf32, #tpu.memory_space<vmem>>)
    %dma_start3A_31 = arith.constant 0 : i32
    %dma_start3A_32 = arith.constant 0 : i32
    %dma_start3A_33 = tpu.memref_slice %arg22[%dma_start3A_31, %dma_start3A_32] : memref<10240x128xf32, #tpu.memory_space<vmem_shared>> -> memref<10240x128xf32, #tpu.memory_space<vmem_shared>>
    tpu.enqueue_indirect_dma source(%arg13 : memref<80x128xf32, #tpu.memory_space<vmem>>) target(%dma_start3A_33 : memref<10240x128xf32, #tpu.memory_space<vmem_shared>>) offsets(%arg10 : memref<80xi32, #tpu.memory_space<vmem>>) semaphore(%arg19 : memref<!tpu.dma_semaphore, #tpu.memory_space<semaphore_mem>>) {add = true}
    %dma_wait3A_34 = arith.constant 0 : i32
    %dma_wait3A_35 = arith.constant 0 : i32
    %dma_wait3A_36 = tpu.memref_slice %arg2[%dma_wait3A_34, %dma_wait3A_35] : memref<10000x128xf32, #tpu.memory_space<hbm>> -> memref<10000x128xf32, #tpu.memory_space<hbm>>
    tpu.wait_indirect_dma semaphore(%arg17 : memref<!tpu.dma_semaphore, #tpu.memory_space<semaphore_mem>>) src(%dma_wait3A_36 : memref<10000x128xf32, #tpu.memory_space<hbm>>) dst(%arg14 : memref<80x128xf32, #tpu.memory_space<vmem>>)
    %dma_start3A_37 = arith.constant 0 : i32
    %dma_start3A_38 = arith.constant 0 : i32
    %dma_start3A_39 = tpu.memref_slice %arg22[%dma_start3A_37, %dma_start3A_38] : memref<10240x128xf32, #tpu.memory_space<vmem_shared>> -> memref<10240x128xf32, #tpu.memory_space<vmem_shared>>
    tpu.enqueue_indirect_dma source(%arg14 : memref<80x128xf32, #tpu.memory_space<vmem>>) target(%dma_start3A_39 : memref<10240x128xf32, #tpu.memory_space<vmem_shared>>) offsets(%arg11 : memref<80xi32, #tpu.memory_space<vmem>>) semaphore(%arg20 : memref<!tpu.dma_semaphore, #tpu.memory_space<semaphore_mem>>) {add = true}
    %dma_wait3A_40 = arith.constant 0 : i32
    %dma_wait3A_41 = arith.constant 0 : i32
    %dma_wait3A_42 = tpu.memref_slice %arg22[%dma_wait3A_40, %dma_wait3A_41] : memref<10240x128xf32, #tpu.memory_space<vmem_shared>> -> memref<10240x128xf32, #tpu.memory_space<vmem_shared>>
    tpu.wait_indirect_dma semaphore(%arg19 : memref<!tpu.dma_semaphore, #tpu.memory_space<semaphore_mem>>) src(%arg13 : memref<80x128xf32, #tpu.memory_space<vmem>>) dst(%dma_wait3A_42 : memref<10240x128xf32, #tpu.memory_space<vmem_shared>>)
    %dma_wait3A_43 = arith.constant 0 : i32
    %dma_wait3A_44 = arith.constant 0 : i32
    %dma_wait3A_45 = tpu.memref_slice %arg22[%dma_wait3A_43, %dma_wait3A_44] : memref<10240x128xf32, #tpu.memory_space<vmem_shared>> -> memref<10240x128xf32, #tpu.memory_space<vmem_shared>>
    tpu.wait_indirect_dma semaphore(%arg20 : memref<!tpu.dma_semaphore, #tpu.memory_space<semaphore_mem>>) src(%arg14 : memref<80x128xf32, #tpu.memory_space<vmem>>) dst(%dma_wait3A_45 : memref<10240x128xf32, #tpu.memory_space<vmem_shared>>)
    %barrier3A_46 = arith.constant 0 : index
    tpu.barrier barrier_id(%barrier3A_46)
    "tpu.region"() ({
      %run_scoped3A = tpu.sem_alloc : memref<!tpu.dma_semaphore, #tpu.memory_space<semaphore_mem>>
      %dma_start3A_47 = arith.constant 0 : i32
      %dma_start3A_48 = tpu.memref_slice %arg6[%arg0, %mul3A_2, %dma_start3A_47] : memref<2x10240x128xf32, #tpu.memory_space<hbm>> -> memref<1x640x128xf32, #tpu.memory_space<hbm>>
      %dma_start3A_49 = tpu.memref_squeeze %dma_start3A_48 : memref<1x640x128xf32, #tpu.memory_space<hbm>> -> memref<640x128xf32, #tpu.memory_space<hbm>>
      %dma_start3A_50 = arith.constant 0 : i32
      %dma_start3A_51 = tpu.memref_slice %arg22[%mul3A_2, %dma_start3A_50] : memref<10240x128xf32, #tpu.memory_space<vmem_shared>> -> memref<640x128xf32, #tpu.memory_space<vmem_shared>>
      tpu.enqueue_dma source(%dma_start3A_51 : memref<640x128xf32, #tpu.memory_space<vmem_shared>>) target(%dma_start3A_49 : memref<640x128xf32, #tpu.memory_space<hbm>>) target_semaphore(%run_scoped3A : memref<!tpu.dma_semaphore, #tpu.memory_space<semaphore_mem>>)
      %dma_wait3A_52 = arith.constant 0 : i32
      %dma_wait3A_53 = tpu.memref_slice %arg6[%arg0, %mul3A_2, %dma_wait3A_52] : memref<2x10240x128xf32, #tpu.memory_space<hbm>> -> memref<1x640x128xf32, #tpu.memory_space<hbm>>
      %dma_wait3A_54 = tpu.memref_squeeze %dma_wait3A_53 : memref<1x640x128xf32, #tpu.memory_space<hbm>> -> memref<640x128xf32, #tpu.memory_space<hbm>>
      %dma_wait3A_55 = arith.constant 0 : i32
      %dma_wait3A_56 = tpu.memref_slice %arg22[%mul3A_2, %dma_wait3A_55] : memref<10240x128xf32, #tpu.memory_space<vmem_shared>> -> memref<640x128xf32, #tpu.memory_space<vmem_shared>>
      tpu.wait_dma2 semaphore(%run_scoped3A : memref<!tpu.dma_semaphore, #tpu.memory_space<semaphore_mem>>) src(%dma_wait3A_56 : memref<640x128xf32, #tpu.memory_space<vmem_shared>>) dst(%dma_wait3A_54 : memref<640x128xf32, #tpu.memory_space<hbm>>)
      tpu.yield
    }) : () -> ()
    return
  }
}

#map = affine_map<(d0, d1) -> (0)>
#map1 = affine_map<(d0, d1) -> (0, 0)>
#map2 = affine_map<(d0, d1) -> (0, 0, 0)>
module attributes {stable_mosaic.version = 14 : i64} {
  func.func @_deg_kernel(%arg0: i32, %arg1: i32, %arg2: memref<320000xi32, #tpu.memory_space<hbm>>, %arg3: memref<80x128xf32, #tpu.memory_space<hbm>>, %arg4: memref<10240x128xf32, #tpu.memory_space<hbm>>, %arg5: memref<2x10240x128xf32, #tpu.memory_space<hbm>>, %arg6: memref<80xi32, #tpu.memory_space<vmem>>, %arg7: memref<80xi32, #tpu.memory_space<vmem>>, %arg8: memref<80xi32, #tpu.memory_space<vmem>>, %arg9: memref<80x128xf32, #tpu.memory_space<vmem>>, %arg10: memref<!tpu.dma_semaphore, #tpu.memory_space<semaphore_mem>>, %arg11: memref<!tpu.dma_semaphore, #tpu.memory_space<semaphore_mem>>, %arg12: memref<!tpu.dma_semaphore, #tpu.memory_space<semaphore_mem>>, %arg13: memref<10240x128xf32, #tpu.memory_space<vmem_shared>>) attributes {dimension_semantics = [#tpu.dimension_semantics<core_parallel>, #tpu.dimension_semantics<subcore_parallel>], iteration_bounds = array<i64: 2, 16>, scalar_prefetch = 0 : i64, scratch_operands = 8 : i64, tpu.core_type = #tpu.core_type<sc_vector_subcore>, window_params = [{transform_indices = #map}, {transform_indices = #map1}, {transform_indices = #map1}, {transform_indices = #map2}]} {
    %mul3A = arith.constant 16 : i32
    %mul3A_0 = arith.muli %arg0, %mul3A : i32
    %add3A = arith.addi %mul3A_0, %arg1 : i32
    %mul3A_1 = arith.constant 640 : i32
    %mul3A_2 = arith.muli %arg1, %mul3A_1 : i32
    "tpu.region"() ({
      %run_scoped3A = tpu.sem_alloc : memref<!tpu.dma_semaphore, #tpu.memory_space<semaphore_mem>>
      %dma_start3A_29 = arith.constant 0 : i32
      %dma_start3A_30 = tpu.memref_slice %arg13[%mul3A_2, %dma_start3A_29] : memref<10240x128xf32, #tpu.memory_space<vmem_shared>> -> memref<640x128xf32, #tpu.memory_space<vmem_shared>>
      %dma_start3A_31 = arith.constant 0 : i32
      %dma_start3A_32 = tpu.memref_slice %arg4[%mul3A_2, %dma_start3A_31] : memref<10240x128xf32, #tpu.memory_space<hbm>> -> memref<640x128xf32, #tpu.memory_space<hbm>>
      tpu.enqueue_dma source(%dma_start3A_32 : memref<640x128xf32, #tpu.memory_space<hbm>>) target(%dma_start3A_30 : memref<640x128xf32, #tpu.memory_space<vmem_shared>>) target_semaphore(%run_scoped3A : memref<!tpu.dma_semaphore, #tpu.memory_space<semaphore_mem>>)
      %dma_wait3A_33 = arith.constant 0 : i32
      %dma_wait3A_34 = tpu.memref_slice %arg13[%mul3A_2, %dma_wait3A_33] : memref<10240x128xf32, #tpu.memory_space<vmem_shared>> -> memref<640x128xf32, #tpu.memory_space<vmem_shared>>
      %dma_wait3A_35 = arith.constant 0 : i32
      %dma_wait3A_36 = tpu.memref_slice %arg4[%mul3A_2, %dma_wait3A_35] : memref<10240x128xf32, #tpu.memory_space<hbm>> -> memref<640x128xf32, #tpu.memory_space<hbm>>
      tpu.wait_dma2 semaphore(%run_scoped3A : memref<!tpu.dma_semaphore, #tpu.memory_space<semaphore_mem>>) src(%dma_wait3A_36 : memref<640x128xf32, #tpu.memory_space<hbm>>) dst(%dma_wait3A_34 : memref<640x128xf32, #tpu.memory_space<vmem_shared>>)
      tpu.yield
    }) : () -> ()
    "tpu.region"() ({
      %run_scoped3A = tpu.sem_alloc : memref<!tpu.dma_semaphore, #tpu.memory_space<semaphore_mem>>
      tpu.enqueue_dma source(%arg3 : memref<80x128xf32, #tpu.memory_space<hbm>>) target(%arg9 : memref<80x128xf32, #tpu.memory_space<vmem>>) target_semaphore(%run_scoped3A : memref<!tpu.dma_semaphore, #tpu.memory_space<semaphore_mem>>)
      tpu.wait_dma2 semaphore(%run_scoped3A : memref<!tpu.dma_semaphore, #tpu.memory_space<semaphore_mem>>) src(%arg3 : memref<80x128xf32, #tpu.memory_space<hbm>>) dst(%arg9 : memref<80x128xf32, #tpu.memory_space<vmem>>)
      tpu.yield
    }) : () -> ()
    %mul3A_3 = arith.constant 10000 : i32
    %mul3A_4 = arith.muli %add3A, %mul3A_3 : i32
    %add3A_5 = arith.constant 0 : i32
    %add3A_6 = arith.addi %mul3A_4, %add3A_5 : i32
    "tpu.region"() ({
      %run_scoped3A = tpu.sem_alloc : memref<!tpu.dma_semaphore, #tpu.memory_space<semaphore_mem>>
      %dma_start3A_29 = tpu.memref_slice %arg2[%add3A_6] : memref<320000xi32, #tpu.memory_space<hbm>> -> memref<80xi32, #tpu.memory_space<hbm>>
      %dma_start3A_30 = tpu.memref_slice %arg2[%add3A_6] : memref<320000xi32, #tpu.memory_space<hbm>> -> memref<80xi32, #tpu.memory_space<hbm>>
      tpu.enqueue_dma source(%dma_start3A_30 : memref<80xi32, #tpu.memory_space<hbm>>) target(%arg6 : memref<80xi32, #tpu.memory_space<vmem>>) target_semaphore(%run_scoped3A : memref<!tpu.dma_semaphore, #tpu.memory_space<semaphore_mem>>)
      %dma_wait3A_31 = tpu.memref_slice %arg2[%add3A_6] : memref<320000xi32, #tpu.memory_space<hbm>> -> memref<80xi32, #tpu.memory_space<hbm>>
      %dma_wait3A_32 = tpu.memref_slice %arg2[%add3A_6] : memref<320000xi32, #tpu.memory_space<hbm>> -> memref<80xi32, #tpu.memory_space<hbm>>
      tpu.wait_dma2 semaphore(%run_scoped3A : memref<!tpu.dma_semaphore, #tpu.memory_space<semaphore_mem>>) src(%dma_wait3A_32 : memref<80xi32, #tpu.memory_space<hbm>>) dst(%arg6 : memref<80xi32, #tpu.memory_space<vmem>>)
      tpu.yield
    }) : () -> ()
    %add3A_7 = arith.constant 80 : i32
    %add3A_8 = arith.addi %mul3A_4, %add3A_7 : i32
    "tpu.region"() ({
      %run_scoped3A = tpu.sem_alloc : memref<!tpu.dma_semaphore, #tpu.memory_space<semaphore_mem>>
      %dma_start3A_29 = tpu.memref_slice %arg2[%add3A_8] : memref<320000xi32, #tpu.memory_space<hbm>> -> memref<80xi32, #tpu.memory_space<hbm>>
      %dma_start3A_30 = tpu.memref_slice %arg2[%add3A_8] : memref<320000xi32, #tpu.memory_space<hbm>> -> memref<80xi32, #tpu.memory_space<hbm>>
      tpu.enqueue_dma source(%dma_start3A_30 : memref<80xi32, #tpu.memory_space<hbm>>) target(%arg7 : memref<80xi32, #tpu.memory_space<vmem>>) target_semaphore(%run_scoped3A : memref<!tpu.dma_semaphore, #tpu.memory_space<semaphore_mem>>)
      %dma_wait3A_31 = tpu.memref_slice %arg2[%add3A_8] : memref<320000xi32, #tpu.memory_space<hbm>> -> memref<80xi32, #tpu.memory_space<hbm>>
      %dma_wait3A_32 = tpu.memref_slice %arg2[%add3A_8] : memref<320000xi32, #tpu.memory_space<hbm>> -> memref<80xi32, #tpu.memory_space<hbm>>
      tpu.wait_dma2 semaphore(%run_scoped3A : memref<!tpu.dma_semaphore, #tpu.memory_space<semaphore_mem>>) src(%dma_wait3A_32 : memref<80xi32, #tpu.memory_space<hbm>>) dst(%arg7 : memref<80xi32, #tpu.memory_space<vmem>>)
      tpu.yield
    }) : () -> ()
    %add3A_9 = arith.constant 160 : i32
    %add3A_10 = arith.addi %mul3A_4, %add3A_9 : i32
    "tpu.region"() ({
      %run_scoped3A = tpu.sem_alloc : memref<!tpu.dma_semaphore, #tpu.memory_space<semaphore_mem>>
      %dma_start3A_29 = tpu.memref_slice %arg2[%add3A_10] : memref<320000xi32, #tpu.memory_space<hbm>> -> memref<80xi32, #tpu.memory_space<hbm>>
      %dma_start3A_30 = tpu.memref_slice %arg2[%add3A_10] : memref<320000xi32, #tpu.memory_space<hbm>> -> memref<80xi32, #tpu.memory_space<hbm>>
      tpu.enqueue_dma source(%dma_start3A_30 : memref<80xi32, #tpu.memory_space<hbm>>) target(%arg8 : memref<80xi32, #tpu.memory_space<vmem>>) target_semaphore(%run_scoped3A : memref<!tpu.dma_semaphore, #tpu.memory_space<semaphore_mem>>)
      %dma_wait3A_31 = tpu.memref_slice %arg2[%add3A_10] : memref<320000xi32, #tpu.memory_space<hbm>> -> memref<80xi32, #tpu.memory_space<hbm>>
      %dma_wait3A_32 = tpu.memref_slice %arg2[%add3A_10] : memref<320000xi32, #tpu.memory_space<hbm>> -> memref<80xi32, #tpu.memory_space<hbm>>
      tpu.wait_dma2 semaphore(%run_scoped3A : memref<!tpu.dma_semaphore, #tpu.memory_space<semaphore_mem>>) src(%dma_wait3A_32 : memref<80xi32, #tpu.memory_space<hbm>>) dst(%arg8 : memref<80xi32, #tpu.memory_space<vmem>>)
      tpu.yield
    }) : () -> ()
    %barrier3A = arith.constant 0 : index
    tpu.barrier barrier_id(%barrier3A)
    %dma_start3A = arith.constant 0 : i32
    %dma_start3A_11 = arith.constant 0 : i32
    %dma_start3A_12 = tpu.memref_slice %arg13[%dma_start3A, %dma_start3A_11] : memref<10240x128xf32, #tpu.memory_space<vmem_shared>> -> memref<10240x128xf32, #tpu.memory_space<vmem_shared>>
    tpu.enqueue_indirect_dma source(%arg9 : memref<80x128xf32, #tpu.memory_space<vmem>>) target(%dma_start3A_12 : memref<10240x128xf32, #tpu.memory_space<vmem_shared>>) offsets(%arg6 : memref<80xi32, #tpu.memory_space<vmem>>) semaphore(%arg10 : memref<!tpu.dma_semaphore, #tpu.memory_space<semaphore_mem>>) {add = true}
    %dma_start3A_13 = arith.constant 0 : i32
    %dma_start3A_14 = arith.constant 0 : i32
    %dma_start3A_15 = tpu.memref_slice %arg13[%dma_start3A_13, %dma_start3A_14] : memref<10240x128xf32, #tpu.memory_space<vmem_shared>> -> memref<10240x128xf32, #tpu.memory_space<vmem_shared>>
    tpu.enqueue_indirect_dma source(%arg9 : memref<80x128xf32, #tpu.memory_space<vmem>>) target(%dma_start3A_15 : memref<10240x128xf32, #tpu.memory_space<vmem_shared>>) offsets(%arg7 : memref<80xi32, #tpu.memory_space<vmem>>) semaphore(%arg11 : memref<!tpu.dma_semaphore, #tpu.memory_space<semaphore_mem>>) {add = true}
    %dma_start3A_16 = arith.constant 0 : i32
    %dma_start3A_17 = arith.constant 0 : i32
    %dma_start3A_18 = tpu.memref_slice %arg13[%dma_start3A_16, %dma_start3A_17] : memref<10240x128xf32, #tpu.memory_space<vmem_shared>> -> memref<10240x128xf32, #tpu.memory_space<vmem_shared>>
    tpu.enqueue_indirect_dma source(%arg9 : memref<80x128xf32, #tpu.memory_space<vmem>>) target(%dma_start3A_18 : memref<10240x128xf32, #tpu.memory_space<vmem_shared>>) offsets(%arg8 : memref<80xi32, #tpu.memory_space<vmem>>) semaphore(%arg12 : memref<!tpu.dma_semaphore, #tpu.memory_space<semaphore_mem>>) {add = true}
    %scan3A = arith.constant 0 : i32
    %scan3A_19 = arith.constant 41 : i32
    %scan3A_20 = arith.addi %scan3A, %scan3A_19 : i32
    %scan3A_21 = arith.constant 1 : i32
    scf.for %scan3A_29 = %scan3A to %scan3A_20 step %scan3A_21  : i32 {
      %mul3A_30 = arith.constant 1 : i32
      %mul3A_31 = arith.muli %scan3A_29, %mul3A_30 : i32
      %add3A_32 = arith.constant 0 : i32
      %add3A_33 = arith.addi %add3A_32, %mul3A_31 : i32
      %mul3A_34 = arith.constant 3 : i32
      %mul3A_35 = arith.muli %add3A_33, %mul3A_34 : i32
      %add3A_36 = arith.constant 3 : i32
      %add3A_37 = arith.addi %mul3A_35, %add3A_36 : i32
      %add3A_38 = arith.constant 0 : i32
      %add3A_39 = arith.addi %add3A_37, %add3A_38 : i32
      %dma_wait3A_40 = arith.constant 0 : i32
      %dma_wait3A_41 = arith.constant 0 : i32
      %dma_wait3A_42 = tpu.memref_slice %arg13[%dma_wait3A_40, %dma_wait3A_41] : memref<10240x128xf32, #tpu.memory_space<vmem_shared>> -> memref<10240x128xf32, #tpu.memory_space<vmem_shared>>
      tpu.wait_indirect_dma semaphore(%arg10 : memref<!tpu.dma_semaphore, #tpu.memory_space<semaphore_mem>>) src(%arg9 : memref<80x128xf32, #tpu.memory_space<vmem>>) dst(%dma_wait3A_42 : memref<10240x128xf32, #tpu.memory_space<vmem_shared>>)
      %lt3A = arith.constant 125 : i32
      %lt3A_43 = arith.cmpi slt, %add3A_39, %lt3A : i32
      %convert_element_type3A = arith.extui %lt3A_43 : i1 to i32
      %cond3A = arith.constant 0 : i32
      %cond3A_44 = arith.cmpi ne, %convert_element_type3A, %cond3A : i32
      scf.if %cond3A_44 {
        %mul3A_69 = arith.constant 80 : i32
        %mul3A_70 = arith.muli %add3A_39, %mul3A_69 : i32
        %add3A_71 = arith.addi %mul3A_4, %mul3A_70 : i32
        "tpu.region"() ({
          %run_scoped3A = tpu.sem_alloc : memref<!tpu.dma_semaphore, #tpu.memory_space<semaphore_mem>>
          %dma_start3A_75 = tpu.memref_slice %arg2[%add3A_71] : memref<320000xi32, #tpu.memory_space<hbm>> -> memref<80xi32, #tpu.memory_space<hbm>>
          %dma_start3A_76 = tpu.memref_slice %arg2[%add3A_71] : memref<320000xi32, #tpu.memory_space<hbm>> -> memref<80xi32, #tpu.memory_space<hbm>>
          tpu.enqueue_dma source(%dma_start3A_76 : memref<80xi32, #tpu.memory_space<hbm>>) target(%arg6 : memref<80xi32, #tpu.memory_space<vmem>>) target_semaphore(%run_scoped3A : memref<!tpu.dma_semaphore, #tpu.memory_space<semaphore_mem>>)
          %dma_wait3A_77 = tpu.memref_slice %arg2[%add3A_71] : memref<320000xi32, #tpu.memory_space<hbm>> -> memref<80xi32, #tpu.memory_space<hbm>>
          %dma_wait3A_78 = tpu.memref_slice %arg2[%add3A_71] : memref<320000xi32, #tpu.memory_space<hbm>> -> memref<80xi32, #tpu.memory_space<hbm>>
          tpu.wait_dma2 semaphore(%run_scoped3A : memref<!tpu.dma_semaphore, #tpu.memory_space<semaphore_mem>>) src(%dma_wait3A_78 : memref<80xi32, #tpu.memory_space<hbm>>) dst(%arg6 : memref<80xi32, #tpu.memory_space<vmem>>)
          tpu.yield
        }) : () -> ()
        %dma_start3A_72 = arith.constant 0 : i32
        %dma_start3A_73 = arith.constant 0 : i32
        %dma_start3A_74 = tpu.memref_slice %arg13[%dma_start3A_72, %dma_start3A_73] : memref<10240x128xf32, #tpu.memory_space<vmem_shared>> -> memref<10240x128xf32, #tpu.memory_space<vmem_shared>>
        tpu.enqueue_indirect_dma source(%arg9 : memref<80x128xf32, #tpu.memory_space<vmem>>) target(%dma_start3A_74 : memref<10240x128xf32, #tpu.memory_space<vmem_shared>>) offsets(%arg6 : memref<80xi32, #tpu.memory_space<vmem>>) semaphore(%arg10 : memref<!tpu.dma_semaphore, #tpu.memory_space<semaphore_mem>>) {add = true}
      } else {
      }
      %add3A_45 = arith.constant 3 : i32
      %add3A_46 = arith.addi %mul3A_35, %add3A_45 : i32
      %add3A_47 = arith.constant 1 : i32
      %add3A_48 = arith.addi %add3A_46, %add3A_47 : i32
      %dma_wait3A_49 = arith.constant 0 : i32
      %dma_wait3A_50 = arith.constant 0 : i32
      %dma_wait3A_51 = tpu.memref_slice %arg13[%dma_wait3A_49, %dma_wait3A_50] : memref<10240x128xf32, #tpu.memory_space<vmem_shared>> -> memref<10240x128xf32, #tpu.memory_space<vmem_shared>>
      tpu.wait_indirect_dma semaphore(%arg11 : memref<!tpu.dma_semaphore, #tpu.memory_space<semaphore_mem>>) src(%arg9 : memref<80x128xf32, #tpu.memory_space<vmem>>) dst(%dma_wait3A_51 : memref<10240x128xf32, #tpu.memory_space<vmem_shared>>)
      %lt3A_52 = arith.constant 125 : i32
      %lt3A_53 = arith.cmpi slt, %add3A_48, %lt3A_52 : i32
      %convert_element_type3A_54 = arith.extui %lt3A_53 : i1 to i32
      %cond3A_55 = arith.constant 0 : i32
      %cond3A_56 = arith.cmpi ne, %convert_element_type3A_54, %cond3A_55 : i32
      scf.if %cond3A_56 {
        %mul3A_69 = arith.constant 80 : i32
        %mul3A_70 = arith.muli %add3A_48, %mul3A_69 : i32
        %add3A_71 = arith.addi %mul3A_4, %mul3A_70 : i32
        "tpu.region"() ({
          %run_scoped3A = tpu.sem_alloc : memref<!tpu.dma_semaphore, #tpu.memory_space<semaphore_mem>>
          %dma_start3A_75 = tpu.memref_slice %arg2[%add3A_71] : memref<320000xi32, #tpu.memory_space<hbm>> -> memref<80xi32, #tpu.memory_space<hbm>>
          %dma_start3A_76 = tpu.memref_slice %arg2[%add3A_71] : memref<320000xi32, #tpu.memory_space<hbm>> -> memref<80xi32, #tpu.memory_space<hbm>>
          tpu.enqueue_dma source(%dma_start3A_76 : memref<80xi32, #tpu.memory_space<hbm>>) target(%arg7 : memref<80xi32, #tpu.memory_space<vmem>>) target_semaphore(%run_scoped3A : memref<!tpu.dma_semaphore, #tpu.memory_space<semaphore_mem>>)
          %dma_wait3A_77 = tpu.memref_slice %arg2[%add3A_71] : memref<320000xi32, #tpu.memory_space<hbm>> -> memref<80xi32, #tpu.memory_space<hbm>>
          %dma_wait3A_78 = tpu.memref_slice %arg2[%add3A_71] : memref<320000xi32, #tpu.memory_space<hbm>> -> memref<80xi32, #tpu.memory_space<hbm>>
          tpu.wait_dma2 semaphore(%run_scoped3A : memref<!tpu.dma_semaphore, #tpu.memory_space<semaphore_mem>>) src(%dma_wait3A_78 : memref<80xi32, #tpu.memory_space<hbm>>) dst(%arg7 : memref<80xi32, #tpu.memory_space<vmem>>)
          tpu.yield
        }) : () -> ()
        %dma_start3A_72 = arith.constant 0 : i32
        %dma_start3A_73 = arith.constant 0 : i32
        %dma_start3A_74 = tpu.memref_slice %arg13[%dma_start3A_72, %dma_start3A_73] : memref<10240x128xf32, #tpu.memory_space<vmem_shared>> -> memref<10240x128xf32, #tpu.memory_space<vmem_shared>>
        tpu.enqueue_indirect_dma source(%arg9 : memref<80x128xf32, #tpu.memory_space<vmem>>) target(%dma_start3A_74 : memref<10240x128xf32, #tpu.memory_space<vmem_shared>>) offsets(%arg7 : memref<80xi32, #tpu.memory_space<vmem>>) semaphore(%arg11 : memref<!tpu.dma_semaphore, #tpu.memory_space<semaphore_mem>>) {add = true}
      } else {
      }
      %add3A_57 = arith.constant 3 : i32
      %add3A_58 = arith.addi %mul3A_35, %add3A_57 : i32
      %add3A_59 = arith.constant 2 : i32
      %add3A_60 = arith.addi %add3A_58, %add3A_59 : i32
      %dma_wait3A_61 = arith.constant 0 : i32
      %dma_wait3A_62 = arith.constant 0 : i32
      %dma_wait3A_63 = tpu.memref_slice %arg13[%dma_wait3A_61, %dma_wait3A_62] : memref<10240x128xf32, #tpu.memory_space<vmem_shared>> -> memref<10240x128xf32, #tpu.memory_space<vmem_shared>>
      tpu.wait_indirect_dma semaphore(%arg12 : memref<!tpu.dma_semaphore, #tpu.memory_space<semaphore_mem>>) src(%arg9 : memref<80x128xf32, #tpu.memory_space<vmem>>) dst(%dma_wait3A_63 : memref<10240x128xf32, #tpu.memory_space<vmem_shared>>)
      %lt3A_64 = arith.constant 125 : i32
      %lt3A_65 = arith.cmpi slt, %add3A_60, %lt3A_64 : i32
      %convert_element_type3A_66 = arith.extui %lt3A_65 : i1 to i32
      %cond3A_67 = arith.constant 0 : i32
      %cond3A_68 = arith.cmpi ne, %convert_element_type3A_66, %cond3A_67 : i32
      scf.if %cond3A_68 {
        %mul3A_69 = arith.constant 80 : i32
        %mul3A_70 = arith.muli %add3A_60, %mul3A_69 : i32
        %add3A_71 = arith.addi %mul3A_4, %mul3A_70 : i32
        "tpu.region"() ({
          %run_scoped3A = tpu.sem_alloc : memref<!tpu.dma_semaphore, #tpu.memory_space<semaphore_mem>>
          %dma_start3A_75 = tpu.memref_slice %arg2[%add3A_71] : memref<320000xi32, #tpu.memory_space<hbm>> -> memref<80xi32, #tpu.memory_space<hbm>>
          %dma_start3A_76 = tpu.memref_slice %arg2[%add3A_71] : memref<320000xi32, #tpu.memory_space<hbm>> -> memref<80xi32, #tpu.memory_space<hbm>>
          tpu.enqueue_dma source(%dma_start3A_76 : memref<80xi32, #tpu.memory_space<hbm>>) target(%arg8 : memref<80xi32, #tpu.memory_space<vmem>>) target_semaphore(%run_scoped3A : memref<!tpu.dma_semaphore, #tpu.memory_space<semaphore_mem>>)
          %dma_wait3A_77 = tpu.memref_slice %arg2[%add3A_71] : memref<320000xi32, #tpu.memory_space<hbm>> -> memref<80xi32, #tpu.memory_space<hbm>>
          %dma_wait3A_78 = tpu.memref_slice %arg2[%add3A_71] : memref<320000xi32, #tpu.memory_space<hbm>> -> memref<80xi32, #tpu.memory_space<hbm>>
          tpu.wait_dma2 semaphore(%run_scoped3A : memref<!tpu.dma_semaphore, #tpu.memory_space<semaphore_mem>>) src(%dma_wait3A_78 : memref<80xi32, #tpu.memory_space<hbm>>) dst(%arg8 : memref<80xi32, #tpu.memory_space<vmem>>)
          tpu.yield
        }) : () -> ()
        %dma_start3A_72 = arith.constant 0 : i32
        %dma_start3A_73 = arith.constant 0 : i32
        %dma_start3A_74 = tpu.memref_slice %arg13[%dma_start3A_72, %dma_start3A_73] : memref<10240x128xf32, #tpu.memory_space<vmem_shared>> -> memref<10240x128xf32, #tpu.memory_space<vmem_shared>>
        tpu.enqueue_indirect_dma source(%arg9 : memref<80x128xf32, #tpu.memory_space<vmem>>) target(%dma_start3A_74 : memref<10240x128xf32, #tpu.memory_space<vmem_shared>>) offsets(%arg8 : memref<80xi32, #tpu.memory_space<vmem>>) semaphore(%arg12 : memref<!tpu.dma_semaphore, #tpu.memory_space<semaphore_mem>>) {add = true}
      } else {
      }
    }
    %scan3A_22 = arith.constant 41 : i32
    %dma_wait3A = arith.constant 0 : i32
    %dma_wait3A_23 = arith.constant 0 : i32
    %dma_wait3A_24 = tpu.memref_slice %arg13[%dma_wait3A, %dma_wait3A_23] : memref<10240x128xf32, #tpu.memory_space<vmem_shared>> -> memref<10240x128xf32, #tpu.memory_space<vmem_shared>>
    tpu.wait_indirect_dma semaphore(%arg10 : memref<!tpu.dma_semaphore, #tpu.memory_space<semaphore_mem>>) src(%arg9 : memref<80x128xf32, #tpu.memory_space<vmem>>) dst(%dma_wait3A_24 : memref<10240x128xf32, #tpu.memory_space<vmem_shared>>)
    %dma_wait3A_25 = arith.constant 0 : i32
    %dma_wait3A_26 = arith.constant 0 : i32
    %dma_wait3A_27 = tpu.memref_slice %arg13[%dma_wait3A_25, %dma_wait3A_26] : memref<10240x128xf32, #tpu.memory_space<vmem_shared>> -> memref<10240x128xf32, #tpu.memory_space<vmem_shared>>
    tpu.wait_indirect_dma semaphore(%arg11 : memref<!tpu.dma_semaphore, #tpu.memory_space<semaphore_mem>>) src(%arg9 : memref<80x128xf32, #tpu.memory_space<vmem>>) dst(%dma_wait3A_27 : memref<10240x128xf32, #tpu.memory_space<vmem_shared>>)
    %barrier3A_28 = arith.constant 0 : index
    tpu.barrier barrier_id(%barrier3A_28)
    "tpu.region"() ({
      %run_scoped3A = tpu.sem_alloc : memref<!tpu.dma_semaphore, #tpu.memory_space<semaphore_mem>>
      %dma_start3A_29 = arith.constant 0 : i32
      %dma_start3A_30 = tpu.memref_slice %arg5[%arg0, %mul3A_2, %dma_start3A_29] : memref<2x10240x128xf32, #tpu.memory_space<hbm>> -> memref<1x640x128xf32, #tpu.memory_space<hbm>>
      %dma_start3A_31 = tpu.memref_squeeze %dma_start3A_30 : memref<1x640x128xf32, #tpu.memory_space<hbm>> -> memref<640x128xf32, #tpu.memory_space<hbm>>
      %dma_start3A_32 = arith.constant 0 : i32
      %dma_start3A_33 = tpu.memref_slice %arg13[%mul3A_2, %dma_start3A_32] : memref<10240x128xf32, #tpu.memory_space<vmem_shared>> -> memref<640x128xf32, #tpu.memory_space<vmem_shared>>
      tpu.enqueue_dma source(%dma_start3A_33 : memref<640x128xf32, #tpu.memory_space<vmem_shared>>) target(%dma_start3A_31 : memref<640x128xf32, #tpu.memory_space<hbm>>) target_semaphore(%run_scoped3A : memref<!tpu.dma_semaphore, #tpu.memory_space<semaphore_mem>>)
      %dma_wait3A_34 = arith.constant 0 : i32
      %dma_wait3A_35 = tpu.memref_slice %arg5[%arg0, %mul3A_2, %dma_wait3A_34] : memref<2x10240x128xf32, #tpu.memory_space<hbm>> -> memref<1x640x128xf32, #tpu.memory_space<hbm>>
      %dma_wait3A_36 = tpu.memref_squeeze %dma_wait3A_35 : memref<1x640x128xf32, #tpu.memory_space<hbm>> -> memref<640x128xf32, #tpu.memory_space<hbm>>
      %dma_wait3A_37 = arith.constant 0 : i32
      %dma_wait3A_38 = tpu.memref_slice %arg13[%mul3A_2, %dma_wait3A_37] : memref<10240x128xf32, #tpu.memory_space<vmem_shared>> -> memref<640x128xf32, #tpu.memory_space<vmem_shared>>
      tpu.wait_dma2 semaphore(%run_scoped3A : memref<!tpu.dma_semaphore, #tpu.memory_space<semaphore_mem>>) src(%dma_wait3A_38 : memref<640x128xf32, #tpu.memory_space<vmem_shared>>) dst(%dma_wait3A_36 : memref<640x128xf32, #tpu.memory_space<hbm>>)
      tpu.yield
    }) : () -> ()
    return
  }
}

#map = affine_map<(d0, d1) -> (0, 0)>
#map1 = affine_map<(d0, d1) -> (0)>
#map2 = affine_map<(d0, d1) -> (0, 0, 0)>
module attributes {stable_mosaic.version = 14 : i64} {
  func.func @agg(%arg0: i32, %arg1: i32, %arg2: memref<10000x128xf32, #tpu.memory_space<hbm>>, %arg3: memref<320000xi32, #tpu.memory_space<hbm>>, %arg4: memref<320000xi32, #tpu.memory_space<hbm>>, %arg5: memref<10240x128xf32, #tpu.memory_space<hbm>>, %arg6: memref<2x10240x128xf32, #tpu.memory_space<hbm>>, %arg7: memref<80xi32, #tpu.memory_space<vmem>>, %arg8: memref<80xi32, #tpu.memory_space<vmem>>, %arg9: memref<80xi32, #tpu.memory_space<vmem>>, %arg10: memref<80xi32, #tpu.memory_space<vmem>>, %arg11: memref<80xi32, #tpu.memory_space<vmem>>, %arg12: memref<80xi32, #tpu.memory_space<vmem>>, %arg13: memref<80x128xf32, #tpu.memory_space<vmem>>, %arg14: memref<80x128xf32, #tpu.memory_space<vmem>>, %arg15: memref<80x128xf32, #tpu.memory_space<vmem>>, %arg16: memref<!tpu.dma_semaphore, #tpu.memory_space<semaphore_mem>>, %arg17: memref<!tpu.dma_semaphore, #tpu.memory_space<semaphore_mem>>, %arg18: memref<!tpu.dma_semaphore, #tpu.memory_space<semaphore_mem>>, %arg19: memref<!tpu.dma_semaphore, #tpu.memory_space<semaphore_mem>>, %arg20: memref<!tpu.dma_semaphore, #tpu.memory_space<semaphore_mem>>, %arg21: memref<!tpu.dma_semaphore, #tpu.memory_space<semaphore_mem>>, %arg22: memref<10240x128xf32, #tpu.memory_space<vmem_shared>>) attributes {dimension_semantics = [#tpu.dimension_semantics<core_parallel>, #tpu.dimension_semantics<subcore_parallel>], iteration_bounds = array<i64: 2, 16>, scalar_prefetch = 0 : i64, scratch_operands = 16 : i64, tpu.core_type = #tpu.core_type<sc_vector_subcore>, window_params = [{transform_indices = #map}, {transform_indices = #map1}, {transform_indices = #map1}, {transform_indices = #map}, {transform_indices = #map2}]} {
    %mul3A = arith.constant 16 : i32
    %mul3A_0 = arith.muli %arg0, %mul3A : i32
    %add3A = arith.addi %mul3A_0, %arg1 : i32
    %mul3A_1 = arith.constant 640 : i32
    %mul3A_2 = arith.muli %arg1, %mul3A_1 : i32
    "tpu.region"() ({
      %run_scoped3A = tpu.sem_alloc : memref<!tpu.dma_semaphore, #tpu.memory_space<semaphore_mem>>
      %dma_start3A_47 = arith.constant 0 : i32
      %dma_start3A_48 = tpu.memref_slice %arg22[%mul3A_2, %dma_start3A_47] : memref<10240x128xf32, #tpu.memory_space<vmem_shared>> -> memref<640x128xf32, #tpu.memory_space<vmem_shared>>
      %dma_start3A_49 = arith.constant 0 : i32
      %dma_start3A_50 = tpu.memref_slice %arg5[%mul3A_2, %dma_start3A_49] : memref<10240x128xf32, #tpu.memory_space<hbm>> -> memref<640x128xf32, #tpu.memory_space<hbm>>
      tpu.enqueue_dma source(%dma_start3A_50 : memref<640x128xf32, #tpu.memory_space<hbm>>) target(%dma_start3A_48 : memref<640x128xf32, #tpu.memory_space<vmem_shared>>) target_semaphore(%run_scoped3A : memref<!tpu.dma_semaphore, #tpu.memory_space<semaphore_mem>>)
      %dma_wait3A_51 = arith.constant 0 : i32
      %dma_wait3A_52 = tpu.memref_slice %arg22[%mul3A_2, %dma_wait3A_51] : memref<10240x128xf32, #tpu.memory_space<vmem_shared>> -> memref<640x128xf32, #tpu.memory_space<vmem_shared>>
      %dma_wait3A_53 = arith.constant 0 : i32
      %dma_wait3A_54 = tpu.memref_slice %arg5[%mul3A_2, %dma_wait3A_53] : memref<10240x128xf32, #tpu.memory_space<hbm>> -> memref<640x128xf32, #tpu.memory_space<hbm>>
      tpu.wait_dma2 semaphore(%run_scoped3A : memref<!tpu.dma_semaphore, #tpu.memory_space<semaphore_mem>>) src(%dma_wait3A_54 : memref<640x128xf32, #tpu.memory_space<hbm>>) dst(%dma_wait3A_52 : memref<640x128xf32, #tpu.memory_space<vmem_shared>>)
      tpu.yield
    }) : () -> ()
    %mul3A_3 = arith.constant 10000 : i32
    %mul3A_4 = arith.muli %add3A, %mul3A_3 : i32
    %add3A_5 = arith.constant 0 : i32
    %add3A_6 = arith.addi %mul3A_4, %add3A_5 : i32
    "tpu.region"() ({
      %run_scoped3A = tpu.sem_alloc : memref<!tpu.dma_semaphore, #tpu.memory_space<semaphore_mem>>
      %dma_start3A_47 = tpu.memref_slice %arg3[%add3A_6] : memref<320000xi32, #tpu.memory_space<hbm>> -> memref<80xi32, #tpu.memory_space<hbm>>
      %dma_start3A_48 = tpu.memref_slice %arg3[%add3A_6] : memref<320000xi32, #tpu.memory_space<hbm>> -> memref<80xi32, #tpu.memory_space<hbm>>
      tpu.enqueue_dma source(%dma_start3A_48 : memref<80xi32, #tpu.memory_space<hbm>>) target(%arg7 : memref<80xi32, #tpu.memory_space<vmem>>) target_semaphore(%run_scoped3A : memref<!tpu.dma_semaphore, #tpu.memory_space<semaphore_mem>>)
      %dma_wait3A_49 = tpu.memref_slice %arg3[%add3A_6] : memref<320000xi32, #tpu.memory_space<hbm>> -> memref<80xi32, #tpu.memory_space<hbm>>
      %dma_wait3A_50 = tpu.memref_slice %arg3[%add3A_6] : memref<320000xi32, #tpu.memory_space<hbm>> -> memref<80xi32, #tpu.memory_space<hbm>>
      tpu.wait_dma2 semaphore(%run_scoped3A : memref<!tpu.dma_semaphore, #tpu.memory_space<semaphore_mem>>) src(%dma_wait3A_50 : memref<80xi32, #tpu.memory_space<hbm>>) dst(%arg7 : memref<80xi32, #tpu.memory_space<vmem>>)
      tpu.yield
    }) : () -> ()
    %add3A_7 = arith.constant 0 : i32
    %add3A_8 = arith.addi %mul3A_4, %add3A_7 : i32
    "tpu.region"() ({
      %run_scoped3A = tpu.sem_alloc : memref<!tpu.dma_semaphore, #tpu.memory_space<semaphore_mem>>
      %dma_start3A_47 = tpu.memref_slice %arg4[%add3A_8] : memref<320000xi32, #tpu.memory_space<hbm>> -> memref<80xi32, #tpu.memory_space<hbm>>
      %dma_start3A_48 = tpu.memref_slice %arg4[%add3A_8] : memref<320000xi32, #tpu.memory_space<hbm>> -> memref<80xi32, #tpu.memory_space<hbm>>
      tpu.enqueue_dma source(%dma_start3A_48 : memref<80xi32, #tpu.memory_space<hbm>>) target(%arg10 : memref<80xi32, #tpu.memory_space<vmem>>) target_semaphore(%run_scoped3A : memref<!tpu.dma_semaphore, #tpu.memory_space<semaphore_mem>>)
      %dma_wait3A_49 = tpu.memref_slice %arg4[%add3A_8] : memref<320000xi32, #tpu.memory_space<hbm>> -> memref<80xi32, #tpu.memory_space<hbm>>
      %dma_wait3A_50 = tpu.memref_slice %arg4[%add3A_8] : memref<320000xi32, #tpu.memory_space<hbm>> -> memref<80xi32, #tpu.memory_space<hbm>>
      tpu.wait_dma2 semaphore(%run_scoped3A : memref<!tpu.dma_semaphore, #tpu.memory_space<semaphore_mem>>) src(%dma_wait3A_50 : memref<80xi32, #tpu.memory_space<hbm>>) dst(%arg10 : memref<80xi32, #tpu.memory_space<vmem>>)
      tpu.yield
    }) : () -> ()
    %dma_start3A = arith.constant 0 : i32
    %dma_start3A_9 = arith.constant 0 : i32
    %dma_start3A_10 = tpu.memref_slice %arg2[%dma_start3A, %dma_start3A_9] : memref<10000x128xf32, #tpu.memory_space<hbm>> -> memref<10000x128xf32, #tpu.memory_space<hbm>>
    tpu.enqueue_indirect_dma source(%dma_start3A_10 : memref<10000x128xf32, #tpu.memory_space<hbm>>) target(%arg13 : memref<80x128xf32, #tpu.memory_space<vmem>>) offsets(%arg7 : memref<80xi32, #tpu.memory_space<vmem>>) semaphore(%arg16 : memref<!tpu.dma_semaphore, #tpu.memory_space<semaphore_mem>>)
    %add3A_11 = arith.constant 80 : i32
    %add3A_12 = arith.addi %mul3A_4, %add3A_11 : i32
    "tpu.region"() ({
      %run_scoped3A = tpu.sem_alloc : memref<!tpu.dma_semaphore, #tpu.memory_space<semaphore_mem>>
      %dma_start3A_47 = tpu.memref_slice %arg3[%add3A_12] : memref<320000xi32, #tpu.memory_space<hbm>> -> memref<80xi32, #tpu.memory_space<hbm>>
      %dma_start3A_48 = tpu.memref_slice %arg3[%add3A_12] : memref<320000xi32, #tpu.memory_space<hbm>> -> memref<80xi32, #tpu.memory_space<hbm>>
      tpu.enqueue_dma source(%dma_start3A_48 : memref<80xi32, #tpu.memory_space<hbm>>) target(%arg8 : memref<80xi32, #tpu.memory_space<vmem>>) target_semaphore(%run_scoped3A : memref<!tpu.dma_semaphore, #tpu.memory_space<semaphore_mem>>)
      %dma_wait3A_49 = tpu.memref_slice %arg3[%add3A_12] : memref<320000xi32, #tpu.memory_space<hbm>> -> memref<80xi32, #tpu.memory_space<hbm>>
      %dma_wait3A_50 = tpu.memref_slice %arg3[%add3A_12] : memref<320000xi32, #tpu.memory_space<hbm>> -> memref<80xi32, #tpu.memory_space<hbm>>
      tpu.wait_dma2 semaphore(%run_scoped3A : memref<!tpu.dma_semaphore, #tpu.memory_space<semaphore_mem>>) src(%dma_wait3A_50 : memref<80xi32, #tpu.memory_space<hbm>>) dst(%arg8 : memref<80xi32, #tpu.memory_space<vmem>>)
      tpu.yield
    }) : () -> ()
    %add3A_13 = arith.constant 80 : i32
    %add3A_14 = arith.addi %mul3A_4, %add3A_13 : i32
    "tpu.region"() ({
      %run_scoped3A = tpu.sem_alloc : memref<!tpu.dma_semaphore, #tpu.memory_space<semaphore_mem>>
      %dma_start3A_47 = tpu.memref_slice %arg4[%add3A_14] : memref<320000xi32, #tpu.memory_space<hbm>> -> memref<80xi32, #tpu.memory_space<hbm>>
      %dma_start3A_48 = tpu.memref_slice %arg4[%add3A_14] : memref<320000xi32, #tpu.memory_space<hbm>> -> memref<80xi32, #tpu.memory_space<hbm>>
      tpu.enqueue_dma source(%dma_start3A_48 : memref<80xi32, #tpu.memory_space<hbm>>) target(%arg11 : memref<80xi32, #tpu.memory_space<vmem>>) target_semaphore(%run_scoped3A : memref<!tpu.dma_semaphore, #tpu.memory_space<semaphore_mem>>)
      %dma_wait3A_49 = tpu.memref_slice %arg4[%add3A_14] : memref<320000xi32, #tpu.memory_space<hbm>> -> memref<80xi32, #tpu.memory_space<hbm>>
      %dma_wait3A_50 = tpu.memref_slice %arg4[%add3A_14] : memref<320000xi32, #tpu.memory_space<hbm>> -> memref<80xi32, #tpu.memory_space<hbm>>
      tpu.wait_dma2 semaphore(%run_scoped3A : memref<!tpu.dma_semaphore, #tpu.memory_space<semaphore_mem>>) src(%dma_wait3A_50 : memref<80xi32, #tpu.memory_space<hbm>>) dst(%arg11 : memref<80xi32, #tpu.memory_space<vmem>>)
      tpu.yield
    }) : () -> ()
    %dma_start3A_15 = arith.constant 0 : i32
    %dma_start3A_16 = arith.constant 0 : i32
    %dma_start3A_17 = tpu.memref_slice %arg2[%dma_start3A_15, %dma_start3A_16] : memref<10000x128xf32, #tpu.memory_space<hbm>> -> memref<10000x128xf32, #tpu.memory_space<hbm>>
    tpu.enqueue_indirect_dma source(%dma_start3A_17 : memref<10000x128xf32, #tpu.memory_space<hbm>>) target(%arg14 : memref<80x128xf32, #tpu.memory_space<vmem>>) offsets(%arg8 : memref<80xi32, #tpu.memory_space<vmem>>) semaphore(%arg17 : memref<!tpu.dma_semaphore, #tpu.memory_space<semaphore_mem>>)
    %add3A_18 = arith.constant 160 : i32
    %add3A_19 = arith.addi %mul3A_4, %add3A_18 : i32
    "tpu.region"() ({
      %run_scoped3A = tpu.sem_alloc : memref<!tpu.dma_semaphore, #tpu.memory_space<semaphore_mem>>
      %dma_start3A_47 = tpu.memref_slice %arg3[%add3A_19] : memref<320000xi32, #tpu.memory_space<hbm>> -> memref<80xi32, #tpu.memory_space<hbm>>
      %dma_start3A_48 = tpu.memref_slice %arg3[%add3A_19] : memref<320000xi32, #tpu.memory_space<hbm>> -> memref<80xi32, #tpu.memory_space<hbm>>
      tpu.enqueue_dma source(%dma_start3A_48 : memref<80xi32, #tpu.memory_space<hbm>>) target(%arg9 : memref<80xi32, #tpu.memory_space<vmem>>) target_semaphore(%run_scoped3A : memref<!tpu.dma_semaphore, #tpu.memory_space<semaphore_mem>>)
      %dma_wait3A_49 = tpu.memref_slice %arg3[%add3A_19] : memref<320000xi32, #tpu.memory_space<hbm>> -> memref<80xi32, #tpu.memory_space<hbm>>
      %dma_wait3A_50 = tpu.memref_slice %arg3[%add3A_19] : memref<320000xi32, #tpu.memory_space<hbm>> -> memref<80xi32, #tpu.memory_space<hbm>>
      tpu.wait_dma2 semaphore(%run_scoped3A : memref<!tpu.dma_semaphore, #tpu.memory_space<semaphore_mem>>) src(%dma_wait3A_50 : memref<80xi32, #tpu.memory_space<hbm>>) dst(%arg9 : memref<80xi32, #tpu.memory_space<vmem>>)
      tpu.yield
    }) : () -> ()
    %add3A_20 = arith.constant 160 : i32
    %add3A_21 = arith.addi %mul3A_4, %add3A_20 : i32
    "tpu.region"() ({
      %run_scoped3A = tpu.sem_alloc : memref<!tpu.dma_semaphore, #tpu.memory_space<semaphore_mem>>
      %dma_start3A_47 = tpu.memref_slice %arg4[%add3A_21] : memref<320000xi32, #tpu.memory_space<hbm>> -> memref<80xi32, #tpu.memory_space<hbm>>
      %dma_start3A_48 = tpu.memref_slice %arg4[%add3A_21] : memref<320000xi32, #tpu.memory_space<hbm>> -> memref<80xi32, #tpu.memory_space<hbm>>
      tpu.enqueue_dma source(%dma_start3A_48 : memref<80xi32, #tpu.memory_space<hbm>>) target(%arg12 : memref<80xi32, #tpu.memory_space<vmem>>) target_semaphore(%run_scoped3A : memref<!tpu.dma_semaphore, #tpu.memory_space<semaphore_mem>>)
      %dma_wait3A_49 = tpu.memref_slice %arg4[%add3A_21] : memref<320000xi32, #tpu.memory_space<hbm>> -> memref<80xi32, #tpu.memory_space<hbm>>
      %dma_wait3A_50 = tpu.memref_slice %arg4[%add3A_21] : memref<320000xi32, #tpu.memory_space<hbm>> -> memref<80xi32, #tpu.memory_space<hbm>>
      tpu.wait_dma2 semaphore(%run_scoped3A : memref<!tpu.dma_semaphore, #tpu.memory_space<semaphore_mem>>) src(%dma_wait3A_50 : memref<80xi32, #tpu.memory_space<hbm>>) dst(%arg12 : memref<80xi32, #tpu.memory_space<vmem>>)
      tpu.yield
    }) : () -> ()
    %dma_start3A_22 = arith.constant 0 : i32
    %dma_start3A_23 = arith.constant 0 : i32
    %dma_start3A_24 = tpu.memref_slice %arg2[%dma_start3A_22, %dma_start3A_23] : memref<10000x128xf32, #tpu.memory_space<hbm>> -> memref<10000x128xf32, #tpu.memory_space<hbm>>
    tpu.enqueue_indirect_dma source(%dma_start3A_24 : memref<10000x128xf32, #tpu.memory_space<hbm>>) target(%arg15 : memref<80x128xf32, #tpu.memory_space<vmem>>) offsets(%arg9 : memref<80xi32, #tpu.memory_space<vmem>>) semaphore(%arg18 : memref<!tpu.dma_semaphore, #tpu.memory_space<semaphore_mem>>)
    %barrier3A = arith.constant 0 : index
    tpu.barrier barrier_id(%barrier3A)
    %scan3A = arith.constant 0 : i32
    %scan3A_25 = arith.constant 41 : i32
    %scan3A_26 = arith.addi %scan3A, %scan3A_25 : i32
    %scan3A_27 = arith.constant 1 : i32
    scf.for %scan3A_47 = %scan3A to %scan3A_26 step %scan3A_27  : i32 {
      %mul3A_48 = arith.constant 1 : i32
      %mul3A_49 = arith.muli %scan3A_47, %mul3A_48 : i32
      %add3A_50 = arith.constant 0 : i32
      %add3A_51 = arith.addi %add3A_50, %mul3A_49 : i32
      %mul3A_52 = arith.constant 3 : i32
      %mul3A_53 = arith.muli %add3A_51, %mul3A_52 : i32
      %dma_wait3A_54 = arith.constant 0 : i32
      %dma_wait3A_55 = arith.constant 0 : i32
      %dma_wait3A_56 = tpu.memref_slice %arg2[%dma_wait3A_54, %dma_wait3A_55] : memref<10000x128xf32, #tpu.memory_space<hbm>> -> memref<10000x128xf32, #tpu.memory_space<hbm>>
      tpu.wait_indirect_dma semaphore(%arg16 : memref<!tpu.dma_semaphore, #tpu.memory_space<semaphore_mem>>) src(%dma_wait3A_56 : memref<10000x128xf32, #tpu.memory_space<hbm>>) dst(%arg13 : memref<80x128xf32, #tpu.memory_space<vmem>>)
      %dma_start3A_57 = arith.constant 0 : i32
      %dma_start3A_58 = arith.constant 0 : i32
      %dma_start3A_59 = tpu.memref_slice %arg22[%dma_start3A_57, %dma_start3A_58] : memref<10240x128xf32, #tpu.memory_space<vmem_shared>> -> memref<10240x128xf32, #tpu.memory_space<vmem_shared>>
      tpu.enqueue_indirect_dma source(%arg13 : memref<80x128xf32, #tpu.memory_space<vmem>>) target(%dma_start3A_59 : memref<10240x128xf32, #tpu.memory_space<vmem_shared>>) offsets(%arg10 : memref<80xi32, #tpu.memory_space<vmem>>) semaphore(%arg19 : memref<!tpu.dma_semaphore, #tpu.memory_space<semaphore_mem>>) {add = true}
      %dma_wait3A_60 = arith.constant 0 : i32
      %dma_wait3A_61 = arith.constant 0 : i32
      %dma_wait3A_62 = tpu.memref_slice %arg2[%dma_wait3A_60, %dma_wait3A_61] : memref<10000x128xf32, #tpu.memory_space<hbm>> -> memref<10000x128xf32, #tpu.memory_space<hbm>>
      tpu.wait_indirect_dma semaphore(%arg17 : memref<!tpu.dma_semaphore, #tpu.memory_space<semaphore_mem>>) src(%dma_wait3A_62 : memref<10000x128xf32, #tpu.memory_space<hbm>>) dst(%arg14 : memref<80x128xf32, #tpu.memory_space<vmem>>)
      %dma_start3A_63 = arith.constant 0 : i32
      %dma_start3A_64 = arith.constant 0 : i32
      %dma_start3A_65 = tpu.memref_slice %arg22[%dma_start3A_63, %dma_start3A_64] : memref<10240x128xf32, #tpu.memory_space<vmem_shared>> -> memref<10240x128xf32, #tpu.memory_space<vmem_shared>>
      tpu.enqueue_indirect_dma source(%arg14 : memref<80x128xf32, #tpu.memory_space<vmem>>) target(%dma_start3A_65 : memref<10240x128xf32, #tpu.memory_space<vmem_shared>>) offsets(%arg11 : memref<80xi32, #tpu.memory_space<vmem>>) semaphore(%arg20 : memref<!tpu.dma_semaphore, #tpu.memory_space<semaphore_mem>>) {add = true}
      %dma_wait3A_66 = arith.constant 0 : i32
      %dma_wait3A_67 = arith.constant 0 : i32
      %dma_wait3A_68 = tpu.memref_slice %arg2[%dma_wait3A_66, %dma_wait3A_67] : memref<10000x128xf32, #tpu.memory_space<hbm>> -> memref<10000x128xf32, #tpu.memory_space<hbm>>
      tpu.wait_indirect_dma semaphore(%arg18 : memref<!tpu.dma_semaphore, #tpu.memory_space<semaphore_mem>>) src(%dma_wait3A_68 : memref<10000x128xf32, #tpu.memory_space<hbm>>) dst(%arg15 : memref<80x128xf32, #tpu.memory_space<vmem>>)
      %dma_start3A_69 = arith.constant 0 : i32
      %dma_start3A_70 = arith.constant 0 : i32
      %dma_start3A_71 = tpu.memref_slice %arg22[%dma_start3A_69, %dma_start3A_70] : memref<10240x128xf32, #tpu.memory_space<vmem_shared>> -> memref<10240x128xf32, #tpu.memory_space<vmem_shared>>
      tpu.enqueue_indirect_dma source(%arg15 : memref<80x128xf32, #tpu.memory_space<vmem>>) target(%dma_start3A_71 : memref<10240x128xf32, #tpu.memory_space<vmem_shared>>) offsets(%arg12 : memref<80xi32, #tpu.memory_space<vmem>>) semaphore(%arg21 : memref<!tpu.dma_semaphore, #tpu.memory_space<semaphore_mem>>) {add = true}
      %add3A_72 = arith.constant 3 : i32
      %add3A_73 = arith.addi %mul3A_53, %add3A_72 : i32
      %add3A_74 = arith.constant 0 : i32
      %add3A_75 = arith.addi %add3A_73, %add3A_74 : i32
      %dma_wait3A_76 = arith.constant 0 : i32
      %dma_wait3A_77 = arith.constant 0 : i32
      %dma_wait3A_78 = tpu.memref_slice %arg22[%dma_wait3A_76, %dma_wait3A_77] : memref<10240x128xf32, #tpu.memory_space<vmem_shared>> -> memref<10240x128xf32, #tpu.memory_space<vmem_shared>>
      tpu.wait_indirect_dma semaphore(%arg19 : memref<!tpu.dma_semaphore, #tpu.memory_space<semaphore_mem>>) src(%arg13 : memref<80x128xf32, #tpu.memory_space<vmem>>) dst(%dma_wait3A_78 : memref<10240x128xf32, #tpu.memory_space<vmem_shared>>)
      %lt3A = arith.constant 125 : i32
      %lt3A_79 = arith.cmpi slt, %add3A_75, %lt3A : i32
      %convert_element_type3A = arith.extui %lt3A_79 : i1 to i32
      %cond3A = arith.constant 0 : i32
      %cond3A_80 = arith.cmpi ne, %convert_element_type3A, %cond3A : i32
      scf.if %cond3A_80 {
        %mul3A_105 = arith.constant 80 : i32
        %mul3A_106 = arith.muli %add3A_75, %mul3A_105 : i32
        %add3A_107 = arith.addi %mul3A_4, %mul3A_106 : i32
        "tpu.region"() ({
          %run_scoped3A = tpu.sem_alloc : memref<!tpu.dma_semaphore, #tpu.memory_space<semaphore_mem>>
          %dma_start3A_111 = tpu.memref_slice %arg3[%add3A_107] : memref<320000xi32, #tpu.memory_space<hbm>> -> memref<80xi32, #tpu.memory_space<hbm>>
          %dma_start3A_112 = tpu.memref_slice %arg3[%add3A_107] : memref<320000xi32, #tpu.memory_space<hbm>> -> memref<80xi32, #tpu.memory_space<hbm>>
          tpu.enqueue_dma source(%dma_start3A_112 : memref<80xi32, #tpu.memory_space<hbm>>) target(%arg7 : memref<80xi32, #tpu.memory_space<vmem>>) target_semaphore(%run_scoped3A : memref<!tpu.dma_semaphore, #tpu.memory_space<semaphore_mem>>)
          %dma_wait3A_113 = tpu.memref_slice %arg3[%add3A_107] : memref<320000xi32, #tpu.memory_space<hbm>> -> memref<80xi32, #tpu.memory_space<hbm>>
          %dma_wait3A_114 = tpu.memref_slice %arg3[%add3A_107] : memref<320000xi32, #tpu.memory_space<hbm>> -> memref<80xi32, #tpu.memory_space<hbm>>
          tpu.wait_dma2 semaphore(%run_scoped3A : memref<!tpu.dma_semaphore, #tpu.memory_space<semaphore_mem>>) src(%dma_wait3A_114 : memref<80xi32, #tpu.memory_space<hbm>>) dst(%arg7 : memref<80xi32, #tpu.memory_space<vmem>>)
          tpu.yield
        }) : () -> ()
        "tpu.region"() ({
          %run_scoped3A = tpu.sem_alloc : memref<!tpu.dma_semaphore, #tpu.memory_space<semaphore_mem>>
          %dma_start3A_111 = tpu.memref_slice %arg4[%add3A_107] : memref<320000xi32, #tpu.memory_space<hbm>> -> memref<80xi32, #tpu.memory_space<hbm>>
          %dma_start3A_112 = tpu.memref_slice %arg4[%add3A_107] : memref<320000xi32, #tpu.memory_space<hbm>> -> memref<80xi32, #tpu.memory_space<hbm>>
          tpu.enqueue_dma source(%dma_start3A_112 : memref<80xi32, #tpu.memory_space<hbm>>) target(%arg10 : memref<80xi32, #tpu.memory_space<vmem>>) target_semaphore(%run_scoped3A : memref<!tpu.dma_semaphore, #tpu.memory_space<semaphore_mem>>)
          %dma_wait3A_113 = tpu.memref_slice %arg4[%add3A_107] : memref<320000xi32, #tpu.memory_space<hbm>> -> memref<80xi32, #tpu.memory_space<hbm>>
          %dma_wait3A_114 = tpu.memref_slice %arg4[%add3A_107] : memref<320000xi32, #tpu.memory_space<hbm>> -> memref<80xi32, #tpu.memory_space<hbm>>
          tpu.wait_dma2 semaphore(%run_scoped3A : memref<!tpu.dma_semaphore, #tpu.memory_space<semaphore_mem>>) src(%dma_wait3A_114 : memref<80xi32, #tpu.memory_space<hbm>>) dst(%arg10 : memref<80xi32, #tpu.memory_space<vmem>>)
          tpu.yield
        }) : () -> ()
        %dma_start3A_108 = arith.constant 0 : i32
        %dma_start3A_109 = arith.constant 0 : i32
        %dma_start3A_110 = tpu.memref_slice %arg2[%dma_start3A_108, %dma_start3A_109] : memref<10000x128xf32, #tpu.memory_space<hbm>> -> memref<10000x128xf32, #tpu.memory_space<hbm>>
        tpu.enqueue_indirect_dma source(%dma_start3A_110 : memref<10000x128xf32, #tpu.memory_space<hbm>>) target(%arg13 : memref<80x128xf32, #tpu.memory_space<vmem>>) offsets(%arg7 : memref<80xi32, #tpu.memory_space<vmem>>) semaphore(%arg16 : memref<!tpu.dma_semaphore, #tpu.memory_space<semaphore_mem>>)
      } else {
      }
      %add3A_81 = arith.constant 3 : i32
      %add3A_82 = arith.addi %mul3A_53, %add3A_81 : i32
      %add3A_83 = arith.constant 1 : i32
      %add3A_84 = arith.addi %add3A_82, %add3A_83 : i32
      %dma_wait3A_85 = arith.constant 0 : i32
      %dma_wait3A_86 = arith.constant 0 : i32
      %dma_wait3A_87 = tpu.memref_slice %arg22[%dma_wait3A_85, %dma_wait3A_86] : memref<10240x128xf32, #tpu.memory_space<vmem_shared>> -> memref<10240x128xf32, #tpu.memory_space<vmem_shared>>
      tpu.wait_indirect_dma semaphore(%arg20 : memref<!tpu.dma_semaphore, #tpu.memory_space<semaphore_mem>>) src(%arg14 : memref<80x128xf32, #tpu.memory_space<vmem>>) dst(%dma_wait3A_87 : memref<10240x128xf32, #tpu.memory_space<vmem_shared>>)
      %lt3A_88 = arith.constant 125 : i32
      %lt3A_89 = arith.cmpi slt, %add3A_84, %lt3A_88 : i32
      %convert_element_type3A_90 = arith.extui %lt3A_89 : i1 to i32
      %cond3A_91 = arith.constant 0 : i32
      %cond3A_92 = arith.cmpi ne, %convert_element_type3A_90, %cond3A_91 : i32
      scf.if %cond3A_92 {
        %mul3A_105 = arith.constant 80 : i32
        %mul3A_106 = arith.muli %add3A_84, %mul3A_105 : i32
        %add3A_107 = arith.addi %mul3A_4, %mul3A_106 : i32
        "tpu.region"() ({
          %run_scoped3A = tpu.sem_alloc : memref<!tpu.dma_semaphore, #tpu.memory_space<semaphore_mem>>
          %dma_start3A_111 = tpu.memref_slice %arg3[%add3A_107] : memref<320000xi32, #tpu.memory_space<hbm>> -> memref<80xi32, #tpu.memory_space<hbm>>
          %dma_start3A_112 = tpu.memref_slice %arg3[%add3A_107] : memref<320000xi32, #tpu.memory_space<hbm>> -> memref<80xi32, #tpu.memory_space<hbm>>
          tpu.enqueue_dma source(%dma_start3A_112 : memref<80xi32, #tpu.memory_space<hbm>>) target(%arg8 : memref<80xi32, #tpu.memory_space<vmem>>) target_semaphore(%run_scoped3A : memref<!tpu.dma_semaphore, #tpu.memory_space<semaphore_mem>>)
          %dma_wait3A_113 = tpu.memref_slice %arg3[%add3A_107] : memref<320000xi32, #tpu.memory_space<hbm>> -> memref<80xi32, #tpu.memory_space<hbm>>
          %dma_wait3A_114 = tpu.memref_slice %arg3[%add3A_107] : memref<320000xi32, #tpu.memory_space<hbm>> -> memref<80xi32, #tpu.memory_space<hbm>>
          tpu.wait_dma2 semaphore(%run_scoped3A : memref<!tpu.dma_semaphore, #tpu.memory_space<semaphore_mem>>) src(%dma_wait3A_114 : memref<80xi32, #tpu.memory_space<hbm>>) dst(%arg8 : memref<80xi32, #tpu.memory_space<vmem>>)
          tpu.yield
        }) : () -> ()
        "tpu.region"() ({
          %run_scoped3A = tpu.sem_alloc : memref<!tpu.dma_semaphore, #tpu.memory_space<semaphore_mem>>
          %dma_start3A_111 = tpu.memref_slice %arg4[%add3A_107] : memref<320000xi32, #tpu.memory_space<hbm>> -> memref<80xi32, #tpu.memory_space<hbm>>
          %dma_start3A_112 = tpu.memref_slice %arg4[%add3A_107] : memref<320000xi32, #tpu.memory_space<hbm>> -> memref<80xi32, #tpu.memory_space<hbm>>
          tpu.enqueue_dma source(%dma_start3A_112 : memref<80xi32, #tpu.memory_space<hbm>>) target(%arg11 : memref<80xi32, #tpu.memory_space<vmem>>) target_semaphore(%run_scoped3A : memref<!tpu.dma_semaphore, #tpu.memory_space<semaphore_mem>>)
          %dma_wait3A_113 = tpu.memref_slice %arg4[%add3A_107] : memref<320000xi32, #tpu.memory_space<hbm>> -> memref<80xi32, #tpu.memory_space<hbm>>
          %dma_wait3A_114 = tpu.memref_slice %arg4[%add3A_107] : memref<320000xi32, #tpu.memory_space<hbm>> -> memref<80xi32, #tpu.memory_space<hbm>>
          tpu.wait_dma2 semaphore(%run_scoped3A : memref<!tpu.dma_semaphore, #tpu.memory_space<semaphore_mem>>) src(%dma_wait3A_114 : memref<80xi32, #tpu.memory_space<hbm>>) dst(%arg11 : memref<80xi32, #tpu.memory_space<vmem>>)
          tpu.yield
        }) : () -> ()
        %dma_start3A_108 = arith.constant 0 : i32
        %dma_start3A_109 = arith.constant 0 : i32
        %dma_start3A_110 = tpu.memref_slice %arg2[%dma_start3A_108, %dma_start3A_109] : memref<10000x128xf32, #tpu.memory_space<hbm>> -> memref<10000x128xf32, #tpu.memory_space<hbm>>
        tpu.enqueue_indirect_dma source(%dma_start3A_110 : memref<10000x128xf32, #tpu.memory_space<hbm>>) target(%arg14 : memref<80x128xf32, #tpu.memory_space<vmem>>) offsets(%arg8 : memref<80xi32, #tpu.memory_space<vmem>>) semaphore(%arg17 : memref<!tpu.dma_semaphore, #tpu.memory_space<semaphore_mem>>)
      } else {
      }
      %add3A_93 = arith.constant 3 : i32
      %add3A_94 = arith.addi %mul3A_53, %add3A_93 : i32
      %add3A_95 = arith.constant 2 : i32
      %add3A_96 = arith.addi %add3A_94, %add3A_95 : i32
      %dma_wait3A_97 = arith.constant 0 : i32
      %dma_wait3A_98 = arith.constant 0 : i32
      %dma_wait3A_99 = tpu.memref_slice %arg22[%dma_wait3A_97, %dma_wait3A_98] : memref<10240x128xf32, #tpu.memory_space<vmem_shared>> -> memref<10240x128xf32, #tpu.memory_space<vmem_shared>>
      tpu.wait_indirect_dma semaphore(%arg21 : memref<!tpu.dma_semaphore, #tpu.memory_space<semaphore_mem>>) src(%arg15 : memref<80x128xf32, #tpu.memory_space<vmem>>) dst(%dma_wait3A_99 : memref<10240x128xf32, #tpu.memory_space<vmem_shared>>)
      %lt3A_100 = arith.constant 125 : i32
      %lt3A_101 = arith.cmpi slt, %add3A_96, %lt3A_100 : i32
      %convert_element_type3A_102 = arith.extui %lt3A_101 : i1 to i32
      %cond3A_103 = arith.constant 0 : i32
      %cond3A_104 = arith.cmpi ne, %convert_element_type3A_102, %cond3A_103 : i32
      scf.if %cond3A_104 {
        %mul3A_105 = arith.constant 80 : i32
        %mul3A_106 = arith.muli %add3A_96, %mul3A_105 : i32
        %add3A_107 = arith.addi %mul3A_4, %mul3A_106 : i32
        "tpu.region"() ({
          %run_scoped3A = tpu.sem_alloc : memref<!tpu.dma_semaphore, #tpu.memory_space<semaphore_mem>>
          %dma_start3A_111 = tpu.memref_slice %arg3[%add3A_107] : memref<320000xi32, #tpu.memory_space<hbm>> -> memref<80xi32, #tpu.memory_space<hbm>>
          %dma_start3A_112 = tpu.memref_slice %arg3[%add3A_107] : memref<320000xi32, #tpu.memory_space<hbm>> -> memref<80xi32, #tpu.memory_space<hbm>>
          tpu.enqueue_dma source(%dma_start3A_112 : memref<80xi32, #tpu.memory_space<hbm>>) target(%arg9 : memref<80xi32, #tpu.memory_space<vmem>>) target_semaphore(%run_scoped3A : memref<!tpu.dma_semaphore, #tpu.memory_space<semaphore_mem>>)
          %dma_wait3A_113 = tpu.memref_slice %arg3[%add3A_107] : memref<320000xi32, #tpu.memory_space<hbm>> -> memref<80xi32, #tpu.memory_space<hbm>>
          %dma_wait3A_114 = tpu.memref_slice %arg3[%add3A_107] : memref<320000xi32, #tpu.memory_space<hbm>> -> memref<80xi32, #tpu.memory_space<hbm>>
          tpu.wait_dma2 semaphore(%run_scoped3A : memref<!tpu.dma_semaphore, #tpu.memory_space<semaphore_mem>>) src(%dma_wait3A_114 : memref<80xi32, #tpu.memory_space<hbm>>) dst(%arg9 : memref<80xi32, #tpu.memory_space<vmem>>)
          tpu.yield
        }) : () -> ()
        "tpu.region"() ({
          %run_scoped3A = tpu.sem_alloc : memref<!tpu.dma_semaphore, #tpu.memory_space<semaphore_mem>>
          %dma_start3A_111 = tpu.memref_slice %arg4[%add3A_107] : memref<320000xi32, #tpu.memory_space<hbm>> -> memref<80xi32, #tpu.memory_space<hbm>>
          %dma_start3A_112 = tpu.memref_slice %arg4[%add3A_107] : memref<320000xi32, #tpu.memory_space<hbm>> -> memref<80xi32, #tpu.memory_space<hbm>>
          tpu.enqueue_dma source(%dma_start3A_112 : memref<80xi32, #tpu.memory_space<hbm>>) target(%arg12 : memref<80xi32, #tpu.memory_space<vmem>>) target_semaphore(%run_scoped3A : memref<!tpu.dma_semaphore, #tpu.memory_space<semaphore_mem>>)
          %dma_wait3A_113 = tpu.memref_slice %arg4[%add3A_107] : memref<320000xi32, #tpu.memory_space<hbm>> -> memref<80xi32, #tpu.memory_space<hbm>>
          %dma_wait3A_114 = tpu.memref_slice %arg4[%add3A_107] : memref<320000xi32, #tpu.memory_space<hbm>> -> memref<80xi32, #tpu.memory_space<hbm>>
          tpu.wait_dma2 semaphore(%run_scoped3A : memref<!tpu.dma_semaphore, #tpu.memory_space<semaphore_mem>>) src(%dma_wait3A_114 : memref<80xi32, #tpu.memory_space<hbm>>) dst(%arg12 : memref<80xi32, #tpu.memory_space<vmem>>)
          tpu.yield
        }) : () -> ()
        %dma_start3A_108 = arith.constant 0 : i32
        %dma_start3A_109 = arith.constant 0 : i32
        %dma_start3A_110 = tpu.memref_slice %arg2[%dma_start3A_108, %dma_start3A_109] : memref<10000x128xf32, #tpu.memory_space<hbm>> -> memref<10000x128xf32, #tpu.memory_space<hbm>>
        tpu.enqueue_indirect_dma source(%dma_start3A_110 : memref<10000x128xf32, #tpu.memory_space<hbm>>) target(%arg15 : memref<80x128xf32, #tpu.memory_space<vmem>>) offsets(%arg9 : memref<80xi32, #tpu.memory_space<vmem>>) semaphore(%arg18 : memref<!tpu.dma_semaphore, #tpu.memory_space<semaphore_mem>>)
      } else {
      }
    }
    %scan3A_28 = arith.constant 41 : i32
    %dma_wait3A = arith.constant 0 : i32
    %dma_wait3A_29 = arith.constant 0 : i32
    %dma_wait3A_30 = tpu.memref_slice %arg2[%dma_wait3A, %dma_wait3A_29] : memref<10000x128xf32, #tpu.memory_space<hbm>> -> memref<10000x128xf32, #tpu.memory_space<hbm>>
    tpu.wait_indirect_dma semaphore(%arg16 : memref<!tpu.dma_semaphore, #tpu.memory_space<semaphore_mem>>) src(%dma_wait3A_30 : memref<10000x128xf32, #tpu.memory_space<hbm>>) dst(%arg13 : memref<80x128xf32, #tpu.memory_space<vmem>>)
    %dma_start3A_31 = arith.constant 0 : i32
    %dma_start3A_32 = arith.constant 0 : i32
    %dma_start3A_33 = tpu.memref_slice %arg22[%dma_start3A_31, %dma_start3A_32] : memref<10240x128xf32, #tpu.memory_space<vmem_shared>> -> memref<10240x128xf32, #tpu.memory_space<vmem_shared>>
    tpu.enqueue_indirect_dma source(%arg13 : memref<80x128xf32, #tpu.memory_space<vmem>>) target(%dma_start3A_33 : memref<10240x128xf32, #tpu.memory_space<vmem_shared>>) offsets(%arg10 : memref<80xi32, #tpu.memory_space<vmem>>) semaphore(%arg19 : memref<!tpu.dma_semaphore, #tpu.memory_space<semaphore_mem>>) {add = true}
    %dma_wait3A_34 = arith.constant 0 : i32
    %dma_wait3A_35 = arith.constant 0 : i32
    %dma_wait3A_36 = tpu.memref_slice %arg2[%dma_wait3A_34, %dma_wait3A_35] : memref<10000x128xf32, #tpu.memory_space<hbm>> -> memref<10000x128xf32, #tpu.memory_space<hbm>>
    tpu.wait_indirect_dma semaphore(%arg17 : memref<!tpu.dma_semaphore, #tpu.memory_space<semaphore_mem>>) src(%dma_wait3A_36 : memref<10000x128xf32, #tpu.memory_space<hbm>>) dst(%arg14 : memref<80x128xf32, #tpu.memory_space<vmem>>)
    %dma_start3A_37 = arith.constant 0 : i32
    %dma_start3A_38 = arith.constant 0 : i32
    %dma_start3A_39 = tpu.memref_slice %arg22[%dma_start3A_37, %dma_start3A_38] : memref<10240x128xf32, #tpu.memory_space<vmem_shared>> -> memref<10240x128xf32, #tpu.memory_space<vmem_shared>>
    tpu.enqueue_indirect_dma source(%arg14 : memref<80x128xf32, #tpu.memory_space<vmem>>) target(%dma_start3A_39 : memref<10240x128xf32, #tpu.memory_space<vmem_shared>>) offsets(%arg11 : memref<80xi32, #tpu.memory_space<vmem>>) semaphore(%arg20 : memref<!tpu.dma_semaphore, #tpu.memory_space<semaphore_mem>>) {add = true}
    %dma_wait3A_40 = arith.constant 0 : i32
    %dma_wait3A_41 = arith.constant 0 : i32
    %dma_wait3A_42 = tpu.memref_slice %arg22[%dma_wait3A_40, %dma_wait3A_41] : memref<10240x128xf32, #tpu.memory_space<vmem_shared>> -> memref<10240x128xf32, #tpu.memory_space<vmem_shared>>
    tpu.wait_indirect_dma semaphore(%arg19 : memref<!tpu.dma_semaphore, #tpu.memory_space<semaphore_mem>>) src(%arg13 : memref<80x128xf32, #tpu.memory_space<vmem>>) dst(%dma_wait3A_42 : memref<10240x128xf32, #tpu.memory_space<vmem_shared>>)
    %dma_wait3A_43 = arith.constant 0 : i32
    %dma_wait3A_44 = arith.constant 0 : i32
    %dma_wait3A_45 = tpu.memref_slice %arg22[%dma_wait3A_43, %dma_wait3A_44] : memref<10240x128xf32, #tpu.memory_space<vmem_shared>> -> memref<10240x128xf32, #tpu.memory_space<vmem_shared>>
    tpu.wait_indirect_dma semaphore(%arg20 : memref<!tpu.dma_semaphore, #tpu.memory_space<semaphore_mem>>) src(%arg14 : memref<80x128xf32, #tpu.memory_space<vmem>>) dst(%dma_wait3A_45 : memref<10240x128xf32, #tpu.memory_space<vmem_shared>>)
    %barrier3A_46 = arith.constant 0 : index
    tpu.barrier barrier_id(%barrier3A_46)
    "tpu.region"() ({
      %run_scoped3A = tpu.sem_alloc : memref<!tpu.dma_semaphore, #tpu.memory_space<semaphore_mem>>
      %dma_start3A_47 = arith.constant 0 : i32
      %dma_start3A_48 = tpu.memref_slice %arg6[%arg0, %mul3A_2, %dma_start3A_47] : memref<2x10240x128xf32, #tpu.memory_space<hbm>> -> memref<1x640x128xf32, #tpu.memory_space<hbm>>
      %dma_start3A_49 = tpu.memref_squeeze %dma_start3A_48 : memref<1x640x128xf32, #tpu.memory_space<hbm>> -> memref<640x128xf32, #tpu.memory_space<hbm>>
      %dma_start3A_50 = arith.constant 0 : i32
      %dma_start3A_51 = tpu.memref_slice %arg22[%mul3A_2, %dma_start3A_50] : memref<10240x128xf32, #tpu.memory_space<vmem_shared>> -> memref<640x128xf32, #tpu.memory_space<vmem_shared>>
      tpu.enqueue_dma source(%dma_start3A_51 : memref<640x128xf32, #tpu.memory_space<vmem_shared>>) target(%dma_start3A_49 : memref<640x128xf32, #tpu.memory_space<hbm>>) target_semaphore(%run_scoped3A : memref<!tpu.dma_semaphore, #tpu.memory_space<semaphore_mem>>)
      %dma_wait3A_52 = arith.constant 0 : i32
      %dma_wait3A_53 = tpu.memref_slice %arg6[%arg0, %mul3A_2, %dma_wait3A_52] : memref<2x10240x128xf32, #tpu.memory_space<hbm>> -> memref<1x640x128xf32, #tpu.memory_space<hbm>>
      %dma_wait3A_54 = tpu.memref_squeeze %dma_wait3A_53 : memref<1x640x128xf32, #tpu.memory_space<hbm>> -> memref<640x128xf32, #tpu.memory_space<hbm>>
      %dma_wait3A_55 = arith.constant 0 : i32
      %dma_wait3A_56 = tpu.memref_slice %arg22[%mul3A_2, %dma_wait3A_55] : memref<10240x128xf32, #tpu.memory_space<vmem_shared>> -> memref<640x128xf32, #tpu.memory_space<vmem_shared>>
      tpu.wait_dma2 semaphore(%run_scoped3A : memref<!tpu.dma_semaphore, #tpu.memory_space<semaphore_mem>>) src(%dma_wait3A_56 : memref<640x128xf32, #tpu.memory_space<vmem_shared>>) dst(%dma_wait3A_54 : memref<640x128xf32, #tpu.memory_space<hbm>>)
      tpu.yield
    }) : () -> ()
    return
  }
}

#map = affine_map<(d0, d1) -> (0, 0)>
#map1 = affine_map<(d0, d1) -> (0)>
#map2 = affine_map<(d0, d1) -> (0, 0, 0)>
module attributes {stable_mosaic.version = 14 : i64} {
  func.func @agg(%arg0: i32, %arg1: i32, %arg2: memref<10000x128xf32, #tpu.memory_space<hbm>>, %arg3: memref<320000xi32, #tpu.memory_space<hbm>>, %arg4: memref<320000xi32, #tpu.memory_space<hbm>>, %arg5: memref<10240x128xf32, #tpu.memory_space<hbm>>, %arg6: memref<2x10240x128xf32, #tpu.memory_space<hbm>>, %arg7: memref<80xi32, #tpu.memory_space<vmem>>, %arg8: memref<80xi32, #tpu.memory_space<vmem>>, %arg9: memref<80xi32, #tpu.memory_space<vmem>>, %arg10: memref<80xi32, #tpu.memory_space<vmem>>, %arg11: memref<80xi32, #tpu.memory_space<vmem>>, %arg12: memref<80xi32, #tpu.memory_space<vmem>>, %arg13: memref<80x128xf32, #tpu.memory_space<vmem>>, %arg14: memref<80x128xf32, #tpu.memory_space<vmem>>, %arg15: memref<80x128xf32, #tpu.memory_space<vmem>>, %arg16: memref<!tpu.dma_semaphore, #tpu.memory_space<semaphore_mem>>, %arg17: memref<!tpu.dma_semaphore, #tpu.memory_space<semaphore_mem>>, %arg18: memref<!tpu.dma_semaphore, #tpu.memory_space<semaphore_mem>>, %arg19: memref<!tpu.dma_semaphore, #tpu.memory_space<semaphore_mem>>, %arg20: memref<!tpu.dma_semaphore, #tpu.memory_space<semaphore_mem>>, %arg21: memref<!tpu.dma_semaphore, #tpu.memory_space<semaphore_mem>>, %arg22: memref<10240x128xf32, #tpu.memory_space<vmem_shared>>) attributes {dimension_semantics = [#tpu.dimension_semantics<core_parallel>, #tpu.dimension_semantics<subcore_parallel>], iteration_bounds = array<i64: 2, 16>, scalar_prefetch = 0 : i64, scratch_operands = 16 : i64, tpu.core_type = #tpu.core_type<sc_vector_subcore>, window_params = [{transform_indices = #map}, {transform_indices = #map1}, {transform_indices = #map1}, {transform_indices = #map}, {transform_indices = #map2}]} {
    %mul3A = arith.constant 16 : i32
    %mul3A_0 = arith.muli %arg0, %mul3A : i32
    %add3A = arith.addi %mul3A_0, %arg1 : i32
    %mul3A_1 = arith.constant 640 : i32
    %mul3A_2 = arith.muli %arg1, %mul3A_1 : i32
    "tpu.region"() ({
      %run_scoped3A = tpu.sem_alloc : memref<!tpu.dma_semaphore, #tpu.memory_space<semaphore_mem>>
      %dma_start3A_47 = arith.constant 0 : i32
      %dma_start3A_48 = tpu.memref_slice %arg22[%mul3A_2, %dma_start3A_47] : memref<10240x128xf32, #tpu.memory_space<vmem_shared>> -> memref<640x128xf32, #tpu.memory_space<vmem_shared>>
      %dma_start3A_49 = arith.constant 0 : i32
      %dma_start3A_50 = tpu.memref_slice %arg5[%mul3A_2, %dma_start3A_49] : memref<10240x128xf32, #tpu.memory_space<hbm>> -> memref<640x128xf32, #tpu.memory_space<hbm>>
      tpu.enqueue_dma source(%dma_start3A_50 : memref<640x128xf32, #tpu.memory_space<hbm>>) target(%dma_start3A_48 : memref<640x128xf32, #tpu.memory_space<vmem_shared>>) target_semaphore(%run_scoped3A : memref<!tpu.dma_semaphore, #tpu.memory_space<semaphore_mem>>)
      %dma_wait3A_51 = arith.constant 0 : i32
      %dma_wait3A_52 = tpu.memref_slice %arg22[%mul3A_2, %dma_wait3A_51] : memref<10240x128xf32, #tpu.memory_space<vmem_shared>> -> memref<640x128xf32, #tpu.memory_space<vmem_shared>>
      %dma_wait3A_53 = arith.constant 0 : i32
      %dma_wait3A_54 = tpu.memref_slice %arg5[%mul3A_2, %dma_wait3A_53] : memref<10240x128xf32, #tpu.memory_space<hbm>> -> memref<640x128xf32, #tpu.memory_space<hbm>>
      tpu.wait_dma2 semaphore(%run_scoped3A : memref<!tpu.dma_semaphore, #tpu.memory_space<semaphore_mem>>) src(%dma_wait3A_54 : memref<640x128xf32, #tpu.memory_space<hbm>>) dst(%dma_wait3A_52 : memref<640x128xf32, #tpu.memory_space<vmem_shared>>)
      tpu.yield
    }) : () -> ()
    %mul3A_3 = arith.constant 10000 : i32
    %mul3A_4 = arith.muli %add3A, %mul3A_3 : i32
    %add3A_5 = arith.constant 0 : i32
    %add3A_6 = arith.addi %mul3A_4, %add3A_5 : i32
    "tpu.region"() ({
      %run_scoped3A = tpu.sem_alloc : memref<!tpu.dma_semaphore, #tpu.memory_space<semaphore_mem>>
      %dma_start3A_47 = tpu.memref_slice %arg3[%add3A_6] : memref<320000xi32, #tpu.memory_space<hbm>> -> memref<80xi32, #tpu.memory_space<hbm>>
      %dma_start3A_48 = tpu.memref_slice %arg3[%add3A_6] : memref<320000xi32, #tpu.memory_space<hbm>> -> memref<80xi32, #tpu.memory_space<hbm>>
      tpu.enqueue_dma source(%dma_start3A_48 : memref<80xi32, #tpu.memory_space<hbm>>) target(%arg7 : memref<80xi32, #tpu.memory_space<vmem>>) target_semaphore(%run_scoped3A : memref<!tpu.dma_semaphore, #tpu.memory_space<semaphore_mem>>)
      %dma_wait3A_49 = tpu.memref_slice %arg3[%add3A_6] : memref<320000xi32, #tpu.memory_space<hbm>> -> memref<80xi32, #tpu.memory_space<hbm>>
      %dma_wait3A_50 = tpu.memref_slice %arg3[%add3A_6] : memref<320000xi32, #tpu.memory_space<hbm>> -> memref<80xi32, #tpu.memory_space<hbm>>
      tpu.wait_dma2 semaphore(%run_scoped3A : memref<!tpu.dma_semaphore, #tpu.memory_space<semaphore_mem>>) src(%dma_wait3A_50 : memref<80xi32, #tpu.memory_space<hbm>>) dst(%arg7 : memref<80xi32, #tpu.memory_space<vmem>>)
      tpu.yield
    }) : () -> ()
    %add3A_7 = arith.constant 0 : i32
    %add3A_8 = arith.addi %mul3A_4, %add3A_7 : i32
    "tpu.region"() ({
      %run_scoped3A = tpu.sem_alloc : memref<!tpu.dma_semaphore, #tpu.memory_space<semaphore_mem>>
      %dma_start3A_47 = tpu.memref_slice %arg4[%add3A_8] : memref<320000xi32, #tpu.memory_space<hbm>> -> memref<80xi32, #tpu.memory_space<hbm>>
      %dma_start3A_48 = tpu.memref_slice %arg4[%add3A_8] : memref<320000xi32, #tpu.memory_space<hbm>> -> memref<80xi32, #tpu.memory_space<hbm>>
      tpu.enqueue_dma source(%dma_start3A_48 : memref<80xi32, #tpu.memory_space<hbm>>) target(%arg10 : memref<80xi32, #tpu.memory_space<vmem>>) target_semaphore(%run_scoped3A : memref<!tpu.dma_semaphore, #tpu.memory_space<semaphore_mem>>)
      %dma_wait3A_49 = tpu.memref_slice %arg4[%add3A_8] : memref<320000xi32, #tpu.memory_space<hbm>> -> memref<80xi32, #tpu.memory_space<hbm>>
      %dma_wait3A_50 = tpu.memref_slice %arg4[%add3A_8] : memref<320000xi32, #tpu.memory_space<hbm>> -> memref<80xi32, #tpu.memory_space<hbm>>
      tpu.wait_dma2 semaphore(%run_scoped3A : memref<!tpu.dma_semaphore, #tpu.memory_space<semaphore_mem>>) src(%dma_wait3A_50 : memref<80xi32, #tpu.memory_space<hbm>>) dst(%arg10 : memref<80xi32, #tpu.memory_space<vmem>>)
      tpu.yield
    }) : () -> ()
    %dma_start3A = arith.constant 0 : i32
    %dma_start3A_9 = arith.constant 0 : i32
    %dma_start3A_10 = tpu.memref_slice %arg2[%dma_start3A, %dma_start3A_9] : memref<10000x128xf32, #tpu.memory_space<hbm>> -> memref<10000x128xf32, #tpu.memory_space<hbm>>
    tpu.enqueue_indirect_dma source(%dma_start3A_10 : memref<10000x128xf32, #tpu.memory_space<hbm>>) target(%arg13 : memref<80x128xf32, #tpu.memory_space<vmem>>) offsets(%arg7 : memref<80xi32, #tpu.memory_space<vmem>>) semaphore(%arg16 : memref<!tpu.dma_semaphore, #tpu.memory_space<semaphore_mem>>)
    %add3A_11 = arith.constant 80 : i32
    %add3A_12 = arith.addi %mul3A_4, %add3A_11 : i32
    "tpu.region"() ({
      %run_scoped3A = tpu.sem_alloc : memref<!tpu.dma_semaphore, #tpu.memory_space<semaphore_mem>>
      %dma_start3A_47 = tpu.memref_slice %arg3[%add3A_12] : memref<320000xi32, #tpu.memory_space<hbm>> -> memref<80xi32, #tpu.memory_space<hbm>>
      %dma_start3A_48 = tpu.memref_slice %arg3[%add3A_12] : memref<320000xi32, #tpu.memory_space<hbm>> -> memref<80xi32, #tpu.memory_space<hbm>>
      tpu.enqueue_dma source(%dma_start3A_48 : memref<80xi32, #tpu.memory_space<hbm>>) target(%arg8 : memref<80xi32, #tpu.memory_space<vmem>>) target_semaphore(%run_scoped3A : memref<!tpu.dma_semaphore, #tpu.memory_space<semaphore_mem>>)
      %dma_wait3A_49 = tpu.memref_slice %arg3[%add3A_12] : memref<320000xi32, #tpu.memory_space<hbm>> -> memref<80xi32, #tpu.memory_space<hbm>>
      %dma_wait3A_50 = tpu.memref_slice %arg3[%add3A_12] : memref<320000xi32, #tpu.memory_space<hbm>> -> memref<80xi32, #tpu.memory_space<hbm>>
      tpu.wait_dma2 semaphore(%run_scoped3A : memref<!tpu.dma_semaphore, #tpu.memory_space<semaphore_mem>>) src(%dma_wait3A_50 : memref<80xi32, #tpu.memory_space<hbm>>) dst(%arg8 : memref<80xi32, #tpu.memory_space<vmem>>)
      tpu.yield
    }) : () -> ()
    %add3A_13 = arith.constant 80 : i32
    %add3A_14 = arith.addi %mul3A_4, %add3A_13 : i32
    "tpu.region"() ({
      %run_scoped3A = tpu.sem_alloc : memref<!tpu.dma_semaphore, #tpu.memory_space<semaphore_mem>>
      %dma_start3A_47 = tpu.memref_slice %arg4[%add3A_14] : memref<320000xi32, #tpu.memory_space<hbm>> -> memref<80xi32, #tpu.memory_space<hbm>>
      %dma_start3A_48 = tpu.memref_slice %arg4[%add3A_14] : memref<320000xi32, #tpu.memory_space<hbm>> -> memref<80xi32, #tpu.memory_space<hbm>>
      tpu.enqueue_dma source(%dma_start3A_48 : memref<80xi32, #tpu.memory_space<hbm>>) target(%arg11 : memref<80xi32, #tpu.memory_space<vmem>>) target_semaphore(%run_scoped3A : memref<!tpu.dma_semaphore, #tpu.memory_space<semaphore_mem>>)
      %dma_wait3A_49 = tpu.memref_slice %arg4[%add3A_14] : memref<320000xi32, #tpu.memory_space<hbm>> -> memref<80xi32, #tpu.memory_space<hbm>>
      %dma_wait3A_50 = tpu.memref_slice %arg4[%add3A_14] : memref<320000xi32, #tpu.memory_space<hbm>> -> memref<80xi32, #tpu.memory_space<hbm>>
      tpu.wait_dma2 semaphore(%run_scoped3A : memref<!tpu.dma_semaphore, #tpu.memory_space<semaphore_mem>>) src(%dma_wait3A_50 : memref<80xi32, #tpu.memory_space<hbm>>) dst(%arg11 : memref<80xi32, #tpu.memory_space<vmem>>)
      tpu.yield
    }) : () -> ()
    %dma_start3A_15 = arith.constant 0 : i32
    %dma_start3A_16 = arith.constant 0 : i32
    %dma_start3A_17 = tpu.memref_slice %arg2[%dma_start3A_15, %dma_start3A_16] : memref<10000x128xf32, #tpu.memory_space<hbm>> -> memref<10000x128xf32, #tpu.memory_space<hbm>>
    tpu.enqueue_indirect_dma source(%dma_start3A_17 : memref<10000x128xf32, #tpu.memory_space<hbm>>) target(%arg14 : memref<80x128xf32, #tpu.memory_space<vmem>>) offsets(%arg8 : memref<80xi32, #tpu.memory_space<vmem>>) semaphore(%arg17 : memref<!tpu.dma_semaphore, #tpu.memory_space<semaphore_mem>>)
    %add3A_18 = arith.constant 160 : i32
    %add3A_19 = arith.addi %mul3A_4, %add3A_18 : i32
    "tpu.region"() ({
      %run_scoped3A = tpu.sem_alloc : memref<!tpu.dma_semaphore, #tpu.memory_space<semaphore_mem>>
      %dma_start3A_47 = tpu.memref_slice %arg3[%add3A_19] : memref<320000xi32, #tpu.memory_space<hbm>> -> memref<80xi32, #tpu.memory_space<hbm>>
      %dma_start3A_48 = tpu.memref_slice %arg3[%add3A_19] : memref<320000xi32, #tpu.memory_space<hbm>> -> memref<80xi32, #tpu.memory_space<hbm>>
      tpu.enqueue_dma source(%dma_start3A_48 : memref<80xi32, #tpu.memory_space<hbm>>) target(%arg9 : memref<80xi32, #tpu.memory_space<vmem>>) target_semaphore(%run_scoped3A : memref<!tpu.dma_semaphore, #tpu.memory_space<semaphore_mem>>)
      %dma_wait3A_49 = tpu.memref_slice %arg3[%add3A_19] : memref<320000xi32, #tpu.memory_space<hbm>> -> memref<80xi32, #tpu.memory_space<hbm>>
      %dma_wait3A_50 = tpu.memref_slice %arg3[%add3A_19] : memref<320000xi32, #tpu.memory_space<hbm>> -> memref<80xi32, #tpu.memory_space<hbm>>
      tpu.wait_dma2 semaphore(%run_scoped3A : memref<!tpu.dma_semaphore, #tpu.memory_space<semaphore_mem>>) src(%dma_wait3A_50 : memref<80xi32, #tpu.memory_space<hbm>>) dst(%arg9 : memref<80xi32, #tpu.memory_space<vmem>>)
      tpu.yield
    }) : () -> ()
    %add3A_20 = arith.constant 160 : i32
    %add3A_21 = arith.addi %mul3A_4, %add3A_20 : i32
    "tpu.region"() ({
      %run_scoped3A = tpu.sem_alloc : memref<!tpu.dma_semaphore, #tpu.memory_space<semaphore_mem>>
      %dma_start3A_47 = tpu.memref_slice %arg4[%add3A_21] : memref<320000xi32, #tpu.memory_space<hbm>> -> memref<80xi32, #tpu.memory_space<hbm>>
      %dma_start3A_48 = tpu.memref_slice %arg4[%add3A_21] : memref<320000xi32, #tpu.memory_space<hbm>> -> memref<80xi32, #tpu.memory_space<hbm>>
      tpu.enqueue_dma source(%dma_start3A_48 : memref<80xi32, #tpu.memory_space<hbm>>) target(%arg12 : memref<80xi32, #tpu.memory_space<vmem>>) target_semaphore(%run_scoped3A : memref<!tpu.dma_semaphore, #tpu.memory_space<semaphore_mem>>)
      %dma_wait3A_49 = tpu.memref_slice %arg4[%add3A_21] : memref<320000xi32, #tpu.memory_space<hbm>> -> memref<80xi32, #tpu.memory_space<hbm>>
      %dma_wait3A_50 = tpu.memref_slice %arg4[%add3A_21] : memref<320000xi32, #tpu.memory_space<hbm>> -> memref<80xi32, #tpu.memory_space<hbm>>
      tpu.wait_dma2 semaphore(%run_scoped3A : memref<!tpu.dma_semaphore, #tpu.memory_space<semaphore_mem>>) src(%dma_wait3A_50 : memref<80xi32, #tpu.memory_space<hbm>>) dst(%arg12 : memref<80xi32, #tpu.memory_space<vmem>>)
      tpu.yield
    }) : () -> ()
    %dma_start3A_22 = arith.constant 0 : i32
    %dma_start3A_23 = arith.constant 0 : i32
    %dma_start3A_24 = tpu.memref_slice %arg2[%dma_start3A_22, %dma_start3A_23] : memref<10000x128xf32, #tpu.memory_space<hbm>> -> memref<10000x128xf32, #tpu.memory_space<hbm>>
    tpu.enqueue_indirect_dma source(%dma_start3A_24 : memref<10000x128xf32, #tpu.memory_space<hbm>>) target(%arg15 : memref<80x128xf32, #tpu.memory_space<vmem>>) offsets(%arg9 : memref<80xi32, #tpu.memory_space<vmem>>) semaphore(%arg18 : memref<!tpu.dma_semaphore, #tpu.memory_space<semaphore_mem>>)
    %barrier3A = arith.constant 0 : index
    tpu.barrier barrier_id(%barrier3A)
    %scan3A = arith.constant 0 : i32
    %scan3A_25 = arith.constant 41 : i32
    %scan3A_26 = arith.addi %scan3A, %scan3A_25 : i32
    %scan3A_27 = arith.constant 1 : i32
    scf.for %scan3A_47 = %scan3A to %scan3A_26 step %scan3A_27  : i32 {
      %mul3A_48 = arith.constant 1 : i32
      %mul3A_49 = arith.muli %scan3A_47, %mul3A_48 : i32
      %add3A_50 = arith.constant 0 : i32
      %add3A_51 = arith.addi %add3A_50, %mul3A_49 : i32
      %mul3A_52 = arith.constant 3 : i32
      %mul3A_53 = arith.muli %add3A_51, %mul3A_52 : i32
      %dma_wait3A_54 = arith.constant 0 : i32
      %dma_wait3A_55 = arith.constant 0 : i32
      %dma_wait3A_56 = tpu.memref_slice %arg2[%dma_wait3A_54, %dma_wait3A_55] : memref<10000x128xf32, #tpu.memory_space<hbm>> -> memref<10000x128xf32, #tpu.memory_space<hbm>>
      tpu.wait_indirect_dma semaphore(%arg16 : memref<!tpu.dma_semaphore, #tpu.memory_space<semaphore_mem>>) src(%dma_wait3A_56 : memref<10000x128xf32, #tpu.memory_space<hbm>>) dst(%arg13 : memref<80x128xf32, #tpu.memory_space<vmem>>)
      %dma_start3A_57 = arith.constant 0 : i32
      %dma_start3A_58 = arith.constant 0 : i32
      %dma_start3A_59 = tpu.memref_slice %arg22[%dma_start3A_57, %dma_start3A_58] : memref<10240x128xf32, #tpu.memory_space<vmem_shared>> -> memref<10240x128xf32, #tpu.memory_space<vmem_shared>>
      tpu.enqueue_indirect_dma source(%arg13 : memref<80x128xf32, #tpu.memory_space<vmem>>) target(%dma_start3A_59 : memref<10240x128xf32, #tpu.memory_space<vmem_shared>>) offsets(%arg10 : memref<80xi32, #tpu.memory_space<vmem>>) semaphore(%arg19 : memref<!tpu.dma_semaphore, #tpu.memory_space<semaphore_mem>>) {add = true}
      %dma_wait3A_60 = arith.constant 0 : i32
      %dma_wait3A_61 = arith.constant 0 : i32
      %dma_wait3A_62 = tpu.memref_slice %arg2[%dma_wait3A_60, %dma_wait3A_61] : memref<10000x128xf32, #tpu.memory_space<hbm>> -> memref<10000x128xf32, #tpu.memory_space<hbm>>
      tpu.wait_indirect_dma semaphore(%arg17 : memref<!tpu.dma_semaphore, #tpu.memory_space<semaphore_mem>>) src(%dma_wait3A_62 : memref<10000x128xf32, #tpu.memory_space<hbm>>) dst(%arg14 : memref<80x128xf32, #tpu.memory_space<vmem>>)
      %dma_start3A_63 = arith.constant 0 : i32
      %dma_start3A_64 = arith.constant 0 : i32
      %dma_start3A_65 = tpu.memref_slice %arg22[%dma_start3A_63, %dma_start3A_64] : memref<10240x128xf32, #tpu.memory_space<vmem_shared>> -> memref<10240x128xf32, #tpu.memory_space<vmem_shared>>
      tpu.enqueue_indirect_dma source(%arg14 : memref<80x128xf32, #tpu.memory_space<vmem>>) target(%dma_start3A_65 : memref<10240x128xf32, #tpu.memory_space<vmem_shared>>) offsets(%arg11 : memref<80xi32, #tpu.memory_space<vmem>>) semaphore(%arg20 : memref<!tpu.dma_semaphore, #tpu.memory_space<semaphore_mem>>) {add = true}
      %dma_wait3A_66 = arith.constant 0 : i32
      %dma_wait3A_67 = arith.constant 0 : i32
      %dma_wait3A_68 = tpu.memref_slice %arg2[%dma_wait3A_66, %dma_wait3A_67] : memref<10000x128xf32, #tpu.memory_space<hbm>> -> memref<10000x128xf32, #tpu.memory_space<hbm>>
      tpu.wait_indirect_dma semaphore(%arg18 : memref<!tpu.dma_semaphore, #tpu.memory_space<semaphore_mem>>) src(%dma_wait3A_68 : memref<10000x128xf32, #tpu.memory_space<hbm>>) dst(%arg15 : memref<80x128xf32, #tpu.memory_space<vmem>>)
      %dma_start3A_69 = arith.constant 0 : i32
      %dma_start3A_70 = arith.constant 0 : i32
      %dma_start3A_71 = tpu.memref_slice %arg22[%dma_start3A_69, %dma_start3A_70] : memref<10240x128xf32, #tpu.memory_space<vmem_shared>> -> memref<10240x128xf32, #tpu.memory_space<vmem_shared>>
      tpu.enqueue_indirect_dma source(%arg15 : memref<80x128xf32, #tpu.memory_space<vmem>>) target(%dma_start3A_71 : memref<10240x128xf32, #tpu.memory_space<vmem_shared>>) offsets(%arg12 : memref<80xi32, #tpu.memory_space<vmem>>) semaphore(%arg21 : memref<!tpu.dma_semaphore, #tpu.memory_space<semaphore_mem>>) {add = true}
      %add3A_72 = arith.constant 3 : i32
      %add3A_73 = arith.addi %mul3A_53, %add3A_72 : i32
      %add3A_74 = arith.constant 0 : i32
      %add3A_75 = arith.addi %add3A_73, %add3A_74 : i32
      %dma_wait3A_76 = arith.constant 0 : i32
      %dma_wait3A_77 = arith.constant 0 : i32
      %dma_wait3A_78 = tpu.memref_slice %arg22[%dma_wait3A_76, %dma_wait3A_77] : memref<10240x128xf32, #tpu.memory_space<vmem_shared>> -> memref<10240x128xf32, #tpu.memory_space<vmem_shared>>
      tpu.wait_indirect_dma semaphore(%arg19 : memref<!tpu.dma_semaphore, #tpu.memory_space<semaphore_mem>>) src(%arg13 : memref<80x128xf32, #tpu.memory_space<vmem>>) dst(%dma_wait3A_78 : memref<10240x128xf32, #tpu.memory_space<vmem_shared>>)
      %lt3A = arith.constant 125 : i32
      %lt3A_79 = arith.cmpi slt, %add3A_75, %lt3A : i32
      %convert_element_type3A = arith.extui %lt3A_79 : i1 to i32
      %cond3A = arith.constant 0 : i32
      %cond3A_80 = arith.cmpi ne, %convert_element_type3A, %cond3A : i32
      scf.if %cond3A_80 {
        %mul3A_105 = arith.constant 80 : i32
        %mul3A_106 = arith.muli %add3A_75, %mul3A_105 : i32
        %add3A_107 = arith.addi %mul3A_4, %mul3A_106 : i32
        "tpu.region"() ({
          %run_scoped3A = tpu.sem_alloc : memref<!tpu.dma_semaphore, #tpu.memory_space<semaphore_mem>>
          %dma_start3A_111 = tpu.memref_slice %arg3[%add3A_107] : memref<320000xi32, #tpu.memory_space<hbm>> -> memref<80xi32, #tpu.memory_space<hbm>>
          %dma_start3A_112 = tpu.memref_slice %arg3[%add3A_107] : memref<320000xi32, #tpu.memory_space<hbm>> -> memref<80xi32, #tpu.memory_space<hbm>>
          tpu.enqueue_dma source(%dma_start3A_112 : memref<80xi32, #tpu.memory_space<hbm>>) target(%arg7 : memref<80xi32, #tpu.memory_space<vmem>>) target_semaphore(%run_scoped3A : memref<!tpu.dma_semaphore, #tpu.memory_space<semaphore_mem>>)
          %dma_wait3A_113 = tpu.memref_slice %arg3[%add3A_107] : memref<320000xi32, #tpu.memory_space<hbm>> -> memref<80xi32, #tpu.memory_space<hbm>>
          %dma_wait3A_114 = tpu.memref_slice %arg3[%add3A_107] : memref<320000xi32, #tpu.memory_space<hbm>> -> memref<80xi32, #tpu.memory_space<hbm>>
          tpu.wait_dma2 semaphore(%run_scoped3A : memref<!tpu.dma_semaphore, #tpu.memory_space<semaphore_mem>>) src(%dma_wait3A_114 : memref<80xi32, #tpu.memory_space<hbm>>) dst(%arg7 : memref<80xi32, #tpu.memory_space<vmem>>)
          tpu.yield
        }) : () -> ()
        "tpu.region"() ({
          %run_scoped3A = tpu.sem_alloc : memref<!tpu.dma_semaphore, #tpu.memory_space<semaphore_mem>>
          %dma_start3A_111 = tpu.memref_slice %arg4[%add3A_107] : memref<320000xi32, #tpu.memory_space<hbm>> -> memref<80xi32, #tpu.memory_space<hbm>>
          %dma_start3A_112 = tpu.memref_slice %arg4[%add3A_107] : memref<320000xi32, #tpu.memory_space<hbm>> -> memref<80xi32, #tpu.memory_space<hbm>>
          tpu.enqueue_dma source(%dma_start3A_112 : memref<80xi32, #tpu.memory_space<hbm>>) target(%arg10 : memref<80xi32, #tpu.memory_space<vmem>>) target_semaphore(%run_scoped3A : memref<!tpu.dma_semaphore, #tpu.memory_space<semaphore_mem>>)
          %dma_wait3A_113 = tpu.memref_slice %arg4[%add3A_107] : memref<320000xi32, #tpu.memory_space<hbm>> -> memref<80xi32, #tpu.memory_space<hbm>>
          %dma_wait3A_114 = tpu.memref_slice %arg4[%add3A_107] : memref<320000xi32, #tpu.memory_space<hbm>> -> memref<80xi32, #tpu.memory_space<hbm>>
          tpu.wait_dma2 semaphore(%run_scoped3A : memref<!tpu.dma_semaphore, #tpu.memory_space<semaphore_mem>>) src(%dma_wait3A_114 : memref<80xi32, #tpu.memory_space<hbm>>) dst(%arg10 : memref<80xi32, #tpu.memory_space<vmem>>)
          tpu.yield
        }) : () -> ()
        %dma_start3A_108 = arith.constant 0 : i32
        %dma_start3A_109 = arith.constant 0 : i32
        %dma_start3A_110 = tpu.memref_slice %arg2[%dma_start3A_108, %dma_start3A_109] : memref<10000x128xf32, #tpu.memory_space<hbm>> -> memref<10000x128xf32, #tpu.memory_space<hbm>>
        tpu.enqueue_indirect_dma source(%dma_start3A_110 : memref<10000x128xf32, #tpu.memory_space<hbm>>) target(%arg13 : memref<80x128xf32, #tpu.memory_space<vmem>>) offsets(%arg7 : memref<80xi32, #tpu.memory_space<vmem>>) semaphore(%arg16 : memref<!tpu.dma_semaphore, #tpu.memory_space<semaphore_mem>>)
      } else {
      }
      %add3A_81 = arith.constant 3 : i32
      %add3A_82 = arith.addi %mul3A_53, %add3A_81 : i32
      %add3A_83 = arith.constant 1 : i32
      %add3A_84 = arith.addi %add3A_82, %add3A_83 : i32
      %dma_wait3A_85 = arith.constant 0 : i32
      %dma_wait3A_86 = arith.constant 0 : i32
      %dma_wait3A_87 = tpu.memref_slice %arg22[%dma_wait3A_85, %dma_wait3A_86] : memref<10240x128xf32, #tpu.memory_space<vmem_shared>> -> memref<10240x128xf32, #tpu.memory_space<vmem_shared>>
      tpu.wait_indirect_dma semaphore(%arg20 : memref<!tpu.dma_semaphore, #tpu.memory_space<semaphore_mem>>) src(%arg14 : memref<80x128xf32, #tpu.memory_space<vmem>>) dst(%dma_wait3A_87 : memref<10240x128xf32, #tpu.memory_space<vmem_shared>>)
      %lt3A_88 = arith.constant 125 : i32
      %lt3A_89 = arith.cmpi slt, %add3A_84, %lt3A_88 : i32
      %convert_element_type3A_90 = arith.extui %lt3A_89 : i1 to i32
      %cond3A_91 = arith.constant 0 : i32
      %cond3A_92 = arith.cmpi ne, %convert_element_type3A_90, %cond3A_91 : i32
      scf.if %cond3A_92 {
        %mul3A_105 = arith.constant 80 : i32
        %mul3A_106 = arith.muli %add3A_84, %mul3A_105 : i32
        %add3A_107 = arith.addi %mul3A_4, %mul3A_106 : i32
        "tpu.region"() ({
          %run_scoped3A = tpu.sem_alloc : memref<!tpu.dma_semaphore, #tpu.memory_space<semaphore_mem>>
          %dma_start3A_111 = tpu.memref_slice %arg3[%add3A_107] : memref<320000xi32, #tpu.memory_space<hbm>> -> memref<80xi32, #tpu.memory_space<hbm>>
          %dma_start3A_112 = tpu.memref_slice %arg3[%add3A_107] : memref<320000xi32, #tpu.memory_space<hbm>> -> memref<80xi32, #tpu.memory_space<hbm>>
          tpu.enqueue_dma source(%dma_start3A_112 : memref<80xi32, #tpu.memory_space<hbm>>) target(%arg8 : memref<80xi32, #tpu.memory_space<vmem>>) target_semaphore(%run_scoped3A : memref<!tpu.dma_semaphore, #tpu.memory_space<semaphore_mem>>)
          %dma_wait3A_113 = tpu.memref_slice %arg3[%add3A_107] : memref<320000xi32, #tpu.memory_space<hbm>> -> memref<80xi32, #tpu.memory_space<hbm>>
          %dma_wait3A_114 = tpu.memref_slice %arg3[%add3A_107] : memref<320000xi32, #tpu.memory_space<hbm>> -> memref<80xi32, #tpu.memory_space<hbm>>
          tpu.wait_dma2 semaphore(%run_scoped3A : memref<!tpu.dma_semaphore, #tpu.memory_space<semaphore_mem>>) src(%dma_wait3A_114 : memref<80xi32, #tpu.memory_space<hbm>>) dst(%arg8 : memref<80xi32, #tpu.memory_space<vmem>>)
          tpu.yield
        }) : () -> ()
        "tpu.region"() ({
          %run_scoped3A = tpu.sem_alloc : memref<!tpu.dma_semaphore, #tpu.memory_space<semaphore_mem>>
          %dma_start3A_111 = tpu.memref_slice %arg4[%add3A_107] : memref<320000xi32, #tpu.memory_space<hbm>> -> memref<80xi32, #tpu.memory_space<hbm>>
          %dma_start3A_112 = tpu.memref_slice %arg4[%add3A_107] : memref<320000xi32, #tpu.memory_space<hbm>> -> memref<80xi32, #tpu.memory_space<hbm>>
          tpu.enqueue_dma source(%dma_start3A_112 : memref<80xi32, #tpu.memory_space<hbm>>) target(%arg11 : memref<80xi32, #tpu.memory_space<vmem>>) target_semaphore(%run_scoped3A : memref<!tpu.dma_semaphore, #tpu.memory_space<semaphore_mem>>)
          %dma_wait3A_113 = tpu.memref_slice %arg4[%add3A_107] : memref<320000xi32, #tpu.memory_space<hbm>> -> memref<80xi32, #tpu.memory_space<hbm>>
          %dma_wait3A_114 = tpu.memref_slice %arg4[%add3A_107] : memref<320000xi32, #tpu.memory_space<hbm>> -> memref<80xi32, #tpu.memory_space<hbm>>
          tpu.wait_dma2 semaphore(%run_scoped3A : memref<!tpu.dma_semaphore, #tpu.memory_space<semaphore_mem>>) src(%dma_wait3A_114 : memref<80xi32, #tpu.memory_space<hbm>>) dst(%arg11 : memref<80xi32, #tpu.memory_space<vmem>>)
          tpu.yield
        }) : () -> ()
        %dma_start3A_108 = arith.constant 0 : i32
        %dma_start3A_109 = arith.constant 0 : i32
        %dma_start3A_110 = tpu.memref_slice %arg2[%dma_start3A_108, %dma_start3A_109] : memref<10000x128xf32, #tpu.memory_space<hbm>> -> memref<10000x128xf32, #tpu.memory_space<hbm>>
        tpu.enqueue_indirect_dma source(%dma_start3A_110 : memref<10000x128xf32, #tpu.memory_space<hbm>>) target(%arg14 : memref<80x128xf32, #tpu.memory_space<vmem>>) offsets(%arg8 : memref<80xi32, #tpu.memory_space<vmem>>) semaphore(%arg17 : memref<!tpu.dma_semaphore, #tpu.memory_space<semaphore_mem>>)
      } else {
      }
      %add3A_93 = arith.constant 3 : i32
      %add3A_94 = arith.addi %mul3A_53, %add3A_93 : i32
      %add3A_95 = arith.constant 2 : i32
      %add3A_96 = arith.addi %add3A_94, %add3A_95 : i32
      %dma_wait3A_97 = arith.constant 0 : i32
      %dma_wait3A_98 = arith.constant 0 : i32
      %dma_wait3A_99 = tpu.memref_slice %arg22[%dma_wait3A_97, %dma_wait3A_98] : memref<10240x128xf32, #tpu.memory_space<vmem_shared>> -> memref<10240x128xf32, #tpu.memory_space<vmem_shared>>
      tpu.wait_indirect_dma semaphore(%arg21 : memref<!tpu.dma_semaphore, #tpu.memory_space<semaphore_mem>>) src(%arg15 : memref<80x128xf32, #tpu.memory_space<vmem>>) dst(%dma_wait3A_99 : memref<10240x128xf32, #tpu.memory_space<vmem_shared>>)
      %lt3A_100 = arith.constant 125 : i32
      %lt3A_101 = arith.cmpi slt, %add3A_96, %lt3A_100 : i32
      %convert_element_type3A_102 = arith.extui %lt3A_101 : i1 to i32
      %cond3A_103 = arith.constant 0 : i32
      %cond3A_104 = arith.cmpi ne, %convert_element_type3A_102, %cond3A_103 : i32
      scf.if %cond3A_104 {
        %mul3A_105 = arith.constant 80 : i32
        %mul3A_106 = arith.muli %add3A_96, %mul3A_105 : i32
        %add3A_107 = arith.addi %mul3A_4, %mul3A_106 : i32
        "tpu.region"() ({
          %run_scoped3A = tpu.sem_alloc : memref<!tpu.dma_semaphore, #tpu.memory_space<semaphore_mem>>
          %dma_start3A_111 = tpu.memref_slice %arg3[%add3A_107] : memref<320000xi32, #tpu.memory_space<hbm>> -> memref<80xi32, #tpu.memory_space<hbm>>
          %dma_start3A_112 = tpu.memref_slice %arg3[%add3A_107] : memref<320000xi32, #tpu.memory_space<hbm>> -> memref<80xi32, #tpu.memory_space<hbm>>
          tpu.enqueue_dma source(%dma_start3A_112 : memref<80xi32, #tpu.memory_space<hbm>>) target(%arg9 : memref<80xi32, #tpu.memory_space<vmem>>) target_semaphore(%run_scoped3A : memref<!tpu.dma_semaphore, #tpu.memory_space<semaphore_mem>>)
          %dma_wait3A_113 = tpu.memref_slice %arg3[%add3A_107] : memref<320000xi32, #tpu.memory_space<hbm>> -> memref<80xi32, #tpu.memory_space<hbm>>
          %dma_wait3A_114 = tpu.memref_slice %arg3[%add3A_107] : memref<320000xi32, #tpu.memory_space<hbm>> -> memref<80xi32, #tpu.memory_space<hbm>>
          tpu.wait_dma2 semaphore(%run_scoped3A : memref<!tpu.dma_semaphore, #tpu.memory_space<semaphore_mem>>) src(%dma_wait3A_114 : memref<80xi32, #tpu.memory_space<hbm>>) dst(%arg9 : memref<80xi32, #tpu.memory_space<vmem>>)
          tpu.yield
        }) : () -> ()
        "tpu.region"() ({
          %run_scoped3A = tpu.sem_alloc : memref<!tpu.dma_semaphore, #tpu.memory_space<semaphore_mem>>
          %dma_start3A_111 = tpu.memref_slice %arg4[%add3A_107] : memref<320000xi32, #tpu.memory_space<hbm>> -> memref<80xi32, #tpu.memory_space<hbm>>
          %dma_start3A_112 = tpu.memref_slice %arg4[%add3A_107] : memref<320000xi32, #tpu.memory_space<hbm>> -> memref<80xi32, #tpu.memory_space<hbm>>
          tpu.enqueue_dma source(%dma_start3A_112 : memref<80xi32, #tpu.memory_space<hbm>>) target(%arg12 : memref<80xi32, #tpu.memory_space<vmem>>) target_semaphore(%run_scoped3A : memref<!tpu.dma_semaphore, #tpu.memory_space<semaphore_mem>>)
          %dma_wait3A_113 = tpu.memref_slice %arg4[%add3A_107] : memref<320000xi32, #tpu.memory_space<hbm>> -> memref<80xi32, #tpu.memory_space<hbm>>
          %dma_wait3A_114 = tpu.memref_slice %arg4[%add3A_107] : memref<320000xi32, #tpu.memory_space<hbm>> -> memref<80xi32, #tpu.memory_space<hbm>>
          tpu.wait_dma2 semaphore(%run_scoped3A : memref<!tpu.dma_semaphore, #tpu.memory_space<semaphore_mem>>) src(%dma_wait3A_114 : memref<80xi32, #tpu.memory_space<hbm>>) dst(%arg12 : memref<80xi32, #tpu.memory_space<vmem>>)
          tpu.yield
        }) : () -> ()
        %dma_start3A_108 = arith.constant 0 : i32
        %dma_start3A_109 = arith.constant 0 : i32
        %dma_start3A_110 = tpu.memref_slice %arg2[%dma_start3A_108, %dma_start3A_109] : memref<10000x128xf32, #tpu.memory_space<hbm>> -> memref<10000x128xf32, #tpu.memory_space<hbm>>
        tpu.enqueue_indirect_dma source(%dma_start3A_110 : memref<10000x128xf32, #tpu.memory_space<hbm>>) target(%arg15 : memref<80x128xf32, #tpu.memory_space<vmem>>) offsets(%arg9 : memref<80xi32, #tpu.memory_space<vmem>>) semaphore(%arg18 : memref<!tpu.dma_semaphore, #tpu.memory_space<semaphore_mem>>)
      } else {
      }
    }
    %scan3A_28 = arith.constant 41 : i32
    %dma_wait3A = arith.constant 0 : i32
    %dma_wait3A_29 = arith.constant 0 : i32
    %dma_wait3A_30 = tpu.memref_slice %arg2[%dma_wait3A, %dma_wait3A_29] : memref<10000x128xf32, #tpu.memory_space<hbm>> -> memref<10000x128xf32, #tpu.memory_space<hbm>>
    tpu.wait_indirect_dma semaphore(%arg16 : memref<!tpu.dma_semaphore, #tpu.memory_space<semaphore_mem>>) src(%dma_wait3A_30 : memref<10000x128xf32, #tpu.memory_space<hbm>>) dst(%arg13 : memref<80x128xf32, #tpu.memory_space<vmem>>)
    %dma_start3A_31 = arith.constant 0 : i32
    %dma_start3A_32 = arith.constant 0 : i32
    %dma_start3A_33 = tpu.memref_slice %arg22[%dma_start3A_31, %dma_start3A_32] : memref<10240x128xf32, #tpu.memory_space<vmem_shared>> -> memref<10240x128xf32, #tpu.memory_space<vmem_shared>>
    tpu.enqueue_indirect_dma source(%arg13 : memref<80x128xf32, #tpu.memory_space<vmem>>) target(%dma_start3A_33 : memref<10240x128xf32, #tpu.memory_space<vmem_shared>>) offsets(%arg10 : memref<80xi32, #tpu.memory_space<vmem>>) semaphore(%arg19 : memref<!tpu.dma_semaphore, #tpu.memory_space<semaphore_mem>>) {add = true}
    %dma_wait3A_34 = arith.constant 0 : i32
    %dma_wait3A_35 = arith.constant 0 : i32
    %dma_wait3A_36 = tpu.memref_slice %arg2[%dma_wait3A_34, %dma_wait3A_35] : memref<10000x128xf32, #tpu.memory_space<hbm>> -> memref<10000x128xf32, #tpu.memory_space<hbm>>
    tpu.wait_indirect_dma semaphore(%arg17 : memref<!tpu.dma_semaphore, #tpu.memory_space<semaphore_mem>>) src(%dma_wait3A_36 : memref<10000x128xf32, #tpu.memory_space<hbm>>) dst(%arg14 : memref<80x128xf32, #tpu.memory_space<vmem>>)
    %dma_start3A_37 = arith.constant 0 : i32
    %dma_start3A_38 = arith.constant 0 : i32
    %dma_start3A_39 = tpu.memref_slice %arg22[%dma_start3A_37, %dma_start3A_38] : memref<10240x128xf32, #tpu.memory_space<vmem_shared>> -> memref<10240x128xf32, #tpu.memory_space<vmem_shared>>
    tpu.enqueue_indirect_dma source(%arg14 : memref<80x128xf32, #tpu.memory_space<vmem>>) target(%dma_start3A_39 : memref<10240x128xf32, #tpu.memory_space<vmem_shared>>) offsets(%arg11 : memref<80xi32, #tpu.memory_space<vmem>>) semaphore(%arg20 : memref<!tpu.dma_semaphore, #tpu.memory_space<semaphore_mem>>) {add = true}
    %dma_wait3A_40 = arith.constant 0 : i32
    %dma_wait3A_41 = arith.constant 0 : i32
    %dma_wait3A_42 = tpu.memref_slice %arg22[%dma_wait3A_40, %dma_wait3A_41] : memref<10240x128xf32, #tpu.memory_space<vmem_shared>> -> memref<10240x128xf32, #tpu.memory_space<vmem_shared>>
    tpu.wait_indirect_dma semaphore(%arg19 : memref<!tpu.dma_semaphore, #tpu.memory_space<semaphore_mem>>) src(%arg13 : memref<80x128xf32, #tpu.memory_space<vmem>>) dst(%dma_wait3A_42 : memref<10240x128xf32, #tpu.memory_space<vmem_shared>>)
    %dma_wait3A_43 = arith.constant 0 : i32
    %dma_wait3A_44 = arith.constant 0 : i32
    %dma_wait3A_45 = tpu.memref_slice %arg22[%dma_wait3A_43, %dma_wait3A_44] : memref<10240x128xf32, #tpu.memory_space<vmem_shared>> -> memref<10240x128xf32, #tpu.memory_space<vmem_shared>>
    tpu.wait_indirect_dma semaphore(%arg20 : memref<!tpu.dma_semaphore, #tpu.memory_space<semaphore_mem>>) src(%arg14 : memref<80x128xf32, #tpu.memory_space<vmem>>) dst(%dma_wait3A_45 : memref<10240x128xf32, #tpu.memory_space<vmem_shared>>)
    %barrier3A_46 = arith.constant 0 : index
    tpu.barrier barrier_id(%barrier3A_46)
    "tpu.region"() ({
      %run_scoped3A = tpu.sem_alloc : memref<!tpu.dma_semaphore, #tpu.memory_space<semaphore_mem>>
      %dma_start3A_47 = arith.constant 0 : i32
      %dma_start3A_48 = tpu.memref_slice %arg6[%arg0, %mul3A_2, %dma_start3A_47] : memref<2x10240x128xf32, #tpu.memory_space<hbm>> -> memref<1x640x128xf32, #tpu.memory_space<hbm>>
      %dma_start3A_49 = tpu.memref_squeeze %dma_start3A_48 : memref<1x640x128xf32, #tpu.memory_space<hbm>> -> memref<640x128xf32, #tpu.memory_space<hbm>>
      %dma_start3A_50 = arith.constant 0 : i32
      %dma_start3A_51 = tpu.memref_slice %arg22[%mul3A_2, %dma_start3A_50] : memref<10240x128xf32, #tpu.memory_space<vmem_shared>> -> memref<640x128xf32, #tpu.memory_space<vmem_shared>>
      tpu.enqueue_dma source(%dma_start3A_51 : memref<640x128xf32, #tpu.memory_space<vmem_shared>>) target(%dma_start3A_49 : memref<640x128xf32, #tpu.memory_space<hbm>>) target_semaphore(%run_scoped3A : memref<!tpu.dma_semaphore, #tpu.memory_space<semaphore_mem>>)
      %dma_wait3A_52 = arith.constant 0 : i32
      %dma_wait3A_53 = tpu.memref_slice %arg6[%arg0, %mul3A_2, %dma_wait3A_52] : memref<2x10240x128xf32, #tpu.memory_space<hbm>> -> memref<1x640x128xf32, #tpu.memory_space<hbm>>
      %dma_wait3A_54 = tpu.memref_squeeze %dma_wait3A_53 : memref<1x640x128xf32, #tpu.memory_space<hbm>> -> memref<640x128xf32, #tpu.memory_space<hbm>>
      %dma_wait3A_55 = arith.constant 0 : i32
      %dma_wait3A_56 = tpu.memref_slice %arg22[%mul3A_2, %dma_wait3A_55] : memref<10240x128xf32, #tpu.memory_space<vmem_shared>> -> memref<640x128xf32, #tpu.memory_space<vmem_shared>>
      tpu.wait_dma2 semaphore(%run_scoped3A : memref<!tpu.dma_semaphore, #tpu.memory_space<semaphore_mem>>) src(%dma_wait3A_56 : memref<640x128xf32, #tpu.memory_space<vmem_shared>>) dst(%dma_wait3A_54 : memref<640x128xf32, #tpu.memory_space<hbm>>)
      tpu.yield
    }) : () -> ()
    return
  }
}

#map = affine_map<(d0, d1) -> (0, 0)>
#map1 = affine_map<(d0, d1) -> (0)>
#map2 = affine_map<(d0, d1) -> (0, 0, 0)>
module attributes {stable_mosaic.version = 14 : i64} {
  func.func @agg(%arg0: i32, %arg1: i32, %arg2: memref<10000x128xf32, #tpu.memory_space<hbm>>, %arg3: memref<320000xi32, #tpu.memory_space<hbm>>, %arg4: memref<320000xi32, #tpu.memory_space<hbm>>, %arg5: memref<10240x128xf32, #tpu.memory_space<hbm>>, %arg6: memref<2x10240x128xf32, #tpu.memory_space<hbm>>, %arg7: memref<80xi32, #tpu.memory_space<vmem>>, %arg8: memref<80xi32, #tpu.memory_space<vmem>>, %arg9: memref<80xi32, #tpu.memory_space<vmem>>, %arg10: memref<80xi32, #tpu.memory_space<vmem>>, %arg11: memref<80xi32, #tpu.memory_space<vmem>>, %arg12: memref<80xi32, #tpu.memory_space<vmem>>, %arg13: memref<80x128xf32, #tpu.memory_space<vmem>>, %arg14: memref<80x128xf32, #tpu.memory_space<vmem>>, %arg15: memref<80x128xf32, #tpu.memory_space<vmem>>, %arg16: memref<!tpu.dma_semaphore, #tpu.memory_space<semaphore_mem>>, %arg17: memref<!tpu.dma_semaphore, #tpu.memory_space<semaphore_mem>>, %arg18: memref<!tpu.dma_semaphore, #tpu.memory_space<semaphore_mem>>, %arg19: memref<!tpu.dma_semaphore, #tpu.memory_space<semaphore_mem>>, %arg20: memref<!tpu.dma_semaphore, #tpu.memory_space<semaphore_mem>>, %arg21: memref<!tpu.dma_semaphore, #tpu.memory_space<semaphore_mem>>, %arg22: memref<10240x128xf32, #tpu.memory_space<vmem_shared>>) attributes {dimension_semantics = [#tpu.dimension_semantics<core_parallel>, #tpu.dimension_semantics<subcore_parallel>], iteration_bounds = array<i64: 2, 16>, scalar_prefetch = 0 : i64, scratch_operands = 16 : i64, tpu.core_type = #tpu.core_type<sc_vector_subcore>, window_params = [{transform_indices = #map}, {transform_indices = #map1}, {transform_indices = #map1}, {transform_indices = #map}, {transform_indices = #map2}]} {
    %mul3A = arith.constant 16 : i32
    %mul3A_0 = arith.muli %arg0, %mul3A : i32
    %add3A = arith.addi %mul3A_0, %arg1 : i32
    %mul3A_1 = arith.constant 640 : i32
    %mul3A_2 = arith.muli %arg1, %mul3A_1 : i32
    "tpu.region"() ({
      %run_scoped3A = tpu.sem_alloc : memref<!tpu.dma_semaphore, #tpu.memory_space<semaphore_mem>>
      %dma_start3A_47 = arith.constant 0 : i32
      %dma_start3A_48 = tpu.memref_slice %arg22[%mul3A_2, %dma_start3A_47] : memref<10240x128xf32, #tpu.memory_space<vmem_shared>> -> memref<640x128xf32, #tpu.memory_space<vmem_shared>>
      %dma_start3A_49 = arith.constant 0 : i32
      %dma_start3A_50 = tpu.memref_slice %arg5[%mul3A_2, %dma_start3A_49] : memref<10240x128xf32, #tpu.memory_space<hbm>> -> memref<640x128xf32, #tpu.memory_space<hbm>>
      tpu.enqueue_dma source(%dma_start3A_50 : memref<640x128xf32, #tpu.memory_space<hbm>>) target(%dma_start3A_48 : memref<640x128xf32, #tpu.memory_space<vmem_shared>>) target_semaphore(%run_scoped3A : memref<!tpu.dma_semaphore, #tpu.memory_space<semaphore_mem>>)
      %dma_wait3A_51 = arith.constant 0 : i32
      %dma_wait3A_52 = tpu.memref_slice %arg22[%mul3A_2, %dma_wait3A_51] : memref<10240x128xf32, #tpu.memory_space<vmem_shared>> -> memref<640x128xf32, #tpu.memory_space<vmem_shared>>
      %dma_wait3A_53 = arith.constant 0 : i32
      %dma_wait3A_54 = tpu.memref_slice %arg5[%mul3A_2, %dma_wait3A_53] : memref<10240x128xf32, #tpu.memory_space<hbm>> -> memref<640x128xf32, #tpu.memory_space<hbm>>
      tpu.wait_dma2 semaphore(%run_scoped3A : memref<!tpu.dma_semaphore, #tpu.memory_space<semaphore_mem>>) src(%dma_wait3A_54 : memref<640x128xf32, #tpu.memory_space<hbm>>) dst(%dma_wait3A_52 : memref<640x128xf32, #tpu.memory_space<vmem_shared>>)
      tpu.yield
    }) : () -> ()
    %mul3A_3 = arith.constant 10000 : i32
    %mul3A_4 = arith.muli %add3A, %mul3A_3 : i32
    %add3A_5 = arith.constant 0 : i32
    %add3A_6 = arith.addi %mul3A_4, %add3A_5 : i32
    "tpu.region"() ({
      %run_scoped3A = tpu.sem_alloc : memref<!tpu.dma_semaphore, #tpu.memory_space<semaphore_mem>>
      %dma_start3A_47 = tpu.memref_slice %arg3[%add3A_6] : memref<320000xi32, #tpu.memory_space<hbm>> -> memref<80xi32, #tpu.memory_space<hbm>>
      %dma_start3A_48 = tpu.memref_slice %arg3[%add3A_6] : memref<320000xi32, #tpu.memory_space<hbm>> -> memref<80xi32, #tpu.memory_space<hbm>>
      tpu.enqueue_dma source(%dma_start3A_48 : memref<80xi32, #tpu.memory_space<hbm>>) target(%arg7 : memref<80xi32, #tpu.memory_space<vmem>>) target_semaphore(%run_scoped3A : memref<!tpu.dma_semaphore, #tpu.memory_space<semaphore_mem>>)
      %dma_wait3A_49 = tpu.memref_slice %arg3[%add3A_6] : memref<320000xi32, #tpu.memory_space<hbm>> -> memref<80xi32, #tpu.memory_space<hbm>>
      %dma_wait3A_50 = tpu.memref_slice %arg3[%add3A_6] : memref<320000xi32, #tpu.memory_space<hbm>> -> memref<80xi32, #tpu.memory_space<hbm>>
      tpu.wait_dma2 semaphore(%run_scoped3A : memref<!tpu.dma_semaphore, #tpu.memory_space<semaphore_mem>>) src(%dma_wait3A_50 : memref<80xi32, #tpu.memory_space<hbm>>) dst(%arg7 : memref<80xi32, #tpu.memory_space<vmem>>)
      tpu.yield
    }) : () -> ()
    %add3A_7 = arith.constant 0 : i32
    %add3A_8 = arith.addi %mul3A_4, %add3A_7 : i32
    "tpu.region"() ({
      %run_scoped3A = tpu.sem_alloc : memref<!tpu.dma_semaphore, #tpu.memory_space<semaphore_mem>>
      %dma_start3A_47 = tpu.memref_slice %arg4[%add3A_8] : memref<320000xi32, #tpu.memory_space<hbm>> -> memref<80xi32, #tpu.memory_space<hbm>>
      %dma_start3A_48 = tpu.memref_slice %arg4[%add3A_8] : memref<320000xi32, #tpu.memory_space<hbm>> -> memref<80xi32, #tpu.memory_space<hbm>>
      tpu.enqueue_dma source(%dma_start3A_48 : memref<80xi32, #tpu.memory_space<hbm>>) target(%arg10 : memref<80xi32, #tpu.memory_space<vmem>>) target_semaphore(%run_scoped3A : memref<!tpu.dma_semaphore, #tpu.memory_space<semaphore_mem>>)
      %dma_wait3A_49 = tpu.memref_slice %arg4[%add3A_8] : memref<320000xi32, #tpu.memory_space<hbm>> -> memref<80xi32, #tpu.memory_space<hbm>>
      %dma_wait3A_50 = tpu.memref_slice %arg4[%add3A_8] : memref<320000xi32, #tpu.memory_space<hbm>> -> memref<80xi32, #tpu.memory_space<hbm>>
      tpu.wait_dma2 semaphore(%run_scoped3A : memref<!tpu.dma_semaphore, #tpu.memory_space<semaphore_mem>>) src(%dma_wait3A_50 : memref<80xi32, #tpu.memory_space<hbm>>) dst(%arg10 : memref<80xi32, #tpu.memory_space<vmem>>)
      tpu.yield
    }) : () -> ()
    %dma_start3A = arith.constant 0 : i32
    %dma_start3A_9 = arith.constant 0 : i32
    %dma_start3A_10 = tpu.memref_slice %arg2[%dma_start3A, %dma_start3A_9] : memref<10000x128xf32, #tpu.memory_space<hbm>> -> memref<10000x128xf32, #tpu.memory_space<hbm>>
    tpu.enqueue_indirect_dma source(%dma_start3A_10 : memref<10000x128xf32, #tpu.memory_space<hbm>>) target(%arg13 : memref<80x128xf32, #tpu.memory_space<vmem>>) offsets(%arg7 : memref<80xi32, #tpu.memory_space<vmem>>) semaphore(%arg16 : memref<!tpu.dma_semaphore, #tpu.memory_space<semaphore_mem>>)
    %add3A_11 = arith.constant 80 : i32
    %add3A_12 = arith.addi %mul3A_4, %add3A_11 : i32
    "tpu.region"() ({
      %run_scoped3A = tpu.sem_alloc : memref<!tpu.dma_semaphore, #tpu.memory_space<semaphore_mem>>
      %dma_start3A_47 = tpu.memref_slice %arg3[%add3A_12] : memref<320000xi32, #tpu.memory_space<hbm>> -> memref<80xi32, #tpu.memory_space<hbm>>
      %dma_start3A_48 = tpu.memref_slice %arg3[%add3A_12] : memref<320000xi32, #tpu.memory_space<hbm>> -> memref<80xi32, #tpu.memory_space<hbm>>
      tpu.enqueue_dma source(%dma_start3A_48 : memref<80xi32, #tpu.memory_space<hbm>>) target(%arg8 : memref<80xi32, #tpu.memory_space<vmem>>) target_semaphore(%run_scoped3A : memref<!tpu.dma_semaphore, #tpu.memory_space<semaphore_mem>>)
      %dma_wait3A_49 = tpu.memref_slice %arg3[%add3A_12] : memref<320000xi32, #tpu.memory_space<hbm>> -> memref<80xi32, #tpu.memory_space<hbm>>
      %dma_wait3A_50 = tpu.memref_slice %arg3[%add3A_12] : memref<320000xi32, #tpu.memory_space<hbm>> -> memref<80xi32, #tpu.memory_space<hbm>>
      tpu.wait_dma2 semaphore(%run_scoped3A : memref<!tpu.dma_semaphore, #tpu.memory_space<semaphore_mem>>) src(%dma_wait3A_50 : memref<80xi32, #tpu.memory_space<hbm>>) dst(%arg8 : memref<80xi32, #tpu.memory_space<vmem>>)
      tpu.yield
    }) : () -> ()
    %add3A_13 = arith.constant 80 : i32
    %add3A_14 = arith.addi %mul3A_4, %add3A_13 : i32
    "tpu.region"() ({
      %run_scoped3A = tpu.sem_alloc : memref<!tpu.dma_semaphore, #tpu.memory_space<semaphore_mem>>
      %dma_start3A_47 = tpu.memref_slice %arg4[%add3A_14] : memref<320000xi32, #tpu.memory_space<hbm>> -> memref<80xi32, #tpu.memory_space<hbm>>
      %dma_start3A_48 = tpu.memref_slice %arg4[%add3A_14] : memref<320000xi32, #tpu.memory_space<hbm>> -> memref<80xi32, #tpu.memory_space<hbm>>
      tpu.enqueue_dma source(%dma_start3A_48 : memref<80xi32, #tpu.memory_space<hbm>>) target(%arg11 : memref<80xi32, #tpu.memory_space<vmem>>) target_semaphore(%run_scoped3A : memref<!tpu.dma_semaphore, #tpu.memory_space<semaphore_mem>>)
      %dma_wait3A_49 = tpu.memref_slice %arg4[%add3A_14] : memref<320000xi32, #tpu.memory_space<hbm>> -> memref<80xi32, #tpu.memory_space<hbm>>
      %dma_wait3A_50 = tpu.memref_slice %arg4[%add3A_14] : memref<320000xi32, #tpu.memory_space<hbm>> -> memref<80xi32, #tpu.memory_space<hbm>>
      tpu.wait_dma2 semaphore(%run_scoped3A : memref<!tpu.dma_semaphore, #tpu.memory_space<semaphore_mem>>) src(%dma_wait3A_50 : memref<80xi32, #tpu.memory_space<hbm>>) dst(%arg11 : memref<80xi32, #tpu.memory_space<vmem>>)
      tpu.yield
    }) : () -> ()
    %dma_start3A_15 = arith.constant 0 : i32
    %dma_start3A_16 = arith.constant 0 : i32
    %dma_start3A_17 = tpu.memref_slice %arg2[%dma_start3A_15, %dma_start3A_16] : memref<10000x128xf32, #tpu.memory_space<hbm>> -> memref<10000x128xf32, #tpu.memory_space<hbm>>
    tpu.enqueue_indirect_dma source(%dma_start3A_17 : memref<10000x128xf32, #tpu.memory_space<hbm>>) target(%arg14 : memref<80x128xf32, #tpu.memory_space<vmem>>) offsets(%arg8 : memref<80xi32, #tpu.memory_space<vmem>>) semaphore(%arg17 : memref<!tpu.dma_semaphore, #tpu.memory_space<semaphore_mem>>)
    %add3A_18 = arith.constant 160 : i32
    %add3A_19 = arith.addi %mul3A_4, %add3A_18 : i32
    "tpu.region"() ({
      %run_scoped3A = tpu.sem_alloc : memref<!tpu.dma_semaphore, #tpu.memory_space<semaphore_mem>>
      %dma_start3A_47 = tpu.memref_slice %arg3[%add3A_19] : memref<320000xi32, #tpu.memory_space<hbm>> -> memref<80xi32, #tpu.memory_space<hbm>>
      %dma_start3A_48 = tpu.memref_slice %arg3[%add3A_19] : memref<320000xi32, #tpu.memory_space<hbm>> -> memref<80xi32, #tpu.memory_space<hbm>>
      tpu.enqueue_dma source(%dma_start3A_48 : memref<80xi32, #tpu.memory_space<hbm>>) target(%arg9 : memref<80xi32, #tpu.memory_space<vmem>>) target_semaphore(%run_scoped3A : memref<!tpu.dma_semaphore, #tpu.memory_space<semaphore_mem>>)
      %dma_wait3A_49 = tpu.memref_slice %arg3[%add3A_19] : memref<320000xi32, #tpu.memory_space<hbm>> -> memref<80xi32, #tpu.memory_space<hbm>>
      %dma_wait3A_50 = tpu.memref_slice %arg3[%add3A_19] : memref<320000xi32, #tpu.memory_space<hbm>> -> memref<80xi32, #tpu.memory_space<hbm>>
      tpu.wait_dma2 semaphore(%run_scoped3A : memref<!tpu.dma_semaphore, #tpu.memory_space<semaphore_mem>>) src(%dma_wait3A_50 : memref<80xi32, #tpu.memory_space<hbm>>) dst(%arg9 : memref<80xi32, #tpu.memory_space<vmem>>)
      tpu.yield
    }) : () -> ()
    %add3A_20 = arith.constant 160 : i32
    %add3A_21 = arith.addi %mul3A_4, %add3A_20 : i32
    "tpu.region"() ({
      %run_scoped3A = tpu.sem_alloc : memref<!tpu.dma_semaphore, #tpu.memory_space<semaphore_mem>>
      %dma_start3A_47 = tpu.memref_slice %arg4[%add3A_21] : memref<320000xi32, #tpu.memory_space<hbm>> -> memref<80xi32, #tpu.memory_space<hbm>>
      %dma_start3A_48 = tpu.memref_slice %arg4[%add3A_21] : memref<320000xi32, #tpu.memory_space<hbm>> -> memref<80xi32, #tpu.memory_space<hbm>>
      tpu.enqueue_dma source(%dma_start3A_48 : memref<80xi32, #tpu.memory_space<hbm>>) target(%arg12 : memref<80xi32, #tpu.memory_space<vmem>>) target_semaphore(%run_scoped3A : memref<!tpu.dma_semaphore, #tpu.memory_space<semaphore_mem>>)
      %dma_wait3A_49 = tpu.memref_slice %arg4[%add3A_21] : memref<320000xi32, #tpu.memory_space<hbm>> -> memref<80xi32, #tpu.memory_space<hbm>>
      %dma_wait3A_50 = tpu.memref_slice %arg4[%add3A_21] : memref<320000xi32, #tpu.memory_space<hbm>> -> memref<80xi32, #tpu.memory_space<hbm>>
      tpu.wait_dma2 semaphore(%run_scoped3A : memref<!tpu.dma_semaphore, #tpu.memory_space<semaphore_mem>>) src(%dma_wait3A_50 : memref<80xi32, #tpu.memory_space<hbm>>) dst(%arg12 : memref<80xi32, #tpu.memory_space<vmem>>)
      tpu.yield
    }) : () -> ()
    %dma_start3A_22 = arith.constant 0 : i32
    %dma_start3A_23 = arith.constant 0 : i32
    %dma_start3A_24 = tpu.memref_slice %arg2[%dma_start3A_22, %dma_start3A_23] : memref<10000x128xf32, #tpu.memory_space<hbm>> -> memref<10000x128xf32, #tpu.memory_space<hbm>>
    tpu.enqueue_indirect_dma source(%dma_start3A_24 : memref<10000x128xf32, #tpu.memory_space<hbm>>) target(%arg15 : memref<80x128xf32, #tpu.memory_space<vmem>>) offsets(%arg9 : memref<80xi32, #tpu.memory_space<vmem>>) semaphore(%arg18 : memref<!tpu.dma_semaphore, #tpu.memory_space<semaphore_mem>>)
    %barrier3A = arith.constant 0 : index
    tpu.barrier barrier_id(%barrier3A)
    %scan3A = arith.constant 0 : i32
    %scan3A_25 = arith.constant 41 : i32
    %scan3A_26 = arith.addi %scan3A, %scan3A_25 : i32
    %scan3A_27 = arith.constant 1 : i32
    scf.for %scan3A_47 = %scan3A to %scan3A_26 step %scan3A_27  : i32 {
      %mul3A_48 = arith.constant 1 : i32
      %mul3A_49 = arith.muli %scan3A_47, %mul3A_48 : i32
      %add3A_50 = arith.constant 0 : i32
      %add3A_51 = arith.addi %add3A_50, %mul3A_49 : i32
      %mul3A_52 = arith.constant 3 : i32
      %mul3A_53 = arith.muli %add3A_51, %mul3A_52 : i32
      %dma_wait3A_54 = arith.constant 0 : i32
      %dma_wait3A_55 = arith.constant 0 : i32
      %dma_wait3A_56 = tpu.memref_slice %arg2[%dma_wait3A_54, %dma_wait3A_55] : memref<10000x128xf32, #tpu.memory_space<hbm>> -> memref<10000x128xf32, #tpu.memory_space<hbm>>
      tpu.wait_indirect_dma semaphore(%arg16 : memref<!tpu.dma_semaphore, #tpu.memory_space<semaphore_mem>>) src(%dma_wait3A_56 : memref<10000x128xf32, #tpu.memory_space<hbm>>) dst(%arg13 : memref<80x128xf32, #tpu.memory_space<vmem>>)
      %dma_start3A_57 = arith.constant 0 : i32
      %dma_start3A_58 = arith.constant 0 : i32
      %dma_start3A_59 = tpu.memref_slice %arg22[%dma_start3A_57, %dma_start3A_58] : memref<10240x128xf32, #tpu.memory_space<vmem_shared>> -> memref<10240x128xf32, #tpu.memory_space<vmem_shared>>
      tpu.enqueue_indirect_dma source(%arg13 : memref<80x128xf32, #tpu.memory_space<vmem>>) target(%dma_start3A_59 : memref<10240x128xf32, #tpu.memory_space<vmem_shared>>) offsets(%arg10 : memref<80xi32, #tpu.memory_space<vmem>>) semaphore(%arg19 : memref<!tpu.dma_semaphore, #tpu.memory_space<semaphore_mem>>) {add = true}
      %dma_wait3A_60 = arith.constant 0 : i32
      %dma_wait3A_61 = arith.constant 0 : i32
      %dma_wait3A_62 = tpu.memref_slice %arg2[%dma_wait3A_60, %dma_wait3A_61] : memref<10000x128xf32, #tpu.memory_space<hbm>> -> memref<10000x128xf32, #tpu.memory_space<hbm>>
      tpu.wait_indirect_dma semaphore(%arg17 : memref<!tpu.dma_semaphore, #tpu.memory_space<semaphore_mem>>) src(%dma_wait3A_62 : memref<10000x128xf32, #tpu.memory_space<hbm>>) dst(%arg14 : memref<80x128xf32, #tpu.memory_space<vmem>>)
      %dma_start3A_63 = arith.constant 0 : i32
      %dma_start3A_64 = arith.constant 0 : i32
      %dma_start3A_65 = tpu.memref_slice %arg22[%dma_start3A_63, %dma_start3A_64] : memref<10240x128xf32, #tpu.memory_space<vmem_shared>> -> memref<10240x128xf32, #tpu.memory_space<vmem_shared>>
      tpu.enqueue_indirect_dma source(%arg14 : memref<80x128xf32, #tpu.memory_space<vmem>>) target(%dma_start3A_65 : memref<10240x128xf32, #tpu.memory_space<vmem_shared>>) offsets(%arg11 : memref<80xi32, #tpu.memory_space<vmem>>) semaphore(%arg20 : memref<!tpu.dma_semaphore, #tpu.memory_space<semaphore_mem>>) {add = true}
      %dma_wait3A_66 = arith.constant 0 : i32
      %dma_wait3A_67 = arith.constant 0 : i32
      %dma_wait3A_68 = tpu.memref_slice %arg2[%dma_wait3A_66, %dma_wait3A_67] : memref<10000x128xf32, #tpu.memory_space<hbm>> -> memref<10000x128xf32, #tpu.memory_space<hbm>>
      tpu.wait_indirect_dma semaphore(%arg18 : memref<!tpu.dma_semaphore, #tpu.memory_space<semaphore_mem>>) src(%dma_wait3A_68 : memref<10000x128xf32, #tpu.memory_space<hbm>>) dst(%arg15 : memref<80x128xf32, #tpu.memory_space<vmem>>)
      %dma_start3A_69 = arith.constant 0 : i32
      %dma_start3A_70 = arith.constant 0 : i32
      %dma_start3A_71 = tpu.memref_slice %arg22[%dma_start3A_69, %dma_start3A_70] : memref<10240x128xf32, #tpu.memory_space<vmem_shared>> -> memref<10240x128xf32, #tpu.memory_space<vmem_shared>>
      tpu.enqueue_indirect_dma source(%arg15 : memref<80x128xf32, #tpu.memory_space<vmem>>) target(%dma_start3A_71 : memref<10240x128xf32, #tpu.memory_space<vmem_shared>>) offsets(%arg12 : memref<80xi32, #tpu.memory_space<vmem>>) semaphore(%arg21 : memref<!tpu.dma_semaphore, #tpu.memory_space<semaphore_mem>>) {add = true}
      %add3A_72 = arith.constant 3 : i32
      %add3A_73 = arith.addi %mul3A_53, %add3A_72 : i32
      %add3A_74 = arith.constant 0 : i32
      %add3A_75 = arith.addi %add3A_73, %add3A_74 : i32
      %dma_wait3A_76 = arith.constant 0 : i32
      %dma_wait3A_77 = arith.constant 0 : i32
      %dma_wait3A_78 = tpu.memref_slice %arg22[%dma_wait3A_76, %dma_wait3A_77] : memref<10240x128xf32, #tpu.memory_space<vmem_shared>> -> memref<10240x128xf32, #tpu.memory_space<vmem_shared>>
      tpu.wait_indirect_dma semaphore(%arg19 : memref<!tpu.dma_semaphore, #tpu.memory_space<semaphore_mem>>) src(%arg13 : memref<80x128xf32, #tpu.memory_space<vmem>>) dst(%dma_wait3A_78 : memref<10240x128xf32, #tpu.memory_space<vmem_shared>>)
      %lt3A = arith.constant 125 : i32
      %lt3A_79 = arith.cmpi slt, %add3A_75, %lt3A : i32
      %convert_element_type3A = arith.extui %lt3A_79 : i1 to i32
      %cond3A = arith.constant 0 : i32
      %cond3A_80 = arith.cmpi ne, %convert_element_type3A, %cond3A : i32
      scf.if %cond3A_80 {
        %mul3A_105 = arith.constant 80 : i32
        %mul3A_106 = arith.muli %add3A_75, %mul3A_105 : i32
        %add3A_107 = arith.addi %mul3A_4, %mul3A_106 : i32
        "tpu.region"() ({
          %run_scoped3A = tpu.sem_alloc : memref<!tpu.dma_semaphore, #tpu.memory_space<semaphore_mem>>
          %dma_start3A_111 = tpu.memref_slice %arg3[%add3A_107] : memref<320000xi32, #tpu.memory_space<hbm>> -> memref<80xi32, #tpu.memory_space<hbm>>
          %dma_start3A_112 = tpu.memref_slice %arg3[%add3A_107] : memref<320000xi32, #tpu.memory_space<hbm>> -> memref<80xi32, #tpu.memory_space<hbm>>
          tpu.enqueue_dma source(%dma_start3A_112 : memref<80xi32, #tpu.memory_space<hbm>>) target(%arg7 : memref<80xi32, #tpu.memory_space<vmem>>) target_semaphore(%run_scoped3A : memref<!tpu.dma_semaphore, #tpu.memory_space<semaphore_mem>>)
          %dma_wait3A_113 = tpu.memref_slice %arg3[%add3A_107] : memref<320000xi32, #tpu.memory_space<hbm>> -> memref<80xi32, #tpu.memory_space<hbm>>
          %dma_wait3A_114 = tpu.memref_slice %arg3[%add3A_107] : memref<320000xi32, #tpu.memory_space<hbm>> -> memref<80xi32, #tpu.memory_space<hbm>>
          tpu.wait_dma2 semaphore(%run_scoped3A : memref<!tpu.dma_semaphore, #tpu.memory_space<semaphore_mem>>) src(%dma_wait3A_114 : memref<80xi32, #tpu.memory_space<hbm>>) dst(%arg7 : memref<80xi32, #tpu.memory_space<vmem>>)
          tpu.yield
        }) : () -> ()
        "tpu.region"() ({
          %run_scoped3A = tpu.sem_alloc : memref<!tpu.dma_semaphore, #tpu.memory_space<semaphore_mem>>
          %dma_start3A_111 = tpu.memref_slice %arg4[%add3A_107] : memref<320000xi32, #tpu.memory_space<hbm>> -> memref<80xi32, #tpu.memory_space<hbm>>
          %dma_start3A_112 = tpu.memref_slice %arg4[%add3A_107] : memref<320000xi32, #tpu.memory_space<hbm>> -> memref<80xi32, #tpu.memory_space<hbm>>
          tpu.enqueue_dma source(%dma_start3A_112 : memref<80xi32, #tpu.memory_space<hbm>>) target(%arg10 : memref<80xi32, #tpu.memory_space<vmem>>) target_semaphore(%run_scoped3A : memref<!tpu.dma_semaphore, #tpu.memory_space<semaphore_mem>>)
          %dma_wait3A_113 = tpu.memref_slice %arg4[%add3A_107] : memref<320000xi32, #tpu.memory_space<hbm>> -> memref<80xi32, #tpu.memory_space<hbm>>
          %dma_wait3A_114 = tpu.memref_slice %arg4[%add3A_107] : memref<320000xi32, #tpu.memory_space<hbm>> -> memref<80xi32, #tpu.memory_space<hbm>>
          tpu.wait_dma2 semaphore(%run_scoped3A : memref<!tpu.dma_semaphore, #tpu.memory_space<semaphore_mem>>) src(%dma_wait3A_114 : memref<80xi32, #tpu.memory_space<hbm>>) dst(%arg10 : memref<80xi32, #tpu.memory_space<vmem>>)
          tpu.yield
        }) : () -> ()
        %dma_start3A_108 = arith.constant 0 : i32
        %dma_start3A_109 = arith.constant 0 : i32
        %dma_start3A_110 = tpu.memref_slice %arg2[%dma_start3A_108, %dma_start3A_109] : memref<10000x128xf32, #tpu.memory_space<hbm>> -> memref<10000x128xf32, #tpu.memory_space<hbm>>
        tpu.enqueue_indirect_dma source(%dma_start3A_110 : memref<10000x128xf32, #tpu.memory_space<hbm>>) target(%arg13 : memref<80x128xf32, #tpu.memory_space<vmem>>) offsets(%arg7 : memref<80xi32, #tpu.memory_space<vmem>>) semaphore(%arg16 : memref<!tpu.dma_semaphore, #tpu.memory_space<semaphore_mem>>)
      } else {
      }
      %add3A_81 = arith.constant 3 : i32
      %add3A_82 = arith.addi %mul3A_53, %add3A_81 : i32
      %add3A_83 = arith.constant 1 : i32
      %add3A_84 = arith.addi %add3A_82, %add3A_83 : i32
      %dma_wait3A_85 = arith.constant 0 : i32
      %dma_wait3A_86 = arith.constant 0 : i32
      %dma_wait3A_87 = tpu.memref_slice %arg22[%dma_wait3A_85, %dma_wait3A_86] : memref<10240x128xf32, #tpu.memory_space<vmem_shared>> -> memref<10240x128xf32, #tpu.memory_space<vmem_shared>>
      tpu.wait_indirect_dma semaphore(%arg20 : memref<!tpu.dma_semaphore, #tpu.memory_space<semaphore_mem>>) src(%arg14 : memref<80x128xf32, #tpu.memory_space<vmem>>) dst(%dma_wait3A_87 : memref<10240x128xf32, #tpu.memory_space<vmem_shared>>)
      %lt3A_88 = arith.constant 125 : i32
      %lt3A_89 = arith.cmpi slt, %add3A_84, %lt3A_88 : i32
      %convert_element_type3A_90 = arith.extui %lt3A_89 : i1 to i32
      %cond3A_91 = arith.constant 0 : i32
      %cond3A_92 = arith.cmpi ne, %convert_element_type3A_90, %cond3A_91 : i32
      scf.if %cond3A_92 {
        %mul3A_105 = arith.constant 80 : i32
        %mul3A_106 = arith.muli %add3A_84, %mul3A_105 : i32
        %add3A_107 = arith.addi %mul3A_4, %mul3A_106 : i32
        "tpu.region"() ({
          %run_scoped3A = tpu.sem_alloc : memref<!tpu.dma_semaphore, #tpu.memory_space<semaphore_mem>>
          %dma_start3A_111 = tpu.memref_slice %arg3[%add3A_107] : memref<320000xi32, #tpu.memory_space<hbm>> -> memref<80xi32, #tpu.memory_space<hbm>>
          %dma_start3A_112 = tpu.memref_slice %arg3[%add3A_107] : memref<320000xi32, #tpu.memory_space<hbm>> -> memref<80xi32, #tpu.memory_space<hbm>>
          tpu.enqueue_dma source(%dma_start3A_112 : memref<80xi32, #tpu.memory_space<hbm>>) target(%arg8 : memref<80xi32, #tpu.memory_space<vmem>>) target_semaphore(%run_scoped3A : memref<!tpu.dma_semaphore, #tpu.memory_space<semaphore_mem>>)
          %dma_wait3A_113 = tpu.memref_slice %arg3[%add3A_107] : memref<320000xi32, #tpu.memory_space<hbm>> -> memref<80xi32, #tpu.memory_space<hbm>>
          %dma_wait3A_114 = tpu.memref_slice %arg3[%add3A_107] : memref<320000xi32, #tpu.memory_space<hbm>> -> memref<80xi32, #tpu.memory_space<hbm>>
          tpu.wait_dma2 semaphore(%run_scoped3A : memref<!tpu.dma_semaphore, #tpu.memory_space<semaphore_mem>>) src(%dma_wait3A_114 : memref<80xi32, #tpu.memory_space<hbm>>) dst(%arg8 : memref<80xi32, #tpu.memory_space<vmem>>)
          tpu.yield
        }) : () -> ()
        "tpu.region"() ({
          %run_scoped3A = tpu.sem_alloc : memref<!tpu.dma_semaphore, #tpu.memory_space<semaphore_mem>>
          %dma_start3A_111 = tpu.memref_slice %arg4[%add3A_107] : memref<320000xi32, #tpu.memory_space<hbm>> -> memref<80xi32, #tpu.memory_space<hbm>>
          %dma_start3A_112 = tpu.memref_slice %arg4[%add3A_107] : memref<320000xi32, #tpu.memory_space<hbm>> -> memref<80xi32, #tpu.memory_space<hbm>>
          tpu.enqueue_dma source(%dma_start3A_112 : memref<80xi32, #tpu.memory_space<hbm>>) target(%arg11 : memref<80xi32, #tpu.memory_space<vmem>>) target_semaphore(%run_scoped3A : memref<!tpu.dma_semaphore, #tpu.memory_space<semaphore_mem>>)
          %dma_wait3A_113 = tpu.memref_slice %arg4[%add3A_107] : memref<320000xi32, #tpu.memory_space<hbm>> -> memref<80xi32, #tpu.memory_space<hbm>>
          %dma_wait3A_114 = tpu.memref_slice %arg4[%add3A_107] : memref<320000xi32, #tpu.memory_space<hbm>> -> memref<80xi32, #tpu.memory_space<hbm>>
          tpu.wait_dma2 semaphore(%run_scoped3A : memref<!tpu.dma_semaphore, #tpu.memory_space<semaphore_mem>>) src(%dma_wait3A_114 : memref<80xi32, #tpu.memory_space<hbm>>) dst(%arg11 : memref<80xi32, #tpu.memory_space<vmem>>)
          tpu.yield
        }) : () -> ()
        %dma_start3A_108 = arith.constant 0 : i32
        %dma_start3A_109 = arith.constant 0 : i32
        %dma_start3A_110 = tpu.memref_slice %arg2[%dma_start3A_108, %dma_start3A_109] : memref<10000x128xf32, #tpu.memory_space<hbm>> -> memref<10000x128xf32, #tpu.memory_space<hbm>>
        tpu.enqueue_indirect_dma source(%dma_start3A_110 : memref<10000x128xf32, #tpu.memory_space<hbm>>) target(%arg14 : memref<80x128xf32, #tpu.memory_space<vmem>>) offsets(%arg8 : memref<80xi32, #tpu.memory_space<vmem>>) semaphore(%arg17 : memref<!tpu.dma_semaphore, #tpu.memory_space<semaphore_mem>>)
      } else {
      }
      %add3A_93 = arith.constant 3 : i32
      %add3A_94 = arith.addi %mul3A_53, %add3A_93 : i32
      %add3A_95 = arith.constant 2 : i32
      %add3A_96 = arith.addi %add3A_94, %add3A_95 : i32
      %dma_wait3A_97 = arith.constant 0 : i32
      %dma_wait3A_98 = arith.constant 0 : i32
      %dma_wait3A_99 = tpu.memref_slice %arg22[%dma_wait3A_97, %dma_wait3A_98] : memref<10240x128xf32, #tpu.memory_space<vmem_shared>> -> memref<10240x128xf32, #tpu.memory_space<vmem_shared>>
      tpu.wait_indirect_dma semaphore(%arg21 : memref<!tpu.dma_semaphore, #tpu.memory_space<semaphore_mem>>) src(%arg15 : memref<80x128xf32, #tpu.memory_space<vmem>>) dst(%dma_wait3A_99 : memref<10240x128xf32, #tpu.memory_space<vmem_shared>>)
      %lt3A_100 = arith.constant 125 : i32
      %lt3A_101 = arith.cmpi slt, %add3A_96, %lt3A_100 : i32
      %convert_element_type3A_102 = arith.extui %lt3A_101 : i1 to i32
      %cond3A_103 = arith.constant 0 : i32
      %cond3A_104 = arith.cmpi ne, %convert_element_type3A_102, %cond3A_103 : i32
      scf.if %cond3A_104 {
        %mul3A_105 = arith.constant 80 : i32
        %mul3A_106 = arith.muli %add3A_96, %mul3A_105 : i32
        %add3A_107 = arith.addi %mul3A_4, %mul3A_106 : i32
        "tpu.region"() ({
          %run_scoped3A = tpu.sem_alloc : memref<!tpu.dma_semaphore, #tpu.memory_space<semaphore_mem>>
          %dma_start3A_111 = tpu.memref_slice %arg3[%add3A_107] : memref<320000xi32, #tpu.memory_space<hbm>> -> memref<80xi32, #tpu.memory_space<hbm>>
          %dma_start3A_112 = tpu.memref_slice %arg3[%add3A_107] : memref<320000xi32, #tpu.memory_space<hbm>> -> memref<80xi32, #tpu.memory_space<hbm>>
          tpu.enqueue_dma source(%dma_start3A_112 : memref<80xi32, #tpu.memory_space<hbm>>) target(%arg9 : memref<80xi32, #tpu.memory_space<vmem>>) target_semaphore(%run_scoped3A : memref<!tpu.dma_semaphore, #tpu.memory_space<semaphore_mem>>)
          %dma_wait3A_113 = tpu.memref_slice %arg3[%add3A_107] : memref<320000xi32, #tpu.memory_space<hbm>> -> memref<80xi32, #tpu.memory_space<hbm>>
          %dma_wait3A_114 = tpu.memref_slice %arg3[%add3A_107] : memref<320000xi32, #tpu.memory_space<hbm>> -> memref<80xi32, #tpu.memory_space<hbm>>
          tpu.wait_dma2 semaphore(%run_scoped3A : memref<!tpu.dma_semaphore, #tpu.memory_space<semaphore_mem>>) src(%dma_wait3A_114 : memref<80xi32, #tpu.memory_space<hbm>>) dst(%arg9 : memref<80xi32, #tpu.memory_space<vmem>>)
          tpu.yield
        }) : () -> ()
        "tpu.region"() ({
          %run_scoped3A = tpu.sem_alloc : memref<!tpu.dma_semaphore, #tpu.memory_space<semaphore_mem>>
          %dma_start3A_111 = tpu.memref_slice %arg4[%add3A_107] : memref<320000xi32, #tpu.memory_space<hbm>> -> memref<80xi32, #tpu.memory_space<hbm>>
          %dma_start3A_112 = tpu.memref_slice %arg4[%add3A_107] : memref<320000xi32, #tpu.memory_space<hbm>> -> memref<80xi32, #tpu.memory_space<hbm>>
          tpu.enqueue_dma source(%dma_start3A_112 : memref<80xi32, #tpu.memory_space<hbm>>) target(%arg12 : memref<80xi32, #tpu.memory_space<vmem>>) target_semaphore(%run_scoped3A : memref<!tpu.dma_semaphore, #tpu.memory_space<semaphore_mem>>)
          %dma_wait3A_113 = tpu.memref_slice %arg4[%add3A_107] : memref<320000xi32, #tpu.memory_space<hbm>> -> memref<80xi32, #tpu.memory_space<hbm>>
          %dma_wait3A_114 = tpu.memref_slice %arg4[%add3A_107] : memref<320000xi32, #tpu.memory_space<hbm>> -> memref<80xi32, #tpu.memory_space<hbm>>
          tpu.wait_dma2 semaphore(%run_scoped3A : memref<!tpu.dma_semaphore, #tpu.memory_space<semaphore_mem>>) src(%dma_wait3A_114 : memref<80xi32, #tpu.memory_space<hbm>>) dst(%arg12 : memref<80xi32, #tpu.memory_space<vmem>>)
          tpu.yield
        }) : () -> ()
        %dma_start3A_108 = arith.constant 0 : i32
        %dma_start3A_109 = arith.constant 0 : i32
        %dma_start3A_110 = tpu.memref_slice %arg2[%dma_start3A_108, %dma_start3A_109] : memref<10000x128xf32, #tpu.memory_space<hbm>> -> memref<10000x128xf32, #tpu.memory_space<hbm>>
        tpu.enqueue_indirect_dma source(%dma_start3A_110 : memref<10000x128xf32, #tpu.memory_space<hbm>>) target(%arg15 : memref<80x128xf32, #tpu.memory_space<vmem>>) offsets(%arg9 : memref<80xi32, #tpu.memory_space<vmem>>) semaphore(%arg18 : memref<!tpu.dma_semaphore, #tpu.memory_space<semaphore_mem>>)
      } else {
      }
    }
    %scan3A_28 = arith.constant 41 : i32
    %dma_wait3A = arith.constant 0 : i32
    %dma_wait3A_29 = arith.constant 0 : i32
    %dma_wait3A_30 = tpu.memref_slice %arg2[%dma_wait3A, %dma_wait3A_29] : memref<10000x128xf32, #tpu.memory_space<hbm>> -> memref<10000x128xf32, #tpu.memory_space<hbm>>
    tpu.wait_indirect_dma semaphore(%arg16 : memref<!tpu.dma_semaphore, #tpu.memory_space<semaphore_mem>>) src(%dma_wait3A_30 : memref<10000x128xf32, #tpu.memory_space<hbm>>) dst(%arg13 : memref<80x128xf32, #tpu.memory_space<vmem>>)
    %dma_start3A_31 = arith.constant 0 : i32
    %dma_start3A_32 = arith.constant 0 : i32
    %dma_start3A_33 = tpu.memref_slice %arg22[%dma_start3A_31, %dma_start3A_32] : memref<10240x128xf32, #tpu.memory_space<vmem_shared>> -> memref<10240x128xf32, #tpu.memory_space<vmem_shared>>
    tpu.enqueue_indirect_dma source(%arg13 : memref<80x128xf32, #tpu.memory_space<vmem>>) target(%dma_start3A_33 : memref<10240x128xf32, #tpu.memory_space<vmem_shared>>) offsets(%arg10 : memref<80xi32, #tpu.memory_space<vmem>>) semaphore(%arg19 : memref<!tpu.dma_semaphore, #tpu.memory_space<semaphore_mem>>) {add = true}
    %dma_wait3A_34 = arith.constant 0 : i32
    %dma_wait3A_35 = arith.constant 0 : i32
    %dma_wait3A_36 = tpu.memref_slice %arg2[%dma_wait3A_34, %dma_wait3A_35] : memref<10000x128xf32, #tpu.memory_space<hbm>> -> memref<10000x128xf32, #tpu.memory_space<hbm>>
    tpu.wait_indirect_dma semaphore(%arg17 : memref<!tpu.dma_semaphore, #tpu.memory_space<semaphore_mem>>) src(%dma_wait3A_36 : memref<10000x128xf32, #tpu.memory_space<hbm>>) dst(%arg14 : memref<80x128xf32, #tpu.memory_space<vmem>>)
    %dma_start3A_37 = arith.constant 0 : i32
    %dma_start3A_38 = arith.constant 0 : i32
    %dma_start3A_39 = tpu.memref_slice %arg22[%dma_start3A_37, %dma_start3A_38] : memref<10240x128xf32, #tpu.memory_space<vmem_shared>> -> memref<10240x128xf32, #tpu.memory_space<vmem_shared>>
    tpu.enqueue_indirect_dma source(%arg14 : memref<80x128xf32, #tpu.memory_space<vmem>>) target(%dma_start3A_39 : memref<10240x128xf32, #tpu.memory_space<vmem_shared>>) offsets(%arg11 : memref<80xi32, #tpu.memory_space<vmem>>) semaphore(%arg20 : memref<!tpu.dma_semaphore, #tpu.memory_space<semaphore_mem>>) {add = true}
    %dma_wait3A_40 = arith.constant 0 : i32
    %dma_wait3A_41 = arith.constant 0 : i32
    %dma_wait3A_42 = tpu.memref_slice %arg22[%dma_wait3A_40, %dma_wait3A_41] : memref<10240x128xf32, #tpu.memory_space<vmem_shared>> -> memref<10240x128xf32, #tpu.memory_space<vmem_shared>>
    tpu.wait_indirect_dma semaphore(%arg19 : memref<!tpu.dma_semaphore, #tpu.memory_space<semaphore_mem>>) src(%arg13 : memref<80x128xf32, #tpu.memory_space<vmem>>) dst(%dma_wait3A_42 : memref<10240x128xf32, #tpu.memory_space<vmem_shared>>)
    %dma_wait3A_43 = arith.constant 0 : i32
    %dma_wait3A_44 = arith.constant 0 : i32
    %dma_wait3A_45 = tpu.memref_slice %arg22[%dma_wait3A_43, %dma_wait3A_44] : memref<10240x128xf32, #tpu.memory_space<vmem_shared>> -> memref<10240x128xf32, #tpu.memory_space<vmem_shared>>
    tpu.wait_indirect_dma semaphore(%arg20 : memref<!tpu.dma_semaphore, #tpu.memory_space<semaphore_mem>>) src(%arg14 : memref<80x128xf32, #tpu.memory_space<vmem>>) dst(%dma_wait3A_45 : memref<10240x128xf32, #tpu.memory_space<vmem_shared>>)
    %barrier3A_46 = arith.constant 0 : index
    tpu.barrier barrier_id(%barrier3A_46)
    "tpu.region"() ({
      %run_scoped3A = tpu.sem_alloc : memref<!tpu.dma_semaphore, #tpu.memory_space<semaphore_mem>>
      %dma_start3A_47 = arith.constant 0 : i32
      %dma_start3A_48 = tpu.memref_slice %arg6[%arg0, %mul3A_2, %dma_start3A_47] : memref<2x10240x128xf32, #tpu.memory_space<hbm>> -> memref<1x640x128xf32, #tpu.memory_space<hbm>>
      %dma_start3A_49 = tpu.memref_squeeze %dma_start3A_48 : memref<1x640x128xf32, #tpu.memory_space<hbm>> -> memref<640x128xf32, #tpu.memory_space<hbm>>
      %dma_start3A_50 = arith.constant 0 : i32
      %dma_start3A_51 = tpu.memref_slice %arg22[%mul3A_2, %dma_start3A_50] : memref<10240x128xf32, #tpu.memory_space<vmem_shared>> -> memref<640x128xf32, #tpu.memory_space<vmem_shared>>
      tpu.enqueue_dma source(%dma_start3A_51 : memref<640x128xf32, #tpu.memory_space<vmem_shared>>) target(%dma_start3A_49 : memref<640x128xf32, #tpu.memory_space<hbm>>) target_semaphore(%run_scoped3A : memref<!tpu.dma_semaphore, #tpu.memory_space<semaphore_mem>>)
      %dma_wait3A_52 = arith.constant 0 : i32
      %dma_wait3A_53 = tpu.memref_slice %arg6[%arg0, %mul3A_2, %dma_wait3A_52] : memref<2x10240x128xf32, #tpu.memory_space<hbm>> -> memref<1x640x128xf32, #tpu.memory_space<hbm>>
      %dma_wait3A_54 = tpu.memref_squeeze %dma_wait3A_53 : memref<1x640x128xf32, #tpu.memory_space<hbm>> -> memref<640x128xf32, #tpu.memory_space<hbm>>
      %dma_wait3A_55 = arith.constant 0 : i32
      %dma_wait3A_56 = tpu.memref_slice %arg22[%mul3A_2, %dma_wait3A_55] : memref<10240x128xf32, #tpu.memory_space<vmem_shared>> -> memref<640x128xf32, #tpu.memory_space<vmem_shared>>
      tpu.wait_dma2 semaphore(%run_scoped3A : memref<!tpu.dma_semaphore, #tpu.memory_space<semaphore_mem>>) src(%dma_wait3A_56 : memref<640x128xf32, #tpu.memory_space<vmem_shared>>) dst(%dma_wait3A_54 : memref<640x128xf32, #tpu.memory_space<hbm>>)
      tpu.yield
    }) : () -> ()
    return
  }
}

module attributes {stable_mosaic.version = 14 : i64} {
  func.func @_k1_body(%arg0: i32, %arg1: memref<2x2000x128xf32, #tpu.memory_space<vmem>>, %arg2: memref<2000x128xf32, #tpu.memory_space<vmem>>, %arg3: memref<128x128xf32, #tpu.memory_space<vmem>>, %arg4: memref<2000x128xf32, #tpu.memory_space<vmem>>) attributes {dimension_semantics = [#tpu.dimension_semantics<arbitrary>], iteration_bounds = array<i64: 5>, scalar_prefetch = 0 : i64, scratch_operands = 0 : i64, tpu.core_type = #tpu.core_type<tc>, window_params = [{transform_indices = @transform_0, window_bounds = array<i64: 2, 2000, 128>}, {transform_indices = @transform_1, window_bounds = array<i64: 2000, 128>}, {pipeline_mode = #tpu.pipeline_mode<synchronous>, transform_indices = @transform_2, window_bounds = array<i64: 128, 128>}, {transform_indices = @transform_3, window_bounds = array<i64: 2000, 128>}]} {
    %get3A = arith.constant 0 : index
    %get3A_0 = arith.constant 0 : index
    %get3A_1 = vector.load %arg2[%get3A, %get3A_0] : memref<2000x128xf32, #tpu.memory_space<vmem>>, vector<2000x128xf32>
    %get3A_2 = arith.constant 0 : index
    %get3A_3 = arith.constant 0 : index
    %get3A_4 = vector.load %arg3[%get3A_2, %get3A_3] : memref<128x128xf32, #tpu.memory_space<vmem>>, vector<128x128xf32>
    %dot_general3A = arith.constant dense<0.000000e+00> : vector<2000x128xf32>
    %dot_general3A_5 = tpu.matmul %get3A_1, %get3A_4, %dot_general3A {dimension_numbers = #tpu.dot_dimension_numbers<[1], [0], [0], [1], [0, 0, 1, 1], [], []>, transpose_lhs_hint = false} : vector<2000x128xf32>, vector<128x128xf32>, vector<2000x128xf32> -> vector<2000x128xf32>
    %get3A_6 = arith.constant 0 : index
    %get3A_7 = arith.constant 0 : index
    %get3A_8 = arith.constant 0 : index
    %get3A_9 = vector.load %arg1[%get3A_6, %get3A_7, %get3A_8] : memref<2x2000x128xf32, #tpu.memory_space<vmem>>, vector<1x2000x1xf32>
    %get3A_10 = vector.shape_cast %get3A_9 : vector<1x2000x1xf32> to vector<2000xf32>
    %get3A_11 = arith.constant 1 : index
    %get3A_12 = arith.constant 0 : index
    %get3A_13 = arith.constant 0 : index
    %get3A_14 = vector.load %arg1[%get3A_11, %get3A_12, %get3A_13] : memref<2x2000x128xf32, #tpu.memory_space<vmem>>, vector<1x2000x1xf32>
    %get3A_15 = vector.shape_cast %get3A_14 : vector<1x2000x1xf32> to vector<2000xf32>
    %add3A = arith.addf %get3A_10, %get3A_15 : vector<2000xf32>
    %add3A_16 = arith.constant 1.000000e+00 : f32
    %add3A_17 = vector.broadcast %add3A_16 : f32 to vector<2000xf32>
    %add3A_18 = arith.addf %add3A, %add3A_17 : vector<2000xf32>
    %rsqrt3A = math.rsqrt %add3A_18 : vector<2000xf32>
    %broadcast_in_dim3A = vector.shape_cast %rsqrt3A : vector<2000xf32> to vector<2000x1xf32>
    %mul3A = vector.broadcast %broadcast_in_dim3A : vector<2000x1xf32> to vector<2000x128xf32>
    %mul3A_19 = arith.mulf %dot_general3A_5, %mul3A : vector<2000x128xf32>
    %swap3A = arith.constant 0 : index
    %swap3A_20 = arith.constant 0 : index
    %swap3A_21 = vector.load %arg4[%swap3A, %swap3A_20] : memref<2000x128xf32, #tpu.memory_space<vmem>>, vector<2000x128xf32>
    tpu.vector_store %arg4[%swap3A, %swap3A_20], %mul3A_19 {strides = array<i32>} : memref<2000x128xf32, #tpu.memory_space<vmem>>, vector<2000x128xf32>,
    return
  }
  func.func @transform_0(%arg0: i32) -> (i32, i32, i32) {
    %c0_i32 = arith.constant 0 : i32
    %c0_i32_0 = arith.constant 0 : i32
    %c0_i32_1 = arith.constant 0 : i32
    return %c0_i32, %arg0, %c0_i32_0 : i32, i32, i32
  }
  func.func @transform_1(%arg0: i32) -> (i32, i32) {
    %c0_i32 = arith.constant 0 : i32
    %c0_i32_0 = arith.constant 0 : i32
    return %arg0, %c0_i32 : i32, i32
  }
  func.func @transform_2(%arg0: i32) -> (i32, i32) {
    %c0_i32 = arith.constant 0 : i32
    %c0_i32_0 = arith.constant 0 : i32
    %c0_i32_1 = arith.constant 0 : i32
    return %c0_i32, %c0_i32_0 : i32, i32
  }
  func.func @transform_3(%arg0: i32) -> (i32, i32) {
    %c0_i32 = arith.constant 0 : i32
    %c0_i32_0 = arith.constant 0 : i32
    return %arg0, %c0_i32 : i32, i32
  }
}

module attributes {stable_mosaic.version = 14 : i64} {
  func.func @_mid_body(%arg0: i32, %arg1: memref<2x2000x128xf32, #tpu.memory_space<vmem>>, %arg2: memref<2x2000x128xf32, #tpu.memory_space<vmem>>, %arg3: memref<2000x128xf32, #tpu.memory_space<vmem>>, %arg4: memref<128xf32, #tpu.memory_space<vmem>>, %arg5: memref<128x128xf32, #tpu.memory_space<vmem>>, %arg6: memref<2000x128xf32, #tpu.memory_space<vmem>>) attributes {dimension_semantics = [#tpu.dimension_semantics<arbitrary>], iteration_bounds = array<i64: 5>, scalar_prefetch = 0 : i64, scratch_operands = 0 : i64, tpu.core_type = #tpu.core_type<tc>, window_params = [{transform_indices = @transform_0, window_bounds = array<i64: 2, 2000, 128>}, {transform_indices = @transform_1, window_bounds = array<i64: 2, 2000, 128>}, {transform_indices = @transform_2, window_bounds = array<i64: 2000, 128>}, {pipeline_mode = #tpu.pipeline_mode<synchronous>, transform_indices = @transform_3, window_bounds = array<i64: 128>}, {pipeline_mode = #tpu.pipeline_mode<synchronous>, transform_indices = @transform_4, window_bounds = array<i64: 128, 128>}, {transform_indices = @transform_5, window_bounds = array<i64: 2000, 128>}]} {
    %get3A = arith.constant 0 : index
    %get3A_0 = arith.constant 0 : index
    %get3A_1 = arith.constant 0 : index
    %get3A_2 = vector.load %arg1[%get3A, %get3A_0, %get3A_1] : memref<2x2000x128xf32, #tpu.memory_space<vmem>>, vector<1x2000x1xf32>
    %get3A_3 = vector.shape_cast %get3A_2 : vector<1x2000x1xf32> to vector<2000xf32>
    %get3A_4 = arith.constant 1 : index
    %get3A_5 = arith.constant 0 : index
    %get3A_6 = arith.constant 0 : index
    %get3A_7 = vector.load %arg1[%get3A_4, %get3A_5, %get3A_6] : memref<2x2000x128xf32, #tpu.memory_space<vmem>>, vector<1x2000x1xf32>
    %get3A_8 = vector.shape_cast %get3A_7 : vector<1x2000x1xf32> to vector<2000xf32>
    %add3A = arith.addf %get3A_3, %get3A_8 : vector<2000xf32>
    %add3A_9 = arith.constant 1.000000e+00 : f32
    %add3A_10 = vector.broadcast %add3A_9 : f32 to vector<2000xf32>
    %add3A_11 = arith.addf %add3A, %add3A_10 : vector<2000xf32>
    %rsqrt3A = math.rsqrt %add3A_11 : vector<2000xf32>
    %broadcast_in_dim3A = vector.shape_cast %rsqrt3A : vector<2000xf32> to vector<2000x1xf32>
    %get3A_12 = arith.constant 0 : index
    %get3A_13 = arith.constant 0 : index
    %get3A_14 = arith.constant 0 : index
    %get3A_15 = vector.load %arg2[%get3A_12, %get3A_13, %get3A_14] : memref<2x2000x128xf32, #tpu.memory_space<vmem>>, vector<1x2000x128xf32>
    %get3A_16 = vector.shape_cast %get3A_15 : vector<1x2000x128xf32> to vector<2000x128xf32>
    %get3A_17 = arith.constant 1 : index
    %get3A_18 = arith.constant 0 : index
    %get3A_19 = arith.constant 0 : index
    %get3A_20 = vector.load %arg2[%get3A_17, %get3A_18, %get3A_19] : memref<2x2000x128xf32, #tpu.memory_space<vmem>>, vector<1x2000x128xf32>
    %get3A_21 = vector.shape_cast %get3A_20 : vector<1x2000x128xf32> to vector<2000x128xf32>
    %add3A_22 = arith.addf %get3A_16, %get3A_21 : vector<2000x128xf32>
    %get3A_23 = arith.constant 0 : index
    %get3A_24 = arith.constant 0 : index
    %get3A_25 = vector.load %arg3[%get3A_23, %get3A_24] : memref<2000x128xf32, #tpu.memory_space<vmem>>, vector<2000x128xf32>
    %add3A_26 = arith.addf %add3A_22, %get3A_25 : vector<2000x128xf32>
    %mul3A = vector.broadcast %broadcast_in_dim3A : vector<2000x1xf32> to vector<2000x128xf32>
    %mul3A_27 = arith.mulf %mul3A, %add3A_26 : vector<2000x128xf32>
    %get3A_28 = arith.constant 0 : index
    %get3A_29 = vector.load %arg4[%get3A_28] : memref<128xf32, #tpu.memory_space<vmem>>, vector<128xf32>
    %broadcast_in_dim3A_30 = vector.shape_cast %get3A_29 : vector<128xf32> to vector<1x128xf32>
    %add3A_31 = vector.broadcast %broadcast_in_dim3A_30 : vector<1x128xf32> to vector<2000x128xf32>
    %add3A_32 = arith.addf %mul3A_27, %add3A_31 : vector<2000x128xf32>
    %get3A_33 = arith.constant 0 : index
    %get3A_34 = arith.constant 0 : index
    %get3A_35 = vector.load %arg5[%get3A_33, %get3A_34] : memref<128x128xf32, #tpu.memory_space<vmem>>, vector<128x128xf32>
    %dot_general3A = arith.constant dense<0.000000e+00> : vector<2000x128xf32>
    %dot_general3A_36 = tpu.matmul %add3A_32, %get3A_35, %dot_general3A {dimension_numbers = #tpu.dot_dimension_numbers<[1], [0], [0], [1], [0, 0, 1, 1], [], []>, transpose_lhs_hint = false} : vector<2000x128xf32>, vector<128x128xf32>, vector<2000x128xf32> -> vector<2000x128xf32>
    %mul3A_37 = vector.broadcast %broadcast_in_dim3A : vector<2000x1xf32> to vector<2000x128xf32>
    %mul3A_38 = arith.mulf %dot_general3A_36, %mul3A_37 : vector<2000x128xf32>
    %swap3A = arith.constant 0 : index
    %swap3A_39 = arith.constant 0 : index
    %swap3A_40 = vector.load %arg6[%swap3A, %swap3A_39] : memref<2000x128xf32, #tpu.memory_space<vmem>>, vector<2000x128xf32>
    tpu.vector_store %arg6[%swap3A, %swap3A_39], %mul3A_38 {strides = array<i32>} : memref<2000x128xf32, #tpu.memory_space<vmem>>, vector<2000x128xf32>,
    return
  }
  func.func @transform_0(%arg0: i32) -> (i32, i32, i32) {
    %c0_i32 = arith.constant 0 : i32
    %c0_i32_0 = arith.constant 0 : i32
    %c0_i32_1 = arith.constant 0 : i32
    return %c0_i32, %arg0, %c0_i32_0 : i32, i32, i32
  }
  func.func @transform_1(%arg0: i32) -> (i32, i32, i32) {
    %c0_i32 = arith.constant 0 : i32
    %c0_i32_0 = arith.constant 0 : i32
    %c0_i32_1 = arith.constant 0 : i32
    return %c0_i32, %arg0, %c0_i32_0 : i32, i32, i32
  }
  func.func @transform_2(%arg0: i32) -> (i32, i32) {
    %c0_i32 = arith.constant 0 : i32
    %c0_i32_0 = arith.constant 0 : i32
    return %arg0, %c0_i32 : i32, i32
  }
  func.func @transform_3(%arg0: i32) -> i32 {
    %c0_i32 = arith.constant 0 : i32
    %c0_i32_0 = arith.constant 0 : i32
    return %c0_i32 : i32
  }
  func.func @transform_4(%arg0: i32) -> (i32, i32) {
    %c0_i32 = arith.constant 0 : i32
    %c0_i32_0 = arith.constant 0 : i32
    %c0_i32_1 = arith.constant 0 : i32
    return %c0_i32, %c0_i32_0 : i32, i32
  }
  func.func @transform_5(%arg0: i32) -> (i32, i32) {
    %c0_i32 = arith.constant 0 : i32
    %c0_i32_0 = arith.constant 0 : i32
    return %arg0, %c0_i32 : i32, i32
  }
}

module attributes {stable_mosaic.version = 14 : i64} {
  func.func @_mid_body(%arg0: i32, %arg1: memref<2x2000x128xf32, #tpu.memory_space<vmem>>, %arg2: memref<2x2000x128xf32, #tpu.memory_space<vmem>>, %arg3: memref<2000x128xf32, #tpu.memory_space<vmem>>, %arg4: memref<128xf32, #tpu.memory_space<vmem>>, %arg5: memref<128x128xf32, #tpu.memory_space<vmem>>, %arg6: memref<2000x128xf32, #tpu.memory_space<vmem>>) attributes {dimension_semantics = [#tpu.dimension_semantics<arbitrary>], iteration_bounds = array<i64: 5>, scalar_prefetch = 0 : i64, scratch_operands = 0 : i64, tpu.core_type = #tpu.core_type<tc>, window_params = [{transform_indices = @transform_0, window_bounds = array<i64: 2, 2000, 128>}, {transform_indices = @transform_1, window_bounds = array<i64: 2, 2000, 128>}, {transform_indices = @transform_2, window_bounds = array<i64: 2000, 128>}, {pipeline_mode = #tpu.pipeline_mode<synchronous>, transform_indices = @transform_3, window_bounds = array<i64: 128>}, {pipeline_mode = #tpu.pipeline_mode<synchronous>, transform_indices = @transform_4, window_bounds = array<i64: 128, 128>}, {transform_indices = @transform_5, window_bounds = array<i64: 2000, 128>}]} {
    %get3A = arith.constant 0 : index
    %get3A_0 = arith.constant 0 : index
    %get3A_1 = arith.constant 0 : index
    %get3A_2 = vector.load %arg1[%get3A, %get3A_0, %get3A_1] : memref<2x2000x128xf32, #tpu.memory_space<vmem>>, vector<1x2000x1xf32>
    %get3A_3 = vector.shape_cast %get3A_2 : vector<1x2000x1xf32> to vector<2000xf32>
    %get3A_4 = arith.constant 1 : index
    %get3A_5 = arith.constant 0 : index
    %get3A_6 = arith.constant 0 : index
    %get3A_7 = vector.load %arg1[%get3A_4, %get3A_5, %get3A_6] : memref<2x2000x128xf32, #tpu.memory_space<vmem>>, vector<1x2000x1xf32>
    %get3A_8 = vector.shape_cast %get3A_7 : vector<1x2000x1xf32> to vector<2000xf32>
    %add3A = arith.addf %get3A_3, %get3A_8 : vector<2000xf32>
    %add3A_9 = arith.constant 1.000000e+00 : f32
    %add3A_10 = vector.broadcast %add3A_9 : f32 to vector<2000xf32>
    %add3A_11 = arith.addf %add3A, %add3A_10 : vector<2000xf32>
    %rsqrt3A = math.rsqrt %add3A_11 : vector<2000xf32>
    %broadcast_in_dim3A = vector.shape_cast %rsqrt3A : vector<2000xf32> to vector<2000x1xf32>
    %get3A_12 = arith.constant 0 : index
    %get3A_13 = arith.constant 0 : index
    %get3A_14 = arith.constant 0 : index
    %get3A_15 = vector.load %arg2[%get3A_12, %get3A_13, %get3A_14] : memref<2x2000x128xf32, #tpu.memory_space<vmem>>, vector<1x2000x128xf32>
    %get3A_16 = vector.shape_cast %get3A_15 : vector<1x2000x128xf32> to vector<2000x128xf32>
    %get3A_17 = arith.constant 1 : index
    %get3A_18 = arith.constant 0 : index
    %get3A_19 = arith.constant 0 : index
    %get3A_20 = vector.load %arg2[%get3A_17, %get3A_18, %get3A_19] : memref<2x2000x128xf32, #tpu.memory_space<vmem>>, vector<1x2000x128xf32>
    %get3A_21 = vector.shape_cast %get3A_20 : vector<1x2000x128xf32> to vector<2000x128xf32>
    %add3A_22 = arith.addf %get3A_16, %get3A_21 : vector<2000x128xf32>
    %get3A_23 = arith.constant 0 : index
    %get3A_24 = arith.constant 0 : index
    %get3A_25 = vector.load %arg3[%get3A_23, %get3A_24] : memref<2000x128xf32, #tpu.memory_space<vmem>>, vector<2000x128xf32>
    %add3A_26 = arith.addf %add3A_22, %get3A_25 : vector<2000x128xf32>
    %mul3A = vector.broadcast %broadcast_in_dim3A : vector<2000x1xf32> to vector<2000x128xf32>
    %mul3A_27 = arith.mulf %mul3A, %add3A_26 : vector<2000x128xf32>
    %get3A_28 = arith.constant 0 : index
    %get3A_29 = vector.load %arg4[%get3A_28] : memref<128xf32, #tpu.memory_space<vmem>>, vector<128xf32>
    %broadcast_in_dim3A_30 = vector.shape_cast %get3A_29 : vector<128xf32> to vector<1x128xf32>
    %add3A_31 = vector.broadcast %broadcast_in_dim3A_30 : vector<1x128xf32> to vector<2000x128xf32>
    %add3A_32 = arith.addf %mul3A_27, %add3A_31 : vector<2000x128xf32>
    %max3A = arith.constant 0.000000e+00 : f32
    %max3A_33 = vector.broadcast %max3A : f32 to vector<2000x128xf32>
    %max3A_34 = arith.maximumf %add3A_32, %max3A_33 : vector<2000x128xf32>
    %get3A_35 = arith.constant 0 : index
    %get3A_36 = arith.constant 0 : index
    %get3A_37 = vector.load %arg5[%get3A_35, %get3A_36] : memref<128x128xf32, #tpu.memory_space<vmem>>, vector<128x128xf32>
    %dot_general3A = arith.constant dense<0.000000e+00> : vector<2000x128xf32>
    %dot_general3A_38 = tpu.matmul %max3A_34, %get3A_37, %dot_general3A {dimension_numbers = #tpu.dot_dimension_numbers<[1], [0], [0], [1], [0, 0, 1, 1], [], []>, transpose_lhs_hint = false} : vector<2000x128xf32>, vector<128x128xf32>, vector<2000x128xf32> -> vector<2000x128xf32>
    %mul3A_39 = vector.broadcast %broadcast_in_dim3A : vector<2000x1xf32> to vector<2000x128xf32>
    %mul3A_40 = arith.mulf %dot_general3A_38, %mul3A_39 : vector<2000x128xf32>
    %swap3A = arith.constant 0 : index
    %swap3A_41 = arith.constant 0 : index
    %swap3A_42 = vector.load %arg6[%swap3A, %swap3A_41] : memref<2000x128xf32, #tpu.memory_space<vmem>>, vector<2000x128xf32>
    tpu.vector_store %arg6[%swap3A, %swap3A_41], %mul3A_40 {strides = array<i32>} : memref<2000x128xf32, #tpu.memory_space<vmem>>, vector<2000x128xf32>,
    return
  }
  func.func @transform_0(%arg0: i32) -> (i32, i32, i32) {
    %c0_i32 = arith.constant 0 : i32
    %c0_i32_0 = arith.constant 0 : i32
    %c0_i32_1 = arith.constant 0 : i32
    return %c0_i32, %arg0, %c0_i32_0 : i32, i32, i32
  }
  func.func @transform_1(%arg0: i32) -> (i32, i32, i32) {
    %c0_i32 = arith.constant 0 : i32
    %c0_i32_0 = arith.constant 0 : i32
    %c0_i32_1 = arith.constant 0 : i32
    return %c0_i32, %arg0, %c0_i32_0 : i32, i32, i32
  }
  func.func @transform_2(%arg0: i32) -> (i32, i32) {
    %c0_i32 = arith.constant 0 : i32
    %c0_i32_0 = arith.constant 0 : i32
    return %arg0, %c0_i32 : i32, i32
  }
  func.func @transform_3(%arg0: i32) -> i32 {
    %c0_i32 = arith.constant 0 : i32
    %c0_i32_0 = arith.constant 0 : i32
    return %c0_i32 : i32
  }
  func.func @transform_4(%arg0: i32) -> (i32, i32) {
    %c0_i32 = arith.constant 0 : i32
    %c0_i32_0 = arith.constant 0 : i32
    %c0_i32_1 = arith.constant 0 : i32
    return %c0_i32, %c0_i32_0 : i32, i32
  }
  func.func @transform_5(%arg0: i32) -> (i32, i32) {
    %c0_i32 = arith.constant 0 : i32
    %c0_i32_0 = arith.constant 0 : i32
    return %arg0, %c0_i32 : i32, i32
  }
}

module attributes {stable_mosaic.version = 14 : i64} {
  func.func @_k4_body(%arg0: i32, %arg1: memref<2x2000x128xf32, #tpu.memory_space<vmem>>, %arg2: memref<2x2000x128xf32, #tpu.memory_space<vmem>>, %arg3: memref<2000x128xf32, #tpu.memory_space<vmem>>, %arg4: memref<128xf32, #tpu.memory_space<vmem>>, %arg5: memref<2000x128xf32, #tpu.memory_space<vmem>>, %arg6: memref<2000x128xf32, #tpu.memory_space<vmem>>) attributes {dimension_semantics = [#tpu.dimension_semantics<arbitrary>], iteration_bounds = array<i64: 5>, scalar_prefetch = 0 : i64, scratch_operands = 0 : i64, tpu.core_type = #tpu.core_type<tc>, window_params = [{transform_indices = @transform_0, window_bounds = array<i64: 2, 2000, 128>}, {transform_indices = @transform_1, window_bounds = array<i64: 2, 2000, 128>}, {transform_indices = @transform_2, window_bounds = array<i64: 2000, 128>}, {pipeline_mode = #tpu.pipeline_mode<synchronous>, transform_indices = @transform_3, window_bounds = array<i64: 128>}, {transform_indices = @transform_4, window_bounds = array<i64: 2000, 128>}, {transform_indices = @transform_5, window_bounds = array<i64: 2000, 128>}]} {
    %get3A = arith.constant 0 : index
    %get3A_0 = arith.constant 0 : index
    %get3A_1 = arith.constant 0 : index
    %get3A_2 = vector.load %arg1[%get3A, %get3A_0, %get3A_1] : memref<2x2000x128xf32, #tpu.memory_space<vmem>>, vector<1x2000x1xf32>
    %get3A_3 = vector.shape_cast %get3A_2 : vector<1x2000x1xf32> to vector<2000xf32>
    %get3A_4 = arith.constant 1 : index
    %get3A_5 = arith.constant 0 : index
    %get3A_6 = arith.constant 0 : index
    %get3A_7 = vector.load %arg1[%get3A_4, %get3A_5, %get3A_6] : memref<2x2000x128xf32, #tpu.memory_space<vmem>>, vector<1x2000x1xf32>
    %get3A_8 = vector.shape_cast %get3A_7 : vector<1x2000x1xf32> to vector<2000xf32>
    %add3A = arith.addf %get3A_3, %get3A_8 : vector<2000xf32>
    %add3A_9 = arith.constant 1.000000e+00 : f32
    %add3A_10 = vector.broadcast %add3A_9 : f32 to vector<2000xf32>
    %add3A_11 = arith.addf %add3A, %add3A_10 : vector<2000xf32>
    %rsqrt3A = math.rsqrt %add3A_11 : vector<2000xf32>
    %broadcast_in_dim3A = vector.shape_cast %rsqrt3A : vector<2000xf32> to vector<2000x1xf32>
    %get3A_12 = arith.constant 0 : index
    %get3A_13 = arith.constant 0 : index
    %get3A_14 = arith.constant 0 : index
    %get3A_15 = vector.load %arg2[%get3A_12, %get3A_13, %get3A_14] : memref<2x2000x128xf32, #tpu.memory_space<vmem>>, vector<1x2000x128xf32>
    %get3A_16 = vector.shape_cast %get3A_15 : vector<1x2000x128xf32> to vector<2000x128xf32>
    %get3A_17 = arith.constant 1 : index
    %get3A_18 = arith.constant 0 : index
    %get3A_19 = arith.constant 0 : index
    %get3A_20 = vector.load %arg2[%get3A_17, %get3A_18, %get3A_19] : memref<2x2000x128xf32, #tpu.memory_space<vmem>>, vector<1x2000x128xf32>
    %get3A_21 = vector.shape_cast %get3A_20 : vector<1x2000x128xf32> to vector<2000x128xf32>
    %add3A_22 = arith.addf %get3A_16, %get3A_21 : vector<2000x128xf32>
    %get3A_23 = arith.constant 0 : index
    %get3A_24 = arith.constant 0 : index
    %get3A_25 = vector.load %arg3[%get3A_23, %get3A_24] : memref<2000x128xf32, #tpu.memory_space<vmem>>, vector<2000x128xf32>
    %add3A_26 = arith.addf %add3A_22, %get3A_25 : vector<2000x128xf32>
    %mul3A = vector.broadcast %broadcast_in_dim3A : vector<2000x1xf32> to vector<2000x128xf32>
    %mul3A_27 = arith.mulf %mul3A, %add3A_26 : vector<2000x128xf32>
    %get3A_28 = arith.constant 0 : index
    %get3A_29 = vector.load %arg4[%get3A_28] : memref<128xf32, #tpu.memory_space<vmem>>, vector<128xf32>
    %broadcast_in_dim3A_30 = vector.shape_cast %get3A_29 : vector<128xf32> to vector<1x128xf32>
    %add3A_31 = vector.broadcast %broadcast_in_dim3A_30 : vector<1x128xf32> to vector<2000x128xf32>
    %add3A_32 = arith.addf %mul3A_27, %add3A_31 : vector<2000x128xf32>
    %max3A = arith.constant 0.000000e+00 : f32
    %max3A_33 = vector.broadcast %max3A : f32 to vector<2000x128xf32>
    %max3A_34 = arith.maximumf %add3A_32, %max3A_33 : vector<2000x128xf32>
    %swap3A = arith.constant 0 : index
    %swap3A_35 = arith.constant 0 : index
    %swap3A_36 = vector.load %arg5[%swap3A, %swap3A_35] : memref<2000x128xf32, #tpu.memory_space<vmem>>, vector<2000x128xf32>
    tpu.vector_store %arg5[%swap3A, %swap3A_35], %max3A_34 {strides = array<i32>} : memref<2000x128xf32, #tpu.memory_space<vmem>>, vector<2000x128xf32>,
    %mul3A_37 = vector.broadcast %broadcast_in_dim3A : vector<2000x1xf32> to vector<2000x128xf32>
    %mul3A_38 = arith.mulf %max3A_34, %mul3A_37 : vector<2000x128xf32>
    %swap3A_39 = arith.constant 0 : index
    %swap3A_40 = arith.constant 0 : index
    %swap3A_41 = vector.load %arg6[%swap3A_39, %swap3A_40] : memref<2000x128xf32, #tpu.memory_space<vmem>>, vector<2000x128xf32>
    tpu.vector_store %arg6[%swap3A_39, %swap3A_40], %mul3A_38 {strides = array<i32>} : memref<2000x128xf32, #tpu.memory_space<vmem>>, vector<2000x128xf32>,
    return
  }
  func.func @transform_0(%arg0: i32) -> (i32, i32, i32) {
    %c0_i32 = arith.constant 0 : i32
    %c0_i32_0 = arith.constant 0 : i32
    %c0_i32_1 = arith.constant 0 : i32
    return %c0_i32, %arg0, %c0_i32_0 : i32, i32, i32
  }
  func.func @transform_1(%arg0: i32) -> (i32, i32, i32) {
    %c0_i32 = arith.constant 0 : i32
    %c0_i32_0 = arith.constant 0 : i32
    %c0_i32_1 = arith.constant 0 : i32
    return %c0_i32, %arg0, %c0_i32_0 : i32, i32, i32
  }
  func.func @transform_2(%arg0: i32) -> (i32, i32) {
    %c0_i32 = arith.constant 0 : i32
    %c0_i32_0 = arith.constant 0 : i32
    return %arg0, %c0_i32 : i32, i32
  }
  func.func @transform_3(%arg0: i32) -> i32 {
    %c0_i32 = arith.constant 0 : i32
    %c0_i32_0 = arith.constant 0 : i32
    return %c0_i32 : i32
  }
  func.func @transform_4(%arg0: i32) -> (i32, i32) {
    %c0_i32 = arith.constant 0 : i32
    %c0_i32_0 = arith.constant 0 : i32
    return %arg0, %c0_i32 : i32, i32
  }
  func.func @transform_5(%arg0: i32) -> (i32, i32) {
    %c0_i32 = arith.constant 0 : i32
    %c0_i32_0 = arith.constant 0 : i32
    return %arg0, %c0_i32 : i32, i32
  }
}

module attributes {stable_mosaic.version = 14 : i64} {
  func.func @_k5_body(%arg0: i32, %arg1: memref<2x2000x128xf32, #tpu.memory_space<vmem>>, %arg2: memref<2x2000x128xf32, #tpu.memory_space<vmem>>, %arg3: memref<2000x128xf32, #tpu.memory_space<vmem>>, %arg4: memref<128x40xf32, #tpu.memory_space<vmem>>, %arg5: memref<40xf32, #tpu.memory_space<vmem>>, %arg6: memref<2000x40xf32, #tpu.memory_space<vmem>>) attributes {dimension_semantics = [#tpu.dimension_semantics<arbitrary>], iteration_bounds = array<i64: 5>, scalar_prefetch = 0 : i64, scratch_operands = 0 : i64, tpu.core_type = #tpu.core_type<tc>, window_params = [{transform_indices = @transform_0, window_bounds = array<i64: 2, 2000, 128>}, {transform_indices = @transform_1, window_bounds = array<i64: 2, 2000, 128>}, {transform_indices = @transform_2, window_bounds = array<i64: 2000, 128>}, {pipeline_mode = #tpu.pipeline_mode<synchronous>, transform_indices = @transform_3, window_bounds = array<i64: 128, 40>}, {pipeline_mode = #tpu.pipeline_mode<synchronous>, transform_indices = @transform_4, window_bounds = array<i64: 40>}, {transform_indices = @transform_5, window_bounds = array<i64: 2000, 40>}]} {
    %get3A = arith.constant 0 : index
    %get3A_0 = arith.constant 0 : index
    %get3A_1 = arith.constant 0 : index
    %get3A_2 = vector.load %arg1[%get3A, %get3A_0, %get3A_1] : memref<2x2000x128xf32, #tpu.memory_space<vmem>>, vector<1x2000x1xf32>
    %get3A_3 = vector.shape_cast %get3A_2 : vector<1x2000x1xf32> to vector<2000xf32>
    %get3A_4 = arith.constant 1 : index
    %get3A_5 = arith.constant 0 : index
    %get3A_6 = arith.constant 0 : index
    %get3A_7 = vector.load %arg1[%get3A_4, %get3A_5, %get3A_6] : memref<2x2000x128xf32, #tpu.memory_space<vmem>>, vector<1x2000x1xf32>
    %get3A_8 = vector.shape_cast %get3A_7 : vector<1x2000x1xf32> to vector<2000xf32>
    %add3A = arith.addf %get3A_3, %get3A_8 : vector<2000xf32>
    %add3A_9 = arith.constant 1.000000e+00 : f32
    %add3A_10 = vector.broadcast %add3A_9 : f32 to vector<2000xf32>
    %add3A_11 = arith.addf %add3A, %add3A_10 : vector<2000xf32>
    %rsqrt3A = math.rsqrt %add3A_11 : vector<2000xf32>
    %broadcast_in_dim3A = vector.shape_cast %rsqrt3A : vector<2000xf32> to vector<2000x1xf32>
    %get3A_12 = arith.constant 0 : index
    %get3A_13 = arith.constant 0 : index
    %get3A_14 = arith.constant 0 : index
    %get3A_15 = vector.load %arg2[%get3A_12, %get3A_13, %get3A_14] : memref<2x2000x128xf32, #tpu.memory_space<vmem>>, vector<1x2000x128xf32>
    %get3A_16 = vector.shape_cast %get3A_15 : vector<1x2000x128xf32> to vector<2000x128xf32>
    %get3A_17 = arith.constant 1 : index
    %get3A_18 = arith.constant 0 : index
    %get3A_19 = arith.constant 0 : index
    %get3A_20 = vector.load %arg2[%get3A_17, %get3A_18, %get3A_19] : memref<2x2000x128xf32, #tpu.memory_space<vmem>>, vector<1x2000x128xf32>
    %get3A_21 = vector.shape_cast %get3A_20 : vector<1x2000x128xf32> to vector<2000x128xf32>
    %add3A_22 = arith.addf %get3A_16, %get3A_21 : vector<2000x128xf32>
    %get3A_23 = arith.constant 0 : index
    %get3A_24 = arith.constant 0 : index
    %get3A_25 = vector.load %arg3[%get3A_23, %get3A_24] : memref<2000x128xf32, #tpu.memory_space<vmem>>, vector<2000x128xf32>
    %add3A_26 = arith.addf %add3A_22, %get3A_25 : vector<2000x128xf32>
    %mul3A = vector.broadcast %broadcast_in_dim3A : vector<2000x1xf32> to vector<2000x128xf32>
    %mul3A_27 = arith.mulf %mul3A, %add3A_26 : vector<2000x128xf32>
    %get3A_28 = arith.constant 0 : index
    %get3A_29 = arith.constant 0 : index
    %get3A_30 = vector.load %arg4[%get3A_28, %get3A_29] : memref<128x40xf32, #tpu.memory_space<vmem>>, vector<128x40xf32>
    %dot_general3A = arith.constant dense<0.000000e+00> : vector<2000x40xf32>
    %dot_general3A_31 = tpu.matmul %mul3A_27, %get3A_30, %dot_general3A {dimension_numbers = #tpu.dot_dimension_numbers<[1], [0], [0], [1], [0, 0, 1, 1], [], []>, transpose_lhs_hint = false} : vector<2000x128xf32>, vector<128x40xf32>, vector<2000x40xf32> -> vector<2000x40xf32>
    %get3A_32 = arith.constant 0 : index
    %get3A_33 = vector.load %arg5[%get3A_32] : memref<40xf32, #tpu.memory_space<vmem>>, vector<40xf32>
    %broadcast_in_dim3A_34 = vector.shape_cast %get3A_33 : vector<40xf32> to vector<1x40xf32>
    %add3A_35 = vector.broadcast %broadcast_in_dim3A_34 : vector<1x40xf32> to vector<2000x40xf32>
    %add3A_36 = arith.addf %dot_general3A_31, %add3A_35 : vector<2000x40xf32>
    %reduce_max3A = arith.constant dense<0xFF800000> : vector<2000xf32>
    %reduce_max3A_37 = vector.multi_reduction <maximumf>, %add3A_36, %reduce_max3A [1] : vector<2000x40xf32> to vector<2000xf32>
    %broadcast_in_dim3A_38 = vector.shape_cast %reduce_max3A_37 : vector<2000xf32> to vector<2000x1xf32>
    %sub3A = vector.broadcast %broadcast_in_dim3A_38 : vector<2000x1xf32> to vector<2000x40xf32>
    %sub3A_39 = arith.subf %add3A_36, %sub3A : vector<2000x40xf32>
    %exp3A = math.exp %sub3A_39 : vector<2000x40xf32>
    %reduce_sum3A = arith.constant dense<0.000000e+00> : vector<2000xf32>
    %reduce_sum3A_40 = vector.multi_reduction <add>, %exp3A, %reduce_sum3A [1] : vector<2000x40xf32> to vector<2000xf32>
    %broadcast_in_dim3A_41 = vector.shape_cast %reduce_sum3A_40 : vector<2000xf32> to vector<2000x1xf32>
    %log3A = math.log %broadcast_in_dim3A_41 : vector<2000x1xf32>
    %sub3A_42 = vector.broadcast %broadcast_in_dim3A_38 : vector<2000x1xf32> to vector<2000x40xf32>
    %sub3A_43 = arith.subf %add3A_36, %sub3A_42 : vector<2000x40xf32>
    %sub3A_44 = vector.broadcast %log3A : vector<2000x1xf32> to vector<2000x40xf32>
    %sub3A_45 = arith.subf %sub3A_43, %sub3A_44 : vector<2000x40xf32>
    %swap3A = arith.constant 0 : index
    %swap3A_46 = arith.constant 0 : index
    %swap3A_47 = vector.load %arg6[%swap3A, %swap3A_46] : memref<2000x40xf32, #tpu.memory_space<vmem>>, vector<2000x40xf32>
    tpu.vector_store %arg6[%swap3A, %swap3A_46], %sub3A_45 {strides = array<i32>} : memref<2000x40xf32, #tpu.memory_space<vmem>>, vector<2000x40xf32>,
    return
  }
  func.func @transform_0(%arg0: i32) -> (i32, i32, i32) {
    %c0_i32 = arith.constant 0 : i32
    %c0_i32_0 = arith.constant 0 : i32
    %c0_i32_1 = arith.constant 0 : i32
    return %c0_i32, %arg0, %c0_i32_0 : i32, i32, i32
  }
  func.func @transform_1(%arg0: i32) -> (i32, i32, i32) {
    %c0_i32 = arith.constant 0 : i32
    %c0_i32_0 = arith.constant 0 : i32
    %c0_i32_1 = arith.constant 0 : i32
    return %c0_i32, %arg0, %c0_i32_0 : i32, i32, i32
  }
  func.func @transform_2(%arg0: i32) -> (i32, i32) {
    %c0_i32 = arith.constant 0 : i32
    %c0_i32_0 = arith.constant 0 : i32
    return %arg0, %c0_i32 : i32, i32
  }
  func.func @transform_3(%arg0: i32) -> (i32, i32) {
    %c0_i32 = arith.constant 0 : i32
    %c0_i32_0 = arith.constant 0 : i32
    %c0_i32_1 = arith.constant 0 : i32
    return %c0_i32, %c0_i32_0 : i32, i32
  }
  func.func @transform_4(%arg0: i32) -> i32 {
    %c0_i32 = arith.constant 0 : i32
    %c0_i32_0 = arith.constant 0 : i32
    return %c0_i32 : i32
  }
  func.func @transform_5(%arg0: i32) -> (i32, i32) {
    %c0_i32 = arith.constant 0 : i32
    %c0_i32_0 = arith.constant 0 : i32
    return %arg0, %c0_i32 : i32, i32
  }
}

</mosaic_0001>

<sc_bundles>
// kernel: kernel.12.cloned.1.call-start
scs
__scs_entry_jumppad:
0x0: {  	(pc) =	sbr.rel $0x88, $3  }
0x1: {  	(tag) =	ssettag $0x0;
	lr =	simm.s32 $0x1  }
0x2: {  	[smem:$0x3F99] =	sst lr;
	_ =	strace $0xD0000000  }
0x3: {  	_ = 	snop  }
0x4: {  	_ = 	snop  }
0x5: {  	_ = 	snop  }
0x6: {  	_ = 	snop  }
0x7: {  	_ = 	snop  }
__scs_overlays_trampoline_lowered:
0x8: {  	[smem:$0x3FA8] =	sst s0  }
0x9: {  	[smem:$0x3FA9] =	sst s1  }
0xa: {  	[smem:$0x3FAA] =	sst s2  }
0xb: {  	[smem:$0x3FAB] =	sst s3  }
0xc: {  	[smem:$0x3FAC] =	sst s4  }
0xd: {  	[smem:$0x3FAD] =	sst s5  }
0xe: {  	[smem:$0x3FAE] =	sst s6  }
0xf: {  	[smem:$0x3FAF] =	sst s7  }
0x10: {  	[smem:$0x3FB0] =	sst s8  }
0x11: {  	[smem:$0x3FB1] =	sst s9;
	s0 =	simm.s32 @!p0 $0x0  }
0x12: {  	s1 =	sld [smem:$0x3F97];
	s0 =	simm.s32 @p0 $0x1  }
0x13: {  	[smem:$0x3FB2] =	sst s0;
	s0 =	simm.s32 @!p1 $0x0  }
0x14: {  	s2 =	sld [smem:$0x3F96];
	s0 =	simm.s32 @p1 $0x1  }
0x15: {  	[smem:$0x3FB3] =	sst s0;
	s0 =	simm.s32 @!p2 $0x0  }
0x16: {  	s3 =	sld [smem:$0x3FDB];
	s0 =	simm.s32 @p2 $0x1  }
0x17: {  	s4 =	simm.s32 $0x1BF5;
	[smem:$0x3FB5] =	sst s0  }
0x18: {  	s0 =	sld [smem:$0x3F98];
	_ =	swait.ge [sflag:s4], $0x0  }
0x19: {  	s7 =	sld [smem:$0x3F99]  }
0x1a: {  	s8 =	sadd.s32 $0xFFFFE003, lr  }
0x1b: {  	s9 =	sadd.s32 $0xFFFFFEF7, lr;
	s5 =	simm.s32 $0xFFFFFFFF;
	p2 =	slt.u32 s8, $0xFFFFF086  }
0x1c: {  	p1 =	slt.u32 s9, $0xF7A;
	s5 =	simm.s32 @!p2 $0x0  }
0x1d: {  	s5 =	simm.s32 @p1 $0x1;
	p0 =	seq.s32 s7, s2  }
0x1e: {  	s7 =	smul.u32 @!p0 $0xF7A, s2;
	p2 =	seq.s32 @!p0 s5, $0x0  }
0x1f: {  	s9 =	smul.u32 $0xF7A, s1;
	s8 =	simm.s32 @!p0 $0x1BF5;
	p2 =	por !p2, p0  }
0x20: {  	[sflag:s8] =	ssyncset.s32 @!p0 $0xFFFFF086;
	s6 =	sadd.s32 @!p0 s3, s7;
	s7 =	simm.s32 @!p0 $0x108  }
0x21: {  	s3 =	sadd.s32 s3, s9;
	s6 =	sadd.s32 @!p0 $0x88, s6;
	s7 =	simm.s32 @p2 $0x1082  }
0x22: {  	[simem:s7], [sflag:s8] =	dma.local @!p0 [hbm:s6], $0xF7A  }
0x23: {  	s9 =	sor.u32 $0xD0000000, s2;
	s6 =	simm.s32 $0x108;
	_ =	swait.ge @!p0 [sflag:s8], $0x0  }
0x24: {  	s3 =	sadd.s32 $0x88, s3;
	s6 =	simm.s32 @!p1 $0x1082;
	[sflag:s4] =	ssyncset.s32 $0xFFFFF086  }
0x25: {  	[simem:s6], [sflag:s4] =	dma.local [hbm:s3], $0xF7A  }
0x26: {  	[smem:$0x3F99] =	sst s1;
	(tag) =	ssettag s2;
	_ =	strace s9  }
0x27: {  	s1 =	sld [smem:$0x3FA9]  }
0x28: {  	s2 =	sld [smem:$0x3FAA]  }
0x29: {  	s4 =	sld [smem:$0x3FAC]  }
0x2a: {  	p0 =	seq.s32 s5, $0x0;
	s5 =	sld [smem:$0x3FAD]  }
0x2b: {  	s6 =	sld [smem:$0x3FAE]  }
0x2c: {  	s7 =	sld [smem:$0x3FAF]  }
0x2d: {  	s3 =	simm.s32 $0x108;
	s8 =	sld [smem:$0x3FB0]  }
0x2e: {  	s3 =	simm.s32 @!p0 $0x1082;
	s9 =	sld [smem:$0x3FB1]  }
0x2f: {  	lr =	sadd.s32 s0, s3;
	s0 =	sld [smem:$0x3FA8]  }
0x30: {  	s3 =	sld [smem:$0x3FAB]  }
0x31: {  	[smem:$0x3FB4] =	sst s10  }
0x32: {  	s10 =	sld [smem:$0x3FB2];
	_ =	sdelay $0x3  }
0x33: {  	p0 =	seq.s32 s10, $0x1;
	s10 =	sld [smem:$0x3FB4];
	_ =	sdelay $0x3  }
0x34: {  	[smem:$0x3FB4] =	sst s10  }
0x35: {  	s10 =	sld [smem:$0x3FB3];
	_ =	sdelay $0x3  }
0x36: {  	p1 =	seq.s32 s10, $0x1;
	s10 =	sld [smem:$0x3FB4];
	_ =	sdelay $0x3  }
0x37: {  	[smem:$0x3FB4] =	sst s10  }
0x38: {  	s10 =	sld [smem:$0x3FB5]  }
0x39: {  	_ = 	snop;
	(pc) =	sbr.ind lr, $3  }
0x3a: {  	_ = 	snop  }
0x3b: {  	_ = 	snop  }
0x3c: {  	p2 =	seq.s32 s10, $0x1;
	s10 =	sld [smem:$0x3FB4]  }
0x3d: {  	_ =	shalt  }
0x3e: {  	_ =	shalt  }
0x3f: {  	_ =	shalt  }
0x40: {  	_ =	shalt  }
0x41: {  	_ =	shalt  }
0x42: {  	_ =	shalt  }
0x43: {  	_ =	shalt  }
0x44: {  	_ =	shalt  }
0x45: {  	_ =	shalt  }
0x46: {  	_ =	shalt  }
0x47: {  	_ =	shalt  }
0x48: {  	_ =	shalt  }
0x49: {  	_ =	shalt  }
0x4a: {  	_ =	shalt  }
0x4b: {  	_ =	shalt  }
0x4c: {  	_ =	shalt  }
0x4d: {  	_ =	shalt  }
0x4e: {  	_ =	shalt  }
0x4f: {  	_ =	shalt  }
0x50: {  	_ =	shalt  }
0x51: {  	_ =	shalt  }
0x52: {  	_ =	shalt  }
0x53: {  	_ =	shalt  }
0x54: {  	_ =	shalt  }
0x55: {  	_ =	shalt  }
0x56: {  	_ =	shalt  }
0x57: {  	_ =	shalt  }
0x58: {  	_ =	shalt  }
0x59: {  	_ =	shalt  }
0x5a: {  	_ =	shalt  }
0x5b: {  	_ =	shalt  }
0x5c: {  	_ =	shalt  }
0x5d: {  	_ =	shalt  }
0x5e: {  	_ =	shalt  }
0x5f: {  	_ =	shalt  }
0x60: {  	_ =	shalt  }
0x61: {  	_ =	shalt  }
0x62: {  	_ =	shalt  }
0x63: {  	_ =	shalt  }
0x64: {  	_ =	shalt  }
0x65: {  	_ =	shalt  }
0x66: {  	_ =	shalt  }
0x67: {  	_ =	shalt  }
0x68: {  	_ =	shalt  }
0x69: {  	_ =	shalt  }
0x6a: {  	_ =	shalt  }
0x6b: {  	_ =	shalt  }
0x6c: {  	_ =	shalt  }
0x6d: {  	_ =	shalt  }
0x6e: {  	_ =	shalt  }
0x6f: {  	_ =	shalt  }
0x70: {  	_ =	shalt  }
0x71: {  	_ =	shalt  }
0x72: {  	_ =	shalt  }
0x73: {  	_ =	shalt  }
0x74: {  	_ =	shalt  }
0x75: {  	_ =	shalt  }
0x76: {  	_ =	shalt  }
0x77: {  	_ =	shalt  }
0x78: {  	_ =	shalt  }
0x79: {  	_ =	shalt  }
0x7a: {  	_ =	shalt  }
0x7b: {  	_ =	shalt  }
0x7c: {  	_ =	shalt  }
0x7d: {  	_ =	shalt  }
0x7e: {  	_ =	shalt  }
0x7f: {  	_ =	shalt  }
0x80: {  	_ =	shalt  }
0x81: {  	_ =	shalt  }
0x82: {  	_ =	shalt  }
0x83: {  	_ =	shalt  }
0x84: {  	_ =	shalt  }
0x85: {  	_ =	shalt  }
0x86: {  	_ =	shalt  }
0x87: {  	_ =	shalt  }
.Lfunc_end0:
.L_simem_size_0:
called_computation_lowered:
.L_overlay_start_0:
0x88: {  	s2 =	sld [smem:$0x3FD9]  }
0x89: {  	s3 =	sld [smem:$0x3FFE];
	_ =	sdelay $0x1  }
0x8a: {  	s1 =	srdreg.scid  }
0x8b: {  	s0 =	sand.u32 $0x1, s1  }
0x8c: {  	s14 =	sshll.u32 s0, $0xA;
	s2 =	sadd.s32 s3, s2  }
0x8d: {  	s2 =	sadd.s32 s2, s14  }
0x8e: {  	[smem:$0x3FC0] =	sst s2  }
0x8f: {  	_ = 	snop  }
0x90: {  	s2 =	sld [smem:$0x3FD0];
	_ =	sdelay $0x2  }
0x91: {  	s15 =	simm.s32 $0xA;
	s4 =	simm.s32 $0x10  }
0x92: {  	[smem:s4], [sflag:s15] =	dma.local [hbm:s2], $0x1  }
0x93: {  	_ =	swait.eq [sflag:s15], $0x1  }
0x94: {  	[sflag:s15] =	ssyncset.done $0x0  }
0x95: {  	[sflag:s15] =	ssyncadd.s32 $0xFFFFFFFF  }
0x96: {  	s16 =	sld [smem:$0x11];
	(tm) =	ssettm $0x1  }
0x97: {  	s17 =	sld [smem:$0x3FFB];
	_ =	sdelay $0x3  }
0x98: {  	_ =	strace s17  }
0x99: {  	s3 =	sld [smem:$0x3FFC];
	_ =	sdelay $0x3  }
0x9a: {  	_ =	strace s3  }
0x9b: {  	s3 =	sld [smem:$0x3FFD];
	_ =	sdelay $0x3  }
0x9c: {  	_ =	strace s3  }
0x9d: {  	_ =	strace $0x8FFFFFFF  }
0x9e: {  	s18 =	sld [smem:$0x3FDB];
	_ =	sdelay $0x1  }
0x9f: {  	s19 =	simm.s32 $_scs_section_size  }
0xa0: {  	s5 =	simm.s32 $_size__tile_overlayer_lowered;
	s6 =	simm.s32 $_tile_overlayer_lowered  }
0xa1: {  	s22 =	simm.s32 $0x1BFF;
	s21 =	sshll.u32 s6, $0x1;
	s3 =	sadd.s32 s19, s18  }
0xa2: {  	s7 =	simm.s32 $0x0;
	s20 =	sshll.u32 s5, $0x1;
	s5 =	sadd.s32 s21, s3  }
0xa3: {  	[timem:s7], [sflag:s22] =	dma.local [hbm:s5], s20  }
0xa4: {  	_ =	swait.ge [sflag:s22], s20  }
0xa5: {  	s4 =	ssub.s32 $0x0, s20;
	[sflag:s22] =	ssyncset.done $0x0  }
0xa6: {  	[sflag:s22] =	ssyncadd.s32 s4;
	_ =	sdelay $0x1  }
0xa7: {  	s23 =	simm.s32 $0x1B8B  }
0xa8: {  	_ =	swait.ge [sflag:s23], $0x1  }
0xa9: {  	[sflag:s23] =	ssyncset.done $0x0  }
0xaa: {  	s25 =	simm.s32 $0x1B8E;
	s24 =	sld [smem:$0x3FFE];
	[sflag:s23] =	ssyncadd.s32 $0xFFFFFFFF  }
0xab: {  	s26 =	simm.s32 $execute0_lowered;
	[smem:$0x3FD2] =	sst s25  }
0xac: {  	s5 =	sshll.u32 s26, $0x1;
	_ =	strace $0x80000046;
	[dreg:$0x1] =	wrdreg $0xFFFFFFFF  }
0xad: {  	s28 =	simm.s32 $_size_execute0_lowered;
	s3 =	sadd.s32 s3, s5;
	[dreg:$0x0] =	wrdreg $0x0  }
0xae: {  	s5 =	sshll.u32 s28, $0x1;
	[dreg:$0x2] =	wrdreg s3  }
0xaf: {  	[dreg:$0x3] =	wrdreg s5  }
0xb0: {  	[dreg:$0x4] =	wrdreg $0xC0  }
0xb1: {  	_ =	task [dreg:s7], $0x5FFFF  }
0xb2: {  	[dreg:$0x1] =	wrdreg $0xFFFFFFFF  }
0xb3: {  	[dreg:$0x0] =	wrdreg $0x60  }
0xb4: {  	[dreg:$0x2] =	wrdreg s24  }
0xb5: {  	[dreg:$0x3] =	wrdreg s16  }
0xb6: {  	[dreg:$0x4] =	wrdreg $0x29800  }
0xb7: {  	[dreg:$0x5] =	wrdreg $0x9  }
0xb8: {  	_ =	task.clear_ibuf [dreg:s7], $0x6FFFF;
	_ =	strace $0x90000046  }
0xb9: {  	s29 =	simm.s32 $0x9;
	_ =	strace $0x80000048  }
0xba: {  	_ =	swait.ge [sflag:s29], $0x1  }
0xbb: {  	[sflag:s29] =	ssyncadd.s32 $0xFFFFFFFF  }
0xbc: {  	_ =	strace $0x90000048  }
0xbd: {  	_ =	sfence  }
0xbe: {  	s30 =	sld [smem:$0x0];
	_ =	sdelay $0x2  }
0xbf: {  	s31 =	sshll.u32 s1, $0xD;
	s1 =	sshrl.u32 s1, $0x2  }
0xc0: {  	s3 =	sand.u32 $0x4000, s31;
	s1 =	sadd.s32 s1, s30  }
0xc1: {  	s0 =	sor.u32 s3, s0;
	s1 =	sshll.u32 s1, $0x11  }
0xc2: {  	s0 =	sor.u32 s1, s0  }
0xc3: {  	s0 =	sadd.s32 $0x8F2B, s0  }
0xc4: {  	[sflag:s0] =	ssyncadd.remote.s32 $0x1  }
0xc5: {  	_ =	sfence.sel $0xFFFF  }
0xc6: {  	[dreg:$0x0] =	wrdreg $0xFFFFFFFF;
	(pc) =	sbr.abs _section_cstart, $3  }
0xc7: {  	[dreg:$0x1] =	wrdreg $0xFFFFFFFF  }
0xc8: {  	_ =	task.clear_ibuf [dreg:s7], $0x2FFFF;
	_ =	strace $0x9FFFFFFF  }
0xc9: {  	(tm) =	ssettm $0x7FFFFFFF  }
tec
execute0_lowered:
.L_overlay_start_1:
0x0: {  	(tag) =	ssettag $0x1  }
0x1: {  	s6 =	rddreg [dreg:$0x0]  }
0x2: {  	s2 =	rddreg [dreg:$0x1]  }
0x3: {  	s3 =	rddreg [dreg:$0x2]  }
0x4: {  	s1 =	stileid.u32;
	s5 =	srdreg.scid;
	s4 =	simm.s32 $0x0  }
0x5: {  	s19 =	simm.s32 $0x4;
	s20 =	simm.s32 $0x180;
	s21 =	simm.s32 $0x80  }
0x6: {  	s22 =	simm.s32 $0x100;
	s28 =	simm.s32 $0x0;
	s7 =	smul.u32 $0x14000, s1  }
0x7: {  	s8 =	sand.u32 $0x1, s5;
	[smem:$0x7FF] =	sst s4;
	s23 =	smul.u32 $0x50000, s1  }
0x8: {  	s5 =	sadd.s32 $0x3400, s6;
	s30 =	sshll.u32 s1, $0x6;
	s14 =	smul.u32 $0x2710, s1  }
0x9: {  	s9 =	smul.u32 $0x140000, s8;
	_ =	strace $0x80000047;
	s11 =	sshll.u32 s8, $0x4  }
0xa: {  	s24 =	ssub.s32 $0x2, s8;
	s29 =	smul.u32 $0x27100, s8;
	s10 =	sshrl.u32 s7, $0x3  }
0xb: {  	s25 =	sor.u32 s1, s11;
	s26 =	sshrl.u32 s24, $0x1;
	s10 =	sadd.s32 s10, s6  }
0xc: {  	s7 =	sadd.s32 s7, s9;
	s9 =	sshrl.u32 s23, $0x2;
	s13 =	ssub.s32 s24, s26  }
0xd: {  	s17 =	sadd.s32 s14, s29;
	s23 =	simm.s32 $0x50;
	s24 =	simm.s32 $0x1  }
0xe: {  	s26 =	simm.s32 $0x3;
	s7 =	sshrl.u32 s7, $0x3;
	s18 =	sadd.s32 s9, s3  }
0xf: {  	s14 =	sadd.s32 $0x190, s17;
	s16 =	sadd.s32 $0x140, s17;
	s17 =	sadd.s32 $0xF0, s17  }
0x10: {  	s12 =	sadd.s32 s7, s6;
	s7 =	smul.u32 $0x2710, s25;
	s6 =	sadd.s32 $0xD200, s10  }
0x11: {  	s15 =	sshrl.u32 s14, $0x3;
	s16 =	sshrl.u32 s16, $0x3;
	s18 =	sshrl.u32 s18, $0x3  }
0x12: {  	s25 =	simm.s32 $0x2;
	s11 =	sadd.s32 $0x35200, s12;
	s31 =	sshrl.u32 s7, $0x3  }
0x13: {  	s12 =	smax.u32 s13, $0x1;
	s15 =	sadd.s32 s15, s5;
	s8 =	sadd.s32 s5, s31  }
0x14: {  	s16 =	sadd.s32 s16, s5;
	s7 =	sor.u32 $0x1C04, s30;
	s9 =	sadd.s32 $0xA, s8  }
0x15: {  	s10 =	sadd.s32 $0x14, s8;
	s13 =	sadd.s32 $0x4CE, s8;
	s14 =	sadd.s32 $0x4D8, s8  }
.LBB2_1:
0x16: {  	[spmem:s18], [sflag:s7] =	dma.local [hbm:s6], $0x2800  }
0x17: {  	_ =	swait.ge [sflag:s19], $0x2800  }
0x18: {  	[sflag:s19] =	ssyncset.done $0x0  }
0x19: {  	[sflag:s19] =	ssyncadd.s32 $0xFFFFD800  }
0x1a: {  	[tilespmem:s20], [sflag:$0x4] =	stream.linear.gather [hbm4b:s2+s4], $0x2800, $0x38;
	[tilespmem:$0x16980] =	vst v63  }
0x1b: {  	_ =	swait.ge [sflag:s19], $0x2800  }
0x1c: {  	[sflag:s19] =	ssyncset.done $0x0  }
0x1d: {  	[sflag:s19] =	ssyncadd.s32 $0xFFFFD800  }
0x1e: {  	[tilespmem:s4], [sflag:$0x4] =	stream.linear.gather [hbm4b:s8+s4], $0x50, $0x38;
	[tilespmem:$0x16980] =	vst v63  }
0x1f: {  	_ =	swait.ge [sflag:s19], $0x50  }
0x20: {  	[sflag:s19] =	ssyncset.done $0x0  }
0x21: {  	[sflag:s19] =	ssyncadd.s32 $0xFFFFFFB0  }
0x22: {  	[tilespmem:s21], [sflag:$0x4] =	stream.linear.gather [hbm4b:s9+s4], $0x50, $0x38;
	[tilespmem:$0x16980] =	vst v63  }
0x23: {  	_ =	swait.ge [sflag:s19], $0x50  }
0x24: {  	[sflag:s19] =	ssyncset.done $0x0  }
0x25: {  	[sflag:s19] =	ssyncadd.s32 $0xFFFFFFB0  }
0x26: {  	[tilespmem:s22], [sflag:$0x4] =	stream.linear.gather [hbm4b:s10+s4], $0x50, $0x38;
	[tilespmem:$0x16980] =	vst v63  }
0x27: {  	_ =	swait.ge [sflag:s19], $0x50  }
0x28: {  	[sflag:s19] =	ssyncset.done $0x0  }
0x29: {  	[sflag:s19] =	ssyncadd.s32 $0xFFFFFFB0  }
0x2a: {  	[bflag:$0x0] =	sbarrier.arrive $0xFFFF  }
0x2b: {  	[spmem:s3] =	stream.indirect.scatter.add.f32 [tilespmem:s20], [sflag:$0x1], $0x80, s4, s23, $0xb8;
	[tilespmem:$0x16980] =	vst v63  }
0x2c: {  	_ = 	snop  }
0x2d: {  	[spmem:s3] =	stream.indirect.scatter.add.f32 [tilespmem:s20], [sflag:$0x2], $0x80, s21, s23, $0xb8;
	[tilespmem:$0x16980] =	vst v63  }
0x2e: {  	_ = 	snop  }
0x2f: {  	[spmem:s3] =	stream.indirect.scatter.add.f32 [tilespmem:s20], [sflag:$0x3], $0x80, s22, s23, $0xb8;
	[tilespmem:$0x16980] =	vst v63  }
0x30: {  	_ =	swait.ge [sflag:s24], $0x2800  }
0x31: {  	s29 =	sshrl.u32 s17, $0x3;
	[sflag:s24] =	ssyncset.done $0x0  }
0x32: {  	s29 =	sadd.s32 s5, s29;
	[sflag:s24] =	ssyncadd.s32 $0xFFFFD800  }
0x33: {  	[tilespmem:s4], [sflag:$0x4] =	stream.linear.gather [hbm4b:s29+s4], $0x50, $0x38;
	[tilespmem:$0x16980] =	vst v63  }
0x34: {  	_ =	swait.ge [sflag:s19], $0x50  }
0x35: {  	[sflag:s19] =	ssyncset.done $0x0  }
0x36: {  	[sflag:s19] =	ssyncadd.s32 $0xFFFFFFB0  }
0x37: {  	[spmem:s3] =	stream.indirect.scatter.add.f32 [tilespmem:s20], [sflag:$0x1], $0x80, s4, s23, $0xb8;
	[tilespmem:$0x16980] =	vst v63  }
0x38: {  	_ =	swait.ge [sflag:s25], $0x2800  }
0x39: {  	[sflag:s25] =	ssyncset.done $0x0  }
0x3a: {  	s29 =	sadd.s32 $0x0, s16;
	[sflag:s25] =	ssyncadd.s32 $0xFFFFD800  }
0x3b: {  	[tilespmem:s21], [sflag:$0x4] =	stream.linear.gather [hbm4b:s29+s4], $0x50, $0x38;
	[tilespmem:$0x16980] =	vst v63  }
0x3c: {  	_ =	swait.ge [sflag:s19], $0x50  }
0x3d: {  	[sflag:s19] =	ssyncset.done $0x0  }
0x3e: {  	[sflag:s19] =	ssyncadd.s32 $0xFFFFFFB0  }
0x3f: {  	[spmem:s3] =	stream.indirect.scatter.add.f32 [tilespmem:s20], [sflag:$0x2], $0x80, s21, s23, $0xb8;
	[tilespmem:$0x16980] =	vst v63  }
0x40: {  	_ =	swait.ge [sflag:s26], $0x2800  }
0x41: {  	[sflag:s26] =	ssyncset.done $0x0  }
0x42: {  	s29 =	sadd.s32 $0x0, s15;
	[sflag:s26] =	ssyncadd.s32 $0xFFFFD800  }
0x43: {  	[tilespmem:s22], [sflag:$0x4] =	stream.linear.gather [hbm4b:s29+s4], $0x50, $0x38;
	[tilespmem:$0x16980] =	vst v63  }
0x44: {  	_ =	swait.ge [sflag:s19], $0x50  }
0x45: {  	[sflag:s19] =	ssyncset.done $0x0  }
0x46: {  	s30 =	sadd.s32 $0xF0, s17;
	s29 =	simm.s32 $0x1E;
	[sflag:s19] =	ssyncadd.s32 $0xFFFFFFB0  }
.LBB2_2:
0x47: {  	[spmem:s3] =	stream.indirect.scatter.add.f32 [tilespmem:s20], [sflag:$0x3], $0x80, s22, s23, $0xb8;
	[tilespmem:$0x16980] =	vst v63  }
0x48: {  	s31 =	smov.u32 s29  }
0x49: {  	p0 =	sne.s32 s29, $0x492;
	s29 =	sadd.s32 $0x1E, s29;
	_ =	swait.ge [sflag:s24], $0x2800  }
0x4a: {  	s0 =	sshrl.u32 s30, $0x3;
	[sflag:s24] =	ssyncset.done $0x0  }
0x4b: {  	s0 =	sadd.s32 s5, s0;
	[sflag:s24] =	ssyncadd.s32 $0xFFFFD800  }
0x4c: {  	[tilespmem:s4], [sflag:$0x4] =	stream.linear.gather [hbm4b:s0+s4], $0x50, $0x38;
	[tilespmem:$0x16980] =	vst v63  }
0x4d: {  	_ =	swait.ge [sflag:s19], $0x50  }
0x4e: {  	[sflag:s19] =	ssyncset.done $0x0  }
0x4f: {  	[sflag:s19] =	ssyncadd.s32 $0xFFFFFFB0  }
0x50: {  	[spmem:s3] =	stream.indirect.scatter.add.f32 [tilespmem:s20], [sflag:$0x1], $0x80, s4, s23, $0xb8;
	[tilespmem:$0x16980] =	vst v63  }
0x51: {  	_ =	swait.ge [sflag:s25], $0x2800  }
0x52: {  	[sflag:s25] =	ssyncset.done $0x0  }
0x53: {  	s0 =	sadd.s32 s31, s16;
	[sflag:s25] =	ssyncadd.s32 $0xFFFFD800  }
0x54: {  	[tilespmem:s21], [sflag:$0x4] =	stream.linear.gather [hbm4b:s0+s4], $0x50, $0x38;
	[tilespmem:$0x16980] =	vst v63  }
0x55: {  	_ =	swait.ge [sflag:s19], $0x50  }
0x56: {  	[sflag:s19] =	ssyncset.done $0x0  }
0x57: {  	[sflag:s19] =	ssyncadd.s32 $0xFFFFFFB0  }
0x58: {  	[spmem:s3] =	stream.indirect.scatter.add.f32 [tilespmem:s20], [sflag:$0x2], $0x80, s21, s23, $0xb8;
	[tilespmem:$0x16980] =	vst v63  }
0x59: {  	_ =	swait.ge [sflag:s26], $0x2800  }
0x5a: {  	[sflag:s26] =	ssyncset.done $0x0  }
.Ltmp0:
0x5b: {  	s0 =	sadd.s32 s31, s15;
	[sflag:s26] =	ssyncadd.s32 $0xFFFFD800;
	(pc) =	sbr.rel @p0 .LBB2_2-.Ltmp0, $4  }
0x5c: {  	[tilespmem:s22], [sflag:$0x4] =	stream.linear.gather [hbm4b:s0+s4], $0x50, $0x38;
	[tilespmem:$0x16980] =	vst v63  }
0x5d: {  	_ =	swait.ge [sflag:s19], $0x50  }
0x5e: {  	[sflag:s19] =	ssyncset.done $0x0  }
0x5f: {  	s30 =	sadd.s32 $0xF0, s30;
	[sflag:s19] =	ssyncadd.s32 $0xFFFFFFB0  }
0x60: {  	[spmem:s3] =	stream.indirect.scatter.add.f32 [tilespmem:s20], [sflag:$0x3], $0x80, s22, s23, $0xb8;
	[tilespmem:$0x16980] =	vst v63  }
0x61: {  	_ =	swait.ge [sflag:s24], $0x2800  }
0x62: {  	[sflag:s24] =	ssyncset.done $0x0  }
0x63: {  	[sflag:s24] =	ssyncadd.s32 $0xFFFFD800  }
0x64: {  	[tilespmem:s4], [sflag:$0x4] =	stream.linear.gather [hbm4b:s13+s4], $0x50, $0x38;
	[tilespmem:$0x16980] =	vst v63  }
0x65: {  	_ =	swait.ge [sflag:s19], $0x50  }
0x66: {  	[sflag:s19] =	ssyncset.done $0x0  }
0x67: {  	[sflag:s19] =	ssyncadd.s32 $0xFFFFFFB0  }
0x68: {  	[spmem:s3] =	stream.indirect.scatter.add.f32 [tilespmem:s20], [sflag:$0x1], $0x80, s4, s23, $0xb8;
	[tilespmem:$0x16980] =	vst v63  }
0x69: {  	_ =	swait.ge [sflag:s25], $0x2800  }
0x6a: {  	[sflag:s25] =	ssyncset.done $0x0  }
0x6b: {  	[sflag:s25] =	ssyncadd.s32 $0xFFFFD800  }
0x6c: {  	[tilespmem:s21], [sflag:$0x4] =	stream.linear.gather [hbm4b:s14+s4], $0x50, $0x38;
	[tilespmem:$0x16980] =	vst v63  }
0x6d: {  	_ =	swait.ge [sflag:s19], $0x50  }
0x6e: {  	[sflag:s19] =	ssyncset.done $0x0  }
0x6f: {  	[sflag:s19] =	ssyncadd.s32 $0xFFFFFFB0  }
0x70: {  	[spmem:s3] =	stream.indirect.scatter.add.f32 [tilespmem:s20], [sflag:$0x2], $0x80, s21, s23, $0xb8;
	[tilespmem:$0x16980] =	vst v63  }
0x71: {  	_ =	swait.ge [sflag:s26], $0x2800  }
0x72: {  	[sflag:s26] =	ssyncset.done $0x0  }
0x73: {  	[sflag:s26] =	ssyncadd.s32 $0xFFFFD800  }
0x74: {  	_ =	swait.ge [sflag:s24], $0x2800  }
0x75: {  	[sflag:s24] =	ssyncset.done $0x0  }
0x76: {  	[sflag:s24] =	ssyncadd.s32 $0xFFFFD800  }
0x77: {  	_ =	swait.ge [sflag:s25], $0x2800  }
0x78: {  	s28 =	sadd.s32 $0x1, s28;
	[sflag:s25] =	ssyncset.done $0x0  }
0x79: {  	p0 =	sne.s32 s28, s12;
	[sflag:s25] =	ssyncadd.s32 $0xFFFFD800  }
.Ltmp1:
0x7a: {  	[bflag:$0x0] =	sbarrier.arrive $0xFFFF;
	(pc) =	sbr.rel @p0 .LBB2_1-.Ltmp1, $4  }
0x7b: {  	[hbm:s11], [sflag:s7] =	dma.local [spmem:s18], $0x2800  }
0x7c: {  	_ =	swait.ge [sflag:s19], $0x2800  }
0x7d: {  	[sflag:s19] =	ssyncset.done $0x0  }
0x7e: {  	[sflag:s19] =	ssyncadd.s32 $0xFFFFD800  }
0x7f: {  	_ =	sfence.sel $0x180000  }
0x80: {  	[bflag:$0x0] =	sbarrier.arrive $0xFFFF  }
0x81: {  	_ =	strace $0x90000047  }
0x82: {  	[bflag:$0x2] =	sbarrier.arrive $0xFFFF  }
0x83: {  	p0 =	sne.s32 s1, $0x0;
	s0 =	rddreg [dreg:$0x3]  }
0x84: {  	s0 =	sadd.s32 @!p0 $0x100000, s0  }
0x85: {  	[sflag:s0] =	ssyncadd.tile.s32 @!p0 $0x1;
	_ =	shalt  }
.Lfunc_end2:
_tile_overlayer_lowered:
.L_overlay_start_2:
0x86: {  	(tag) =	ssettag $0x2  }
0x87: {  	s0 =	rddreg [dreg:$0x0];
	s2 =	stileid.u32  }
0x88: {  	s1 =	rddreg [dreg:$0x1];
	p0 =	sne.s32 s2, $0x0  }
0x89: {  	s3 =	rddreg [dreg:$0x2];
	[bflag:$0x3] =	sbarrier.arrive $0xFFFF;
	s2 =	simm.s32 @!p0 $0x1C04  }
0x8a: {  	[timem:s3], [sflag:s2] =	dma.local @!p0 [hbm:s0], s1  }
0x8b: {  	s0 =	simm.s32 @!p0 $0x4  }
0x8c: {  	_ =	swait.ge @!p0 [sflag:s0], s1  }
0x8d: {  	s1 =	ssub.s32 @!p0 $0x0, s1;
	[sflag:s0] =	ssyncset.done @!p0 $0x0  }
0x8e: {  	[sflag:s0] =	ssyncadd.s32 @!p0 s1  }
0x8f: {  	[bflag:$0x3] =	sbarrier.arrive $0xFFFF  }
0x90: {  	_ =	shalt  }

// kernel: kernel.15.cloned.1.call-start
scs
__scs_entry_jumppad:
0x0: {  	(pc) =	sbr.rel $0x88, $3  }
0x1: {  	(tag) =	ssettag $0x0;
	lr =	simm.s32 $0x1  }
0x2: {  	[smem:$0x3F99] =	sst lr;
	_ =	strace $0xD0000000  }
0x3: {  	_ = 	snop  }
0x4: {  	_ = 	snop  }
0x5: {  	_ = 	snop  }
0x6: {  	_ = 	snop  }
0x7: {  	_ = 	snop  }
__scs_overlays_trampoline_lowered:
0x8: {  	[smem:$0x3FA8] =	sst s0  }
0x9: {  	[smem:$0x3FA9] =	sst s1  }
0xa: {  	[smem:$0x3FAA] =	sst s2  }
0xb: {  	[smem:$0x3FAB] =	sst s3  }
0xc: {  	[smem:$0x3FAC] =	sst s4  }
0xd: {  	[smem:$0x3FAD] =	sst s5  }
0xe: {  	[smem:$0x3FAE] =	sst s6  }
0xf: {  	[smem:$0x3FAF] =	sst s7  }
0x10: {  	[smem:$0x3FB0] =	sst s8  }
0x11: {  	[smem:$0x3FB1] =	sst s9;
	s0 =	simm.s32 @!p0 $0x0  }
0x12: {  	s1 =	sld [smem:$0x3F97];
	s0 =	simm.s32 @p0 $0x1  }
0x13: {  	[smem:$0x3FB2] =	sst s0;
	s0 =	simm.s32 @!p1 $0x0  }
0x14: {  	s2 =	sld [smem:$0x3F96];
	s0 =	simm.s32 @p1 $0x1  }
0x15: {  	[smem:$0x3FB3] =	sst s0;
	s0 =	simm.s32 @!p2 $0x0  }
0x16: {  	s3 =	sld [smem:$0x3FDB];
	s0 =	simm.s32 @p2 $0x1  }
0x17: {  	s4 =	simm.s32 $0x1BF5;
	[smem:$0x3FB5] =	sst s0  }
0x18: {  	s0 =	sld [smem:$0x3F98];
	_ =	swait.ge [sflag:s4], $0x0  }
0x19: {  	s7 =	sld [smem:$0x3F99]  }
0x1a: {  	s8 =	sadd.s32 $0xFFFFE003, lr  }
0x1b: {  	s9 =	sadd.s32 $0xFFFFFEF7, lr;
	s5 =	simm.s32 $0xFFFFFFFF;
	p2 =	slt.u32 s8, $0xFFFFF086  }
0x1c: {  	p1 =	slt.u32 s9, $0xF7A;
	s5 =	simm.s32 @!p2 $0x0  }
0x1d: {  	s5 =	simm.s32 @p1 $0x1;
	p0 =	seq.s32 s7, s2  }
0x1e: {  	s7 =	smul.u32 @!p0 $0xF7A, s2;
	p2 =	seq.s32 @!p0 s5, $0x0  }
0x1f: {  	s9 =	smul.u32 $0xF7A, s1;
	s8 =	simm.s32 @!p0 $0x1BF5;
	p2 =	por !p2, p0  }
0x20: {  	[sflag:s8] =	ssyncset.s32 @!p0 $0xFFFFF086;
	s6 =	sadd.s32 @!p0 s3, s7;
	s7 =	simm.s32 @!p0 $0x108  }
0x21: {  	s3 =	sadd.s32 s3, s9;
	s6 =	sadd.s32 @!p0 $0x88, s6;
	s7 =	simm.s32 @p2 $0x1082  }
0x22: {  	[simem:s7], [sflag:s8] =	dma.local @!p0 [hbm:s6], $0xF7A  }
0x23: {  	s9 =	sor.u32 $0xD0000000, s2;
	s6 =	simm.s32 $0x108;
	_ =	swait.ge @!p0 [sflag:s8], $0x0  }
0x24: {  	s3 =	sadd.s32 $0x88, s3;
	s6 =	simm.s32 @!p1 $0x1082;
	[sflag:s4] =	ssyncset.s32 $0xFFFFF086  }
0x25: {  	[simem:s6], [sflag:s4] =	dma.local [hbm:s3], $0xF7A  }
0x26: {  	[smem:$0x3F99] =	sst s1;
	(tag) =	ssettag s2;
	_ =	strace s9  }
0x27: {  	s1 =	sld [smem:$0x3FA9]  }
0x28: {  	s2 =	sld [smem:$0x3FAA]  }
0x29: {  	s4 =	sld [smem:$0x3FAC]  }
0x2a: {  	p0 =	seq.s32 s5, $0x0;
	s5 =	sld [smem:$0x3FAD]  }
0x2b: {  	s6 =	sld [smem:$0x3FAE]  }
0x2c: {  	s7 =	sld [smem:$0x3FAF]  }
0x2d: {  	s3 =	simm.s32 $0x108;
	s8 =	sld [smem:$0x3FB0]  }
0x2e: {  	s3 =	simm.s32 @!p0 $0x1082;
	s9 =	sld [smem:$0x3FB1]  }
0x2f: {  	lr =	sadd.s32 s0, s3;
	s0 =	sld [smem:$0x3FA8]  }
0x30: {  	s3 =	sld [smem:$0x3FAB]  }
0x31: {  	[smem:$0x3FB4] =	sst s10  }
0x32: {  	s10 =	sld [smem:$0x3FB2];
	_ =	sdelay $0x3  }
0x33: {  	p0 =	seq.s32 s10, $0x1;
	s10 =	sld [smem:$0x3FB4];
	_ =	sdelay $0x3  }
0x34: {  	[smem:$0x3FB4] =	sst s10  }
0x35: {  	s10 =	sld [smem:$0x3FB3];
	_ =	sdelay $0x3  }
0x36: {  	p1 =	seq.s32 s10, $0x1;
	s10 =	sld [smem:$0x3FB4];
	_ =	sdelay $0x3  }
0x37: {  	[smem:$0x3FB4] =	sst s10  }
0x38: {  	s10 =	sld [smem:$0x3FB5]  }
0x39: {  	_ = 	snop;
	(pc) =	sbr.ind lr, $3  }
0x3a: {  	_ = 	snop  }
0x3b: {  	_ = 	snop  }
0x3c: {  	p2 =	seq.s32 s10, $0x1;
	s10 =	sld [smem:$0x3FB4]  }
0x3d: {  	_ =	shalt  }
0x3e: {  	_ =	shalt  }
0x3f: {  	_ =	shalt  }
0x40: {  	_ =	shalt  }
0x41: {  	_ =	shalt  }
0x42: {  	_ =	shalt  }
0x43: {  	_ =	shalt  }
0x44: {  	_ =	shalt  }
0x45: {  	_ =	shalt  }
0x46: {  	_ =	shalt  }
0x47: {  	_ =	shalt  }
0x48: {  	_ =	shalt  }
0x49: {  	_ =	shalt  }
0x4a: {  	_ =	shalt  }
0x4b: {  	_ =	shalt  }
0x4c: {  	_ =	shalt  }
0x4d: {  	_ =	shalt  }
0x4e: {  	_ =	shalt  }
0x4f: {  	_ =	shalt  }
0x50: {  	_ =	shalt  }
0x51: {  	_ =	shalt  }
0x52: {  	_ =	shalt  }
0x53: {  	_ =	shalt  }
0x54: {  	_ =	shalt  }
0x55: {  	_ =	shalt  }
0x56: {  	_ =	shalt  }
0x57: {  	_ =	shalt  }
0x58: {  	_ =	shalt  }
0x59: {  	_ =	shalt  }
0x5a: {  	_ =	shalt  }
0x5b: {  	_ =	shalt  }
0x5c: {  	_ =	shalt  }
0x5d: {  	_ =	shalt  }
0x5e: {  	_ =	shalt  }
0x5f: {  	_ =	shalt  }
0x60: {  	_ =	shalt  }
0x61: {  	_ =	shalt  }
0x62: {  	_ =	shalt  }
0x63: {  	_ =	shalt  }
0x64: {  	_ =	shalt  }
0x65: {  	_ =	shalt  }
0x66: {  	_ =	shalt  }
0x67: {  	_ =	shalt  }
0x68: {  	_ =	shalt  }
0x69: {  	_ =	shalt  }
0x6a: {  	_ =	shalt  }
0x6b: {  	_ =	shalt  }
0x6c: {  	_ =	shalt  }
0x6d: {  	_ =	shalt  }
0x6e: {  	_ =	shalt  }
0x6f: {  	_ =	shalt  }
0x70: {  	_ =	shalt  }
0x71: {  	_ =	shalt  }
0x72: {  	_ =	shalt  }
0x73: {  	_ =	shalt  }
0x74: {  	_ =	shalt  }
0x75: {  	_ =	shalt  }
0x76: {  	_ =	shalt  }
0x77: {  	_ =	shalt  }
0x78: {  	_ =	shalt  }
0x79: {  	_ =	shalt  }
0x7a: {  	_ =	shalt  }
0x7b: {  	_ =	shalt  }
0x7c: {  	_ =	shalt  }
0x7d: {  	_ =	shalt  }
0x7e: {  	_ =	shalt  }
0x7f: {  	_ =	shalt  }
0x80: {  	_ =	shalt  }
0x81: {  	_ =	shalt  }
0x82: {  	_ =	shalt  }
0x83: {  	_ =	shalt  }
0x84: {  	_ =	shalt  }
0x85: {  	_ =	shalt  }
0x86: {  	_ =	shalt  }
0x87: {  	_ =	shalt  }
.Lfunc_end0:
.L_simem_size_0:
called_computation.1_lowered:
.L_overlay_start_0:
0x88: {  	s2 =	sld [smem:$0x3FD9]  }
0x89: {  	s3 =	sld [smem:$0x3FFE];
	_ =	sdelay $0x1  }
0x8a: {  	s1 =	srdreg.scid  }
0x8b: {  	s0 =	sand.u32 $0x1, s1  }
0x8c: {  	s14 =	sshll.u32 s0, $0xA;
	s2 =	sadd.s32 s3, s2  }
0x8d: {  	s2 =	sadd.s32 s2, s14  }
0x8e: {  	[smem:$0x3FC0] =	sst s2  }
0x8f: {  	_ = 	snop  }
0x90: {  	s2 =	sld [smem:$0x3FD0];
	_ =	sdelay $0x2  }
0x91: {  	s15 =	simm.s32 $0xA;
	s4 =	simm.s32 $0x10  }
0x92: {  	[smem:s4], [sflag:s15] =	dma.local [hbm:s2], $0x1  }
0x93: {  	_ =	swait.eq [sflag:s15], $0x1  }
0x94: {  	[sflag:s15] =	ssyncset.done $0x0  }
0x95: {  	s16 =	sld [smem:$0x10];
	[sflag:s15] =	ssyncadd.s32 $0xFFFFFFFF  }
0x96: {  	s17 =	sld [smem:$0x11];
	(tm) =	ssettm $0x1  }
0x97: {  	s18 =	sld [smem:$0x3FFB];
	_ =	sdelay $0x3  }
0x98: {  	_ =	strace s18  }
0x99: {  	s4 =	sld [smem:$0x3FFC];
	_ =	sdelay $0x3  }
0x9a: {  	_ =	strace s4  }
0x9b: {  	s4 =	sld [smem:$0x3FFD];
	_ =	sdelay $0x3  }
0x9c: {  	_ =	strace s4  }
0x9d: {  	_ =	strace $0x8FFFFFFF  }
0x9e: {  	s19 =	sld [smem:$0x3FDB];
	_ =	sdelay $0x1  }
0x9f: {  	s5 =	simm.s32 $_scs_section_size  }
0xa0: {  	s6 =	simm.s32 $_size__tile_overlayer_lowered;
	s7 =	simm.s32 $_tile_overlayer_lowered  }
0xa1: {  	s22 =	simm.s32 $0x1BFF;
	s21 =	sshll.u32 s7, $0x1;
	s4 =	sadd.s32 s5, s19  }
0xa2: {  	s8 =	simm.s32 $0x0;
	s20 =	sshll.u32 s6, $0x1;
	s6 =	sadd.s32 s21, s4  }
0xa3: {  	[timem:s8], [sflag:s22] =	dma.local [hbm:s6], s20  }
0xa4: {  	_ =	swait.ge [sflag:s22], s20  }
0xa5: {  	s5 =	ssub.s32 $0x0, s20;
	[sflag:s22] =	ssyncset.done $0x0  }
0xa6: {  	[sflag:s22] =	ssyncadd.s32 s5;
	_ =	sdelay $0x1  }
0xa7: {  	s23 =	simm.s32 $0x1B8B  }
0xa8: {  	_ =	swait.ge [sflag:s23], $0x1  }
0xa9: {  	[sflag:s23] =	ssyncset.done $0x0  }
0xaa: {  	s25 =	simm.s32 $0x1B8E;
	s24 =	sld [smem:$0x3FFE];
	[sflag:s23] =	ssyncadd.s32 $0xFFFFFFFF  }
0xab: {  	s26 =	simm.s32 $execute0_lowered;
	[smem:$0x3FD2] =	sst s25  }
0xac: {  	s6 =	sshll.u32 s26, $0x1;
	_ =	strace $0x80000049;
	[dreg:$0x1] =	wrdreg $0xFFFFFFFF  }
0xad: {  	s28 =	simm.s32 $_size_execute0_lowered;
	s4 =	sadd.s32 s4, s6;
	[dreg:$0x0] =	wrdreg $0x0  }
0xae: {  	s6 =	sshll.u32 s28, $0x1;
	[dreg:$0x2] =	wrdreg s4  }
0xaf: {  	[dreg:$0x3] =	wrdreg s6  }
0xb0: {  	[dreg:$0x4] =	wrdreg $0xC0  }
0xb1: {  	_ =	task [dreg:s8], $0x5FFFF  }
0xb2: {  	[dreg:$0x1] =	wrdreg $0xFFFFFFFF  }
0xb3: {  	[dreg:$0x0] =	wrdreg $0x60  }
0xb4: {  	[dreg:$0x2] =	wrdreg s17  }
0xb5: {  	[dreg:$0x3] =	wrdreg s16  }
0xb6: {  	[dreg:$0x4] =	wrdreg s24  }
0xb7: {  	[dreg:$0x5] =	wrdreg $0x7B000  }
0xb8: {  	[dreg:$0x6] =	wrdreg $0x9  }
0xb9: {  	_ =	task.clear_ibuf [dreg:s8], $0x7FFFF;
	_ =	strace $0x90000049  }
0xba: {  	s29 =	simm.s32 $0x9;
	_ =	strace $0x8000004B  }
0xbb: {  	_ =	swait.ge [sflag:s29], $0x1  }
0xbc: {  	[sflag:s29] =	ssyncadd.s32 $0xFFFFFFFF  }
0xbd: {  	_ =	strace $0x9000004B  }
0xbe: {  	_ =	sfence  }
0xbf: {  	s30 =	sld [smem:$0x0];
	_ =	sdelay $0x2  }
0xc0: {  	s31 =	sshll.u32 s1, $0xD;
	s1 =	sshrl.u32 s1, $0x2  }
0xc1: {  	s3 =	sand.u32 $0x4000, s31;
	s1 =	sadd.s32 s1, s30  }
0xc2: {  	s0 =	sor.u32 s3, s0;
	s1 =	sshll.u32 s1, $0x11  }
0xc3: {  	s0 =	sor.u32 s1, s0  }
0xc4: {  	s0 =	sadd.s32 $0x8F2B, s0  }
0xc5: {  	[sflag:s0] =	ssyncadd.remote.s32 $0x1  }
0xc6: {  	_ =	sfence.sel $0xFFFF  }
0xc7: {  	[dreg:$0x0] =	wrdreg $0xFFFFFFFF;
	(pc) =	sbr.abs _section_cstart, $3  }
0xc8: {  	[dreg:$0x1] =	wrdreg $0xFFFFFFFF  }
0xc9: {  	_ =	task.clear_ibuf [dreg:s8], $0x2FFFF;
	_ =	strace $0x9FFFFFFF  }
0xca: {  	(tm) =	ssettm $0x7FFFFFFF  }
0xcb: {  	_ =	shalt  }
tec
execute0_lowered:
.L_overlay_start_1:
0x0: {  	(tag) =	ssettag $0x1  }
0x1: {  	s1 =	rddreg [dreg:$0x0]  }
0x2: {  	s3 =	rddreg [dreg:$0x1]  }
0x3: {  	s0 =	rddreg [dreg:$0x2]  }
0x4: {  	s4 =	rddreg [dreg:$0x3];
	s12 =	stileid.u32  }
0x5: {  	s2 =	srdreg.scid;
	s5 =	simm.s32 $0x0;
	s28 =	simm.s32 $0x80  }
0x6: {  	s29 =	simm.s32 $0x200;
	s30 =	simm.s32 $0x2B00;
	s7 =	smul.u32 $0x14000, s12  }
0x7: {  	s31 =	simm.s32 $0x100;
	s2 =	sand.u32 $0x1, s2;
	s25 =	smul.u32 $0x50000, s12  }
0x8: {  	[smem:$0x7FF] =	sst s5;
	s6 =	sadd.s32 $0x3400, s0;
	s15 =	smul.u32 $0x2710, s12  }
0x9: {  	s13 =	sshll.u32 s12, $0x6;
	s8 =	smul.u32 $0x140000, s2;
	_ =	strace $0x8000004A  }
0xa: {  	s10 =	sshll.u32 s2, $0x4;
	s26 =	ssub.s32 $0x2, s2;
	s2 =	smul.u32 $0x27100, s2  }
0xb: {  	s16 =	sor.u32 $0x1C07, s13;
	s13 =	simm.s32 $0x6;
	s9 =	sshrl.u32 s7, $0x3  }
0xc: {  	s10 =	sor.u32 s12, s10;
	s11 =	sshrl.u32 s26, $0x1;
	s12 =	simm.s32 $0x5  }
0xd: {  	[dreg:$0x7] =	wrdreg s16;
	s9 =	sadd.s32 s9, s0;
	s7 =	sadd.s32 s7, s8  }
0xe: {  	s8 =	sshrl.u32 s25, $0x2;
	s10 =	smul.u32 $0x2710, s10;
	s2 =	sadd.s32 s15, s2  }
0xf: {  	s7 =	sshrl.u32 s7, $0x3;
	s8 =	sadd.s32 s8, s4;
	s22 =	sadd.s32 $0x190, s2  }
0x10: {  	s24 =	sadd.s32 $0x140, s2;
	s0 =	sadd.s32 s7, s0;
	s7 =	ssub.s32 s26, s11  }
0x11: {  	[dreg:$0x5] =	wrdreg s8;
	s11 =	sadd.s32 $0xD200, s9;
	s10 =	sshrl.u32 s10, $0x3  }
0x12: {  	s23 =	sshrl.u32 s22, $0x3;
	s25 =	sshrl.u32 s24, $0x3;
	s26 =	sadd.s32 $0xF0, s2  }
0x13: {  	s24 =	simm.s32 $0x180;
	s2 =	simm.s32 $0x5300;
	[dreg:$0x6] =	wrdreg s11  }
0x14: {  	s14 =	sadd.s32 $0xA, s10;
	s17 =	sadd.s32 s3, s10;
	s18 =	sadd.s32 s6, s10  }
0x15: {  	s20 =	sadd.s32 $0x14, s10;
	s0 =	sadd.s32 $0x35200, s0;
	[dreg:$0x10] =	wrdreg s26  }
0x16: {  	s7 =	smax.u32 s7, $0x1;
	s26 =	simm.s32 $0x300;
	[dreg:$0x8] =	wrdreg s17  }
0x17: {  	s10 =	simm.s32 $0x3;
	s11 =	simm.s32 $0x4;
	[dreg:$0x9] =	wrdreg s18  }
0x18: {  	s19 =	sadd.s32 s3, s14;
	s8 =	sadd.s32 s6, s14;
	[dreg:$0xe] =	wrdreg s0  }
0x19: {  	s21 =	sadd.s32 s3, s20;
	[dreg:$0xf] =	wrdreg s7;
	s18 =	sadd.s32 s23, s6  }
.Ltmp0:
0x1a: {  	s0 =	simm.s32 $0x280;
	[dreg:$0xa] =	wrdreg s19;
	(pc) =	sbr.rel .LBB2_1-.Ltmp0, $4  }
0x1b: {  	s7 =	simm.s32 $0x1;
	s14 =	simm.s32 $0x0;
	[dreg:$0xb] =	wrdreg s8  }
0x1c: {  	[dreg:$0xc] =	wrdreg s21;
	s8 =	sadd.s32 s6, s20;
	s19 =	sadd.s32 s23, s3  }
0x1d: {  	s20 =	sadd.s32 s25, s6;
	s21 =	sadd.s32 s25, s3;
	s23 =	simm.s32 $0x7  }
0x1e: {  	s25 =	simm.s32 $0x50;
	[dreg:$0xd] =	wrdreg s8;
	s8 =	simm.s32 $0x2  }
.LBB2_4:
0x1f: {  	_ =	swait.ge [sflag:s7], $0x2800  }
0x20: {  	[sflag:s7] =	ssyncset.done $0x0  }
0x21: {  	[sflag:s7] =	ssyncadd.s32 $0xFFFFD800  }
0x22: {  	[spmem:s4] =	stream.indirect.scatter.add.f32 [tilespmem:s26], [sflag:$0x4], $0x80, s24, s25, $0xb8;
	[tilespmem:$0x1BB00] =	vst v63  }
0x23: {  	_ =	swait.ge [sflag:s8], $0x2800  }
0x24: {  	[sflag:s8] =	ssyncset.done $0x0  }
0x25: {  	[sflag:s8] =	ssyncadd.s32 $0xFFFFD800  }
0x26: {  	[spmem:s4] =	stream.indirect.scatter.add.f32 [tilespmem:s30], [sflag:$0x5], $0x80, s29, s25, $0xb8;
	[tilespmem:$0x1BB00] =	vst v63  }
0x27: {  	_ =	swait.ge [sflag:s11], $0x2800  }
0x28: {  	[sflag:s11] =	ssyncset.done $0x0  }
0x29: {  	[sflag:s11] =	ssyncadd.s32 $0xFFFFD800  }
0x2a: {  	_ =	swait.ge [sflag:s12], $0x2800  }
0x2b: {  	[sflag:s12] =	ssyncset.done $0x0  }
0x2c: {  	[sflag:s12] =	ssyncadd.s32 $0xFFFFD800  }
0x2d: {  	[bflag:$0x0] =	sbarrier.arrive $0xFFFF  }
0x2e: {  	s16 =	rddreg [dreg:$0x7]  }
0x2f: {  	s9 =	rddreg [dreg:$0xe]  }
0x30: {  	[hbm:s9], [sflag:s16] =	dma.local [spmem:s15], $0x2800  }
0x31: {  	_ =	swait.ge [sflag:s23], $0x2800  }
0x32: {  	s14 =	sadd.s32 $0x1, s14;
	s22 =	rddreg [dreg:$0xf]  }
0x33: {  	p0 =	sne.s32 s14, s22  }
.Ltmp1:
0x34: {  	_ = 	snop;
	(pc) =	sbr.rel @!p0 .LBB2_5-.Ltmp1, $3  }
0x35: {  	_ =	sdelay $0x1  }
0x36: {  	[sflag:s23] =	ssyncset.done $0x0  }
0x37: {  	[sflag:s23] =	ssyncadd.s32 $0xFFFFD800  }
.LBB2_1:
0x38: {  	s9 =	rddreg [dreg:$0x5]  }
0x39: {  	s22 =	rddreg [dreg:$0x6];
	s15 =	sshrl.u32 s9, $0x3  }
0x3a: {  	[spmem:s15], [sflag:s16] =	dma.local [hbm:s22], $0x2800  }
0x3b: {  	_ =	swait.ge [sflag:s23], $0x2800  }
0x3c: {  	[sflag:s23] =	ssyncset.done $0x0  }
0x3d: {  	s16 =	rddreg [dreg:$0x8];
	[sflag:s23] =	ssyncadd.s32 $0xFFFFD800  }
0x3e: {  	[tilespmem:s5], [sflag:$0x7] =	stream.linear.gather [hbm4b:s16+s5], $0x50, $0x38;
	[tilespmem:$0x1BB00] =	vst v63  }
0x3f: {  	_ =	swait.ge [sflag:s23], $0x50  }
0x40: {  	[sflag:s23] =	ssyncset.done $0x0  }
0x41: {  	s17 =	rddreg [dreg:$0x9];
	[sflag:s23] =	ssyncadd.s32 $0xFFFFFFB0  }
0x42: {  	[tilespmem:s24], [sflag:$0x7] =	stream.linear.gather [hbm4b:s17+s5], $0x50, $0x38;
	[tilespmem:$0x1BB00] =	vst v63  }
0x43: {  	_ =	swait.ge [sflag:s23], $0x50  }
0x44: {  	[sflag:s23] =	ssyncset.done $0x0  }
0x45: {  	[sflag:s23] =	ssyncadd.s32 $0xFFFFFFB0  }
0x46: {  	[tilespmem:s26], [sflag:$0x1] =	stream.indirect.gather [hbm4b:s1+s25], $0x80, s5, s25, $0xb8;
	[tilespmem:$0x1BB00] =	vst v63  }
0x47: {  	s22 =	rddreg [dreg:$0xa]  }
0x48: {  	[tilespmem:s28], [sflag:$0x7] =	stream.linear.gather [hbm4b:s22+s5], $0x50, $0x38;
	[tilespmem:$0x1BB00] =	vst v63  }
0x49: {  	_ =	swait.ge [sflag:s23], $0x50  }
0x4a: {  	[sflag:s23] =	ssyncset.done $0x0  }
0x4b: {  	s16 =	rddreg [dreg:$0xb];
	[sflag:s23] =	ssyncadd.s32 $0xFFFFFFB0  }
0x4c: {  	[tilespmem:s29], [sflag:$0x7] =	stream.linear.gather [hbm4b:s16+s5], $0x50, $0x38;
	[tilespmem:$0x1BB00] =	vst v63  }
0x4d: {  	_ =	swait.ge [sflag:s23], $0x50  }
0x4e: {  	[sflag:s23] =	ssyncset.done $0x0  }
0x4f: {  	[sflag:s23] =	ssyncadd.s32 $0xFFFFFFB0  }
0x50: {  	[tilespmem:s30], [sflag:$0x2] =	stream.indirect.gather [hbm4b:s1+s25], $0x80, s28, s25, $0xb8;
	[tilespmem:$0x1BB00] =	vst v63  }
0x51: {  	s17 =	rddreg [dreg:$0xc]  }
0x52: {  	[tilespmem:s31], [sflag:$0x7] =	stream.linear.gather [hbm4b:s17+s5], $0x50, $0x38;
	[tilespmem:$0x1BB00] =	vst v63  }
0x53: {  	_ =	swait.ge [sflag:s23], $0x50  }
0x54: {  	[sflag:s23] =	ssyncset.done $0x0  }
0x55: {  	s22 =	rddreg [dreg:$0xd];
	[sflag:s23] =	ssyncadd.s32 $0xFFFFFFB0  }
0x56: {  	[tilespmem:s0], [sflag:$0x7] =	stream.linear.gather [hbm4b:s22+s5], $0x50, $0x38;
	[tilespmem:$0x1BB00] =	vst v63  }
0x57: {  	_ =	swait.ge [sflag:s23], $0x50  }
0x58: {  	[sflag:s23] =	ssyncset.done $0x0  }
0x59: {  	[sflag:s23] =	ssyncadd.s32 $0xFFFFFFB0  }
0x5a: {  	[tilespmem:s2], [sflag:$0x3] =	stream.indirect.gather [hbm4b:s1+s25], $0x80, s31, s25, $0xb8;
	[tilespmem:$0x1BB00] =	vst v63  }
0x5b: {  	[bflag:$0x0] =	sbarrier.arrive $0xFFFF  }
0x5c: {  	s17 =	simm.s32 $0x0;
	s22 =	rddreg [dreg:$0x10]  }
.LBB2_2:
0x5d: {  	_ =	swait.ge [sflag:s7], $0x2800  }
0x5e: {  	[sflag:s7] =	ssyncset.done $0x0  }
0x5f: {  	[sflag:s7] =	ssyncadd.s32 $0xFFFFD800  }
0x60: {  	[spmem:s4] =	stream.indirect.scatter.add.f32 [tilespmem:s26], [sflag:$0x4], $0x80, s24, s25, $0xb8;
	[tilespmem:$0x1BB00] =	vst v63  }
0x61: {  	_ =	swait.ge [sflag:s8], $0x2800  }
0x62: {  	[sflag:s8] =	ssyncset.done $0x0  }
0x63: {  	[sflag:s8] =	ssyncadd.s32 $0xFFFFD800  }
0x64: {  	[spmem:s4] =	stream.indirect.scatter.add.f32 [tilespmem:s30], [sflag:$0x5], $0x80, s29, s25, $0xb8;
	[tilespmem:$0x1BB00] =	vst v63  }
0x65: {  	_ =	swait.ge [sflag:s10], $0x2800  }
0x66: {  	[sflag:s10] =	ssyncset.done $0x0  }
0x67: {  	[sflag:s10] =	ssyncadd.s32 $0xFFFFD800  }
0x68: {  	[spmem:s4] =	stream.indirect.scatter.add.f32 [tilespmem:s2], [sflag:$0x6], $0x80, s0, s25, $0xb8;
	[tilespmem:$0x1BB00] =	vst v63  }
0x69: {  	_ =	swait.ge [sflag:s11], $0x2800  }
0x6a: {  	s16 =	sshrl.u32 s22, $0x3;
	[sflag:s11] =	ssyncset.done $0x0  }
0x6b: {  	s9 =	sadd.s32 s3, s16;
	[sflag:s11] =	ssyncadd.s32 $0xFFFFD800  }
0x6c: {  	[tilespmem:s5], [sflag:$0x7] =	stream.linear.gather [hbm4b:s9+s5], $0x50, $0x38;
	[tilespmem:$0x1BB00] =	vst v63  }
0x6d: {  	_ =	swait.ge [sflag:s23], $0x50  }
0x6e: {  	[sflag:s23] =	ssyncset.done $0x0  }
0x6f: {  	s16 =	sadd.s32 s6, s16;
	[sflag:s23] =	ssyncadd.s32 $0xFFFFFFB0  }
0x70: {  	[tilespmem:s24], [sflag:$0x7] =	stream.linear.gather [hbm4b:s16+s5], $0x50, $0x38;
	[tilespmem:$0x1BB00] =	vst v63  }
0x71: {  	_ =	swait.ge [sflag:s23], $0x50  }
0x72: {  	[sflag:s23] =	ssyncset.done $0x0  }
0x73: {  	[sflag:s23] =	ssyncadd.s32 $0xFFFFFFB0  }
0x74: {  	[tilespmem:s26], [sflag:$0x1] =	stream.indirect.gather [hbm4b:s1+s25], $0x80, s5, s25, $0xb8;
	[tilespmem:$0x1BB00] =	vst v63  }
0x75: {  	_ =	swait.ge [sflag:s12], $0x2800  }
0x76: {  	[sflag:s12] =	ssyncset.done $0x0  }
0x77: {  	s16 =	sadd.s32 s17, s21;
	[sflag:s12] =	ssyncadd.s32 $0xFFFFD800  }
0x78: {  	[tilespmem:s28], [sflag:$0x7] =	stream.linear.gather [hbm4b:s16+s5], $0x50, $0x38;
	[tilespmem:$0x1BB00] =	vst v63  }
0x79: {  	_ =	swait.ge [sflag:s23], $0x50  }
0x7a: {  	[sflag:s23] =	ssyncset.done $0x0  }
0x7b: {  	s16 =	sadd.s32 s17, s20;
	[sflag:s23] =	ssyncadd.s32 $0xFFFFFFB0  }
0x7c: {  	[tilespmem:s29], [sflag:$0x7] =	stream.linear.gather [hbm4b:s16+s5], $0x50, $0x38;
	[tilespmem:$0x1BB00] =	vst v63  }
0x7d: {  	_ =	swait.ge [sflag:s23], $0x50  }
0x7e: {  	p0 =	seq.s32 s17, $0x4B0;
	[sflag:s23] =	ssyncset.done $0x0  }
.Ltmp2:
0x7f: {  	[sflag:s23] =	ssyncadd.s32 $0xFFFFFFB0;
	(pc) =	sbr.rel @p0 .LBB2_4-.Ltmp2, $4  }
0x80: {  	[tilespmem:s30], [sflag:$0x2] =	stream.indirect.gather [hbm4b:s1+s25], $0x80, s28, s25, $0xb8;
	[tilespmem:$0x1BB00] =	vst v63  }
0x81: {  	_ =	swait.ge [sflag:s13], $0x2800  }
0x82: {  	[sflag:s13] =	ssyncset.done $0x0  }
0x83: {  	[sflag:s13] =	ssyncadd.s32 $0xFFFFD800  }
0x84: {  	s9 =	sadd.s32 s17, s19  }
0x85: {  	[tilespmem:s31], [sflag:$0x7] =	stream.linear.gather [hbm4b:s9+s5], $0x50, $0x38;
	[tilespmem:$0x1BB00] =	vst v63  }
0x86: {  	_ =	swait.ge [sflag:s23], $0x50  }
0x87: {  	[sflag:s23] =	ssyncset.done $0x0  }
0x88: {  	s16 =	sadd.s32 s17, s18;
	[sflag:s23] =	ssyncadd.s32 $0xFFFFFFB0  }
0x89: {  	[tilespmem:s0], [sflag:$0x7] =	stream.linear.gather [hbm4b:s16+s5], $0x50, $0x38;
	[tilespmem:$0x1BB00] =	vst v63  }
.Ltmp3:
0x8a: {  	_ = 	snop;
	(pc) =	sbr.rel .LBB2_2-.Ltmp3, $4  }
0x8b: {  	_ =	swait.ge [sflag:s23], $0x50  }
0x8c: {  	[sflag:s23] =	ssyncset.done $0x0  }
0x8d: {  	s17 =	sadd.s32 $0x1E, s17;
	s22 =	sadd.s32 $0xF0, s22;
	[sflag:s23] =	ssyncadd.s32 $0xFFFFFFB0  }
0x8e: {  	[tilespmem:s2], [sflag:$0x3] =	stream.indirect.gather [hbm4b:s1+s25], $0x80, s31, s25, $0xb8;
	[tilespmem:$0x1BB00] =	vst v63  }
.LBB2_5:
0x8f: {  	_ =	sfence.sel $0x180000  }
0x90: {  	[bflag:$0x0] =	sbarrier.arrive $0xFFFF  }
0x91: {  	_ =	strace $0x9000004A  }
0x92: {  	s0 =	stileid.u32;
	[bflag:$0x2] =	sbarrier.arrive $0xFFFF  }
0x93: {  	p0 =	sne.s32 s0, $0x0;
	s0 =	rddreg [dreg:$0x4]  }
0x94: {  	s0 =	sadd.s32 @!p0 $0x100000, s0  }
0x95: {  	[sflag:s0] =	ssyncadd.tile.s32 @!p0 $0x1;
	_ =	shalt  }
.Lfunc_end2:
_tile_overlayer_lowered:
.L_overlay_start_2:
0x96: {  	(tag) =	ssettag $0x2  }
0x97: {  	s0 =	rddreg [dreg:$0x0];
	s2 =	stileid.u32  }
0x98: {  	s1 =	rddreg [dreg:$0x1];
	p0 =	sne.s32 s2, $0x0  }
0x99: {  	s3 =	rddreg [dreg:$0x2];
	[bflag:$0x3] =	sbarrier.arrive $0xFFFF;
	s2 =	simm.s32 @!p0 $0x1C07  }
0x9a: {  	[timem:s3], [sflag:s2] =	dma.local @!p0 [hbm:s0], s1  }
0x9b: {  	s0 =	simm.s32 @!p0 $0x7  }
0x9c: {  	_ =	swait.ge @!p0 [sflag:s0], s1  }
0x9d: {  	s1 =	ssub.s32 @!p0 $0x0, s1;
	[sflag:s0] =	ssyncset.done @!p0 $0x0  }
0x9e: {  	[sflag:s0] =	ssyncadd.s32 @!p0 s1  }
0x9f: {  	[bflag:$0x3] =	sbarrier.arrive $0xFFFF  }
0xa0: {  	_ =	shalt  }

// kernel: kernel.18.cloned.1.call-start
scs
__scs_entry_jumppad:
0x0: {  	(pc) =	sbr.rel $0x88, $3  }
0x1: {  	(tag) =	ssettag $0x0;
	lr =	simm.s32 $0x1  }
0x2: {  	[smem:$0x3F99] =	sst lr;
	_ =	strace $0xD0000000  }
0x3: {  	_ = 	snop  }
0x4: {  	_ = 	snop  }
0x5: {  	_ = 	snop  }
0x6: {  	_ = 	snop  }
0x7: {  	_ = 	snop  }
__scs_overlays_trampoline_lowered:
0x8: {  	[smem:$0x3FA8] =	sst s0  }
0x9: {  	[smem:$0x3FA9] =	sst s1  }
0xa: {  	[smem:$0x3FAA] =	sst s2  }
0xb: {  	[smem:$0x3FAB] =	sst s3  }
0xc: {  	[smem:$0x3FAC] =	sst s4  }
0xd: {  	[smem:$0x3FAD] =	sst s5  }
0xe: {  	[smem:$0x3FAE] =	sst s6  }
0xf: {  	[smem:$0x3FAF] =	sst s7  }
0x10: {  	[smem:$0x3FB0] =	sst s8  }
0x11: {  	[smem:$0x3FB1] =	sst s9;
	s0 =	simm.s32 @!p0 $0x0  }
0x12: {  	s1 =	sld [smem:$0x3F97];
	s0 =	simm.s32 @p0 $0x1  }
0x13: {  	[smem:$0x3FB2] =	sst s0;
	s0 =	simm.s32 @!p1 $0x0  }
0x14: {  	s2 =	sld [smem:$0x3F96];
	s0 =	simm.s32 @p1 $0x1  }
0x15: {  	[smem:$0x3FB3] =	sst s0;
	s0 =	simm.s32 @!p2 $0x0  }
0x16: {  	s3 =	sld [smem:$0x3FDB];
	s0 =	simm.s32 @p2 $0x1  }
0x17: {  	s4 =	simm.s32 $0x1BF5;
	[smem:$0x3FB5] =	sst s0  }
0x18: {  	s0 =	sld [smem:$0x3F98];
	_ =	swait.ge [sflag:s4], $0x0  }
0x19: {  	s7 =	sld [smem:$0x3F99]  }
0x1a: {  	s8 =	sadd.s32 $0xFFFFE003, lr  }
0x1b: {  	s9 =	sadd.s32 $0xFFFFFEF7, lr;
	s5 =	simm.s32 $0xFFFFFFFF;
	p2 =	slt.u32 s8, $0xFFFFF086  }
0x1c: {  	p1 =	slt.u32 s9, $0xF7A;
	s5 =	simm.s32 @!p2 $0x0  }
0x1d: {  	s5 =	simm.s32 @p1 $0x1;
	p0 =	seq.s32 s7, s2  }
0x1e: {  	s7 =	smul.u32 @!p0 $0xF7A, s2;
	p2 =	seq.s32 @!p0 s5, $0x0  }
0x1f: {  	s9 =	smul.u32 $0xF7A, s1;
	s8 =	simm.s32 @!p0 $0x1BF5;
	p2 =	por !p2, p0  }
0x20: {  	[sflag:s8] =	ssyncset.s32 @!p0 $0xFFFFF086;
	s6 =	sadd.s32 @!p0 s3, s7;
	s7 =	simm.s32 @!p0 $0x108  }
0x21: {  	s3 =	sadd.s32 s3, s9;
	s6 =	sadd.s32 @!p0 $0x88, s6;
	s7 =	simm.s32 @p2 $0x1082  }
0x22: {  	[simem:s7], [sflag:s8] =	dma.local @!p0 [hbm:s6], $0xF7A  }
0x23: {  	s9 =	sor.u32 $0xD0000000, s2;
	s6 =	simm.s32 $0x108;
	_ =	swait.ge @!p0 [sflag:s8], $0x0  }
0x24: {  	s3 =	sadd.s32 $0x88, s3;
	s6 =	simm.s32 @!p1 $0x1082;
	[sflag:s4] =	ssyncset.s32 $0xFFFFF086  }
0x25: {  	[simem:s6], [sflag:s4] =	dma.local [hbm:s3], $0xF7A  }
0x26: {  	[smem:$0x3F99] =	sst s1;
	(tag) =	ssettag s2;
	_ =	strace s9  }
0x27: {  	s1 =	sld [smem:$0x3FA9]  }
0x28: {  	s2 =	sld [smem:$0x3FAA]  }
0x29: {  	s4 =	sld [smem:$0x3FAC]  }
0x2a: {  	p0 =	seq.s32 s5, $0x0;
	s5 =	sld [smem:$0x3FAD]  }
0x2b: {  	s6 =	sld [smem:$0x3FAE]  }
0x2c: {  	s7 =	sld [smem:$0x3FAF]  }
0x2d: {  	s3 =	simm.s32 $0x108;
	s8 =	sld [smem:$0x3FB0]  }
0x2e: {  	s3 =	simm.s32 @!p0 $0x1082;
	s9 =	sld [smem:$0x3FB1]  }
0x2f: {  	lr =	sadd.s32 s0, s3;
	s0 =	sld [smem:$0x3FA8]  }
0x30: {  	s3 =	sld [smem:$0x3FAB]  }
0x31: {  	[smem:$0x3FB4] =	sst s10  }
0x32: {  	s10 =	sld [smem:$0x3FB2];
	_ =	sdelay $0x3  }
0x33: {  	p0 =	seq.s32 s10, $0x1;
	s10 =	sld [smem:$0x3FB4];
	_ =	sdelay $0x3  }
0x34: {  	[smem:$0x3FB4] =	sst s10  }
0x35: {  	s10 =	sld [smem:$0x3FB3];
	_ =	sdelay $0x3  }
0x36: {  	p1 =	seq.s32 s10, $0x1;
	s10 =	sld [smem:$0x3FB4];
	_ =	sdelay $0x3  }
0x37: {  	[smem:$0x3FB4] =	sst s10  }
0x38: {  	s10 =	sld [smem:$0x3FB5]  }
0x39: {  	_ = 	snop;
	(pc) =	sbr.ind lr, $3  }
0x3a: {  	_ = 	snop  }
0x3b: {  	_ = 	snop  }
0x3c: {  	p2 =	seq.s32 s10, $0x1;
	s10 =	sld [smem:$0x3FB4]  }
0x3d: {  	_ =	shalt  }
0x3e: {  	_ =	shalt  }
0x3f: {  	_ =	shalt  }
0x40: {  	_ =	shalt  }
0x41: {  	_ =	shalt  }
0x42: {  	_ =	shalt  }
0x43: {  	_ =	shalt  }
0x44: {  	_ =	shalt  }
0x45: {  	_ =	shalt  }
0x46: {  	_ =	shalt  }
0x47: {  	_ =	shalt  }
0x48: {  	_ =	shalt  }
0x49: {  	_ =	shalt  }
0x4a: {  	_ =	shalt  }
0x4b: {  	_ =	shalt  }
0x4c: {  	_ =	shalt  }
0x4d: {  	_ =	shalt  }
0x4e: {  	_ =	shalt  }
0x4f: {  	_ =	shalt  }
0x50: {  	_ =	shalt  }
0x51: {  	_ =	shalt  }
0x52: {  	_ =	shalt  }
0x53: {  	_ =	shalt  }
0x54: {  	_ =	shalt  }
0x55: {  	_ =	shalt  }
0x56: {  	_ =	shalt  }
0x57: {  	_ =	shalt  }
0x58: {  	_ =	shalt  }
0x59: {  	_ =	shalt  }
0x5a: {  	_ =	shalt  }
0x5b: {  	_ =	shalt  }
0x5c: {  	_ =	shalt  }
0x5d: {  	_ =	shalt  }
0x5e: {  	_ =	shalt  }
0x5f: {  	_ =	shalt  }
0x60: {  	_ =	shalt  }
0x61: {  	_ =	shalt  }
0x62: {  	_ =	shalt  }
0x63: {  	_ =	shalt  }
0x64: {  	_ =	shalt  }
0x65: {  	_ =	shalt  }
0x66: {  	_ =	shalt  }
0x67: {  	_ =	shalt  }
0x68: {  	_ =	shalt  }
0x69: {  	_ =	shalt  }
0x6a: {  	_ =	shalt  }
0x6b: {  	_ =	shalt  }
0x6c: {  	_ =	shalt  }
0x6d: {  	_ =	shalt  }
0x6e: {  	_ =	shalt  }
0x6f: {  	_ =	shalt  }
0x70: {  	_ =	shalt  }
0x71: {  	_ =	shalt  }
0x72: {  	_ =	shalt  }
0x73: {  	_ =	shalt  }
0x74: {  	_ =	shalt  }
0x75: {  	_ =	shalt  }
0x76: {  	_ =	shalt  }
0x77: {  	_ =	shalt  }
0x78: {  	_ =	shalt  }
0x79: {  	_ =	shalt  }
0x7a: {  	_ =	shalt  }
0x7b: {  	_ =	shalt  }
0x7c: {  	_ =	shalt  }
0x7d: {  	_ =	shalt  }
0x7e: {  	_ =	shalt  }
0x7f: {  	_ =	shalt  }
0x80: {  	_ =	shalt  }
0x81: {  	_ =	shalt  }
0x82: {  	_ =	shalt  }
0x83: {  	_ =	shalt  }
0x84: {  	_ =	shalt  }
0x85: {  	_ =	shalt  }
0x86: {  	_ =	shalt  }
0x87: {  	_ =	shalt  }
.Lfunc_end0:
.L_simem_size_0:
called_computation.2_lowered:
.L_overlay_start_0:
0x88: {  	s2 =	sld [smem:$0x3FD9]  }
0x89: {  	s3 =	sld [smem:$0x3FFE];
	_ =	sdelay $0x1  }
0x8a: {  	s1 =	srdreg.scid  }
0x8b: {  	s0 =	sand.u32 $0x1, s1  }
0x8c: {  	s14 =	sshll.u32 s0, $0xA;
	s2 =	sadd.s32 s3, s2  }
0x8d: {  	s2 =	sadd.s32 s2, s14  }
0x8e: {  	[smem:$0x3FC0] =	sst s2  }
0x8f: {  	_ = 	snop  }
0x90: {  	s2 =	sld [smem:$0x3FD0];
	_ =	sdelay $0x2  }
0x91: {  	s15 =	simm.s32 $0xA;
	s4 =	simm.s32 $0x10  }
0x92: {  	[smem:s4], [sflag:s15] =	dma.local [hbm:s2], $0x1  }
0x93: {  	_ =	swait.eq [sflag:s15], $0x1  }
0x94: {  	[sflag:s15] =	ssyncset.done $0x0  }
0x95: {  	s16 =	sld [smem:$0x10];
	[sflag:s15] =	ssyncadd.s32 $0xFFFFFFFF  }
0x96: {  	s17 =	sld [smem:$0x11];
	(tm) =	ssettm $0x1  }
0x97: {  	s18 =	sld [smem:$0x3FFB];
	_ =	sdelay $0x3  }
0x98: {  	_ =	strace s18  }
0x99: {  	s4 =	sld [smem:$0x3FFC];
	_ =	sdelay $0x3  }
0x9a: {  	_ =	strace s4  }
0x9b: {  	s4 =	sld [smem:$0x3FFD];
	_ =	sdelay $0x3  }
0x9c: {  	_ =	strace s4  }
0x9d: {  	_ =	strace $0x8FFFFFFF  }
0x9e: {  	s19 =	sld [smem:$0x3FDB];
	_ =	sdelay $0x1  }
0x9f: {  	s5 =	simm.s32 $_scs_section_size  }
0xa0: {  	s6 =	simm.s32 $_size__tile_overlayer_lowered;
	s7 =	simm.s32 $_tile_overlayer_lowered  }
0xa1: {  	s22 =	simm.s32 $0x1BFF;
	s21 =	sshll.u32 s7, $0x1;
	s4 =	sadd.s32 s5, s19  }
0xa2: {  	s8 =	simm.s32 $0x0;
	s20 =	sshll.u32 s6, $0x1;
	s6 =	sadd.s32 s21, s4  }
0xa3: {  	[timem:s8], [sflag:s22] =	dma.local [hbm:s6], s20  }
0xa4: {  	_ =	swait.ge [sflag:s22], s20  }
0xa5: {  	s5 =	ssub.s32 $0x0, s20;
	[sflag:s22] =	ssyncset.done $0x0  }
0xa6: {  	[sflag:s22] =	ssyncadd.s32 s5;
	_ =	sdelay $0x1  }
0xa7: {  	s23 =	simm.s32 $0x1B8B  }
0xa8: {  	_ =	swait.ge [sflag:s23], $0x1  }
0xa9: {  	[sflag:s23] =	ssyncset.done $0x0  }
0xaa: {  	s25 =	simm.s32 $0x1B8E;
	s24 =	sld [smem:$0x3FFE];
	[sflag:s23] =	ssyncadd.s32 $0xFFFFFFFF  }
0xab: {  	s26 =	simm.s32 $execute0_lowered;
	[smem:$0x3FD2] =	sst s25  }
0xac: {  	s6 =	sshll.u32 s26, $0x1;
	_ =	strace $0x8000004C;
	[dreg:$0x1] =	wrdreg $0xFFFFFFFF  }
0xad: {  	s28 =	simm.s32 $_size_execute0_lowered;
	s4 =	sadd.s32 s4, s6;
	[dreg:$0x0] =	wrdreg $0x0  }
0xae: {  	s6 =	sshll.u32 s28, $0x1;
	[dreg:$0x2] =	wrdreg s4  }
0xaf: {  	[dreg:$0x3] =	wrdreg s6  }
0xb0: {  	[dreg:$0x4] =	wrdreg $0xC0  }
0xb1: {  	_ =	task [dreg:s8], $0x5FFFF  }
0xb2: {  	[dreg:$0x1] =	wrdreg $0xFFFFFFFF  }
0xb3: {  	[dreg:$0x0] =	wrdreg $0x60  }
0xb4: {  	[dreg:$0x2] =	wrdreg s17  }
0xb5: {  	[dreg:$0x3] =	wrdreg s16  }
0xb6: {  	[dreg:$0x4] =	wrdreg s24  }
0xb7: {  	[dreg:$0x5] =	wrdreg $0x7B000  }
0xb8: {  	[dreg:$0x6] =	wrdreg $0x9  }
0xb9: {  	_ =	task.clear_ibuf [dreg:s8], $0x7FFFF;
	_ =	strace $0x9000004C  }
0xba: {  	s29 =	simm.s32 $0x9;
	_ =	strace $0x8000004E  }
0xbb: {  	_ =	swait.ge [sflag:s29], $0x1  }
0xbc: {  	[sflag:s29] =	ssyncadd.s32 $0xFFFFFFFF  }
0xbd: {  	_ =	strace $0x9000004E  }
0xbe: {  	_ =	sfence  }
0xbf: {  	s30 =	sld [smem:$0x0];
	_ =	sdelay $0x2  }
0xc0: {  	s31 =	sshll.u32 s1, $0xD;
	s1 =	sshrl.u32 s1, $0x2  }
0xc1: {  	s3 =	sand.u32 $0x4000, s31;
	s1 =	sadd.s32 s1, s30  }
0xc2: {  	s0 =	sor.u32 s3, s0;
	s1 =	sshll.u32 s1, $0x11  }
0xc3: {  	s0 =	sor.u32 s1, s0  }
0xc4: {  	s0 =	sadd.s32 $0x8F2B, s0  }
0xc5: {  	[sflag:s0] =	ssyncadd.remote.s32 $0x1  }
0xc6: {  	_ =	sfence.sel $0xFFFF  }
0xc7: {  	[dreg:$0x0] =	wrdreg $0xFFFFFFFF;
	(pc) =	sbr.abs _section_cstart, $3  }
0xc8: {  	[dreg:$0x1] =	wrdreg $0xFFFFFFFF  }
0xc9: {  	_ =	task.clear_ibuf [dreg:s8], $0x2FFFF;
	_ =	strace $0x9FFFFFFF  }
0xca: {  	(tm) =	ssettm $0x7FFFFFFF  }
0xcb: {  	_ =	shalt  }
tec
execute0_lowered:
.L_overlay_start_1:
0x0: {  	(tag) =	ssettag $0x1  }
0x1: {  	s1 =	rddreg [dreg:$0x0]  }
0x2: {  	s3 =	rddreg [dreg:$0x1]  }
0x3: {  	s0 =	rddreg [dreg:$0x2]  }
0x4: {  	s4 =	rddreg [dreg:$0x3];
	s12 =	stileid.u32  }
0x5: {  	s2 =	srdreg.scid;
	s5 =	simm.s32 $0x0;
	s28 =	simm.s32 $0x80  }
0x6: {  	s29 =	simm.s32 $0x200;
	s30 =	simm.s32 $0x2B00;
	s7 =	smul.u32 $0x14000, s12  }
0x7: {  	s31 =	simm.s32 $0x100;
	s2 =	sand.u32 $0x1, s2;
	s25 =	smul.u32 $0x50000, s12  }
0x8: {  	[smem:$0x7FF] =	sst s5;
	s6 =	sadd.s32 $0x3400, s0;
	s15 =	smul.u32 $0x2710, s12  }
0x9: {  	s13 =	sshll.u32 s12, $0x6;
	s8 =	smul.u32 $0x140000, s2;
	_ =	strace $0x8000004D  }
0xa: {  	s10 =	sshll.u32 s2, $0x4;
	s26 =	ssub.s32 $0x2, s2;
	s2 =	smul.u32 $0x27100, s2  }
0xb: {  	s16 =	sor.u32 $0x1C07, s13;
	s13 =	simm.s32 $0x6;
	s9 =	sshrl.u32 s7, $0x3  }
0xc: {  	s10 =	sor.u32 s12, s10;
	s11 =	sshrl.u32 s26, $0x1;
	s12 =	simm.s32 $0x5  }
0xd: {  	[dreg:$0x7] =	wrdreg s16;
	s9 =	sadd.s32 s9, s0;
	s7 =	sadd.s32 s7, s8  }
0xe: {  	s8 =	sshrl.u32 s25, $0x2;
	s10 =	smul.u32 $0x2710, s10;
	s2 =	sadd.s32 s15, s2  }
0xf: {  	s7 =	sshrl.u32 s7, $0x3;
	s8 =	sadd.s32 s8, s4;
	s22 =	sadd.s32 $0x190, s2  }
0x10: {  	s24 =	sadd.s32 $0x140, s2;
	s0 =	sadd.s32 s7, s0;
	s7 =	ssub.s32 s26, s11  }
0x11: {  	[dreg:$0x5] =	wrdreg s8;
	s11 =	sadd.s32 $0xD200, s9;
	s10 =	sshrl.u32 s10, $0x3  }
0x12: {  	s23 =	sshrl.u32 s22, $0x3;
	s25 =	sshrl.u32 s24, $0x3;
	s26 =	sadd.s32 $0xF0, s2  }
0x13: {  	s24 =	simm.s32 $0x180;
	s2 =	simm.s32 $0x5300;
	[dreg:$0x6] =	wrdreg s11  }
0x14: {  	s14 =	sadd.s32 $0xA, s10;
	s17 =	sadd.s32 s3, s10;
	s18 =	sadd.s32 s6, s10  }
0x15: {  	s20 =	sadd.s32 $0x14, s10;
	s0 =	sadd.s32 $0x35200, s0;
	[dreg:$0x10] =	wrdreg s26  }
0x16: {  	s7 =	smax.u32 s7, $0x1;
	s26 =	simm.s32 $0x300;
	[dreg:$0x8] =	wrdreg s17  }
0x17: {  	s10 =	simm.s32 $0x3;
	s11 =	simm.s32 $0x4;
	[dreg:$0x9] =	wrdreg s18  }
0x18: {  	s19 =	sadd.s32 s3, s14;
	s8 =	sadd.s32 s6, s14;
	[dreg:$0xe] =	wrdreg s0  }
0x19: {  	s21 =	sadd.s32 s3, s20;
	[dreg:$0xf] =	wrdreg s7;
	s18 =	sadd.s32 s23, s6  }
.Ltmp0:
0x1a: {  	s0 =	simm.s32 $0x280;
	[dreg:$0xa] =	wrdreg s19;
	(pc) =	sbr.rel .LBB2_1-.Ltmp0, $4  }
0x1b: {  	s7 =	simm.s32 $0x1;
	s14 =	simm.s32 $0x0;
	[dreg:$0xb] =	wrdreg s8  }
0x1c: {  	[dreg:$0xc] =	wrdreg s21;
	s8 =	sadd.s32 s6, s20;
	s19 =	sadd.s32 s23, s3  }
0x1d: {  	s20 =	sadd.s32 s25, s6;
	s21 =	sadd.s32 s25, s3;
	s23 =	simm.s32 $0x7  }
0x1e: {  	s25 =	simm.s32 $0x50;
	[dreg:$0xd] =	wrdreg s8;
	s8 =	simm.s32 $0x2  }
.LBB2_4:
0x1f: {  	_ =	swait.ge [sflag:s7], $0x2800  }
0x20: {  	[sflag:s7] =	ssyncset.done $0x0  }
0x21: {  	[sflag:s7] =	ssyncadd.s32 $0xFFFFD800  }
0x22: {  	[spmem:s4] =	stream.indirect.scatter.add.f32 [tilespmem:s26], [sflag:$0x4], $0x80, s24, s25, $0xb8;
	[tilespmem:$0x1BB00] =	vst v63  }
0x23: {  	_ =	swait.ge [sflag:s8], $0x2800  }
0x24: {  	[sflag:s8] =	ssyncset.done $0x0  }
0x25: {  	[sflag:s8] =	ssyncadd.s32 $0xFFFFD800  }
0x26: {  	[spmem:s4] =	stream.indirect.scatter.add.f32 [tilespmem:s30], [sflag:$0x5], $0x80, s29, s25, $0xb8;
	[tilespmem:$0x1BB00] =	vst v63  }
0x27: {  	_ =	swait.ge [sflag:s11], $0x2800  }
0x28: {  	[sflag:s11] =	ssyncset.done $0x0  }
0x29: {  	[sflag:s11] =	ssyncadd.s32 $0xFFFFD800  }
0x2a: {  	_ =	swait.ge [sflag:s12], $0x2800  }
0x2b: {  	[sflag:s12] =	ssyncset.done $0x0  }
0x2c: {  	[sflag:s12] =	ssyncadd.s32 $0xFFFFD800  }
0x2d: {  	[bflag:$0x0] =	sbarrier.arrive $0xFFFF  }
0x2e: {  	s16 =	rddreg [dreg:$0x7]  }
0x2f: {  	s9 =	rddreg [dreg:$0xe]  }
0x30: {  	[hbm:s9], [sflag:s16] =	dma.local [spmem:s15], $0x2800  }
0x31: {  	_ =	swait.ge [sflag:s23], $0x2800  }
0x32: {  	s14 =	sadd.s32 $0x1, s14;
	s22 =	rddreg [dreg:$0xf]  }
0x33: {  	p0 =	sne.s32 s14, s22  }
.Ltmp1:
0x34: {  	_ = 	snop;
	(pc) =	sbr.rel @!p0 .LBB2_5-.Ltmp1, $3  }
0x35: {  	_ =	sdelay $0x1  }
0x36: {  	[sflag:s23] =	ssyncset.done $0x0  }
0x37: {  	[sflag:s23] =	ssyncadd.s32 $0xFFFFD800  }
.LBB2_1:
0x38: {  	s9 =	rddreg [dreg:$0x5]  }
0x39: {  	s22 =	rddreg [dreg:$0x6];
	s15 =	sshrl.u32 s9, $0x3  }
0x3a: {  	[spmem:s15], [sflag:s16] =	dma.local [hbm:s22], $0x2800  }
0x3b: {  	_ =	swait.ge [sflag:s23], $0x2800  }
0x3c: {  	[sflag:s23] =	ssyncset.done $0x0  }
0x3d: {  	s16 =	rddreg [dreg:$0x8];
	[sflag:s23] =	ssyncadd.s32 $0xFFFFD800  }
0x3e: {  	[tilespmem:s5], [sflag:$0x7] =	stream.linear.gather [hbm4b:s16+s5], $0x50, $0x38;
	[tilespmem:$0x1BB00] =	vst v63  }
0x3f: {  	_ =	swait.ge [sflag:s23], $0x50  }
0x40: {  	[sflag:s23] =	ssyncset.done $0x0  }
0x41: {  	s17 =	rddreg [dreg:$0x9];
	[sflag:s23] =	ssyncadd.s32 $0xFFFFFFB0  }
0x42: {  	[tilespmem:s24], [sflag:$0x7] =	stream.linear.gather [hbm4b:s17+s5], $0x50, $0x38;
	[tilespmem:$0x1BB00] =	vst v63  }
0x43: {  	_ =	swait.ge [sflag:s23], $0x50  }
0x44: {  	[sflag:s23] =	ssyncset.done $0x0  }
0x45: {  	[sflag:s23] =	ssyncadd.s32 $0xFFFFFFB0  }
0x46: {  	[tilespmem:s26], [sflag:$0x1] =	stream.indirect.gather [hbm4b:s1+s25], $0x80, s5, s25, $0xb8;
	[tilespmem:$0x1BB00] =	vst v63  }
0x47: {  	s22 =	rddreg [dreg:$0xa]  }
0x48: {  	[tilespmem:s28], [sflag:$0x7] =	stream.linear.gather [hbm4b:s22+s5], $0x50, $0x38;
	[tilespmem:$0x1BB00] =	vst v63  }
0x49: {  	_ =	swait.ge [sflag:s23], $0x50  }
0x4a: {  	[sflag:s23] =	ssyncset.done $0x0  }
0x4b: {  	s16 =	rddreg [dreg:$0xb];
	[sflag:s23] =	ssyncadd.s32 $0xFFFFFFB0  }
0x4c: {  	[tilespmem:s29], [sflag:$0x7] =	stream.linear.gather [hbm4b:s16+s5], $0x50, $0x38;
	[tilespmem:$0x1BB00] =	vst v63  }
0x4d: {  	_ =	swait.ge [sflag:s23], $0x50  }
0x4e: {  	[sflag:s23] =	ssyncset.done $0x0  }
0x4f: {  	[sflag:s23] =	ssyncadd.s32 $0xFFFFFFB0  }
0x50: {  	[tilespmem:s30], [sflag:$0x2] =	stream.indirect.gather [hbm4b:s1+s25], $0x80, s28, s25, $0xb8;
	[tilespmem:$0x1BB00] =	vst v63  }
0x51: {  	s17 =	rddreg [dreg:$0xc]  }
0x52: {  	[tilespmem:s31], [sflag:$0x7] =	stream.linear.gather [hbm4b:s17+s5], $0x50, $0x38;
	[tilespmem:$0x1BB00] =	vst v63  }
0x53: {  	_ =	swait.ge [sflag:s23], $0x50  }
0x54: {  	[sflag:s23] =	ssyncset.done $0x0  }
0x55: {  	s22 =	rddreg [dreg:$0xd];
	[sflag:s23] =	ssyncadd.s32 $0xFFFFFFB0  }
0x56: {  	[tilespmem:s0], [sflag:$0x7] =	stream.linear.gather [hbm4b:s22+s5], $0x50, $0x38;
	[tilespmem:$0x1BB00] =	vst v63  }
0x57: {  	_ =	swait.ge [sflag:s23], $0x50  }
0x58: {  	[sflag:s23] =	ssyncset.done $0x0  }
0x59: {  	[sflag:s23] =	ssyncadd.s32 $0xFFFFFFB0  }
0x5a: {  	[tilespmem:s2], [sflag:$0x3] =	stream.indirect.gather [hbm4b:s1+s25], $0x80, s31, s25, $0xb8;
	[tilespmem:$0x1BB00] =	vst v63  }
0x5b: {  	[bflag:$0x0] =	sbarrier.arrive $0xFFFF  }
0x5c: {  	s17 =	simm.s32 $0x0;
	s22 =	rddreg [dreg:$0x10]  }
.LBB2_2:
0x5d: {  	_ =	swait.ge [sflag:s7], $0x2800  }
0x5e: {  	[sflag:s7] =	ssyncset.done $0x0  }
0x5f: {  	[sflag:s7] =	ssyncadd.s32 $0xFFFFD800  }
0x60: {  	[spmem:s4] =	stream.indirect.scatter.add.f32 [tilespmem:s26], [sflag:$0x4], $0x80, s24, s25, $0xb8;
	[tilespmem:$0x1BB00] =	vst v63  }
0x61: {  	_ =	swait.ge [sflag:s8], $0x2800  }
0x62: {  	[sflag:s8] =	ssyncset.done $0x0  }
0x63: {  	[sflag:s8] =	ssyncadd.s32 $0xFFFFD800  }
0x64: {  	[spmem:s4] =	stream.indirect.scatter.add.f32 [tilespmem:s30], [sflag:$0x5], $0x80, s29, s25, $0xb8;
	[tilespmem:$0x1BB00] =	vst v63  }
0x65: {  	_ =	swait.ge [sflag:s10], $0x2800  }
0x66: {  	[sflag:s10] =	ssyncset.done $0x0  }
0x67: {  	[sflag:s10] =	ssyncadd.s32 $0xFFFFD800  }
0x68: {  	[spmem:s4] =	stream.indirect.scatter.add.f32 [tilespmem:s2], [sflag:$0x6], $0x80, s0, s25, $0xb8;
	[tilespmem:$0x1BB00] =	vst v63  }
0x69: {  	_ =	swait.ge [sflag:s11], $0x2800  }
0x6a: {  	s16 =	sshrl.u32 s22, $0x3;
	[sflag:s11] =	ssyncset.done $0x0  }
0x6b: {  	s9 =	sadd.s32 s3, s16;
	[sflag:s11] =	ssyncadd.s32 $0xFFFFD800  }
0x6c: {  	[tilespmem:s5], [sflag:$0x7] =	stream.linear.gather [hbm4b:s9+s5], $0x50, $0x38;
	[tilespmem:$0x1BB00] =	vst v63  }
0x6d: {  	_ =	swait.ge [sflag:s23], $0x50  }
0x6e: {  	[sflag:s23] =	ssyncset.done $0x0  }
0x6f: {  	s16 =	sadd.s32 s6, s16;
	[sflag:s23] =	ssyncadd.s32 $0xFFFFFFB0  }
0x70: {  	[tilespmem:s24], [sflag:$0x7] =	stream.linear.gather [hbm4b:s16+s5], $0x50, $0x38;
	[tilespmem:$0x1BB00] =	vst v63  }
0x71: {  	_ =	swait.ge [sflag:s23], $0x50  }
0x72: {  	[sflag:s23] =	ssyncset.done $0x0  }
0x73: {  	[sflag:s23] =	ssyncadd.s32 $0xFFFFFFB0  }
0x74: {  	[tilespmem:s26], [sflag:$0x1] =	stream.indirect.gather [hbm4b:s1+s25], $0x80, s5, s25, $0xb8;
	[tilespmem:$0x1BB00] =	vst v63  }
0x75: {  	_ =	swait.ge [sflag:s12], $0x2800  }
0x76: {  	[sflag:s12] =	ssyncset.done $0x0  }
0x77: {  	s16 =	sadd.s32 s17, s21;
	[sflag:s12] =	ssyncadd.s32 $0xFFFFD800  }
0x78: {  	[tilespmem:s28], [sflag:$0x7] =	stream.linear.gather [hbm4b:s16+s5], $0x50, $0x38;
	[tilespmem:$0x1BB00] =	vst v63  }
0x79: {  	_ =	swait.ge [sflag:s23], $0x50  }
0x7a: {  	[sflag:s23] =	ssyncset.done $0x0  }
0x7b: {  	s16 =	sadd.s32 s17, s20;
	[sflag:s23] =	ssyncadd.s32 $0xFFFFFFB0  }
0x7c: {  	[tilespmem:s29], [sflag:$0x7] =	stream.linear.gather [hbm4b:s16+s5], $0x50, $0x38;
	[tilespmem:$0x1BB00] =	vst v63  }
0x7d: {  	_ =	swait.ge [sflag:s23], $0x50  }
0x7e: {  	p0 =	seq.s32 s17, $0x4B0;
	[sflag:s23] =	ssyncset.done $0x0  }
.Ltmp2:
0x7f: {  	[sflag:s23] =	ssyncadd.s32 $0xFFFFFFB0;
	(pc) =	sbr.rel @p0 .LBB2_4-.Ltmp2, $4  }
0x80: {  	[tilespmem:s30], [sflag:$0x2] =	stream.indirect.gather [hbm4b:s1+s25], $0x80, s28, s25, $0xb8;
	[tilespmem:$0x1BB00] =	vst v63  }
0x81: {  	_ =	swait.ge [sflag:s13], $0x2800  }
0x82: {  	[sflag:s13] =	ssyncset.done $0x0  }
0x83: {  	[sflag:s13] =	ssyncadd.s32 $0xFFFFD800  }
0x84: {  	s9 =	sadd.s32 s17, s19  }
0x85: {  	[tilespmem:s31], [sflag:$0x7] =	stream.linear.gather [hbm4b:s9+s5], $0x50, $0x38;
	[tilespmem:$0x1BB00] =	vst v63  }
0x86: {  	_ =	swait.ge [sflag:s23], $0x50  }
0x87: {  	[sflag:s23] =	ssyncset.done $0x0  }
0x88: {  	s16 =	sadd.s32 s17, s18;
	[sflag:s23] =	ssyncadd.s32 $0xFFFFFFB0  }
0x89: {  	[tilespmem:s0], [sflag:$0x7] =	stream.linear.gather [hbm4b:s16+s5], $0x50, $0x38;
	[tilespmem:$0x1BB00] =	vst v63  }
.Ltmp3:
0x8a: {  	_ = 	snop;
	(pc) =	sbr.rel .LBB2_2-.Ltmp3, $4  }
0x8b: {  	_ =	swait.ge [sflag:s23], $0x50  }
0x8c: {  	[sflag:s23] =	ssyncset.done $0x0  }
0x8d: {  	s17 =	sadd.s32 $0x1E, s17;
	s22 =	sadd.s32 $0xF0, s22;
	[sflag:s23] =	ssyncadd.s32 $0xFFFFFFB0  }
0x8e: {  	[tilespmem:s2], [sflag:$0x3] =	stream.indirect.gather [hbm4b:s1+s25], $0x80, s31, s25, $0xb8;
	[tilespmem:$0x1BB00] =	vst v63  }
.LBB2_5:
0x8f: {  	_ =	sfence.sel $0x180000  }
0x90: {  	[bflag:$0x0] =	sbarrier.arrive $0xFFFF  }
0x91: {  	_ =	strace $0x9000004D  }
0x92: {  	s0 =	stileid.u32;
	[bflag:$0x2] =	sbarrier.arrive $0xFFFF  }
0x93: {  	p0 =	sne.s32 s0, $0x0;
	s0 =	rddreg [dreg:$0x4]  }
0x94: {  	s0 =	sadd.s32 @!p0 $0x100000, s0  }
0x95: {  	[sflag:s0] =	ssyncadd.tile.s32 @!p0 $0x1;
	_ =	shalt  }
.Lfunc_end2:
_tile_overlayer_lowered:
.L_overlay_start_2:
0x96: {  	(tag) =	ssettag $0x2  }
0x97: {  	s0 =	rddreg [dreg:$0x0];
	s2 =	stileid.u32  }
0x98: {  	s1 =	rddreg [dreg:$0x1];
	p0 =	sne.s32 s2, $0x0  }
0x99: {  	s3 =	rddreg [dreg:$0x2];
	[bflag:$0x3] =	sbarrier.arrive $0xFFFF;
	s2 =	simm.s32 @!p0 $0x1C07  }
0x9a: {  	[timem:s3], [sflag:s2] =	dma.local @!p0 [hbm:s0], s1  }
0x9b: {  	s0 =	simm.s32 @!p0 $0x7  }
0x9c: {  	_ =	swait.ge @!p0 [sflag:s0], s1  }
0x9d: {  	s1 =	ssub.s32 @!p0 $0x0, s1;
	[sflag:s0] =	ssyncset.done @!p0 $0x0  }
0x9e: {  	[sflag:s0] =	ssyncadd.s32 @!p0 s1  }
0x9f: {  	[bflag:$0x3] =	sbarrier.arrive $0xFFFF  }
0xa0: {  	_ =	shalt  }

// kernel: kernel.21.cloned.1.call-start
scs
__scs_entry_jumppad:
0x0: {  	(pc) =	sbr.rel $0x88, $3  }
0x1: {  	(tag) =	ssettag $0x0;
	lr =	simm.s32 $0x1  }
0x2: {  	[smem:$0x3F99] =	sst lr;
	_ =	strace $0xD0000000  }
0x3: {  	_ = 	snop  }
0x4: {  	_ = 	snop  }
0x5: {  	_ = 	snop  }
0x6: {  	_ = 	snop  }
0x7: {  	_ = 	snop  }
__scs_overlays_trampoline_lowered:
0x8: {  	[smem:$0x3FA8] =	sst s0  }
0x9: {  	[smem:$0x3FA9] =	sst s1  }
0xa: {  	[smem:$0x3FAA] =	sst s2  }
0xb: {  	[smem:$0x3FAB] =	sst s3  }
0xc: {  	[smem:$0x3FAC] =	sst s4  }
0xd: {  	[smem:$0x3FAD] =	sst s5  }
0xe: {  	[smem:$0x3FAE] =	sst s6  }
0xf: {  	[smem:$0x3FAF] =	sst s7  }
0x10: {  	[smem:$0x3FB0] =	sst s8  }
0x11: {  	[smem:$0x3FB1] =	sst s9;
	s0 =	simm.s32 @!p0 $0x0  }
0x12: {  	s1 =	sld [smem:$0x3F97];
	s0 =	simm.s32 @p0 $0x1  }
0x13: {  	[smem:$0x3FB2] =	sst s0;
	s0 =	simm.s32 @!p1 $0x0  }
0x14: {  	s2 =	sld [smem:$0x3F96];
	s0 =	simm.s32 @p1 $0x1  }
0x15: {  	[smem:$0x3FB3] =	sst s0;
	s0 =	simm.s32 @!p2 $0x0  }
0x16: {  	s3 =	sld [smem:$0x3FDB];
	s0 =	simm.s32 @p2 $0x1  }
0x17: {  	s4 =	simm.s32 $0x1BF5;
	[smem:$0x3FB5] =	sst s0  }
0x18: {  	s0 =	sld [smem:$0x3F98];
	_ =	swait.ge [sflag:s4], $0x0  }
0x19: {  	s7 =	sld [smem:$0x3F99]  }
0x1a: {  	s8 =	sadd.s32 $0xFFFFE003, lr  }
0x1b: {  	s9 =	sadd.s32 $0xFFFFFEF7, lr;
	s5 =	simm.s32 $0xFFFFFFFF;
	p2 =	slt.u32 s8, $0xFFFFF086  }
0x1c: {  	p1 =	slt.u32 s9, $0xF7A;
	s5 =	simm.s32 @!p2 $0x0  }
0x1d: {  	s5 =	simm.s32 @p1 $0x1;
	p0 =	seq.s32 s7, s2  }
0x1e: {  	s7 =	smul.u32 @!p0 $0xF7A, s2;
	p2 =	seq.s32 @!p0 s5, $0x0  }
0x1f: {  	s9 =	smul.u32 $0xF7A, s1;
	s8 =	simm.s32 @!p0 $0x1BF5;
	p2 =	por !p2, p0  }
0x20: {  	[sflag:s8] =	ssyncset.s32 @!p0 $0xFFFFF086;
	s6 =	sadd.s32 @!p0 s3, s7;
	s7 =	simm.s32 @!p0 $0x108  }
0x21: {  	s3 =	sadd.s32 s3, s9;
	s6 =	sadd.s32 @!p0 $0x88, s6;
	s7 =	simm.s32 @p2 $0x1082  }
0x22: {  	[simem:s7], [sflag:s8] =	dma.local @!p0 [hbm:s6], $0xF7A  }
0x23: {  	s9 =	sor.u32 $0xD0000000, s2;
	s6 =	simm.s32 $0x108;
	_ =	swait.ge @!p0 [sflag:s8], $0x0  }
0x24: {  	s3 =	sadd.s32 $0x88, s3;
	s6 =	simm.s32 @!p1 $0x1082;
	[sflag:s4] =	ssyncset.s32 $0xFFFFF086  }
0x25: {  	[simem:s6], [sflag:s4] =	dma.local [hbm:s3], $0xF7A  }
0x26: {  	[smem:$0x3F99] =	sst s1;
	(tag) =	ssettag s2;
	_ =	strace s9  }
0x27: {  	s1 =	sld [smem:$0x3FA9]  }
0x28: {  	s2 =	sld [smem:$0x3FAA]  }
0x29: {  	s4 =	sld [smem:$0x3FAC]  }
0x2a: {  	p0 =	seq.s32 s5, $0x0;
	s5 =	sld [smem:$0x3FAD]  }
0x2b: {  	s6 =	sld [smem:$0x3FAE]  }
0x2c: {  	s7 =	sld [smem:$0x3FAF]  }
0x2d: {  	s3 =	simm.s32 $0x108;
	s8 =	sld [smem:$0x3FB0]  }
0x2e: {  	s3 =	simm.s32 @!p0 $0x1082;
	s9 =	sld [smem:$0x3FB1]  }
0x2f: {  	lr =	sadd.s32 s0, s3;
	s0 =	sld [smem:$0x3FA8]  }
0x30: {  	s3 =	sld [smem:$0x3FAB]  }
0x31: {  	[smem:$0x3FB4] =	sst s10  }
0x32: {  	s10 =	sld [smem:$0x3FB2];
	_ =	sdelay $0x3  }
0x33: {  	p0 =	seq.s32 s10, $0x1;
	s10 =	sld [smem:$0x3FB4];
	_ =	sdelay $0x3  }
0x34: {  	[smem:$0x3FB4] =	sst s10  }
0x35: {  	s10 =	sld [smem:$0x3FB3];
	_ =	sdelay $0x3  }
0x36: {  	p1 =	seq.s32 s10, $0x1;
	s10 =	sld [smem:$0x3FB4];
	_ =	sdelay $0x3  }
0x37: {  	[smem:$0x3FB4] =	sst s10  }
0x38: {  	s10 =	sld [smem:$0x3FB5]  }
0x39: {  	_ = 	snop;
	(pc) =	sbr.ind lr, $3  }
0x3a: {  	_ = 	snop  }
0x3b: {  	_ = 	snop  }
0x3c: {  	p2 =	seq.s32 s10, $0x1;
	s10 =	sld [smem:$0x3FB4]  }
0x3d: {  	_ =	shalt  }
0x3e: {  	_ =	shalt  }
0x3f: {  	_ =	shalt  }
0x40: {  	_ =	shalt  }
0x41: {  	_ =	shalt  }
0x42: {  	_ =	shalt  }
0x43: {  	_ =	shalt  }
0x44: {  	_ =	shalt  }
0x45: {  	_ =	shalt  }
0x46: {  	_ =	shalt  }
0x47: {  	_ =	shalt  }
0x48: {  	_ =	shalt  }
0x49: {  	_ =	shalt  }
0x4a: {  	_ =	shalt  }
0x4b: {  	_ =	shalt  }
0x4c: {  	_ =	shalt  }
0x4d: {  	_ =	shalt  }
0x4e: {  	_ =	shalt  }
0x4f: {  	_ =	shalt  }
0x50: {  	_ =	shalt  }
0x51: {  	_ =	shalt  }
0x52: {  	_ =	shalt  }
0x53: {  	_ =	shalt  }
0x54: {  	_ =	shalt  }
0x55: {  	_ =	shalt  }
0x56: {  	_ =	shalt  }
0x57: {  	_ =	shalt  }
0x58: {  	_ =	shalt  }
0x59: {  	_ =	shalt  }
0x5a: {  	_ =	shalt  }
0x5b: {  	_ =	shalt  }
0x5c: {  	_ =	shalt  }
0x5d: {  	_ =	shalt  }
0x5e: {  	_ =	shalt  }
0x5f: {  	_ =	shalt  }
0x60: {  	_ =	shalt  }
0x61: {  	_ =	shalt  }
0x62: {  	_ =	shalt  }
0x63: {  	_ =	shalt  }
0x64: {  	_ =	shalt  }
0x65: {  	_ =	shalt  }
0x66: {  	_ =	shalt  }
0x67: {  	_ =	shalt  }
0x68: {  	_ =	shalt  }
0x69: {  	_ =	shalt  }
0x6a: {  	_ =	shalt  }
0x6b: {  	_ =	shalt  }
0x6c: {  	_ =	shalt  }
0x6d: {  	_ =	shalt  }
0x6e: {  	_ =	shalt  }
0x6f: {  	_ =	shalt  }
0x70: {  	_ =	shalt  }
0x71: {  	_ =	shalt  }
0x72: {  	_ =	shalt  }
0x73: {  	_ =	shalt  }
0x74: {  	_ =	shalt  }
0x75: {  	_ =	shalt  }
0x76: {  	_ =	shalt  }
0x77: {  	_ =	shalt  }
0x78: {  	_ =	shalt  }
0x79: {  	_ =	shalt  }
0x7a: {  	_ =	shalt  }
0x7b: {  	_ =	shalt  }
0x7c: {  	_ =	shalt  }
0x7d: {  	_ =	shalt  }
0x7e: {  	_ =	shalt  }
0x7f: {  	_ =	shalt  }
0x80: {  	_ =	shalt  }
0x81: {  	_ =	shalt  }
0x82: {  	_ =	shalt  }
0x83: {  	_ =	shalt  }
0x84: {  	_ =	shalt  }
0x85: {  	_ =	shalt  }
0x86: {  	_ =	shalt  }
0x87: {  	_ =	shalt  }
.Lfunc_end0:
.L_simem_size_0:
called_computation.3_lowered:
.L_overlay_start_0:
0x88: {  	s2 =	sld [smem:$0x3FD9]  }
0x89: {  	s3 =	sld [smem:$0x3FFE];
	_ =	sdelay $0x1  }
0x8a: {  	s1 =	srdreg.scid  }
0x8b: {  	s0 =	sand.u32 $0x1, s1  }
0x8c: {  	s14 =	sshll.u32 s0, $0xA;
	s2 =	sadd.s32 s3, s2  }
0x8d: {  	s2 =	sadd.s32 s2, s14  }
0x8e: {  	[smem:$0x3FC0] =	sst s2  }
0x8f: {  	_ = 	snop  }
0x90: {  	s2 =	sld [smem:$0x3FD0];
	_ =	sdelay $0x2  }
0x91: {  	s15 =	simm.s32 $0xA;
	s4 =	simm.s32 $0x10  }
0x92: {  	[smem:s4], [sflag:s15] =	dma.local [hbm:s2], $0x1  }
0x93: {  	_ =	swait.eq [sflag:s15], $0x1  }
0x94: {  	[sflag:s15] =	ssyncset.done $0x0  }
0x95: {  	s16 =	sld [smem:$0x10];
	[sflag:s15] =	ssyncadd.s32 $0xFFFFFFFF  }
0x96: {  	s17 =	sld [smem:$0x11];
	(tm) =	ssettm $0x1  }
0x97: {  	s18 =	sld [smem:$0x3FFB];
	_ =	sdelay $0x3  }
0x98: {  	_ =	strace s18  }
0x99: {  	s4 =	sld [smem:$0x3FFC];
	_ =	sdelay $0x3  }
0x9a: {  	_ =	strace s4  }
0x9b: {  	s4 =	sld [smem:$0x3FFD];
	_ =	sdelay $0x3  }
0x9c: {  	_ =	strace s4  }
0x9d: {  	_ =	strace $0x8FFFFFFF  }
0x9e: {  	s19 =	sld [smem:$0x3FDB];
	_ =	sdelay $0x1  }
0x9f: {  	s5 =	simm.s32 $_scs_section_size  }
0xa0: {  	s6 =	simm.s32 $_size__tile_overlayer_lowered;
	s7 =	simm.s32 $_tile_overlayer_lowered  }
0xa1: {  	s22 =	simm.s32 $0x1BFF;
	s21 =	sshll.u32 s7, $0x1;
	s4 =	sadd.s32 s5, s19  }
0xa2: {  	s8 =	simm.s32 $0x0;
	s20 =	sshll.u32 s6, $0x1;
	s6 =	sadd.s32 s21, s4  }
0xa3: {  	[timem:s8], [sflag:s22] =	dma.local [hbm:s6], s20  }
0xa4: {  	_ =	swait.ge [sflag:s22], s20  }
0xa5: {  	s5 =	ssub.s32 $0x0, s20;
	[sflag:s22] =	ssyncset.done $0x0  }
0xa6: {  	[sflag:s22] =	ssyncadd.s32 s5;
	_ =	sdelay $0x1  }
0xa7: {  	s23 =	simm.s32 $0x1B8B  }
0xa8: {  	_ =	swait.ge [sflag:s23], $0x1  }
0xa9: {  	[sflag:s23] =	ssyncset.done $0x0  }
0xaa: {  	s25 =	simm.s32 $0x1B8E;
	s24 =	sld [smem:$0x3FFE];
	[sflag:s23] =	ssyncadd.s32 $0xFFFFFFFF  }
0xab: {  	s26 =	simm.s32 $execute0_lowered;
	[smem:$0x3FD2] =	sst s25  }
0xac: {  	s6 =	sshll.u32 s26, $0x1;
	_ =	strace $0x8000004F;
	[dreg:$0x1] =	wrdreg $0xFFFFFFFF  }
0xad: {  	s28 =	simm.s32 $_size_execute0_lowered;
	s4 =	sadd.s32 s4, s6;
	[dreg:$0x0] =	wrdreg $0x0  }
0xae: {  	s6 =	sshll.u32 s28, $0x1;
	[dreg:$0x2] =	wrdreg s4  }
0xaf: {  	[dreg:$0x3] =	wrdreg s6  }
0xb0: {  	[dreg:$0x4] =	wrdreg $0xC0  }
0xb1: {  	_ =	task [dreg:s8], $0x5FFFF  }
0xb2: {  	[dreg:$0x1] =	wrdreg $0xFFFFFFFF  }
0xb3: {  	[dreg:$0x0] =	wrdreg $0x60  }
0xb4: {  	[dreg:$0x2] =	wrdreg s17  }
0xb5: {  	[dreg:$0x3] =	wrdreg s16  }
0xb6: {  	[dreg:$0x4] =	wrdreg s24  }
0xb7: {  	[dreg:$0x5] =	wrdreg $0x7B000  }
0xb8: {  	[dreg:$0x6] =	wrdreg $0x9  }
0xb9: {  	_ =	task.clear_ibuf [dreg:s8], $0x7FFFF;
	_ =	strace $0x9000004F  }
0xba: {  	s29 =	simm.s32 $0x9;
	_ =	strace $0x80000051  }
0xbb: {  	_ =	swait.ge [sflag:s29], $0x1  }
0xbc: {  	[sflag:s29] =	ssyncadd.s32 $0xFFFFFFFF  }
0xbd: {  	_ =	strace $0x90000051  }
0xbe: {  	_ =	sfence  }
0xbf: {  	s30 =	sld [smem:$0x0];
	_ =	sdelay $0x2  }
0xc0: {  	s31 =	sshll.u32 s1, $0xD;
	s1 =	sshrl.u32 s1, $0x2  }
0xc1: {  	s3 =	sand.u32 $0x4000, s31;
	s1 =	sadd.s32 s1, s30  }
0xc2: {  	s0 =	sor.u32 s3, s0;
	s1 =	sshll.u32 s1, $0x11  }
0xc3: {  	s0 =	sor.u32 s1, s0  }
0xc4: {  	s0 =	sadd.s32 $0x8F2B, s0  }
0xc5: {  	[sflag:s0] =	ssyncadd.remote.s32 $0x1  }
0xc6: {  	_ =	sfence.sel $0xFFFF  }
0xc7: {  	[dreg:$0x0] =	wrdreg $0xFFFFFFFF;
	(pc) =	sbr.abs _section_cstart, $3  }
0xc8: {  	[dreg:$0x1] =	wrdreg $0xFFFFFFFF  }
0xc9: {  	_ =	task.clear_ibuf [dreg:s8], $0x2FFFF;
	_ =	strace $0x9FFFFFFF  }
0xca: {  	(tm) =	ssettm $0x7FFFFFFF  }
0xcb: {  	_ =	shalt  }
tec
execute0_lowered:
.L_overlay_start_1:
0x0: {  	(tag) =	ssettag $0x1  }
0x1: {  	s1 =	rddreg [dreg:$0x0]  }
0x2: {  	s3 =	rddreg [dreg:$0x1]  }
0x3: {  	s0 =	rddreg [dreg:$0x2]  }
0x4: {  	s4 =	rddreg [dreg:$0x3];
	s12 =	stileid.u32  }
0x5: {  	s2 =	srdreg.scid;
	s5 =	simm.s32 $0x0;
	s28 =	simm.s32 $0x80  }
0x6: {  	s29 =	simm.s32 $0x200;
	s30 =	simm.s32 $0x2B00;
	s7 =	smul.u32 $0x14000, s12  }
0x7: {  	s31 =	simm.s32 $0x100;
	s2 =	sand.u32 $0x1, s2;
	s25 =	smul.u32 $0x50000, s12  }
0x8: {  	[smem:$0x7FF] =	sst s5;
	s6 =	sadd.s32 $0x3400, s0;
	s15 =	smul.u32 $0x2710, s12  }
0x9: {  	s13 =	sshll.u32 s12, $0x6;
	s8 =	smul.u32 $0x140000, s2;
	_ =	strace $0x80000050  }
0xa: {  	s10 =	sshll.u32 s2, $0x4;
	s26 =	ssub.s32 $0x2, s2;
	s2 =	smul.u32 $0x27100, s2  }
0xb: {  	s16 =	sor.u32 $0x1C07, s13;
	s13 =	simm.s32 $0x6;
	s9 =	sshrl.u32 s7, $0x3  }
0xc: {  	s10 =	sor.u32 s12, s10;
	s11 =	sshrl.u32 s26, $0x1;
	s12 =	simm.s32 $0x5  }
0xd: {  	[dreg:$0x7] =	wrdreg s16;
	s9 =	sadd.s32 s9, s0;
	s7 =	sadd.s32 s7, s8  }
0xe: {  	s8 =	sshrl.u32 s25, $0x2;
	s10 =	smul.u32 $0x2710, s10;
	s2 =	sadd.s32 s15, s2  }
0xf: {  	s7 =	sshrl.u32 s7, $0x3;
	s8 =	sadd.s32 s8, s4;
	s22 =	sadd.s32 $0x190, s2  }
0x10: {  	s24 =	sadd.s32 $0x140, s2;
	s0 =	sadd.s32 s7, s0;
	s7 =	ssub.s32 s26, s11  }
0x11: {  	[dreg:$0x5] =	wrdreg s8;
	s11 =	sadd.s32 $0xD200, s9;
	s10 =	sshrl.u32 s10, $0x3  }
0x12: {  	s23 =	sshrl.u32 s22, $0x3;
	s25 =	sshrl.u32 s24, $0x3;
	s26 =	sadd.s32 $0xF0, s2  }
0x13: {  	s24 =	simm.s32 $0x180;
	s2 =	simm.s32 $0x5300;
	[dreg:$0x6] =	wrdreg s11  }
0x14: {  	s14 =	sadd.s32 $0xA, s10;
	s17 =	sadd.s32 s3, s10;
	s18 =	sadd.s32 s6, s10  }
0x15: {  	s20 =	sadd.s32 $0x14, s10;
	s0 =	sadd.s32 $0x35200, s0;
	[dreg:$0x10] =	wrdreg s26  }
0x16: {  	s7 =	smax.u32 s7, $0x1;
	s26 =	simm.s32 $0x300;
	[dreg:$0x8] =	wrdreg s17  }
0x17: {  	s10 =	simm.s32 $0x3;
	s11 =	simm.s32 $0x4;
	[dreg:$0x9] =	wrdreg s18  }
0x18: {  	s19 =	sadd.s32 s3, s14;
	s8 =	sadd.s32 s6, s14;
	[dreg:$0xe] =	wrdreg s0  }
0x19: {  	s21 =	sadd.s32 s3, s20;
	[dreg:$0xf] =	wrdreg s7;
	s18 =	sadd.s32 s23, s6  }
.Ltmp0:
0x1a: {  	s0 =	simm.s32 $0x280;
	[dreg:$0xa] =	wrdreg s19;
	(pc) =	sbr.rel .LBB2_1-.Ltmp0, $4  }
0x1b: {  	s7 =	simm.s32 $0x1;
	s14 =	simm.s32 $0x0;
	[dreg:$0xb] =	wrdreg s8  }
0x1c: {  	[dreg:$0xc] =	wrdreg s21;
	s8 =	sadd.s32 s6, s20;
	s19 =	sadd.s32 s23, s3  }
0x1d: {  	s20 =	sadd.s32 s25, s6;
	s21 =	sadd.s32 s25, s3;
	s23 =	simm.s32 $0x7  }
0x1e: {  	s25 =	simm.s32 $0x50;
	[dreg:$0xd] =	wrdreg s8;
	s8 =	simm.s32 $0x2  }
.LBB2_4:
0x1f: {  	_ =	swait.ge [sflag:s7], $0x2800  }
0x20: {  	[sflag:s7] =	ssyncset.done $0x0  }
0x21: {  	[sflag:s7] =	ssyncadd.s32 $0xFFFFD800  }
0x22: {  	[spmem:s4] =	stream.indirect.scatter.add.f32 [tilespmem:s26], [sflag:$0x4], $0x80, s24, s25, $0xb8;
	[tilespmem:$0x1BB00] =	vst v63  }
0x23: {  	_ =	swait.ge [sflag:s8], $0x2800  }
0x24: {  	[sflag:s8] =	ssyncset.done $0x0  }
0x25: {  	[sflag:s8] =	ssyncadd.s32 $0xFFFFD800  }
0x26: {  	[spmem:s4] =	stream.indirect.scatter.add.f32 [tilespmem:s30], [sflag:$0x5], $0x80, s29, s25, $0xb8;
	[tilespmem:$0x1BB00] =	vst v63  }
0x27: {  	_ =	swait.ge [sflag:s11], $0x2800  }
0x28: {  	[sflag:s11] =	ssyncset.done $0x0  }
0x29: {  	[sflag:s11] =	ssyncadd.s32 $0xFFFFD800  }
0x2a: {  	_ =	swait.ge [sflag:s12], $0x2800  }
0x2b: {  	[sflag:s12] =	ssyncset.done $0x0  }
0x2c: {  	[sflag:s12] =	ssyncadd.s32 $0xFFFFD800  }
0x2d: {  	[bflag:$0x0] =	sbarrier.arrive $0xFFFF  }
0x2e: {  	s16 =	rddreg [dreg:$0x7]  }
0x2f: {  	s9 =	rddreg [dreg:$0xe]  }
0x30: {  	[hbm:s9], [sflag:s16] =	dma.local [spmem:s15], $0x2800  }
0x31: {  	_ =	swait.ge [sflag:s23], $0x2800  }
0x32: {  	s14 =	sadd.s32 $0x1, s14;
	s22 =	rddreg [dreg:$0xf]  }
0x33: {  	p0 =	sne.s32 s14, s22  }
.Ltmp1:
0x34: {  	_ = 	snop;
	(pc) =	sbr.rel @!p0 .LBB2_5-.Ltmp1, $3  }
0x35: {  	_ =	sdelay $0x1  }
0x36: {  	[sflag:s23] =	ssyncset.done $0x0  }
0x37: {  	[sflag:s23] =	ssyncadd.s32 $0xFFFFD800  }
.LBB2_1:
0x38: {  	s9 =	rddreg [dreg:$0x5]  }
0x39: {  	s22 =	rddreg [dreg:$0x6];
	s15 =	sshrl.u32 s9, $0x3  }
0x3a: {  	[spmem:s15], [sflag:s16] =	dma.local [hbm:s22], $0x2800  }
0x3b: {  	_ =	swait.ge [sflag:s23], $0x2800  }
0x3c: {  	[sflag:s23] =	ssyncset.done $0x0  }
0x3d: {  	s16 =	rddreg [dreg:$0x8];
	[sflag:s23] =	ssyncadd.s32 $0xFFFFD800  }
0x3e: {  	[tilespmem:s5], [sflag:$0x7] =	stream.linear.gather [hbm4b:s16+s5], $0x50, $0x38;
	[tilespmem:$0x1BB00] =	vst v63  }
0x3f: {  	_ =	swait.ge [sflag:s23], $0x50  }
0x40: {  	[sflag:s23] =	ssyncset.done $0x0  }
0x41: {  	s17 =	rddreg [dreg:$0x9];
	[sflag:s23] =	ssyncadd.s32 $0xFFFFFFB0  }
0x42: {  	[tilespmem:s24], [sflag:$0x7] =	stream.linear.gather [hbm4b:s17+s5], $0x50, $0x38;
	[tilespmem:$0x1BB00] =	vst v63  }
0x43: {  	_ =	swait.ge [sflag:s23], $0x50  }
0x44: {  	[sflag:s23] =	ssyncset.done $0x0  }
0x45: {  	[sflag:s23] =	ssyncadd.s32 $0xFFFFFFB0  }
0x46: {  	[tilespmem:s26], [sflag:$0x1] =	stream.indirect.gather [hbm4b:s1+s25], $0x80, s5, s25, $0xb8;
	[tilespmem:$0x1BB00] =	vst v63  }
0x47: {  	s22 =	rddreg [dreg:$0xa]  }
0x48: {  	[tilespmem:s28], [sflag:$0x7] =	stream.linear.gather [hbm4b:s22+s5], $0x50, $0x38;
	[tilespmem:$0x1BB00] =	vst v63  }
0x49: {  	_ =	swait.ge [sflag:s23], $0x50  }
0x4a: {  	[sflag:s23] =	ssyncset.done $0x0  }
0x4b: {  	s16 =	rddreg [dreg:$0xb];
	[sflag:s23] =	ssyncadd.s32 $0xFFFFFFB0  }
0x4c: {  	[tilespmem:s29], [sflag:$0x7] =	stream.linear.gather [hbm4b:s16+s5], $0x50, $0x38;
	[tilespmem:$0x1BB00] =	vst v63  }
0x4d: {  	_ =	swait.ge [sflag:s23], $0x50  }
0x4e: {  	[sflag:s23] =	ssyncset.done $0x0  }
0x4f: {  	[sflag:s23] =	ssyncadd.s32 $0xFFFFFFB0  }
0x50: {  	[tilespmem:s30], [sflag:$0x2] =	stream.indirect.gather [hbm4b:s1+s25], $0x80, s28, s25, $0xb8;
	[tilespmem:$0x1BB00] =	vst v63  }
0x51: {  	s17 =	rddreg [dreg:$0xc]  }
0x52: {  	[tilespmem:s31], [sflag:$0x7] =	stream.linear.gather [hbm4b:s17+s5], $0x50, $0x38;
	[tilespmem:$0x1BB00] =	vst v63  }
0x53: {  	_ =	swait.ge [sflag:s23], $0x50  }
0x54: {  	[sflag:s23] =	ssyncset.done $0x0  }
0x55: {  	s22 =	rddreg [dreg:$0xd];
	[sflag:s23] =	ssyncadd.s32 $0xFFFFFFB0  }
0x56: {  	[tilespmem:s0], [sflag:$0x7] =	stream.linear.gather [hbm4b:s22+s5], $0x50, $0x38;
	[tilespmem:$0x1BB00] =	vst v63  }
0x57: {  	_ =	swait.ge [sflag:s23], $0x50  }
0x58: {  	[sflag:s23] =	ssyncset.done $0x0  }
0x59: {  	[sflag:s23] =	ssyncadd.s32 $0xFFFFFFB0  }
0x5a: {  	[tilespmem:s2], [sflag:$0x3] =	stream.indirect.gather [hbm4b:s1+s25], $0x80, s31, s25, $0xb8;
	[tilespmem:$0x1BB00] =	vst v63  }
0x5b: {  	[bflag:$0x0] =	sbarrier.arrive $0xFFFF  }
0x5c: {  	s17 =	simm.s32 $0x0;
	s22 =	rddreg [dreg:$0x10]  }
.LBB2_2:
0x5d: {  	_ =	swait.ge [sflag:s7], $0x2800  }
0x5e: {  	[sflag:s7] =	ssyncset.done $0x0  }
0x5f: {  	[sflag:s7] =	ssyncadd.s32 $0xFFFFD800  }
0x60: {  	[spmem:s4] =	stream.indirect.scatter.add.f32 [tilespmem:s26], [sflag:$0x4], $0x80, s24, s25, $0xb8;
	[tilespmem:$0x1BB00] =	vst v63  }
0x61: {  	_ =	swait.ge [sflag:s8], $0x2800  }
0x62: {  	[sflag:s8] =	ssyncset.done $0x0  }
0x63: {  	[sflag:s8] =	ssyncadd.s32 $0xFFFFD800  }
0x64: {  	[spmem:s4] =	stream.indirect.scatter.add.f32 [tilespmem:s30], [sflag:$0x5], $0x80, s29, s25, $0xb8;
	[tilespmem:$0x1BB00] =	vst v63  }
0x65: {  	_ =	swait.ge [sflag:s10], $0x2800  }
0x66: {  	[sflag:s10] =	ssyncset.done $0x0  }
0x67: {  	[sflag:s10] =	ssyncadd.s32 $0xFFFFD800  }
0x68: {  	[spmem:s4] =	stream.indirect.scatter.add.f32 [tilespmem:s2], [sflag:$0x6], $0x80, s0, s25, $0xb8;
	[tilespmem:$0x1BB00] =	vst v63  }
0x69: {  	_ =	swait.ge [sflag:s11], $0x2800  }
0x6a: {  	s16 =	sshrl.u32 s22, $0x3;
	[sflag:s11] =	ssyncset.done $0x0  }
0x6b: {  	s9 =	sadd.s32 s3, s16;
	[sflag:s11] =	ssyncadd.s32 $0xFFFFD800  }
0x6c: {  	[tilespmem:s5], [sflag:$0x7] =	stream.linear.gather [hbm4b:s9+s5], $0x50, $0x38;
	[tilespmem:$0x1BB00] =	vst v63  }
0x6d: {  	_ =	swait.ge [sflag:s23], $0x50  }
0x6e: {  	[sflag:s23] =	ssyncset.done $0x0  }
0x6f: {  	s16 =	sadd.s32 s6, s16;
	[sflag:s23] =	ssyncadd.s32 $0xFFFFFFB0  }
0x70: {  	[tilespmem:s24], [sflag:$0x7] =	stream.linear.gather [hbm4b:s16+s5], $0x50, $0x38;
	[tilespmem:$0x1BB00] =	vst v63  }
0x71: {  	_ =	swait.ge [sflag:s23], $0x50  }
0x72: {  	[sflag:s23] =	ssyncset.done $0x0  }
0x73: {  	[sflag:s23] =	ssyncadd.s32 $0xFFFFFFB0  }
0x74: {  	[tilespmem:s26], [sflag:$0x1] =	stream.indirect.gather [hbm4b:s1+s25], $0x80, s5, s25, $0xb8;
	[tilespmem:$0x1BB00] =	vst v63  }
0x75: {  	_ =	swait.ge [sflag:s12], $0x2800  }
0x76: {  	[sflag:s12] =	ssyncset.done $0x0  }
0x77: {  	s16 =	sadd.s32 s17, s21;
	[sflag:s12] =	ssyncadd.s32 $0xFFFFD800  }
0x78: {  	[tilespmem:s28], [sflag:$0x7] =	stream.linear.gather [hbm4b:s16+s5], $0x50, $0x38;
	[tilespmem:$0x1BB00] =	vst v63  }
0x79: {  	_ =	swait.ge [sflag:s23], $0x50  }
0x7a: {  	[sflag:s23] =	ssyncset.done $0x0  }
0x7b: {  	s16 =	sadd.s32 s17, s20;
	[sflag:s23] =	ssyncadd.s32 $0xFFFFFFB0  }
0x7c: {  	[tilespmem:s29], [sflag:$0x7] =	stream.linear.gather [hbm4b:s16+s5], $0x50, $0x38;
	[tilespmem:$0x1BB00] =	vst v63  }
0x7d: {  	_ =	swait.ge [sflag:s23], $0x50  }
0x7e: {  	p0 =	seq.s32 s17, $0x4B0;
	[sflag:s23] =	ssyncset.done $0x0  }
.Ltmp2:
0x7f: {  	[sflag:s23] =	ssyncadd.s32 $0xFFFFFFB0;
	(pc) =	sbr.rel @p0 .LBB2_4-.Ltmp2, $4  }
0x80: {  	[tilespmem:s30], [sflag:$0x2] =	stream.indirect.gather [hbm4b:s1+s25], $0x80, s28, s25, $0xb8;
	[tilespmem:$0x1BB00] =	vst v63  }
0x81: {  	_ =	swait.ge [sflag:s13], $0x2800  }
0x82: {  	[sflag:s13] =	ssyncset.done $0x0  }
0x83: {  	[sflag:s13] =	ssyncadd.s32 $0xFFFFD800  }
0x84: {  	s9 =	sadd.s32 s17, s19  }
0x85: {  	[tilespmem:s31], [sflag:$0x7] =	stream.linear.gather [hbm4b:s9+s5], $0x50, $0x38;
	[tilespmem:$0x1BB00] =	vst v63  }
0x86: {  	_ =	swait.ge [sflag:s23], $0x50  }
0x87: {  	[sflag:s23] =	ssyncset.done $0x0  }
0x88: {  	s16 =	sadd.s32 s17, s18;
	[sflag:s23] =	ssyncadd.s32 $0xFFFFFFB0  }
0x89: {  	[tilespmem:s0], [sflag:$0x7] =	stream.linear.gather [hbm4b:s16+s5], $0x50, $0x38;
	[tilespmem:$0x1BB00] =	vst v63  }
.Ltmp3:
0x8a: {  	_ = 	snop;
	(pc) =	sbr.rel .LBB2_2-.Ltmp3, $4  }
0x8b: {  	_ =	swait.ge [sflag:s23], $0x50  }
0x8c: {  	[sflag:s23] =	ssyncset.done $0x0  }
0x8d: {  	s17 =	sadd.s32 $0x1E, s17;
	s22 =	sadd.s32 $0xF0, s22;
	[sflag:s23] =	ssyncadd.s32 $0xFFFFFFB0  }
0x8e: {  	[tilespmem:s2], [sflag:$0x3] =	stream.indirect.gather [hbm4b:s1+s25], $0x80, s31, s25, $0xb8;
	[tilespmem:$0x1BB00] =	vst v63  }
.LBB2_5:
0x8f: {  	_ =	sfence.sel $0x180000  }
0x90: {  	[bflag:$0x0] =	sbarrier.arrive $0xFFFF  }
0x91: {  	_ =	strace $0x90000050  }
0x92: {  	s0 =	stileid.u32;
	[bflag:$0x2] =	sbarrier.arrive $0xFFFF  }
0x93: {  	p0 =	sne.s32 s0, $0x0;
	s0 =	rddreg [dreg:$0x4]  }
0x94: {  	s0 =	sadd.s32 @!p0 $0x100000, s0  }
0x95: {  	[sflag:s0] =	ssyncadd.tile.s32 @!p0 $0x1;
	_ =	shalt  }
.Lfunc_end2:
_tile_overlayer_lowered:
.L_overlay_start_2:
0x96: {  	(tag) =	ssettag $0x2  }
0x97: {  	s0 =	rddreg [dreg:$0x0];
	s2 =	stileid.u32  }
0x98: {  	s1 =	rddreg [dreg:$0x1];
	p0 =	sne.s32 s2, $0x0  }
0x99: {  	s3 =	rddreg [dreg:$0x2];
	[bflag:$0x3] =	sbarrier.arrive $0xFFFF;
	s2 =	simm.s32 @!p0 $0x1C07  }
0x9a: {  	[timem:s3], [sflag:s2] =	dma.local @!p0 [hbm:s0], s1  }
0x9b: {  	s0 =	simm.s32 @!p0 $0x7  }
0x9c: {  	_ =	swait.ge @!p0 [sflag:s0], s1  }
0x9d: {  	s1 =	ssub.s32 @!p0 $0x0, s1;
	[sflag:s0] =	ssyncset.done @!p0 $0x0  }
0x9e: {  	[sflag:s0] =	ssyncadd.s32 @!p0 s1  }
0x9f: {  	[bflag:$0x3] =	sbarrier.arrive $0xFFFF  }
0xa0: {  	_ =	shalt  }

// kernel: kernel.24.cloned.1.call-start
scs
__scs_entry_jumppad:
0x0: {  	(pc) =	sbr.rel $0x88, $3  }
0x1: {  	(tag) =	ssettag $0x0;
	lr =	simm.s32 $0x1  }
0x2: {  	[smem:$0x3F99] =	sst lr;
	_ =	strace $0xD0000000  }
0x3: {  	_ = 	snop  }
0x4: {  	_ = 	snop  }
0x5: {  	_ = 	snop  }
0x6: {  	_ = 	snop  }
0x7: {  	_ = 	snop  }
__scs_overlays_trampoline_lowered:
0x8: {  	[smem:$0x3FA8] =	sst s0  }
0x9: {  	[smem:$0x3FA9] =	sst s1  }
0xa: {  	[smem:$0x3FAA] =	sst s2  }
0xb: {  	[smem:$0x3FAB] =	sst s3  }
0xc: {  	[smem:$0x3FAC] =	sst s4  }
0xd: {  	[smem:$0x3FAD] =	sst s5  }
0xe: {  	[smem:$0x3FAE] =	sst s6  }
0xf: {  	[smem:$0x3FAF] =	sst s7  }
0x10: {  	[smem:$0x3FB0] =	sst s8  }
0x11: {  	[smem:$0x3FB1] =	sst s9;
	s0 =	simm.s32 @!p0 $0x0  }
0x12: {  	s1 =	sld [smem:$0x3F97];
	s0 =	simm.s32 @p0 $0x1  }
0x13: {  	[smem:$0x3FB2] =	sst s0;
	s0 =	simm.s32 @!p1 $0x0  }
0x14: {  	s2 =	sld [smem:$0x3F96];
	s0 =	simm.s32 @p1 $0x1  }
0x15: {  	[smem:$0x3FB3] =	sst s0;
	s0 =	simm.s32 @!p2 $0x0  }
0x16: {  	s3 =	sld [smem:$0x3FDB];
	s0 =	simm.s32 @p2 $0x1  }
0x17: {  	s4 =	simm.s32 $0x1BF5;
	[smem:$0x3FB5] =	sst s0  }
0x18: {  	s0 =	sld [smem:$0x3F98];
	_ =	swait.ge [sflag:s4], $0x0  }
0x19: {  	s7 =	sld [smem:$0x3F99]  }
0x1a: {  	s8 =	sadd.s32 $0xFFFFE003, lr  }
0x1b: {  	s9 =	sadd.s32 $0xFFFFFEF7, lr;
	s5 =	simm.s32 $0xFFFFFFFF;
	p2 =	slt.u32 s8, $0xFFFFF086  }
0x1c: {  	p1 =	slt.u32 s9, $0xF7A;
	s5 =	simm.s32 @!p2 $0x0  }
0x1d: {  	s5 =	simm.s32 @p1 $0x1;
	p0 =	seq.s32 s7, s2  }
0x1e: {  	s7 =	smul.u32 @!p0 $0xF7A, s2;
	p2 =	seq.s32 @!p0 s5, $0x0  }
0x1f: {  	s9 =	smul.u32 $0xF7A, s1;
	s8 =	simm.s32 @!p0 $0x1BF5;
	p2 =	por !p2, p0  }
0x20: {  	[sflag:s8] =	ssyncset.s32 @!p0 $0xFFFFF086;
	s6 =	sadd.s32 @!p0 s3, s7;
	s7 =	simm.s32 @!p0 $0x108  }
0x21: {  	s3 =	sadd.s32 s3, s9;
	s6 =	sadd.s32 @!p0 $0x88, s6;
	s7 =	simm.s32 @p2 $0x1082  }
0x22: {  	[simem:s7], [sflag:s8] =	dma.local @!p0 [hbm:s6], $0xF7A  }
0x23: {  	s9 =	sor.u32 $0xD0000000, s2;
	s6 =	simm.s32 $0x108;
	_ =	swait.ge @!p0 [sflag:s8], $0x0  }
0x24: {  	s3 =	sadd.s32 $0x88, s3;
	s6 =	simm.s32 @!p1 $0x1082;
	[sflag:s4] =	ssyncset.s32 $0xFFFFF086  }
0x25: {  	[simem:s6], [sflag:s4] =	dma.local [hbm:s3], $0xF7A  }
0x26: {  	[smem:$0x3F99] =	sst s1;
	(tag) =	ssettag s2;
	_ =	strace s9  }
0x27: {  	s1 =	sld [smem:$0x3FA9]  }
0x28: {  	s2 =	sld [smem:$0x3FAA]  }
0x29: {  	s4 =	sld [smem:$0x3FAC]  }
0x2a: {  	p0 =	seq.s32 s5, $0x0;
	s5 =	sld [smem:$0x3FAD]  }
0x2b: {  	s6 =	sld [smem:$0x3FAE]  }
0x2c: {  	s7 =	sld [smem:$0x3FAF]  }
0x2d: {  	s3 =	simm.s32 $0x108;
	s8 =	sld [smem:$0x3FB0]  }
0x2e: {  	s3 =	simm.s32 @!p0 $0x1082;
	s9 =	sld [smem:$0x3FB1]  }
0x2f: {  	lr =	sadd.s32 s0, s3;
	s0 =	sld [smem:$0x3FA8]  }
0x30: {  	s3 =	sld [smem:$0x3FAB]  }
0x31: {  	[smem:$0x3FB4] =	sst s10  }
0x32: {  	s10 =	sld [smem:$0x3FB2];
	_ =	sdelay $0x3  }
0x33: {  	p0 =	seq.s32 s10, $0x1;
	s10 =	sld [smem:$0x3FB4];
	_ =	sdelay $0x3  }
0x34: {  	[smem:$0x3FB4] =	sst s10  }
0x35: {  	s10 =	sld [smem:$0x3FB3];
	_ =	sdelay $0x3  }
0x36: {  	p1 =	seq.s32 s10, $0x1;
	s10 =	sld [smem:$0x3FB4];
	_ =	sdelay $0x3  }
0x37: {  	[smem:$0x3FB4] =	sst s10  }
0x38: {  	s10 =	sld [smem:$0x3FB5]  }
0x39: {  	_ = 	snop;
	(pc) =	sbr.ind lr, $3  }
0x3a: {  	_ = 	snop  }
0x3b: {  	_ = 	snop  }
0x3c: {  	p2 =	seq.s32 s10, $0x1;
	s10 =	sld [smem:$0x3FB4]  }
0x3d: {  	_ =	shalt  }
0x3e: {  	_ =	shalt  }
0x3f: {  	_ =	shalt  }
0x40: {  	_ =	shalt  }
0x41: {  	_ =	shalt  }
0x42: {  	_ =	shalt  }
0x43: {  	_ =	shalt  }
0x44: {  	_ =	shalt  }
0x45: {  	_ =	shalt  }
0x46: {  	_ =	shalt  }
0x47: {  	_ =	shalt  }
0x48: {  	_ =	shalt  }
0x49: {  	_ =	shalt  }
0x4a: {  	_ =	shalt  }
0x4b: {  	_ =	shalt  }
0x4c: {  	_ =	shalt  }
0x4d: {  	_ =	shalt  }
0x4e: {  	_ =	shalt  }
0x4f: {  	_ =	shalt  }
0x50: {  	_ =	shalt  }
0x51: {  	_ =	shalt  }
0x52: {  	_ =	shalt  }
0x53: {  	_ =	shalt  }
0x54: {  	_ =	shalt  }
0x55: {  	_ =	shalt  }
0x56: {  	_ =	shalt  }
0x57: {  	_ =	shalt  }
0x58: {  	_ =	shalt  }
0x59: {  	_ =	shalt  }
0x5a: {  	_ =	shalt  }
0x5b: {  	_ =	shalt  }
0x5c: {  	_ =	shalt  }
0x5d: {  	_ =	shalt  }
0x5e: {  	_ =	shalt  }
0x5f: {  	_ =	shalt  }
0x60: {  	_ =	shalt  }
0x61: {  	_ =	shalt  }
0x62: {  	_ =	shalt  }
0x63: {  	_ =	shalt  }
0x64: {  	_ =	shalt  }
0x65: {  	_ =	shalt  }
0x66: {  	_ =	shalt  }
0x67: {  	_ =	shalt  }
0x68: {  	_ =	shalt  }
0x69: {  	_ =	shalt  }
0x6a: {  	_ =	shalt  }
0x6b: {  	_ =	shalt  }
0x6c: {  	_ =	shalt  }
0x6d: {  	_ =	shalt  }
0x6e: {  	_ =	shalt  }
0x6f: {  	_ =	shalt  }
0x70: {  	_ =	shalt  }
0x71: {  	_ =	shalt  }
0x72: {  	_ =	shalt  }
0x73: {  	_ =	shalt  }
0x74: {  	_ =	shalt  }
0x75: {  	_ =	shalt  }
0x76: {  	_ =	shalt  }
0x77: {  	_ =	shalt  }
0x78: {  	_ =	shalt  }
0x79: {  	_ =	shalt  }
0x7a: {  	_ =	shalt  }
0x7b: {  	_ =	shalt  }
0x7c: {  	_ =	shalt  }
0x7d: {  	_ =	shalt  }
0x7e: {  	_ =	shalt  }
0x7f: {  	_ =	shalt  }
0x80: {  	_ =	shalt  }
0x81: {  	_ =	shalt  }
0x82: {  	_ =	shalt  }
0x83: {  	_ =	shalt  }
0x84: {  	_ =	shalt  }
0x85: {  	_ =	shalt  }
0x86: {  	_ =	shalt  }
0x87: {  	_ =	shalt  }
.Lfunc_end0:
.L_simem_size_0:
called_computation.4_lowered:
.L_overlay_start_0:
0x88: {  	s2 =	sld [smem:$0x3FD9]  }
0x89: {  	s3 =	sld [smem:$0x3FFE];
	_ =	sdelay $0x1  }
0x8a: {  	s1 =	srdreg.scid  }
0x8b: {  	s0 =	sand.u32 $0x1, s1  }
0x8c: {  	s14 =	sshll.u32 s0, $0xA;
	s2 =	sadd.s32 s3, s2  }
0x8d: {  	s2 =	sadd.s32 s2, s14  }
0x8e: {  	[smem:$0x3FC0] =	sst s2  }
0x8f: {  	_ = 	snop  }
0x90: {  	s2 =	sld [smem:$0x3FD0];
	_ =	sdelay $0x2  }
0x91: {  	s15 =	simm.s32 $0xA;
	s4 =	simm.s32 $0x10  }
0x92: {  	[smem:s4], [sflag:s15] =	dma.local [hbm:s2], $0x1  }
0x93: {  	_ =	swait.eq [sflag:s15], $0x1  }
0x94: {  	[sflag:s15] =	ssyncset.done $0x0  }
0x95: {  	[sflag:s15] =	ssyncadd.s32 $0xFFFFFFFF  }
0x96: {  	s16 =	sld [smem:$0x10];
	(tm) =	ssettm $0x1  }
0x97: {  	s17 =	sld [smem:$0x3FFB];
	_ =	sdelay $0x3  }
0x98: {  	_ =	strace s17  }
0x99: {  	s3 =	sld [smem:$0x3FFC];
	_ =	sdelay $0x3  }
0x9a: {  	_ =	strace s3  }
0x9b: {  	s3 =	sld [smem:$0x3FFD];
	_ =	sdelay $0x3  }
0x9c: {  	_ =	strace s3  }
0x9d: {  	_ =	strace $0x8FFFFFFF  }
0x9e: {  	s18 =	sld [smem:$0x3FDB];
	_ =	sdelay $0x1  }
0x9f: {  	s19 =	simm.s32 $_scs_section_size  }
0xa0: {  	s5 =	simm.s32 $_size__tile_overlayer_lowered;
	s6 =	simm.s32 $_tile_overlayer_lowered  }
0xa1: {  	s22 =	simm.s32 $0x1BFF;
	s21 =	sshll.u32 s6, $0x1;
	s3 =	sadd.s32 s19, s18  }
0xa2: {  	s7 =	simm.s32 $0x0;
	s20 =	sshll.u32 s5, $0x1;
	s5 =	sadd.s32 s21, s3  }
0xa3: {  	[timem:s7], [sflag:s22] =	dma.local [hbm:s5], s20  }
0xa4: {  	_ =	swait.ge [sflag:s22], s20  }
0xa5: {  	s4 =	ssub.s32 $0x0, s20;
	[sflag:s22] =	ssyncset.done $0x0  }
0xa6: {  	[sflag:s22] =	ssyncadd.s32 s4;
	_ =	sdelay $0x1  }
0xa7: {  	s23 =	simm.s32 $0x1B8B  }
0xa8: {  	_ =	swait.ge [sflag:s23], $0x1  }
0xa9: {  	[sflag:s23] =	ssyncset.done $0x0  }
0xaa: {  	s25 =	simm.s32 $0x1B8E;
	s24 =	sld [smem:$0x3FFE];
	[sflag:s23] =	ssyncadd.s32 $0xFFFFFFFF  }
0xab: {  	s26 =	simm.s32 $execute0_lowered;
	[smem:$0x3FD2] =	sst s25  }
0xac: {  	s5 =	sshll.u32 s26, $0x1;
	_ =	strace $0x80000052;
	[dreg:$0x1] =	wrdreg $0xFFFFFFFF  }
0xad: {  	s28 =	simm.s32 $_size_execute0_lowered;
	s3 =	sadd.s32 s3, s5;
	[dreg:$0x0] =	wrdreg $0x0  }
0xae: {  	s5 =	sshll.u32 s28, $0x1;
	[dreg:$0x2] =	wrdreg s3  }
0xaf: {  	[dreg:$0x3] =	wrdreg s5  }
0xb0: {  	[dreg:$0x4] =	wrdreg $0xC0  }
0xb1: {  	_ =	task [dreg:s7], $0x5FFFF  }
0xb2: {  	[dreg:$0x1] =	wrdreg $0xFFFFFFFF  }
0xb3: {  	[dreg:$0x0] =	wrdreg $0x60  }
0xb4: {  	[dreg:$0x2] =	wrdreg s24  }
0xb5: {  	[dreg:$0x3] =	wrdreg s16  }
0xb6: {  	[dreg:$0x4] =	wrdreg $0x7B000  }
0xb7: {  	[dreg:$0x5] =	wrdreg $0x9  }
0xb8: {  	_ =	task.clear_ibuf [dreg:s7], $0x6FFFF;
	_ =	strace $0x90000052  }
0xb9: {  	s29 =	simm.s32 $0x9;
	_ =	strace $0x80000054  }
0xba: {  	_ =	swait.ge [sflag:s29], $0x1  }
0xbb: {  	[sflag:s29] =	ssyncadd.s32 $0xFFFFFFFF  }
0xbc: {  	_ =	strace $0x90000054  }
0xbd: {  	_ =	sfence  }
0xbe: {  	s30 =	sld [smem:$0x0];
	_ =	sdelay $0x2  }
0xbf: {  	s31 =	sshll.u32 s1, $0xD;
	s1 =	sshrl.u32 s1, $0x2  }
0xc0: {  	s3 =	sand.u32 $0x4000, s31;
	s1 =	sadd.s32 s1, s30  }
0xc1: {  	s0 =	sor.u32 s3, s0;
	s1 =	sshll.u32 s1, $0x11  }
0xc2: {  	s0 =	sor.u32 s1, s0  }
0xc3: {  	s0 =	sadd.s32 $0x8F2B, s0  }
0xc4: {  	[sflag:s0] =	ssyncadd.remote.s32 $0x1  }
0xc5: {  	_ =	sfence.sel $0xFFFF  }
0xc6: {  	[dreg:$0x0] =	wrdreg $0xFFFFFFFF;
	(pc) =	sbr.abs _section_cstart, $3  }
0xc7: {  	[dreg:$0x1] =	wrdreg $0xFFFFFFFF  }
0xc8: {  	_ =	task.clear_ibuf [dreg:s7], $0x2FFFF;
	_ =	strace $0x9FFFFFFF  }
0xc9: {  	(tm) =	ssettm $0x7FFFFFFF  }
tec
execute0_lowered:
.L_overlay_start_1:
0x0: {  	(tag) =	ssettag $0x1  }
0x1: {  	s0 =	rddreg [dreg:$0x0]  }
0x2: {  	s2 =	rddreg [dreg:$0x1]  }
0x3: {  	s3 =	rddreg [dreg:$0x2]  }
0x4: {  	s12 =	stileid.u32;
	s1 =	srdreg.scid  }
0x5: {  	s4 =	simm.s32 $0x0;
	s28 =	simm.s32 $0x80;
	s29 =	simm.s32 $0x200  }
0x6: {  	s30 =	simm.s32 $0x2B00;
	s31 =	simm.s32 $0x100;
	s7 =	smul.u32 $0x14000, s12  }
0x7: {  	s1 =	sand.u32 $0x1, s1;
	[smem:$0x7FF] =	sst s4;
	s25 =	smul.u32 $0x50000, s12  }
0x8: {  	s5 =	sadd.s32 $0x35200, s0;
	s6 =	sadd.s32 $0x3400, s0;
	s15 =	smul.u32 $0x2710, s12  }
0x9: {  	s13 =	sshll.u32 s12, $0x6;
	s8 =	smul.u32 $0x140000, s1;
	_ =	strace $0x80000053  }
0xa: {  	s10 =	sshll.u32 s1, $0x4;
	s26 =	ssub.s32 $0x2, s1;
	s1 =	smul.u32 $0x27100, s1  }
0xb: {  	s16 =	sor.u32 $0x1C07, s13;
	s13 =	simm.s32 $0x6;
	s9 =	sshrl.u32 s7, $0x3  }
0xc: {  	s10 =	sor.u32 s12, s10;
	s11 =	sshrl.u32 s26, $0x1;
	s12 =	simm.s32 $0x5  }
0xd: {  	[dreg:$0x6] =	wrdreg s16;
	s9 =	sadd.s32 s9, s0;
	s7 =	sadd.s32 s7, s8  }
0xe: {  	s8 =	sshrl.u32 s25, $0x2;
	s10 =	smul.u32 $0x2710, s10;
	s1 =	sadd.s32 s15, s1  }
0xf: {  	s7 =	sshrl.u32 s7, $0x3;
	s8 =	sadd.s32 s8, s3;
	s22 =	sadd.s32 $0x190, s1  }
0x10: {  	s24 =	sadd.s32 $0x140, s1;
	s0 =	sadd.s32 s7, s0;
	s7 =	ssub.s32 s26, s11  }
0x11: {  	[dreg:$0x4] =	wrdreg s8;
	s11 =	sadd.s32 $0xD200, s9;
	s10 =	sshrl.u32 s10, $0x3  }
0x12: {  	s23 =	sshrl.u32 s22, $0x3;
	s25 =	sshrl.u32 s24, $0x3;
	s26 =	sadd.s32 $0xF0, s1  }
0x13: {  	s24 =	simm.s32 $0x180;
	s1 =	simm.s32 $0x5300;
	[dreg:$0x5] =	wrdreg s11  }
0x14: {  	s14 =	sadd.s32 $0xA, s10;
	s17 =	sadd.s32 s2, s10;
	s18 =	sadd.s32 s6, s10  }
0x15: {  	s20 =	sadd.s32 $0x14, s10;
	s0 =	sadd.s32 $0x5C400, s0;
	[dreg:$0xf] =	wrdreg s26  }
0x16: {  	s7 =	smax.u32 s7, $0x1;
	s26 =	simm.s32 $0x300;
	[dreg:$0x7] =	wrdreg s17  }
0x17: {  	s10 =	simm.s32 $0x3;
	s11 =	simm.s32 $0x4;
	[dreg:$0x8] =	wrdreg s18  }
0x18: {  	s19 =	sadd.s32 s2, s14;
	s8 =	sadd.s32 s6, s14;
	[dreg:$0xd] =	wrdreg s0  }
0x19: {  	s21 =	sadd.s32 s2, s20;
	[dreg:$0xe] =	wrdreg s7;
	s18 =	sadd.s32 s23, s6  }
.Ltmp0:
0x1a: {  	s0 =	simm.s32 $0x280;
	[dreg:$0x9] =	wrdreg s19;
	(pc) =	sbr.rel .LBB2_1-.Ltmp0, $4  }
0x1b: {  	s7 =	simm.s32 $0x1;
	s14 =	simm.s32 $0x0;
	[dreg:$0xa] =	wrdreg s8  }
0x1c: {  	[dreg:$0xb] =	wrdreg s21;
	s8 =	sadd.s32 s6, s20;
	s19 =	sadd.s32 s23, s2  }
0x1d: {  	s20 =	sadd.s32 s25, s6;
	s21 =	sadd.s32 s25, s2;
	s23 =	simm.s32 $0x7  }
0x1e: {  	s25 =	simm.s32 $0x50;
	[dreg:$0xc] =	wrdreg s8;
	s8 =	simm.s32 $0x2  }
.LBB2_4:
0x1f: {  	_ =	swait.ge [sflag:s7], $0x2800  }
0x20: {  	[sflag:s7] =	ssyncset.done $0x0  }
0x21: {  	[sflag:s7] =	ssyncadd.s32 $0xFFFFD800  }
0x22: {  	[spmem:s3] =	stream.indirect.scatter.add.f32 [tilespmem:s26], [sflag:$0x4], $0x80, s24, s25, $0xb8;
	[tilespmem:$0x1BB00] =	vst v63  }
0x23: {  	_ =	swait.ge [sflag:s8], $0x2800  }
0x24: {  	[sflag:s8] =	ssyncset.done $0x0  }
0x25: {  	[sflag:s8] =	ssyncadd.s32 $0xFFFFD800  }
0x26: {  	[spmem:s3] =	stream.indirect.scatter.add.f32 [tilespmem:s30], [sflag:$0x5], $0x80, s29, s25, $0xb8;
	[tilespmem:$0x1BB00] =	vst v63  }
0x27: {  	_ =	swait.ge [sflag:s11], $0x2800  }
0x28: {  	[sflag:s11] =	ssyncset.done $0x0  }
0x29: {  	[sflag:s11] =	ssyncadd.s32 $0xFFFFD800  }
0x2a: {  	_ =	swait.ge [sflag:s12], $0x2800  }
0x2b: {  	[sflag:s12] =	ssyncset.done $0x0  }
0x2c: {  	[sflag:s12] =	ssyncadd.s32 $0xFFFFD800  }
0x2d: {  	[bflag:$0x0] =	sbarrier.arrive $0xFFFF  }
0x2e: {  	s16 =	rddreg [dreg:$0x6]  }
0x2f: {  	s9 =	rddreg [dreg:$0xd]  }
0x30: {  	[hbm:s9], [sflag:s16] =	dma.local [spmem:s15], $0x2800  }
0x31: {  	_ =	swait.ge [sflag:s23], $0x2800  }
0x32: {  	s14 =	sadd.s32 $0x1, s14;
	s22 =	rddreg [dreg:$0xe]  }
0x33: {  	p0 =	sne.s32 s14, s22  }
.Ltmp1:
0x34: {  	_ = 	snop;
	(pc) =	sbr.rel @!p0 .LBB2_5-.Ltmp1, $3  }
0x35: {  	_ =	sdelay $0x1  }
0x36: {  	[sflag:s23] =	ssyncset.done $0x0  }
0x37: {  	[sflag:s23] =	ssyncadd.s32 $0xFFFFD800  }
.LBB2_1:
0x38: {  	s9 =	rddreg [dreg:$0x4]  }
0x39: {  	s22 =	rddreg [dreg:$0x5];
	s15 =	sshrl.u32 s9, $0x3  }
0x3a: {  	[spmem:s15], [sflag:s16] =	dma.local [hbm:s22], $0x2800  }
0x3b: {  	_ =	swait.ge [sflag:s23], $0x2800  }
0x3c: {  	[sflag:s23] =	ssyncset.done $0x0  }
0x3d: {  	s16 =	rddreg [dreg:$0x7];
	[sflag:s23] =	ssyncadd.s32 $0xFFFFD800  }
0x3e: {  	[tilespmem:s4], [sflag:$0x7] =	stream.linear.gather [hbm4b:s16+s4], $0x50, $0x38;
	[tilespmem:$0x1BB00] =	vst v63  }
0x3f: {  	_ =	swait.ge [sflag:s23], $0x50  }
0x40: {  	[sflag:s23] =	ssyncset.done $0x0  }
0x41: {  	s17 =	rddreg [dreg:$0x8];
	[sflag:s23] =	ssyncadd.s32 $0xFFFFFFB0  }
0x42: {  	[tilespmem:s24], [sflag:$0x7] =	stream.linear.gather [hbm4b:s17+s4], $0x50, $0x38;
	[tilespmem:$0x1BB00] =	vst v63  }
0x43: {  	_ =	swait.ge [sflag:s23], $0x50  }
0x44: {  	[sflag:s23] =	ssyncset.done $0x0  }
0x45: {  	[sflag:s23] =	ssyncadd.s32 $0xFFFFFFB0  }
0x46: {  	[tilespmem:s26], [sflag:$0x1] =	stream.indirect.gather [hbm4b:s5+s25], $0x80, s4, s25, $0xb8;
	[tilespmem:$0x1BB00] =	vst v63  }
0x47: {  	s22 =	rddreg [dreg:$0x9]  }
0x48: {  	[tilespmem:s28], [sflag:$0x7] =	stream.linear.gather [hbm4b:s22+s4], $0x50, $0x38;
	[tilespmem:$0x1BB00] =	vst v63  }
0x49: {  	_ =	swait.ge [sflag:s23], $0x50  }
0x4a: {  	[sflag:s23] =	ssyncset.done $0x0  }
0x4b: {  	s16 =	rddreg [dreg:$0xa];
	[sflag:s23] =	ssyncadd.s32 $0xFFFFFFB0  }
0x4c: {  	[tilespmem:s29], [sflag:$0x7] =	stream.linear.gather [hbm4b:s16+s4], $0x50, $0x38;
	[tilespmem:$0x1BB00] =	vst v63  }
0x4d: {  	_ =	swait.ge [sflag:s23], $0x50  }
0x4e: {  	[sflag:s23] =	ssyncset.done $0x0  }
0x4f: {  	[sflag:s23] =	ssyncadd.s32 $0xFFFFFFB0  }
0x50: {  	[tilespmem:s30], [sflag:$0x2] =	stream.indirect.gather [hbm4b:s5+s25], $0x80, s28, s25, $0xb8;
	[tilespmem:$0x1BB00] =	vst v63  }
0x51: {  	s17 =	rddreg [dreg:$0xb]  }
0x52: {  	[tilespmem:s31], [sflag:$0x7] =	stream.linear.gather [hbm4b:s17+s4], $0x50, $0x38;
	[tilespmem:$0x1BB00] =	vst v63  }
0x53: {  	_ =	swait.ge [sflag:s23], $0x50  }
0x54: {  	[sflag:s23] =	ssyncset.done $0x0  }
0x55: {  	s22 =	rddreg [dreg:$0xc];
	[sflag:s23] =	ssyncadd.s32 $0xFFFFFFB0  }
0x56: {  	[tilespmem:s0], [sflag:$0x7] =	stream.linear.gather [hbm4b:s22+s4], $0x50, $0x38;
	[tilespmem:$0x1BB00] =	vst v63  }
0x57: {  	_ =	swait.ge [sflag:s23], $0x50  }
0x58: {  	[sflag:s23] =	ssyncset.done $0x0  }
0x59: {  	[sflag:s23] =	ssyncadd.s32 $0xFFFFFFB0  }
0x5a: {  	[tilespmem:s1], [sflag:$0x3] =	stream.indirect.gather [hbm4b:s5+s25], $0x80, s31, s25, $0xb8;
	[tilespmem:$0x1BB00] =	vst v63  }
0x5b: {  	[bflag:$0x0] =	sbarrier.arrive $0xFFFF  }
0x5c: {  	s17 =	simm.s32 $0x0;
	s22 =	rddreg [dreg:$0xf]  }
.LBB2_2:
0x5d: {  	_ =	swait.ge [sflag:s7], $0x2800  }
0x5e: {  	[sflag:s7] =	ssyncset.done $0x0  }
0x5f: {  	[sflag:s7] =	ssyncadd.s32 $0xFFFFD800  }
0x60: {  	[spmem:s3] =	stream.indirect.scatter.add.f32 [tilespmem:s26], [sflag:$0x4], $0x80, s24, s25, $0xb8;
	[tilespmem:$0x1BB00] =	vst v63  }
0x61: {  	_ =	swait.ge [sflag:s8], $0x2800  }
0x62: {  	[sflag:s8] =	ssyncset.done $0x0  }
0x63: {  	[sflag:s8] =	ssyncadd.s32 $0xFFFFD800  }
0x64: {  	[spmem:s3] =	stream.indirect.scatter.add.f32 [tilespmem:s30], [sflag:$0x5], $0x80, s29, s25, $0xb8;
	[tilespmem:$0x1BB00] =	vst v63  }
0x65: {  	_ =	swait.ge [sflag:s10], $0x2800  }
0x66: {  	[sflag:s10] =	ssyncset.done $0x0  }
0x67: {  	[sflag:s10] =	ssyncadd.s32 $0xFFFFD800  }
0x68: {  	[spmem:s3] =	stream.indirect.scatter.add.f32 [tilespmem:s1], [sflag:$0x6], $0x80, s0, s25, $0xb8;
	[tilespmem:$0x1BB00] =	vst v63  }
0x69: {  	_ =	swait.ge [sflag:s11], $0x2800  }
0x6a: {  	s16 =	sshrl.u32 s22, $0x3;
	[sflag:s11] =	ssyncset.done $0x0  }
0x6b: {  	s9 =	sadd.s32 s2, s16;
	[sflag:s11] =	ssyncadd.s32 $0xFFFFD800  }
0x6c: {  	[tilespmem:s4], [sflag:$0x7] =	stream.linear.gather [hbm4b:s9+s4], $0x50, $0x38;
	[tilespmem:$0x1BB00] =	vst v63  }
0x6d: {  	_ =	swait.ge [sflag:s23], $0x50  }
0x6e: {  	[sflag:s23] =	ssyncset.done $0x0  }
0x6f: {  	s16 =	sadd.s32 s6, s16;
	[sflag:s23] =	ssyncadd.s32 $0xFFFFFFB0  }
0x70: {  	[tilespmem:s24], [sflag:$0x7] =	stream.linear.gather [hbm4b:s16+s4], $0x50, $0x38;
	[tilespmem:$0x1BB00] =	vst v63  }
0x71: {  	_ =	swait.ge [sflag:s23], $0x50  }
0x72: {  	[sflag:s23] =	ssyncset.done $0x0  }
0x73: {  	[sflag:s23] =	ssyncadd.s32 $0xFFFFFFB0  }
0x74: {  	[tilespmem:s26], [sflag:$0x1] =	stream.indirect.gather [hbm4b:s5+s25], $0x80, s4, s25, $0xb8;
	[tilespmem:$0x1BB00] =	vst v63  }
0x75: {  	_ =	swait.ge [sflag:s12], $0x2800  }
0x76: {  	[sflag:s12] =	ssyncset.done $0x0  }
0x77: {  	s16 =	sadd.s32 s17, s21;
	[sflag:s12] =	ssyncadd.s32 $0xFFFFD800  }
0x78: {  	[tilespmem:s28], [sflag:$0x7] =	stream.linear.gather [hbm4b:s16+s4], $0x50, $0x38;
	[tilespmem:$0x1BB00] =	vst v63  }
0x79: {  	_ =	swait.ge [sflag:s23], $0x50  }
0x7a: {  	[sflag:s23] =	ssyncset.done $0x0  }
0x7b: {  	s16 =	sadd.s32 s17, s20;
	[sflag:s23] =	ssyncadd.s32 $0xFFFFFFB0  }
0x7c: {  	[tilespmem:s29], [sflag:$0x7] =	stream.linear.gather [hbm4b:s16+s4], $0x50, $0x38;
	[tilespmem:$0x1BB00] =	vst v63  }
0x7d: {  	_ =	swait.ge [sflag:s23], $0x50  }
0x7e: {  	p0 =	seq.s32 s17, $0x4B0;
	[sflag:s23] =	ssyncset.done $0x0  }
.Ltmp2:
0x7f: {  	[sflag:s23] =	ssyncadd.s32 $0xFFFFFFB0;
	(pc) =	sbr.rel @p0 .LBB2_4-.Ltmp2, $4  }
0x80: {  	[tilespmem:s30], [sflag:$0x2] =	stream.indirect.gather [hbm4b:s5+s25], $0x80, s28, s25, $0xb8;
	[tilespmem:$0x1BB00] =	vst v63  }
0x81: {  	_ =	swait.ge [sflag:s13], $0x2800  }
0x82: {  	[sflag:s13] =	ssyncset.done $0x0  }
0x83: {  	[sflag:s13] =	ssyncadd.s32 $0xFFFFD800  }
0x84: {  	s9 =	sadd.s32 s17, s19  }
0x85: {  	[tilespmem:s31], [sflag:$0x7] =	stream.linear.gather [hbm4b:s9+s4], $0x50, $0x38;
	[tilespmem:$0x1BB00] =	vst v63  }
0x86: {  	_ =	swait.ge [sflag:s23], $0x50  }
0x87: {  	[sflag:s23] =	ssyncset.done $0x0  }
0x88: {  	s16 =	sadd.s32 s17, s18;
	[sflag:s23] =	ssyncadd.s32 $0xFFFFFFB0  }
0x89: {  	[tilespmem:s0], [sflag:$0x7] =	stream.linear.gather [hbm4b:s16+s4], $0x50, $0x38;
	[tilespmem:$0x1BB00] =	vst v63  }
.Ltmp3:
0x8a: {  	_ = 	snop;
	(pc) =	sbr.rel .LBB2_2-.Ltmp3, $4  }
0x8b: {  	_ =	swait.ge [sflag:s23], $0x50  }
0x8c: {  	[sflag:s23] =	ssyncset.done $0x0  }
0x8d: {  	s17 =	sadd.s32 $0x1E, s17;
	s22 =	sadd.s32 $0xF0, s22;
	[sflag:s23] =	ssyncadd.s32 $0xFFFFFFB0  }
0x8e: {  	[tilespmem:s1], [sflag:$0x3] =	stream.indirect.gather [hbm4b:s5+s25], $0x80, s31, s25, $0xb8;
	[tilespmem:$0x1BB00] =	vst v63  }
.LBB2_5:
0x8f: {  	_ =	sfence.sel $0x180000  }
0x90: {  	[bflag:$0x0] =	sbarrier.arrive $0xFFFF  }
0x91: {  	_ =	strace $0x90000053  }
0x92: {  	s0 =	stileid.u32;
	[bflag:$0x2] =	sbarrier.arrive $0xFFFF  }
0x93: {  	p0 =	sne.s32 s0, $0x0;
	s0 =	rddreg [dreg:$0x3]  }
0x94: {  	s0 =	sadd.s32 @!p0 $0x100000, s0  }
0x95: {  	[sflag:s0] =	ssyncadd.tile.s32 @!p0 $0x1;
	_ =	shalt  }
.Lfunc_end2:
_tile_overlayer_lowered:
.L_overlay_start_2:
0x96: {  	(tag) =	ssettag $0x2  }
0x97: {  	s0 =	rddreg [dreg:$0x0];
	s2 =	stileid.u32  }
0x98: {  	s1 =	rddreg [dreg:$0x1];
	p0 =	sne.s32 s2, $0x0  }
0x99: {  	s3 =	rddreg [dreg:$0x2];
	[bflag:$0x3] =	sbarrier.arrive $0xFFFF;
	s2 =	simm.s32 @!p0 $0x1C07  }
0x9a: {  	[timem:s3], [sflag:s2] =	dma.local @!p0 [hbm:s0], s1  }
0x9b: {  	s0 =	simm.s32 @!p0 $0x7  }
0x9c: {  	_ =	swait.ge @!p0 [sflag:s0], s1  }
0x9d: {  	s1 =	ssub.s32 @!p0 $0x0, s1;
	[sflag:s0] =	ssyncset.done @!p0 $0x0  }
0x9e: {  	[sflag:s0] =	ssyncadd.s32 @!p0 s1  }
0x9f: {  	[bflag:$0x3] =	sbarrier.arrive $0xFFFF  }
0xa0: {  	_ =	shalt  }

</sc_bundles>
